<compile_context>
chip_gen: v7x
topology: tpu7x:2x2x1
jax: 0.10.2.dev20260603
libtpu: 0.0.44.dev20260713+nightly
codegen_flags: <defaults>
</compile_context>

<pallas_src>
import functools

import jax
import jax.numpy as jnp
from jax import lax
from jax.experimental import pallas as pl
from jax.experimental.pallas import tpu as pltpu
from jax.experimental.pallas import tpu_sc as plsc

_F32 = jnp.float32
_EB = 128
_NSUB = 16
_NRNG = 4
_RB = 1000
_L = 16


def _lrelu(v):
    return jnp.where(v >= 0, v, 0.3 * v)



def _a1_body(ne_ref, de_ref, wn_ref, bn_ref, wd_ref, bd_ref, wf1_ref, wf2_ref,
             o_ref):
    a = _lrelu(jnp.dot(ne_ref[...], wn_ref[...],
                       preferred_element_type=_F32) + bn_ref[...])
    b = _lrelu(jnp.dot(de_ref[...], wd_ref[...],
                       preferred_element_type=_F32) + bd_ref[...])
    o_ref[...] = (jnp.dot(a, wf1_ref[...], preferred_element_type=_F32)
                  + jnp.dot(b, wf2_ref[...], preferred_element_type=_F32))


def _a2_body(x_ref, cnd_ref, ko_ref, womic_ref, bomic_ref, wf3_ref, bfus_ref,
             wn_ref, cx2_ref, h_ref):
    om = _lrelu(jnp.dot(x_ref[...], womic_ref[...],
                        preferred_element_type=_F32) + bomic_ref[...])
    cx = (cnd_ref[...] + jnp.dot(om, wf3_ref[...],
                                 preferred_element_type=_F32) + bfus_ref[...])
    cx2 = jnp.concatenate([cx, ko_ref[...]], axis=1)
    cx2_ref[...] = cx2
    h_ref[...] = jnp.dot(cx2, wn_ref[...], preferred_element_type=_F32)


def _b_body(agg_ref, deg_ref, cx2_ref, x_ref, px_ref, ko_ref,
            wroot_ref, bie_ref, wpre_ref, bpre_ref, wn2_ref,
            z_ref, h_ref):
    aggn = agg_ref[...] / jnp.maximum(deg_ref[...], 1.0)
    s1 = (jnp.dot(cx2_ref[...], wroot_ref[...], preferred_element_type=_F32)
          + aggn + bie_ref[...])
    x2 = jnp.concatenate([x_ref[...], ko_ref[...]], axis=1)
    px2 = jnp.concatenate([px_ref[...], ko_ref[...]], axis=1)
    z = (_lrelu(s1) + x2
         + jnp.dot(px2, wpre_ref[...], preferred_element_type=_F32)
         + bpre_ref[...])
    z_ref[...] = z
    h_ref[...] = jnp.dot(z, wn2_ref[...], preferred_element_type=_F32)


def _c_body(agg_ref, deg_ref, z_ref, wroot_ref, benc_ref, o_ref):
    aggn = agg_ref[...] / jnp.maximum(deg_ref[...], 1.0)
    o_ref[...] = _lrelu(
        jnp.dot(z_ref[...], wroot_ref[...], preferred_element_type=_F32)
        + aggn + benc_ref[...])


def _d_body(bz_ref, wg1_ref, bg1_ref, wg2_ref, bg2_ref, wreg_ref, breg_ref,
            o_ref, *, nb, kb):
    bz = bz_ref[...]
    t = jnp.tanh(jnp.dot(bz, wg1_ref[...], preferred_element_type=_F32)
                 + bg1_ref[...])
    s = jnp.dot(t, wg2_ref[...], preferred_element_type=_F32) + bg2_ref[...]
    rows = lax.broadcasted_iota(jnp.int32, (nb * kb, 1), 0)
    outs = []
    for b in range(nb):
        m = (rows >= b * kb) & (rows < (b + 1) * kb)
        sm = jnp.where(m, s, -jnp.inf)
        mx = jnp.max(sm)
        e = jnp.where(m, jnp.exp(s - mx), 0.0)
        w = e / jnp.sum(e)
        rd = jnp.sum(w * bz, axis=0, keepdims=True)
        outs.append(jnp.dot(rd, wreg_ref[...], preferred_element_type=_F32)
                    + breg_ref[...])
    o_ref[...] = jnp.concatenate(outs, axis=0)



def _batch_split(n_batches, sid):
    base, rem = divmod(n_batches, _NSUB)
    nb = jnp.where(sid < rem, base + 1, base)
    b0 = sid * base + jnp.minimum(sid, rem)
    return b0, nb


@functools.lru_cache(maxsize=None)
def _make_deg_sc(n_pad, n_edge):
    nb_total = n_edge // _EB
    rps = n_pad // _NSUB
    mesh = plsc.VectorSubcoreMesh(core_axis_name="c", subcore_axis_name="s")

    @functools.partial(
        pl.kernel,
        out_type=[jax.ShapeDtypeStruct((n_pad,), _F32) for _ in range(2)],
        mesh=mesh,
        scratch_types=[
            pltpu.VMEM_SHARED((n_pad,), _F32),
            pltpu.VMEM((1, _EB), jnp.int32),
            pltpu.VMEM((_EB,), _F32),
        ],
        compiler_params=pltpu.CompilerParams(use_tc_tiling_on_sc=False),
    )
    def deg(dst_a, dst_b, ones, zz, oa, ob, acc, idxd, onesv):
        cid = lax.axis_index("c")
        sid = lax.axis_index("s")
        b0, nb = _batch_split(nb_total, sid)
        r0 = pl.multiple_of(sid * rps, rps)
        pltpu.sync_copy(ones, onesv)

        def one_pass(dst, o_hbm):
            pltpu.sync_copy(zz.at[pl.ds(r0, rps)], acc.at[pl.ds(r0, rps)])
            plsc.subcore_barrier()

            def body(i, carry):
                off = pl.multiple_of((b0 + i) * _EB, _EB)
                pltpu.sync_copy(dst.at[pl.ds(off, _EB)], idxd.at[0])
                pltpu.sync_copy(onesv, acc.at[idxd.at[0]], add=True)
                return carry

            lax.fori_loop(0, nb, body, 0)
            plsc.subcore_barrier()
            pltpu.sync_copy(acc.at[pl.ds(r0, rps)], o_hbm.at[pl.ds(r0, rps)])

        @pl.when(cid == 0)
        def _():
            one_pass(dst_a, oa)

        @pl.when(cid == 1)
        def _():
            one_pass(dst_b, ob)

    return deg


@functools.lru_cache(maxsize=None)
def _make_sage_sc(n, n_edge):
    ebs = 80
    nb_total = n_edge // ebs
    rng = n // _NRNG
    acc_rows = ((rng + 1 + _NSUB - 1) // _NSUB) * _NSUB
    zps = acc_rows // _NSUB
    cp_hi = -(-rng // _NSUB)
    n_hi = rng - _NSUB * (rng // _NSUB)
    cp_lo = rng // _NSUB
    mesh = plsc.VectorSubcoreMesh(core_axis_name="c", subcore_axis_name="s")

    scan = 2000
    ebs = 80
    eps = n_edge // _NSUB
    nscan = eps // scan
    nbat = scan // ebs

    @functools.partial(
        pl.kernel,
        out_type=jax.ShapeDtypeStruct((n, 128), _F32),
        mesh=mesh,
        scratch_types=[
            pltpu.VMEM_SHARED((acc_rows, 128), _F32),
            pltpu.VMEM((scan,), jnp.int32),
            pltpu.VMEM((scan,), jnp.int32),
            pltpu.VMEM((2, ebs), jnp.int32),
            pltpu.VMEM((2, ebs, 128), _F32),
            pltpu.SemaphoreType.DMA,
        ],
        compiler_params=pltpu.CompilerParams(use_tc_tiling_on_sc=False),
    )
    def sage(h, esrc, edst, zz, o, acc, ssrc, sdst, idxd, rows, sem):
        cid = lax.axis_index("c")
        sid = lax.axis_index("s")
        e0 = sid * eps
        z0 = pl.multiple_of(sid * zps, zps)
        ntot = nscan * nbat

        for rp in range(_NRNG // 2):
            lo = (cid * (_NRNG // 2) + rp) * rng
            pltpu.sync_copy(zz.at[pl.ds(z0, zps)], acc.at[pl.ds(z0, zps)])
            plsc.subcore_barrier()

            def bat_body(i, carry):
                bt = lax.rem(i, 2)
                bi = lax.rem(i, nbat)

                @pl.when(bi == 0)
                def _():
                    soff = pl.multiple_of(e0 + (i // nbat) * scan, scan)
                    pltpu.sync_copy(esrc.at[pl.ds(soff, scan)], ssrc)
                    pltpu.sync_copy(edst.at[pl.ds(soff, scan)], sdst)

                pltpu.async_copy(
                    h.at[ssrc.at[pl.ds(bi * ebs, ebs)]], rows.at[bt], sem)
                for v in range(ebs // _L):
                    d = sdst[pl.ds(bi * ebs + v * _L, _L)] - lo
                    ok = (d >= 0) & (d < rng)
                    idxd[bt, pl.ds(v * _L, _L)] = jnp.where(ok, d, rng)

                @pl.when(i > 0)
                def _():
                    ot = lax.rem(i + 1, 2)
                    pltpu.make_async_copy(
                        h.at[ssrc.at[pl.ds(bi * ebs, ebs)]], rows.at[ot],
                        sem).wait()
                    pltpu.sync_copy(rows.at[ot], acc.at[idxd.at[ot]],
                                    add=True)
                return carry

            lax.fori_loop(0, ntot, bat_body, 0)
            lt = lax.rem(ntot + 1, 2)
            pltpu.make_async_copy(
                h.at[ssrc.at[pl.ds((nbat - 1) * ebs, ebs)]], rows.at[lt],
                sem).wait()
            pltpu.sync_copy(rows.at[lt], acc.at[idxd.at[lt]], add=True)
            plsc.subcore_barrier()

            @pl.when(sid < n_hi)
            def _():
                s0 = sid * cp_hi
                pltpu.sync_copy(acc.at[pl.ds(s0, cp_hi)],
                                o.at[pl.ds(lo + s0, cp_hi)])

            @pl.when(sid >= n_hi)
            def _():
                s0 = n_hi * cp_hi + (sid - n_hi) * cp_lo
                pltpu.sync_copy(acc.at[pl.ds(s0, cp_lo)],
                                o.at[pl.ds(lo + s0, cp_lo)])

            plsc.subcore_barrier()

    return sage


@functools.lru_cache(maxsize=None)
def _make_gather_sc(n_rows, k_pad, d):
    mesh = plsc.VectorSubcoreMesh(core_axis_name="c", subcore_axis_name="s")

    @functools.partial(
        pl.kernel,
        out_type=jax.ShapeDtypeStruct((k_pad, d), _F32),
        mesh=mesh,
        scratch_types=[
            pltpu.VMEM((_EB,), jnp.int32),
            pltpu.VMEM((_EB, d), _F32),
            pltpu.SemaphoreType.DMA,
        ],
        compiler_params=pltpu.CompilerParams(use_tc_tiling_on_sc=False),
    )
    def gather(tab, idx, o, idxv, rows, sem):
        cid = lax.axis_index("c")
        sid = lax.axis_index("s")
        wid = sid * 2 + cid

        @pl.when(wid < k_pad // _EB)
        def _():
            off = pl.multiple_of(wid * _EB, _EB)
            pltpu.sync_copy(idx.at[pl.ds(off, _EB)], idxv)
            pltpu.async_copy(tab.at[idxv], rows, sem).wait()
            pltpu.sync_copy(rows, o.at[pl.ds(off, _EB)])

    return gather



def _full_spec(arr):
    return pl.BlockSpec(arr.shape, lambda i: tuple(0 for _ in arr.shape))


def kernel(x, pre_x, edge_index, internal_edge_index, ppi_edge_index,
           num_entity, name_embeddings, desc_embeddings, batch_size, ko_mask,
           batch_ko_masks, W_name, b_name, W_desc, b_desc, W_omic, b_omic,
           W_fus, b_fus, W_pre, b_pre, W_ie_root, W_ie_nbr, b_ie, W_enc_root,
           W_enc_nbr, b_enc, Wg1, bg1, Wg2, bg2, Wreg, breg):
    n, f = x.shape
    ne = name_embeddings.shape[0]
    b_sz = batch_ko_masks.shape[0]
    kb = batch_ko_masks.shape[1]
    n_pad = ((n + 16 * _NSUB - 1) // (16 * _NSUB)) * (16 * _NSUB)
    e_int = internal_edge_index.astype(jnp.int32)
    e_ext = edge_index.astype(jnp.int32)
    n_edge = e_int.shape[1]

    ko = jnp.zeros((n, 1), _F32).at[ko_mask].set(1.0)
    wf1 = W_fus[0:128]
    wf2 = W_fus[128:256]
    wf3 = W_fus[256:383]
    r2 = lambda v: v.reshape(1, -1)

    ones_eb = jnp.ones((_EB,), _F32)
    zeros_1d = jnp.zeros((n_pad,), _F32)
    deg_int, deg_ext = _make_deg_sc(n_pad, n_edge)(
        e_int[1], e_ext[1], ones_eb, zeros_1d)
    deg_int2 = deg_int[:n].reshape(n, 1)
    deg_ext2 = deg_ext[:n].reshape(n, 1)

    grid1 = ne // _RB
    c_nd = pl.pallas_call(
        _a1_body,
        grid=(grid1,),
        in_specs=[
            pl.BlockSpec((_RB, 128), lambda i: (i, 0)),
            pl.BlockSpec((_RB, 128), lambda i: (i, 0)),
        ] + [_full_spec(a) for a in
             (W_name, r2(b_name), W_desc, r2(b_desc), wf1, wf2)],
        out_specs=pl.BlockSpec((_RB, f), lambda i: (i, 0)),
        out_shape=jax.ShapeDtypeStruct((ne, f), _F32),
    )(name_embeddings, desc_embeddings, W_name, r2(b_name), W_desc,
      r2(b_desc), wf1, wf2)

    grid2 = n // _RB
    nd_blocks = ne // _RB
    cx2, h1 = pl.pallas_call(
        _a2_body,
        grid=(grid2,),
        in_specs=[
            pl.BlockSpec((_RB, f), lambda i: (i, 0)),
            pl.BlockSpec((_RB, f), lambda i: (i % nd_blocks, 0)),
            pl.BlockSpec((_RB, 1), lambda i: (i, 0)),
        ] + [_full_spec(a) for a in
             (W_omic, r2(b_omic), wf3, r2(b_fus), W_ie_nbr)],
        out_specs=[pl.BlockSpec((_RB, 128), lambda i: (i, 0))] * 2,
        out_shape=[jax.ShapeDtypeStruct((n, 128), _F32)] * 2,
    )(x, c_nd, ko, W_omic, r2(b_omic), wf3, r2(b_fus), W_ie_nbr)

    sage = _make_sage_sc(n, n_edge)
    acc_rows = ((n // _NRNG + _NSUB) // _NSUB) * _NSUB
    zeros_acc = jnp.zeros((acc_rows, 128), _F32)
    agg1 = sage(h1, e_int[0], e_int[1], zeros_acc)

    z, h2 = pl.pallas_call(
        _b_body,
        grid=(grid2,),
        in_specs=[
            pl.BlockSpec((_RB, 128), lambda i: (i, 0)),
            pl.BlockSpec((_RB, 1), lambda i: (i, 0)),
            pl.BlockSpec((_RB, 128), lambda i: (i, 0)),
            pl.BlockSpec((_RB, f), lambda i: (i, 0)),
            pl.BlockSpec((_RB, f), lambda i: (i, 0)),
            pl.BlockSpec((_RB, 1), lambda i: (i, 0)),
        ] + [_full_spec(a) for a in
             (W_ie_root, r2(b_ie), W_pre, r2(b_pre), W_enc_nbr)],
        out_specs=[pl.BlockSpec((_RB, 128), lambda i: (i, 0))] * 2,
        out_shape=[jax.ShapeDtypeStruct((n, 128), _F32)] * 2,
    )(agg1, deg_int2, cx2, x, pre_x, ko, W_ie_root, r2(b_ie),
      W_pre, r2(b_pre), W_enc_nbr)

    agg2 = sage(h2, e_ext[0], e_ext[1], zeros_acc)

    z2 = pl.pallas_call(
        _c_body,
        grid=(grid2,),
        in_specs=[
            pl.BlockSpec((_RB, 128), lambda i: (i, 0)),
            pl.BlockSpec((_RB, 1), lambda i: (i, 0)),
            pl.BlockSpec((_RB, 128), lambda i: (i, 0)),
        ] + [_full_spec(a) for a in (W_enc_root, r2(b_enc))],
        out_specs=pl.BlockSpec((_RB, 128), lambda i: (i, 0)),
        out_shape=jax.ShapeDtypeStruct((n, 128), _F32),
    )(agg2, deg_ext2, z, W_enc_root, r2(b_enc))

    bb = jnp.minimum(jnp.arange(b_sz), batch_size - 1)
    idx = (batch_ko_masks[bb].astype(jnp.int32)
           + (bb * num_entity).astype(jnp.int32)[:, None]).reshape(-1)
    k_tot = b_sz * kb
    k_pad = ((k_tot + _EB - 1) // _EB) * _EB
    idx = jnp.pad(idx, (0, k_pad - k_tot))
    bz = _make_gather_sc(n, k_pad, 128)(z2, idx)[:k_tot]

    outd = pl.pallas_call(
        functools.partial(_d_body, nb=b_sz, kb=kb),
        out_shape=jax.ShapeDtypeStruct((b_sz, 1), _F32),
    )(bz, Wg1, r2(bg1), Wg2, r2(bg2), Wreg, r2(breg))
    return outd[:, 0]

# --- scband reference (transcript-rebuilt; emitter-appended) ---
"""Pipeline reference for scband-motasg-ko-reg-7713761264093 (READ-ONLY COPY).

The authoritative reference and input builder live on the scoring server;
editing this copy changes nothing except your own understanding.
"""

import jax, jax.numpy as jnp
import numpy as np

N_NODE = 50000
NUM_ENTITY = 25000
BATCH = 2
N_EDGE = 800000

def _act(v):
    return jax.nn.leaky_relu(v, 0.3)

def _sage(x, ei, Wr, Wn, b, N):
    src = ei[0]
    dst = ei[1]
    h = x @ Wn
    msg = jnp.take(h, src, axis=0)
    agg = jax.ops.segment_sum(msg, dst, num_segments=N)
    deg = jax.ops.segment_sum(jnp.ones((ei.shape[1],), dtype=x.dtype), dst, num_segments=N)
    agg = agg / jnp.maximum(deg, 1.0)[:, None]
    return x @ Wr + agg + b

def setup_inputs(seed: int = 0):
    key = jax.random.key(seed)
    ks = jax.random.split(key, 32)
    inp = {}
    inp['x'] = jax.random.normal(ks[0], (N_NODE, 127), dtype=jnp.float32)
    inp['pre_x'] = jax.random.normal(ks[1], (N_NODE, 127), dtype=jnp.float32)
    inp['edge_index'] = jax.random.randint(ks[2], (2, N_EDGE), 0, N_NODE)
    inp['internal_edge_index'] = jax.random.randint(ks[3], (2, N_EDGE), 0, N_NODE)
    inp['ppi_edge_index'] = jax.random.randint(ks[4], (2, 1000), 0, N_NODE)
    inp['num_entity'] = NUM_ENTITY
    inp['name_embeddings'] = jax.random.normal(ks[5], (NUM_ENTITY, 128), dtype=jnp.float32)
    inp['desc_embeddings'] = jax.random.normal(ks[6], (NUM_ENTITY, 128), dtype=jnp.float32)
    inp['batch_size'] = BATCH
    inp['ko_mask'] = jax.random.randint(ks[7], (500,), 0, N_NODE)
    inp['batch_ko_masks'] = jax.random.randint(ks[8], (BATCH, 250), 0, NUM_ENTITY)
    s = 0.05
    inp['W_name'] = jax.random.normal(ks[9], (128, 128), dtype=jnp.float32) * s
    inp['b_name'] = jnp.zeros((128,), dtype=jnp.float32)
    inp['W_desc'] = jax.random.normal(ks[10], (128, 128), dtype=jnp.float32) * s
    inp['b_desc'] = jnp.zeros((128,), dtype=jnp.float32)
    inp['W_omic'] = jax.random.normal(ks[11], (127, 127), dtype=jnp.float32) * s
    inp['b_omic'] = jnp.zeros((127,), dtype=jnp.float32)
    inp['W_fus'] = jax.random.normal(ks[12], (383, 127), dtype=jnp.float32) * s
    inp['b_fus'] = jnp.zeros((127,), dtype=jnp.float32)
    inp['W_pre'] = jax.random.normal(ks[13], (128, 128), dtype=jnp.float32) * s
    inp['b_pre'] = jnp.zeros((128,), dtype=jnp.float32)
    inp['W_ie_root'] = jax.random.normal(ks[14], (128, 128), dtype=jnp.float32) * s
    inp['W_ie_nbr'] = jax.random.normal(ks[15], (128, 128), dtype=jnp.float32) * s
    inp['b_ie'] = jnp.zeros((128,), dtype=jnp.float32)
    inp['W_enc_root'] = jax.random.normal(ks[16], (128, 128), dtype=jnp.float32) * s
    inp['W_enc_nbr'] = jax.random.normal(ks[17], (128, 128), dtype=jnp.float32) * s
    inp['b_enc'] = jnp.zeros((128,), dtype=jnp.float32)
    inp['Wg1'] = jax.random.normal(ks[18], (128, 128), dtype=jnp.float32) * s
    inp['bg1'] = jnp.zeros((128,), dtype=jnp.float32)
    inp['Wg2'] = jax.random.normal(ks[19], (128, 1), dtype=jnp.float32) * s
    inp['bg2'] = jnp.zeros((1,), dtype=jnp.float32)
    inp['Wreg'] = jax.random.normal(ks[20], (128, 1), dtype=jnp.float32) * s
    inp['breg'] = jnp.zeros((1,), dtype=jnp.float32)
    return inp

def reference(x, pre_x, edge_index, internal_edge_index, ppi_edge_index, num_entity, name_embeddings, desc_embeddings, batch_size, ko_mask, batch_ko_masks, W_name, b_name, W_desc, b_desc, W_omic, b_omic, W_fus, b_fus, W_pre, b_pre, W_ie_root, W_ie_nbr, b_ie, W_enc_root, W_enc_nbr, b_enc, Wg1, bg1, Wg2, bg2, Wreg, breg):
    B = batch_ko_masks.shape[0]
    NE = name_embeddings.shape[0]
    N = NE * B
    name_emb = _act(jnp.tile(name_embeddings @ W_name + b_name, (B, 1)))
    desc_emb = _act(jnp.tile(desc_embeddings @ W_desc + b_desc, (B, 1)))
    omic_emb = _act(x @ W_omic + b_omic)
    merged = jnp.concatenate([name_emb, desc_emb, omic_emb], axis=-1)
    cross_x = merged @ W_fus + b_fus
    ko_feature = jnp.zeros((x.shape[0], 1), dtype=x.dtype).at[ko_mask].set(1.0)
    x2 = jnp.concatenate([x, ko_feature], axis=-1)
    cross_x2 = jnp.concatenate([cross_x, ko_feature], axis=-1)
    pre_x2 = jnp.concatenate([pre_x, ko_feature], axis=-1)
    z = _act(_sage(cross_x2, internal_edge_index, W_ie_root, W_ie_nbr, b_ie, N)) + x2
    z = z + (pre_x2 @ W_pre + b_pre)
    z = _act(_sage(z, edge_index, W_enc_root, W_enc_nbr, b_enc, N))
    outs = []
    for b in range(B):
        bb = jnp.minimum(jnp.asarray(b), batch_size - 1)
        idx = batch_ko_masks[bb] + bb * num_entity
        bz = jnp.take(z, idx, axis=0)[None]
        scores = jnp.tanh(bz @ Wg1 + bg1) @ Wg2 + bg2
        w = jax.nn.softmax(scores, axis=1)
        readout = jnp.sum(w * bz, axis=1)
        outs.append(readout @ Wreg + breg)
    return jnp.concatenate(outs, axis=0).squeeze(-1)

if __name__ == "__main__":
    import jax
    _d = setup_inputs()
    print(jax.jit(kernel)(*tuple(_d.values())))

</pallas_src>

<mosaic_0001>
#map = affine_map<(d0, d1) -> (0, 0)>
#map1 = affine_map<(d0, d1) -> (0)>
module attributes {stable_mosaic.version = 14 : i64} {
  func.func @sage(%arg0: i32, %arg1: i32, %arg2: memref<50000x128xf32, #tpu.memory_space<hbm>>, %arg3: memref<800000xi32, #tpu.memory_space<hbm>>, %arg4: memref<800000xi32, #tpu.memory_space<hbm>>, %arg5: memref<12512x128xf32, #tpu.memory_space<hbm>>, %arg6: memref<50000x128xf32, #tpu.memory_space<hbm>>, %arg7: memref<12512x128xf32, #tpu.memory_space<vmem_shared>>, %arg8: memref<2000xi32, #tpu.memory_space<vmem>>, %arg9: memref<2000xi32, #tpu.memory_space<vmem>>, %arg10: memref<2x80xi32, #tpu.memory_space<vmem>>, %arg11: memref<2x80x128xf32, #tpu.memory_space<vmem>>, %arg12: memref<!tpu.dma_semaphore, #tpu.memory_space<semaphore_mem>>) attributes {dimension_semantics = [#tpu.dimension_semantics<core_parallel>, #tpu.dimension_semantics<subcore_parallel>], iteration_bounds = array<i64: 2, 16>, scalar_prefetch = 0 : i64, scratch_operands = 6 : i64, tpu.core_type = #tpu.core_type<sc_vector_subcore>, window_params = [{transform_indices = #map}, {transform_indices = #map1}, {transform_indices = #map1}, {transform_indices = #map}, {transform_indices = #map}]} {
    %mul3A = arith.constant 50000 : i32
    %mul3A_0 = arith.muli %arg1, %mul3A : i32
    %mul3A_1 = arith.constant 782 : i32
    %mul3A_2 = arith.muli %arg1, %mul3A_1 : i32
    %multiple_of3A = tpu.assume_multiple %mul3A_2, 782 : i32
    %mul3A_3 = arith.constant 2 : i32
    %mul3A_4 = arith.muli %arg0, %mul3A_3 : i32
    %add3A = arith.constant 0 : i32
    %add3A_5 = arith.addi %mul3A_4, %add3A : i32
    %mul3A_6 = arith.constant 12500 : i32
    %mul3A_7 = arith.muli %add3A_5, %mul3A_6 : i32
    "tpu.region"() ({
      %run_scoped3A = tpu.sem_alloc : memref<!tpu.dma_semaphore, #tpu.memory_space<semaphore_mem>>
      %dma_start3A = arith.constant 0 : i32
      %dma_start3A_68 = tpu.memref_slice %arg7[%multiple_of3A, %dma_start3A] : memref<12512x128xf32, #tpu.memory_space<vmem_shared>> -> memref<782x128xf32, #tpu.memory_space<vmem_shared>>
      %dma_start3A_69 = arith.constant 0 : i32
      %dma_start3A_70 = tpu.memref_slice %arg5[%multiple_of3A, %dma_start3A_69] : memref<12512x128xf32, #tpu.memory_space<hbm>> -> memref<782x128xf32, #tpu.memory_space<hbm>>
      tpu.enqueue_dma source(%dma_start3A_70 : memref<782x128xf32, #tpu.memory_space<hbm>>) target(%dma_start3A_68 : memref<782x128xf32, #tpu.memory_space<vmem_shared>>) target_semaphore(%run_scoped3A : memref<!tpu.dma_semaphore, #tpu.memory_space<semaphore_mem>>)
      %dma_wait3A_71 = arith.constant 0 : i32
      %dma_wait3A_72 = tpu.memref_slice %arg7[%multiple_of3A, %dma_wait3A_71] : memref<12512x128xf32, #tpu.memory_space<vmem_shared>> -> memref<782x128xf32, #tpu.memory_space<vmem_shared>>
      %dma_wait3A_73 = arith.constant 0 : i32
      %dma_wait3A_74 = tpu.memref_slice %arg5[%multiple_of3A, %dma_wait3A_73] : memref<12512x128xf32, #tpu.memory_space<hbm>> -> memref<782x128xf32, #tpu.memory_space<hbm>>
      tpu.wait_dma2 semaphore(%run_scoped3A : memref<!tpu.dma_semaphore, #tpu.memory_space<semaphore_mem>>) src(%dma_wait3A_74 : memref<782x128xf32, #tpu.memory_space<hbm>>) dst(%dma_wait3A_72 : memref<782x128xf32, #tpu.memory_space<vmem_shared>>)
      tpu.yield
    }) : () -> ()
    %barrier3A = arith.constant 0 : index
    tpu.barrier barrier_id(%barrier3A)
    %scan3A = arith.constant 0 : i32
    %scan3A_8 = arith.constant 0 : i32
    %scan3A_9 = arith.constant 625 : i32
    %scan3A_10 = arith.addi %scan3A_8, %scan3A_9 : i32
    %scan3A_11 = arith.constant 1 : i32
    scf.for %scan3A_68 = %scan3A_8 to %scan3A_10 step %scan3A_11  : i32 {
      %rem3A_69 = arith.constant 2 : i32
      %rem3A_70 = arith.remsi %scan3A_68, %rem3A_69 : i32
      %rem3A_71 = arith.constant 25 : i32
      %rem3A_72 = arith.remsi %scan3A_68, %rem3A_71 : i32
      %eq3A = arith.constant 0 : i32
      %eq3A_73 = arith.cmpi eq, %rem3A_72, %eq3A : i32
      %convert_element_type3A_74 = arith.extui %eq3A_73 : i1 to i32
      %cond3A_75 = arith.constant 0 : i32
      %cond3A_76 = arith.cmpi ne, %convert_element_type3A_74, %cond3A_75 : i32
      scf.if %cond3A_76 {
        %jit3A_203 = arith.constant 25 : i32
        %div3A = arith.divsi %scan3A_68, %jit3A_203 : i32
        %sign3A = arith.constant 0 : i32
        %sign3A_204 = arith.cmpi sgt, %scan3A_68, %sign3A : i32
        %sign3A_205 = arith.extui %sign3A_204 : i1 to i32
        %sign3A_206 = arith.constant 0 : i32
        %sign3A_207 = arith.cmpi slt, %scan3A_68, %sign3A_206 : i32
        %sign3A_208 = arith.extui %sign3A_207 : i1 to i32
        %sign3A_209 = arith.subi %sign3A_205, %sign3A_208 : i32
        %sign3A_210 = arith.constant 0 : i32
        %sign3A_211 = arith.cmpi sgt, %jit3A_203, %sign3A_210 : i32
        %sign3A_212 = arith.extui %sign3A_211 : i1 to i32
        %sign3A_213 = arith.constant 0 : i32
        %sign3A_214 = arith.cmpi slt, %jit3A_203, %sign3A_213 : i32
        %sign3A_215 = arith.extui %sign3A_214 : i1 to i32
        %sign3A_216 = arith.subi %sign3A_212, %sign3A_215 : i32
        %ne3A = arith.cmpi ne, %sign3A_209, %sign3A_216 : i32
        %rem3A_217 = arith.remsi %scan3A_68, %jit3A_203 : i32
        %ne3A_218 = arith.constant 0 : i32
        %ne3A_219 = arith.cmpi ne, %rem3A_217, %ne3A_218 : i32
        %and3A_220 = arith.andi %ne3A, %ne3A_219 : i1
        %sub3A_221 = arith.constant 1 : i32
        %sub3A_222 = arith.subi %div3A, %sub3A_221 : i32
        %select_n3A_223 = arith.select %and3A_220, %sub3A_222, %div3A : i32
        %mul3A_224 = arith.constant 2000 : i32
        %mul3A_225 = arith.muli %select_n3A_223, %mul3A_224 : i32
        %add3A_226 = arith.addi %mul3A_0, %mul3A_225 : i32
        %multiple_of3A_227 = tpu.assume_multiple %add3A_226, 2000 : i32
        "tpu.region"() ({
          %run_scoped3A = tpu.sem_alloc : memref<!tpu.dma_semaphore, #tpu.memory_space<semaphore_mem>>
          %dma_start3A_228 = tpu.memref_slice %arg3[%multiple_of3A_227] : memref<800000xi32, #tpu.memory_space<hbm>> -> memref<2000xi32, #tpu.memory_space<hbm>>
          %dma_start3A_229 = tpu.memref_slice %arg3[%multiple_of3A_227] : memref<800000xi32, #tpu.memory_space<hbm>> -> memref<2000xi32, #tpu.memory_space<hbm>>
          tpu.enqueue_dma source(%dma_start3A_229 : memref<2000xi32, #tpu.memory_space<hbm>>) target(%arg8 : memref<2000xi32, #tpu.memory_space<vmem>>) target_semaphore(%run_scoped3A : memref<!tpu.dma_semaphore, #tpu.memory_space<semaphore_mem>>)
          %dma_wait3A_230 = tpu.memref_slice %arg3[%multiple_of3A_227] : memref<800000xi32, #tpu.memory_space<hbm>> -> memref<2000xi32, #tpu.memory_space<hbm>>
          %dma_wait3A_231 = tpu.memref_slice %arg3[%multiple_of3A_227] : memref<800000xi32, #tpu.memory_space<hbm>> -> memref<2000xi32, #tpu.memory_space<hbm>>
          tpu.wait_dma2 semaphore(%run_scoped3A : memref<!tpu.dma_semaphore, #tpu.memory_space<semaphore_mem>>) src(%dma_wait3A_231 : memref<2000xi32, #tpu.memory_space<hbm>>) dst(%arg8 : memref<2000xi32, #tpu.memory_space<vmem>>)
          tpu.yield
        }) : () -> ()
        "tpu.region"() ({
          %run_scoped3A = tpu.sem_alloc : memref<!tpu.dma_semaphore, #tpu.memory_space<semaphore_mem>>
          %dma_start3A_228 = tpu.memref_slice %arg4[%multiple_of3A_227] : memref<800000xi32, #tpu.memory_space<hbm>> -> memref<2000xi32, #tpu.memory_space<hbm>>
          %dma_start3A_229 = tpu.memref_slice %arg4[%multiple_of3A_227] : memref<800000xi32, #tpu.memory_space<hbm>> -> memref<2000xi32, #tpu.memory_space<hbm>>
          tpu.enqueue_dma source(%dma_start3A_229 : memref<2000xi32, #tpu.memory_space<hbm>>) target(%arg9 : memref<2000xi32, #tpu.memory_space<vmem>>) target_semaphore(%run_scoped3A : memref<!tpu.dma_semaphore, #tpu.memory_space<semaphore_mem>>)
          %dma_wait3A_230 = tpu.memref_slice %arg4[%multiple_of3A_227] : memref<800000xi32, #tpu.memory_space<hbm>> -> memref<2000xi32, #tpu.memory_space<hbm>>
          %dma_wait3A_231 = tpu.memref_slice %arg4[%multiple_of3A_227] : memref<800000xi32, #tpu.memory_space<hbm>> -> memref<2000xi32, #tpu.memory_space<hbm>>
          tpu.wait_dma2 semaphore(%run_scoped3A : memref<!tpu.dma_semaphore, #tpu.memory_space<semaphore_mem>>) src(%dma_wait3A_231 : memref<2000xi32, #tpu.memory_space<hbm>>) dst(%arg9 : memref<2000xi32, #tpu.memory_space<vmem>>)
          tpu.yield
        }) : () -> ()
      } else {
      }
      %mul3A_77 = arith.constant 80 : i32
      %mul3A_78 = arith.muli %rem3A_72, %mul3A_77 : i32
      %dma_start3A = arith.constant 0 : i32
      %dma_start3A_79 = arith.constant 0 : i32
      %dma_start3A_80 = tpu.memref_slice %arg11[%rem3A_70, %dma_start3A, %dma_start3A_79] : memref<2x80x128xf32, #tpu.memory_space<vmem>> -> memref<1x80x128xf32, #tpu.memory_space<vmem>>
      %dma_start3A_81 = tpu.memref_squeeze %dma_start3A_80 : memref<1x80x128xf32, #tpu.memory_space<vmem>> -> memref<80x128xf32, #tpu.memory_space<vmem>>
      %dma_start3A_82 = tpu.memref_slice %arg8[%mul3A_78] : memref<2000xi32, #tpu.memory_space<vmem>> -> memref<80xi32, #tpu.memory_space<vmem>>
      %dma_start3A_83 = arith.constant 0 : i32
      %dma_start3A_84 = arith.constant 0 : i32
      %dma_start3A_85 = tpu.memref_slice %arg2[%dma_start3A_83, %dma_start3A_84] : memref<50000x128xf32, #tpu.memory_space<hbm>> -> memref<50000x128xf32, #tpu.memory_space<hbm>>
      tpu.enqueue_indirect_dma source(%dma_start3A_85 : memref<50000x128xf32, #tpu.memory_space<hbm>>) target(%dma_start3A_81 : memref<80x128xf32, #tpu.memory_space<vmem>>) offsets(%dma_start3A_82 : memref<80xi32, #tpu.memory_space<vmem>>) semaphore(%arg12 : memref<!tpu.dma_semaphore, #tpu.memory_space<semaphore_mem>>)
      %mul3A_86 = arith.constant 80 : i32
      %mul3A_87 = arith.muli %rem3A_72, %mul3A_86 : i32
      %add3A_88 = arith.constant 0 : i32
      %add3A_89 = arith.addi %mul3A_87, %add3A_88 : i32
      %get3A = arith.index_cast %add3A_89 : i32 to index
      %get3A_90 = tpu.vector_load %arg9[%get3A] {strides = array<i32>} : memref<2000xi32, #tpu.memory_space<vmem>>, vector<16xi32>,
      %get3A_91 = vector.shape_cast %get3A_90 : vector<16xi32> to vector<16xi32>
      %sub3A = vector.broadcast %mul3A_7 : i32 to vector<16xi32>
      %sub3A_92 = arith.subi %get3A_91, %sub3A : vector<16xi32>
      %ge3A_93 = arith.constant 0 : i32
      %ge3A_94 = vector.broadcast %ge3A_93 : i32 to vector<16xi32>
      %ge3A_95 = arith.cmpi sge, %sub3A_92, %ge3A_94 : vector<16xi32>
      %lt3A_96 = arith.constant 12500 : i32
      %lt3A_97 = vector.broadcast %lt3A_96 : i32 to vector<16xi32>
      %lt3A_98 = arith.cmpi slt, %sub3A_92, %lt3A_97 : vector<16xi32>
      %and3A = arith.andi %ge3A_95, %lt3A_98 : vector<16xi1>
      %jit3A = arith.constant 12500 : i32
      %broadcast_in_dim3A = vector.broadcast %jit3A : i32 to vector<16xi32>
      %select_n3A = arith.select %and3A, %sub3A_92, %broadcast_in_dim3A : vector<16xi1>, vector<16xi32>
      %swap3A = arith.index_cast %rem3A_70 : i32 to index
      %swap3A_99 = arith.constant 0 : index
      %swap3A_100 = tpu.vector_load %arg10[%swap3A, %swap3A_99] {strides = array<i32>} : memref<2x80xi32, #tpu.memory_space<vmem>>, vector<1x16xi32>,
      %swap3A_101 = vector.shape_cast %swap3A_100 : vector<1x16xi32> to vector<16xi32>
      %swap3A_102 = vector.shape_cast %select_n3A : vector<16xi32> to vector<1x16xi32>
      tpu.vector_store %arg10[%swap3A, %swap3A_99], %swap3A_102 {strides = array<i32>} : memref<2x80xi32, #tpu.memory_space<vmem>>, vector<1x16xi32>,
      %mul3A_103 = arith.constant 80 : i32
      %mul3A_104 = arith.muli %rem3A_72, %mul3A_103 : i32
      %add3A_105 = arith.constant 16 : i32
      %add3A_106 = arith.addi %mul3A_104, %add3A_105 : i32
      %get3A_107 = arith.index_cast %add3A_106 : i32 to index
      %get3A_108 = tpu.vector_load %arg9[%get3A_107] {strides = array<i32>} : memref<2000xi32, #tpu.memory_space<vmem>>, vector<16xi32>,
      %get3A_109 = vector.shape_cast %get3A_108 : vector<16xi32> to vector<16xi32>
      %sub3A_110 = vector.broadcast %mul3A_7 : i32 to vector<16xi32>
      %sub3A_111 = arith.subi %get3A_109, %sub3A_110 : vector<16xi32>
      %ge3A_112 = arith.constant 0 : i32
      %ge3A_113 = vector.broadcast %ge3A_112 : i32 to vector<16xi32>
      %ge3A_114 = arith.cmpi sge, %sub3A_111, %ge3A_113 : vector<16xi32>
      %lt3A_115 = arith.constant 12500 : i32
      %lt3A_116 = vector.broadcast %lt3A_115 : i32 to vector<16xi32>
      %lt3A_117 = arith.cmpi slt, %sub3A_111, %lt3A_116 : vector<16xi32>
      %and3A_118 = arith.andi %ge3A_114, %lt3A_117 : vector<16xi1>
      %jit3A_119 = arith.constant 12500 : i32
      %broadcast_in_dim3A_120 = vector.broadcast %jit3A_119 : i32 to vector<16xi32>
      %select_n3A_121 = arith.select %and3A_118, %sub3A_111, %broadcast_in_dim3A_120 : vector<16xi1>, vector<16xi32>
      %swap3A_122 = arith.index_cast %rem3A_70 : i32 to index
      %swap3A_123 = arith.constant 16 : index
      %swap3A_124 = tpu.vector_load %arg10[%swap3A_122, %swap3A_123] {strides = array<i32>} : memref<2x80xi32, #tpu.memory_space<vmem>>, vector<1x16xi32>,
      %swap3A_125 = vector.shape_cast %swap3A_124 : vector<1x16xi32> to vector<16xi32>
      %swap3A_126 = vector.shape_cast %select_n3A_121 : vector<16xi32> to vector<1x16xi32>
      tpu.vector_store %arg10[%swap3A_122, %swap3A_123], %swap3A_126 {strides = array<i32>} : memref<2x80xi32, #tpu.memory_space<vmem>>, vector<1x16xi32>,
      %mul3A_127 = arith.constant 80 : i32
      %mul3A_128 = arith.muli %rem3A_72, %mul3A_127 : i32
      %add3A_129 = arith.constant 32 : i32
      %add3A_130 = arith.addi %mul3A_128, %add3A_129 : i32
      %get3A_131 = arith.index_cast %add3A_130 : i32 to index
      %get3A_132 = tpu.vector_load %arg9[%get3A_131] {strides = array<i32>} : memref<2000xi32, #tpu.memory_space<vmem>>, vector<16xi32>,
      %get3A_133 = vector.shape_cast %get3A_132 : vector<16xi32> to vector<16xi32>
      %sub3A_134 = vector.broadcast %mul3A_7 : i32 to vector<16xi32>
      %sub3A_135 = arith.subi %get3A_133, %sub3A_134 : vector<16xi32>
      %ge3A_136 = arith.constant 0 : i32
      %ge3A_137 = vector.broadcast %ge3A_136 : i32 to vector<16xi32>
      %ge3A_138 = arith.cmpi sge, %sub3A_135, %ge3A_137 : vector<16xi32>
      %lt3A_139 = arith.constant 12500 : i32
      %lt3A_140 = vector.broadcast %lt3A_139 : i32 to vector<16xi32>
      %lt3A_141 = arith.cmpi slt, %sub3A_135, %lt3A_140 : vector<16xi32>
      %and3A_142 = arith.andi %ge3A_138, %lt3A_141 : vector<16xi1>
      %jit3A_143 = arith.constant 12500 : i32
      %broadcast_in_dim3A_144 = vector.broadcast %jit3A_143 : i32 to vector<16xi32>
      %select_n3A_145 = arith.select %and3A_142, %sub3A_135, %broadcast_in_dim3A_144 : vector<16xi1>, vector<16xi32>
      %swap3A_146 = arith.index_cast %rem3A_70 : i32 to index
      %swap3A_147 = arith.constant 32 : index
      %swap3A_148 = tpu.vector_load %arg10[%swap3A_146, %swap3A_147] {strides = array<i32>} : memref<2x80xi32, #tpu.memory_space<vmem>>, vector<1x16xi32>,
      %swap3A_149 = vector.shape_cast %swap3A_148 : vector<1x16xi32> to vector<16xi32>
      %swap3A_150 = vector.shape_cast %select_n3A_145 : vector<16xi32> to vector<1x16xi32>
      tpu.vector_store %arg10[%swap3A_146, %swap3A_147], %swap3A_150 {strides = array<i32>} : memref<2x80xi32, #tpu.memory_space<vmem>>, vector<1x16xi32>,
      %mul3A_151 = arith.constant 80 : i32
      %mul3A_152 = arith.muli %rem3A_72, %mul3A_151 : i32
      %add3A_153 = arith.constant 48 : i32
      %add3A_154 = arith.addi %mul3A_152, %add3A_153 : i32
      %get3A_155 = arith.index_cast %add3A_154 : i32 to index
      %get3A_156 = tpu.vector_load %arg9[%get3A_155] {strides = array<i32>} : memref<2000xi32, #tpu.memory_space<vmem>>, vector<16xi32>,
      %get3A_157 = vector.shape_cast %get3A_156 : vector<16xi32> to vector<16xi32>
      %sub3A_158 = vector.broadcast %mul3A_7 : i32 to vector<16xi32>
      %sub3A_159 = arith.subi %get3A_157, %sub3A_158 : vector<16xi32>
      %ge3A_160 = arith.constant 0 : i32
      %ge3A_161 = vector.broadcast %ge3A_160 : i32 to vector<16xi32>
      %ge3A_162 = arith.cmpi sge, %sub3A_159, %ge3A_161 : vector<16xi32>
      %lt3A_163 = arith.constant 12500 : i32
      %lt3A_164 = vector.broadcast %lt3A_163 : i32 to vector<16xi32>
      %lt3A_165 = arith.cmpi slt, %sub3A_159, %lt3A_164 : vector<16xi32>
      %and3A_166 = arith.andi %ge3A_162, %lt3A_165 : vector<16xi1>
      %jit3A_167 = arith.constant 12500 : i32
      %broadcast_in_dim3A_168 = vector.broadcast %jit3A_167 : i32 to vector<16xi32>
      %select_n3A_169 = arith.select %and3A_166, %sub3A_159, %broadcast_in_dim3A_168 : vector<16xi1>, vector<16xi32>
      %swap3A_170 = arith.index_cast %rem3A_70 : i32 to index
      %swap3A_171 = arith.constant 48 : index
      %swap3A_172 = tpu.vector_load %arg10[%swap3A_170, %swap3A_171] {strides = array<i32>} : memref<2x80xi32, #tpu.memory_space<vmem>>, vector<1x16xi32>,
      %swap3A_173 = vector.shape_cast %swap3A_172 : vector<1x16xi32> to vector<16xi32>
      %swap3A_174 = vector.shape_cast %select_n3A_169 : vector<16xi32> to vector<1x16xi32>
      tpu.vector_store %arg10[%swap3A_170, %swap3A_171], %swap3A_174 {strides = array<i32>} : memref<2x80xi32, #tpu.memory_space<vmem>>, vector<1x16xi32>,
      %mul3A_175 = arith.constant 80 : i32
      %mul3A_176 = arith.muli %rem3A_72, %mul3A_175 : i32
      %add3A_177 = arith.constant 64 : i32
      %add3A_178 = arith.addi %mul3A_176, %add3A_177 : i32
      %get3A_179 = arith.index_cast %add3A_178 : i32 to index
      %get3A_180 = tpu.vector_load %arg9[%get3A_179] {strides = array<i32>} : memref<2000xi32, #tpu.memory_space<vmem>>, vector<16xi32>,
      %get3A_181 = vector.shape_cast %get3A_180 : vector<16xi32> to vector<16xi32>
      %sub3A_182 = vector.broadcast %mul3A_7 : i32 to vector<16xi32>
      %sub3A_183 = arith.subi %get3A_181, %sub3A_182 : vector<16xi32>
      %ge3A_184 = arith.constant 0 : i32
      %ge3A_185 = vector.broadcast %ge3A_184 : i32 to vector<16xi32>
      %ge3A_186 = arith.cmpi sge, %sub3A_183, %ge3A_185 : vector<16xi32>
      %lt3A_187 = arith.constant 12500 : i32
      %lt3A_188 = vector.broadcast %lt3A_187 : i32 to vector<16xi32>
      %lt3A_189 = arith.cmpi slt, %sub3A_183, %lt3A_188 : vector<16xi32>
      %and3A_190 = arith.andi %ge3A_186, %lt3A_189 : vector<16xi1>
      %jit3A_191 = arith.constant 12500 : i32
      %broadcast_in_dim3A_192 = vector.broadcast %jit3A_191 : i32 to vector<16xi32>
      %select_n3A_193 = arith.select %and3A_190, %sub3A_183, %broadcast_in_dim3A_192 : vector<16xi1>, vector<16xi32>
      %swap3A_194 = arith.index_cast %rem3A_70 : i32 to index
      %swap3A_195 = arith.constant 64 : index
      %swap3A_196 = tpu.vector_load %arg10[%swap3A_194, %swap3A_195] {strides = array<i32>} : memref<2x80xi32, #tpu.memory_space<vmem>>, vector<1x16xi32>,
      %swap3A_197 = vector.shape_cast %swap3A_196 : vector<1x16xi32> to vector<16xi32>
      %swap3A_198 = vector.shape_cast %select_n3A_193 : vector<16xi32> to vector<1x16xi32>
      tpu.vector_store %arg10[%swap3A_194, %swap3A_195], %swap3A_198 {strides = array<i32>} : memref<2x80xi32, #tpu.memory_space<vmem>>, vector<1x16xi32>,
      %gt3A = arith.constant 0 : i32
      %gt3A_199 = arith.cmpi sgt, %scan3A_68, %gt3A : i32
      %convert_element_type3A_200 = arith.extui %gt3A_199 : i1 to i32
      %cond3A_201 = arith.constant 0 : i32
      %cond3A_202 = arith.cmpi ne, %convert_element_type3A_200, %cond3A_201 : i32
      scf.if %cond3A_202 {
        %add3A_203 = arith.constant 1 : i32
        %add3A_204 = arith.addi %scan3A_68, %add3A_203 : i32
        %rem3A_205 = arith.constant 2 : i32
        %rem3A_206 = arith.remsi %add3A_204, %rem3A_205 : i32
        %mul3A_207 = arith.constant 80 : i32
        %mul3A_208 = arith.muli %rem3A_72, %mul3A_207 : i32
        %dma_wait3A_209 = arith.constant 0 : i32
        %dma_wait3A_210 = arith.constant 0 : i32
        %dma_wait3A_211 = tpu.memref_slice %arg11[%rem3A_206, %dma_wait3A_209, %dma_wait3A_210] : memref<2x80x128xf32, #tpu.memory_space<vmem>> -> memref<1x80x128xf32, #tpu.memory_space<vmem>>
        %dma_wait3A_212 = tpu.memref_squeeze %dma_wait3A_211 : memref<1x80x128xf32, #tpu.memory_space<vmem>> -> memref<80x128xf32, #tpu.memory_space<vmem>>
        %dma_wait3A_213 = tpu.memref_slice %arg8[%mul3A_208] : memref<2000xi32, #tpu.memory_space<vmem>> -> memref<80xi32, #tpu.memory_space<vmem>>
        %dma_wait3A_214 = arith.constant 0 : i32
        %dma_wait3A_215 = arith.constant 0 : i32
        %dma_wait3A_216 = tpu.memref_slice %arg2[%dma_wait3A_214, %dma_wait3A_215] : memref<50000x128xf32, #tpu.memory_space<hbm>> -> memref<50000x128xf32, #tpu.memory_space<hbm>>
        tpu.wait_indirect_dma semaphore(%arg12 : memref<!tpu.dma_semaphore, #tpu.memory_space<semaphore_mem>>) src(%dma_wait3A_216 : memref<50000x128xf32, #tpu.memory_space<hbm>>) dst(%dma_wait3A_212 : memref<80x128xf32, #tpu.memory_space<vmem>>)
        "tpu.region"() ({
          %run_scoped3A = tpu.sem_alloc : memref<!tpu.dma_semaphore, #tpu.memory_space<semaphore_mem>>
          %dma_start3A_217 = arith.constant 0 : i32
          %dma_start3A_218 = arith.constant 0 : i32
          %dma_start3A_219 = tpu.memref_slice %arg11[%rem3A_206, %dma_start3A_217, %dma_start3A_218] : memref<2x80x128xf32, #tpu.memory_space<vmem>> -> memref<1x80x128xf32, #tpu.memory_space<vmem>>
          %dma_start3A_220 = tpu.memref_squeeze %dma_start3A_219 : memref<1x80x128xf32, #tpu.memory_space<vmem>> -> memref<80x128xf32, #tpu.memory_space<vmem>>
          %dma_start3A_221 = arith.constant 0 : i32
          %dma_start3A_222 = tpu.memref_slice %arg10[%rem3A_206, %dma_start3A_221] : memref<2x80xi32, #tpu.memory_space<vmem>> -> memref<1x80xi32, #tpu.memory_space<vmem>>
          %dma_start3A_223 = tpu.memref_squeeze %dma_start3A_222 : memref<1x80xi32, #tpu.memory_space<vmem>> -> memref<80xi32, #tpu.memory_space<vmem>>
          %dma_start3A_224 = arith.constant 0 : i32
          %dma_start3A_225 = arith.constant 0 : i32
          %dma_start3A_226 = tpu.memref_slice %arg7[%dma_start3A_224, %dma_start3A_225] : memref<12512x128xf32, #tpu.memory_space<vmem_shared>> -> memref<12512x128xf32, #tpu.memory_space<vmem_shared>>
          tpu.enqueue_indirect_dma source(%dma_start3A_220 : memref<80x128xf32, #tpu.memory_space<vmem>>) target(%dma_start3A_226 : memref<12512x128xf32, #tpu.memory_space<vmem_shared>>) offsets(%dma_start3A_223 : memref<80xi32, #tpu.memory_space<vmem>>) semaphore(%run_scoped3A : memref<!tpu.dma_semaphore, #tpu.memory_space<semaphore_mem>>) {add = true}
          %dma_wait3A_227 = arith.constant 0 : i32
          %dma_wait3A_228 = arith.constant 0 : i32
          %dma_wait3A_229 = tpu.memref_slice %arg11[%rem3A_206, %dma_wait3A_227, %dma_wait3A_228] : memref<2x80x128xf32, #tpu.memory_space<vmem>> -> memref<1x80x128xf32, #tpu.memory_space<vmem>>
          %dma_wait3A_230 = tpu.memref_squeeze %dma_wait3A_229 : memref<1x80x128xf32, #tpu.memory_space<vmem>> -> memref<80x128xf32, #tpu.memory_space<vmem>>
          %dma_wait3A_231 = arith.constant 0 : i32
          %dma_wait3A_232 = tpu.memref_slice %arg10[%rem3A_206, %dma_wait3A_231] : memref<2x80xi32, #tpu.memory_space<vmem>> -> memref<1x80xi32, #tpu.memory_space<vmem>>
          %dma_wait3A_233 = tpu.memref_squeeze %dma_wait3A_232 : memref<1x80xi32, #tpu.memory_space<vmem>> -> memref<80xi32, #tpu.memory_space<vmem>>
          %dma_wait3A_234 = arith.constant 0 : i32
          %dma_wait3A_235 = arith.constant 0 : i32
          %dma_wait3A_236 = tpu.memref_slice %arg7[%dma_wait3A_234, %dma_wait3A_235] : memref<12512x128xf32, #tpu.memory_space<vmem_shared>> -> memref<12512x128xf32, #tpu.memory_space<vmem_shared>>
          tpu.wait_indirect_dma semaphore(%run_scoped3A : memref<!tpu.dma_semaphore, #tpu.memory_space<semaphore_mem>>) src(%dma_wait3A_230 : memref<80x128xf32, #tpu.memory_space<vmem>>) dst(%dma_wait3A_236 : memref<12512x128xf32, #tpu.memory_space<vmem_shared>>)
          tpu.yield
        }) : () -> ()
      } else {
      }
    }
    %scan3A_12 = arith.constant 625 : i32
    %rem3A = arith.constant 626 : i32
    %rem3A_13 = arith.constant 2 : i32
    %rem3A_14 = arith.remsi %rem3A, %rem3A_13 : i32
    %dma_wait3A = arith.constant 0 : i32
    %dma_wait3A_15 = arith.constant 0 : i32
    %dma_wait3A_16 = tpu.memref_slice %arg11[%rem3A_14, %dma_wait3A, %dma_wait3A_15] : memref<2x80x128xf32, #tpu.memory_space<vmem>> -> memref<1x80x128xf32, #tpu.memory_space<vmem>>
    %dma_wait3A_17 = tpu.memref_squeeze %dma_wait3A_16 : memref<1x80x128xf32, #tpu.memory_space<vmem>> -> memref<80x128xf32, #tpu.memory_space<vmem>>
    %dma_wait3A_18 = arith.constant 1920 : i32
    %dma_wait3A_19 = tpu.memref_slice %arg8[%dma_wait3A_18] : memref<2000xi32, #tpu.memory_space<vmem>> -> memref<80xi32, #tpu.memory_space<vmem>>
    %dma_wait3A_20 = arith.constant 0 : i32
    %dma_wait3A_21 = arith.constant 0 : i32
    %dma_wait3A_22 = tpu.memref_slice %arg2[%dma_wait3A_20, %dma_wait3A_21] : memref<50000x128xf32, #tpu.memory_space<hbm>> -> memref<50000x128xf32, #tpu.memory_space<hbm>>
    tpu.wait_indirect_dma semaphore(%arg12 : memref<!tpu.dma_semaphore, #tpu.memory_space<semaphore_mem>>) src(%dma_wait3A_22 : memref<50000x128xf32, #tpu.memory_space<hbm>>) dst(%dma_wait3A_17 : memref<80x128xf32, #tpu.memory_space<vmem>>)
    "tpu.region"() ({
      %run_scoped3A = tpu.sem_alloc : memref<!tpu.dma_semaphore, #tpu.memory_space<semaphore_mem>>
      %dma_start3A = arith.constant 0 : i32
      %dma_start3A_68 = arith.constant 0 : i32
      %dma_start3A_69 = tpu.memref_slice %arg11[%rem3A_14, %dma_start3A, %dma_start3A_68] : memref<2x80x128xf32, #tpu.memory_space<vmem>> -> memref<1x80x128xf32, #tpu.memory_space<vmem>>
      %dma_start3A_70 = tpu.memref_squeeze %dma_start3A_69 : memref<1x80x128xf32, #tpu.memory_space<vmem>> -> memref<80x128xf32, #tpu.memory_space<vmem>>
      %dma_start3A_71 = arith.constant 0 : i32
      %dma_start3A_72 = tpu.memref_slice %arg10[%rem3A_14, %dma_start3A_71] : memref<2x80xi32, #tpu.memory_space<vmem>> -> memref<1x80xi32, #tpu.memory_space<vmem>>
      %dma_start3A_73 = tpu.memref_squeeze %dma_start3A_72 : memref<1x80xi32, #tpu.memory_space<vmem>> -> memref<80xi32, #tpu.memory_space<vmem>>
      %dma_start3A_74 = arith.constant 0 : i32
      %dma_start3A_75 = arith.constant 0 : i32
      %dma_start3A_76 = tpu.memref_slice %arg7[%dma_start3A_74, %dma_start3A_75] : memref<12512x128xf32, #tpu.memory_space<vmem_shared>> -> memref<12512x128xf32, #tpu.memory_space<vmem_shared>>
      tpu.enqueue_indirect_dma source(%dma_start3A_70 : memref<80x128xf32, #tpu.memory_space<vmem>>) target(%dma_start3A_76 : memref<12512x128xf32, #tpu.memory_space<vmem_shared>>) offsets(%dma_start3A_73 : memref<80xi32, #tpu.memory_space<vmem>>) semaphore(%run_scoped3A : memref<!tpu.dma_semaphore, #tpu.memory_space<semaphore_mem>>) {add = true}
      %dma_wait3A_77 = arith.constant 0 : i32
      %dma_wait3A_78 = arith.constant 0 : i32
      %dma_wait3A_79 = tpu.memref_slice %arg11[%rem3A_14, %dma_wait3A_77, %dma_wait3A_78] : memref<2x80x128xf32, #tpu.memory_space<vmem>> -> memref<1x80x128xf32, #tpu.memory_space<vmem>>
      %dma_wait3A_80 = tpu.memref_squeeze %dma_wait3A_79 : memref<1x80x128xf32, #tpu.memory_space<vmem>> -> memref<80x128xf32, #tpu.memory_space<vmem>>
      %dma_wait3A_81 = arith.constant 0 : i32
      %dma_wait3A_82 = tpu.memref_slice %arg10[%rem3A_14, %dma_wait3A_81] : memref<2x80xi32, #tpu.memory_space<vmem>> -> memref<1x80xi32, #tpu.memory_space<vmem>>
      %dma_wait3A_83 = tpu.memref_squeeze %dma_wait3A_82 : memref<1x80xi32, #tpu.memory_space<vmem>> -> memref<80xi32, #tpu.memory_space<vmem>>
      %dma_wait3A_84 = arith.constant 0 : i32
      %dma_wait3A_85 = arith.constant 0 : i32
      %dma_wait3A_86 = tpu.memref_slice %arg7[%dma_wait3A_84, %dma_wait3A_85] : memref<12512x128xf32, #tpu.memory_space<vmem_shared>> -> memref<12512x128xf32, #tpu.memory_space<vmem_shared>>
      tpu.wait_indirect_dma semaphore(%run_scoped3A : memref<!tpu.dma_semaphore, #tpu.memory_space<semaphore_mem>>) src(%dma_wait3A_80 : memref<80x128xf32, #tpu.memory_space<vmem>>) dst(%dma_wait3A_86 : memref<12512x128xf32, #tpu.memory_space<vmem_shared>>)
      tpu.yield
    }) : () -> ()
    %barrier3A_23 = arith.constant 0 : index
    tpu.barrier barrier_id(%barrier3A_23)
    %lt3A = arith.constant 4 : i32
    %lt3A_24 = arith.cmpi slt, %arg1, %lt3A : i32
    %convert_element_type3A = arith.extui %lt3A_24 : i1 to i32
    %cond3A = arith.constant 0 : i32
    %cond3A_25 = arith.cmpi ne, %convert_element_type3A, %cond3A : i32
    scf.if %cond3A_25 {
      %mul3A_68 = arith.constant 782 : i32
      %mul3A_69 = arith.muli %arg1, %mul3A_68 : i32
      %add3A_70 = arith.addi %mul3A_7, %mul3A_69 : i32
      "tpu.region"() ({
        %run_scoped3A = tpu.sem_alloc : memref<!tpu.dma_semaphore, #tpu.memory_space<semaphore_mem>>
        %dma_start3A = arith.constant 0 : i32
        %dma_start3A_71 = tpu.memref_slice %arg6[%add3A_70, %dma_start3A] : memref<50000x128xf32, #tpu.memory_space<hbm>> -> memref<782x128xf32, #tpu.memory_space<hbm>>
        %dma_start3A_72 = arith.constant 0 : i32
        %dma_start3A_73 = tpu.memref_slice %arg7[%mul3A_69, %dma_start3A_72] : memref<12512x128xf32, #tpu.memory_space<vmem_shared>> -> memref<782x128xf32, #tpu.memory_space<vmem_shared>>
        tpu.enqueue_dma source(%dma_start3A_73 : memref<782x128xf32, #tpu.memory_space<vmem_shared>>) target(%dma_start3A_71 : memref<782x128xf32, #tpu.memory_space<hbm>>) target_semaphore(%run_scoped3A : memref<!tpu.dma_semaphore, #tpu.memory_space<semaphore_mem>>)
        %dma_wait3A_74 = arith.constant 0 : i32
        %dma_wait3A_75 = tpu.memref_slice %arg6[%add3A_70, %dma_wait3A_74] : memref<50000x128xf32, #tpu.memory_space<hbm>> -> memref<782x128xf32, #tpu.memory_space<hbm>>
        %dma_wait3A_76 = arith.constant 0 : i32
        %dma_wait3A_77 = tpu.memref_slice %arg7[%mul3A_69, %dma_wait3A_76] : memref<12512x128xf32, #tpu.memory_space<vmem_shared>> -> memref<782x128xf32, #tpu.memory_space<vmem_shared>>
        tpu.wait_dma2 semaphore(%run_scoped3A : memref<!tpu.dma_semaphore, #tpu.memory_space<semaphore_mem>>) src(%dma_wait3A_77 : memref<782x128xf32, #tpu.memory_space<vmem_shared>>) dst(%dma_wait3A_75 : memref<782x128xf32, #tpu.memory_space<hbm>>)
        tpu.yield
      }) : () -> ()
    } else {
    }
    %ge3A = arith.constant 4 : i32
    %ge3A_26 = arith.cmpi sge, %arg1, %ge3A : i32
    %convert_element_type3A_27 = arith.extui %ge3A_26 : i1 to i32
    %cond3A_28 = arith.constant 0 : i32
    %cond3A_29 = arith.cmpi ne, %convert_element_type3A_27, %cond3A_28 : i32
    scf.if %cond3A_29 {
      %sub3A = arith.constant 4 : i32
      %sub3A_68 = arith.subi %arg1, %sub3A : i32
      %mul3A_69 = arith.constant 781 : i32
      %mul3A_70 = arith.muli %sub3A_68, %mul3A_69 : i32
      %add3A_71 = arith.constant 3128 : i32
      %add3A_72 = arith.addi %add3A_71, %mul3A_70 : i32
      %add3A_73 = arith.addi %mul3A_7, %add3A_72 : i32
      "tpu.region"() ({
        %run_scoped3A = tpu.sem_alloc : memref<!tpu.dma_semaphore, #tpu.memory_space<semaphore_mem>>
        %dma_start3A = arith.constant 0 : i32
        %dma_start3A_74 = tpu.memref_slice %arg6[%add3A_73, %dma_start3A] : memref<50000x128xf32, #tpu.memory_space<hbm>> -> memref<781x128xf32, #tpu.memory_space<hbm>>
        %dma_start3A_75 = arith.constant 0 : i32
        %dma_start3A_76 = tpu.memref_slice %arg7[%add3A_72, %dma_start3A_75] : memref<12512x128xf32, #tpu.memory_space<vmem_shared>> -> memref<781x128xf32, #tpu.memory_space<vmem_shared>>
        tpu.enqueue_dma source(%dma_start3A_76 : memref<781x128xf32, #tpu.memory_space<vmem_shared>>) target(%dma_start3A_74 : memref<781x128xf32, #tpu.memory_space<hbm>>) target_semaphore(%run_scoped3A : memref<!tpu.dma_semaphore, #tpu.memory_space<semaphore_mem>>)
        %dma_wait3A_77 = arith.constant 0 : i32
        %dma_wait3A_78 = tpu.memref_slice %arg6[%add3A_73, %dma_wait3A_77] : memref<50000x128xf32, #tpu.memory_space<hbm>> -> memref<781x128xf32, #tpu.memory_space<hbm>>
        %dma_wait3A_79 = arith.constant 0 : i32
        %dma_wait3A_80 = tpu.memref_slice %arg7[%add3A_72, %dma_wait3A_79] : memref<12512x128xf32, #tpu.memory_space<vmem_shared>> -> memref<781x128xf32, #tpu.memory_space<vmem_shared>>
        tpu.wait_dma2 semaphore(%run_scoped3A : memref<!tpu.dma_semaphore, #tpu.memory_space<semaphore_mem>>) src(%dma_wait3A_80 : memref<781x128xf32, #tpu.memory_space<vmem_shared>>) dst(%dma_wait3A_78 : memref<781x128xf32, #tpu.memory_space<hbm>>)
        tpu.yield
      }) : () -> ()
    } else {
    }
    %barrier3A_30 = arith.constant 0 : index
    tpu.barrier barrier_id(%barrier3A_30)
    %mul3A_31 = arith.constant 2 : i32
    %mul3A_32 = arith.muli %arg0, %mul3A_31 : i32
    %add3A_33 = arith.constant 1 : i32
    %add3A_34 = arith.addi %mul3A_32, %add3A_33 : i32
    %mul3A_35 = arith.constant 12500 : i32
    %mul3A_36 = arith.muli %add3A_34, %mul3A_35 : i32
    "tpu.region"() ({
      %run_scoped3A = tpu.sem_alloc : memref<!tpu.dma_semaphore, #tpu.memory_space<semaphore_mem>>
      %dma_start3A = arith.constant 0 : i32
      %dma_start3A_68 = tpu.memref_slice %arg7[%multiple_of3A, %dma_start3A] : memref<12512x128xf32, #tpu.memory_space<vmem_shared>> -> memref<782x128xf32, #tpu.memory_space<vmem_shared>>
      %dma_start3A_69 = arith.constant 0 : i32
      %dma_start3A_70 = tpu.memref_slice %arg5[%multiple_of3A, %dma_start3A_69] : memref<12512x128xf32, #tpu.memory_space<hbm>> -> memref<782x128xf32, #tpu.memory_space<hbm>>
      tpu.enqueue_dma source(%dma_start3A_70 : memref<782x128xf32, #tpu.memory_space<hbm>>) target(%dma_start3A_68 : memref<782x128xf32, #tpu.memory_space<vmem_shared>>) target_semaphore(%run_scoped3A : memref<!tpu.dma_semaphore, #tpu.memory_space<semaphore_mem>>)
      %dma_wait3A_71 = arith.constant 0 : i32
      %dma_wait3A_72 = tpu.memref_slice %arg7[%multiple_of3A, %dma_wait3A_71] : memref<12512x128xf32, #tpu.memory_space<vmem_shared>> -> memref<782x128xf32, #tpu.memory_space<vmem_shared>>
      %dma_wait3A_73 = arith.constant 0 : i32
      %dma_wait3A_74 = tpu.memref_slice %arg5[%multiple_of3A, %dma_wait3A_73] : memref<12512x128xf32, #tpu.memory_space<hbm>> -> memref<782x128xf32, #tpu.memory_space<hbm>>
      tpu.wait_dma2 semaphore(%run_scoped3A : memref<!tpu.dma_semaphore, #tpu.memory_space<semaphore_mem>>) src(%dma_wait3A_74 : memref<782x128xf32, #tpu.memory_space<hbm>>) dst(%dma_wait3A_72 : memref<782x128xf32, #tpu.memory_space<vmem_shared>>)
      tpu.yield
    }) : () -> ()
    %barrier3A_37 = arith.constant 0 : index
    tpu.barrier barrier_id(%barrier3A_37)
    %scan3A_38 = arith.constant 0 : i32
    %scan3A_39 = arith.constant 0 : i32
    %scan3A_40 = arith.constant 625 : i32
    %scan3A_41 = arith.addi %scan3A_39, %scan3A_40 : i32
    %scan3A_42 = arith.constant 1 : i32
    scf.for %scan3A_68 = %scan3A_39 to %scan3A_41 step %scan3A_42  : i32 {
      %rem3A_69 = arith.constant 2 : i32
      %rem3A_70 = arith.remsi %scan3A_68, %rem3A_69 : i32
      %rem3A_71 = arith.constant 25 : i32
      %rem3A_72 = arith.remsi %scan3A_68, %rem3A_71 : i32
      %eq3A = arith.constant 0 : i32
      %eq3A_73 = arith.cmpi eq, %rem3A_72, %eq3A : i32
      %convert_element_type3A_74 = arith.extui %eq3A_73 : i1 to i32
      %cond3A_75 = arith.constant 0 : i32
      %cond3A_76 = arith.cmpi ne, %convert_element_type3A_74, %cond3A_75 : i32
      scf.if %cond3A_76 {
        %jit3A_203 = arith.constant 25 : i32
        %div3A = arith.divsi %scan3A_68, %jit3A_203 : i32
        %sign3A = arith.constant 0 : i32
        %sign3A_204 = arith.cmpi sgt, %scan3A_68, %sign3A : i32
        %sign3A_205 = arith.extui %sign3A_204 : i1 to i32
        %sign3A_206 = arith.constant 0 : i32
        %sign3A_207 = arith.cmpi slt, %scan3A_68, %sign3A_206 : i32
        %sign3A_208 = arith.extui %sign3A_207 : i1 to i32
        %sign3A_209 = arith.subi %sign3A_205, %sign3A_208 : i32
        %sign3A_210 = arith.constant 0 : i32
        %sign3A_211 = arith.cmpi sgt, %jit3A_203, %sign3A_210 : i32
        %sign3A_212 = arith.extui %sign3A_211 : i1 to i32
        %sign3A_213 = arith.constant 0 : i32
        %sign3A_214 = arith.cmpi slt, %jit3A_203, %sign3A_213 : i32
        %sign3A_215 = arith.extui %sign3A_214 : i1 to i32
        %sign3A_216 = arith.subi %sign3A_212, %sign3A_215 : i32
        %ne3A = arith.cmpi ne, %sign3A_209, %sign3A_216 : i32
        %rem3A_217 = arith.remsi %scan3A_68, %jit3A_203 : i32
        %ne3A_218 = arith.constant 0 : i32
        %ne3A_219 = arith.cmpi ne, %rem3A_217, %ne3A_218 : i32
        %and3A_220 = arith.andi %ne3A, %ne3A_219 : i1
        %sub3A_221 = arith.constant 1 : i32
        %sub3A_222 = arith.subi %div3A, %sub3A_221 : i32
        %select_n3A_223 = arith.select %and3A_220, %sub3A_222, %div3A : i32
        %mul3A_224 = arith.constant 2000 : i32
        %mul3A_225 = arith.muli %select_n3A_223, %mul3A_224 : i32
        %add3A_226 = arith.addi %mul3A_0, %mul3A_225 : i32
        %multiple_of3A_227 = tpu.assume_multiple %add3A_226, 2000 : i32
        "tpu.region"() ({
          %run_scoped3A = tpu.sem_alloc : memref<!tpu.dma_semaphore, #tpu.memory_space<semaphore_mem>>
          %dma_start3A_228 = tpu.memref_slice %arg3[%multiple_of3A_227] : memref<800000xi32, #tpu.memory_space<hbm>> -> memref<2000xi32, #tpu.memory_space<hbm>>
          %dma_start3A_229 = tpu.memref_slice %arg3[%multiple_of3A_227] : memref<800000xi32, #tpu.memory_space<hbm>> -> memref<2000xi32, #tpu.memory_space<hbm>>
          tpu.enqueue_dma source(%dma_start3A_229 : memref<2000xi32, #tpu.memory_space<hbm>>) target(%arg8 : memref<2000xi32, #tpu.memory_space<vmem>>) target_semaphore(%run_scoped3A : memref<!tpu.dma_semaphore, #tpu.memory_space<semaphore_mem>>)
          %dma_wait3A_230 = tpu.memref_slice %arg3[%multiple_of3A_227] : memref<800000xi32, #tpu.memory_space<hbm>> -> memref<2000xi32, #tpu.memory_space<hbm>>
          %dma_wait3A_231 = tpu.memref_slice %arg3[%multiple_of3A_227] : memref<800000xi32, #tpu.memory_space<hbm>> -> memref<2000xi32, #tpu.memory_space<hbm>>
          tpu.wait_dma2 semaphore(%run_scoped3A : memref<!tpu.dma_semaphore, #tpu.memory_space<semaphore_mem>>) src(%dma_wait3A_231 : memref<2000xi32, #tpu.memory_space<hbm>>) dst(%arg8 : memref<2000xi32, #tpu.memory_space<vmem>>)
          tpu.yield
        }) : () -> ()
        "tpu.region"() ({
          %run_scoped3A = tpu.sem_alloc : memref<!tpu.dma_semaphore, #tpu.memory_space<semaphore_mem>>
          %dma_start3A_228 = tpu.memref_slice %arg4[%multiple_of3A_227] : memref<800000xi32, #tpu.memory_space<hbm>> -> memref<2000xi32, #tpu.memory_space<hbm>>
          %dma_start3A_229 = tpu.memref_slice %arg4[%multiple_of3A_227] : memref<800000xi32, #tpu.memory_space<hbm>> -> memref<2000xi32, #tpu.memory_space<hbm>>
          tpu.enqueue_dma source(%dma_start3A_229 : memref<2000xi32, #tpu.memory_space<hbm>>) target(%arg9 : memref<2000xi32, #tpu.memory_space<vmem>>) target_semaphore(%run_scoped3A : memref<!tpu.dma_semaphore, #tpu.memory_space<semaphore_mem>>)
          %dma_wait3A_230 = tpu.memref_slice %arg4[%multiple_of3A_227] : memref<800000xi32, #tpu.memory_space<hbm>> -> memref<2000xi32, #tpu.memory_space<hbm>>
          %dma_wait3A_231 = tpu.memref_slice %arg4[%multiple_of3A_227] : memref<800000xi32, #tpu.memory_space<hbm>> -> memref<2000xi32, #tpu.memory_space<hbm>>
          tpu.wait_dma2 semaphore(%run_scoped3A : memref<!tpu.dma_semaphore, #tpu.memory_space<semaphore_mem>>) src(%dma_wait3A_231 : memref<2000xi32, #tpu.memory_space<hbm>>) dst(%arg9 : memref<2000xi32, #tpu.memory_space<vmem>>)
          tpu.yield
        }) : () -> ()
      } else {
      }
      %mul3A_77 = arith.constant 80 : i32
      %mul3A_78 = arith.muli %rem3A_72, %mul3A_77 : i32
      %dma_start3A = arith.constant 0 : i32
      %dma_start3A_79 = arith.constant 0 : i32
      %dma_start3A_80 = tpu.memref_slice %arg11[%rem3A_70, %dma_start3A, %dma_start3A_79] : memref<2x80x128xf32, #tpu.memory_space<vmem>> -> memref<1x80x128xf32, #tpu.memory_space<vmem>>
      %dma_start3A_81 = tpu.memref_squeeze %dma_start3A_80 : memref<1x80x128xf32, #tpu.memory_space<vmem>> -> memref<80x128xf32, #tpu.memory_space<vmem>>
      %dma_start3A_82 = tpu.memref_slice %arg8[%mul3A_78] : memref<2000xi32, #tpu.memory_space<vmem>> -> memref<80xi32, #tpu.memory_space<vmem>>
      %dma_start3A_83 = arith.constant 0 : i32
      %dma_start3A_84 = arith.constant 0 : i32
      %dma_start3A_85 = tpu.memref_slice %arg2[%dma_start3A_83, %dma_start3A_84] : memref<50000x128xf32, #tpu.memory_space<hbm>> -> memref<50000x128xf32, #tpu.memory_space<hbm>>
      tpu.enqueue_indirect_dma source(%dma_start3A_85 : memref<50000x128xf32, #tpu.memory_space<hbm>>) target(%dma_start3A_81 : memref<80x128xf32, #tpu.memory_space<vmem>>) offsets(%dma_start3A_82 : memref<80xi32, #tpu.memory_space<vmem>>) semaphore(%arg12 : memref<!tpu.dma_semaphore, #tpu.memory_space<semaphore_mem>>)
      %mul3A_86 = arith.constant 80 : i32
      %mul3A_87 = arith.muli %rem3A_72, %mul3A_86 : i32
      %add3A_88 = arith.constant 0 : i32
      %add3A_89 = arith.addi %mul3A_87, %add3A_88 : i32
      %get3A = arith.index_cast %add3A_89 : i32 to index
      %get3A_90 = tpu.vector_load %arg9[%get3A] {strides = array<i32>} : memref<2000xi32, #tpu.memory_space<vmem>>, vector<16xi32>,
      %get3A_91 = vector.shape_cast %get3A_90 : vector<16xi32> to vector<16xi32>
      %sub3A = vector.broadcast %mul3A_36 : i32 to vector<16xi32>
      %sub3A_92 = arith.subi %get3A_91, %sub3A : vector<16xi32>
      %ge3A_93 = arith.constant 0 : i32
      %ge3A_94 = vector.broadcast %ge3A_93 : i32 to vector<16xi32>
      %ge3A_95 = arith.cmpi sge, %sub3A_92, %ge3A_94 : vector<16xi32>
      %lt3A_96 = arith.constant 12500 : i32
      %lt3A_97 = vector.broadcast %lt3A_96 : i32 to vector<16xi32>
      %lt3A_98 = arith.cmpi slt, %sub3A_92, %lt3A_97 : vector<16xi32>
      %and3A = arith.andi %ge3A_95, %lt3A_98 : vector<16xi1>
      %jit3A = arith.constant 12500 : i32
      %broadcast_in_dim3A = vector.broadcast %jit3A : i32 to vector<16xi32>
      %select_n3A = arith.select %and3A, %sub3A_92, %broadcast_in_dim3A : vector<16xi1>, vector<16xi32>
      %swap3A = arith.index_cast %rem3A_70 : i32 to index
      %swap3A_99 = arith.constant 0 : index
      %swap3A_100 = tpu.vector_load %arg10[%swap3A, %swap3A_99] {strides = array<i32>} : memref<2x80xi32, #tpu.memory_space<vmem>>, vector<1x16xi32>,
      %swap3A_101 = vector.shape_cast %swap3A_100 : vector<1x16xi32> to vector<16xi32>
      %swap3A_102 = vector.shape_cast %select_n3A : vector<16xi32> to vector<1x16xi32>
      tpu.vector_store %arg10[%swap3A, %swap3A_99], %swap3A_102 {strides = array<i32>} : memref<2x80xi32, #tpu.memory_space<vmem>>, vector<1x16xi32>,
      %mul3A_103 = arith.constant 80 : i32
      %mul3A_104 = arith.muli %rem3A_72, %mul3A_103 : i32
      %add3A_105 = arith.constant 16 : i32
      %add3A_106 = arith.addi %mul3A_104, %add3A_105 : i32
      %get3A_107 = arith.index_cast %add3A_106 : i32 to index
      %get3A_108 = tpu.vector_load %arg9[%get3A_107] {strides = array<i32>} : memref<2000xi32, #tpu.memory_space<vmem>>, vector<16xi32>,
      %get3A_109 = vector.shape_cast %get3A_108 : vector<16xi32> to vector<16xi32>
      %sub3A_110 = vector.broadcast %mul3A_36 : i32 to vector<16xi32>
      %sub3A_111 = arith.subi %get3A_109, %sub3A_110 : vector<16xi32>
      %ge3A_112 = arith.constant 0 : i32
      %ge3A_113 = vector.broadcast %ge3A_112 : i32 to vector<16xi32>
      %ge3A_114 = arith.cmpi sge, %sub3A_111, %ge3A_113 : vector<16xi32>
      %lt3A_115 = arith.constant 12500 : i32
      %lt3A_116 = vector.broadcast %lt3A_115 : i32 to vector<16xi32>
      %lt3A_117 = arith.cmpi slt, %sub3A_111, %lt3A_116 : vector<16xi32>
      %and3A_118 = arith.andi %ge3A_114, %lt3A_117 : vector<16xi1>
      %jit3A_119 = arith.constant 12500 : i32
      %broadcast_in_dim3A_120 = vector.broadcast %jit3A_119 : i32 to vector<16xi32>
      %select_n3A_121 = arith.select %and3A_118, %sub3A_111, %broadcast_in_dim3A_120 : vector<16xi1>, vector<16xi32>
      %swap3A_122 = arith.index_cast %rem3A_70 : i32 to index
      %swap3A_123 = arith.constant 16 : index
      %swap3A_124 = tpu.vector_load %arg10[%swap3A_122, %swap3A_123] {strides = array<i32>} : memref<2x80xi32, #tpu.memory_space<vmem>>, vector<1x16xi32>,
      %swap3A_125 = vector.shape_cast %swap3A_124 : vector<1x16xi32> to vector<16xi32>
      %swap3A_126 = vector.shape_cast %select_n3A_121 : vector<16xi32> to vector<1x16xi32>
      tpu.vector_store %arg10[%swap3A_122, %swap3A_123], %swap3A_126 {strides = array<i32>} : memref<2x80xi32, #tpu.memory_space<vmem>>, vector<1x16xi32>,
      %mul3A_127 = arith.constant 80 : i32
      %mul3A_128 = arith.muli %rem3A_72, %mul3A_127 : i32
      %add3A_129 = arith.constant 32 : i32
      %add3A_130 = arith.addi %mul3A_128, %add3A_129 : i32
      %get3A_131 = arith.index_cast %add3A_130 : i32 to index
      %get3A_132 = tpu.vector_load %arg9[%get3A_131] {strides = array<i32>} : memref<2000xi32, #tpu.memory_space<vmem>>, vector<16xi32>,
      %get3A_133 = vector.shape_cast %get3A_132 : vector<16xi32> to vector<16xi32>
      %sub3A_134 = vector.broadcast %mul3A_36 : i32 to vector<16xi32>
      %sub3A_135 = arith.subi %get3A_133, %sub3A_134 : vector<16xi32>
      %ge3A_136 = arith.constant 0 : i32
      %ge3A_137 = vector.broadcast %ge3A_136 : i32 to vector<16xi32>
      %ge3A_138 = arith.cmpi sge, %sub3A_135, %ge3A_137 : vector<16xi32>
      %lt3A_139 = arith.constant 12500 : i32
      %lt3A_140 = vector.broadcast %lt3A_139 : i32 to vector<16xi32>
      %lt3A_141 = arith.cmpi slt, %sub3A_135, %lt3A_140 : vector<16xi32>
      %and3A_142 = arith.andi %ge3A_138, %lt3A_141 : vector<16xi1>
      %jit3A_143 = arith.constant 12500 : i32
      %broadcast_in_dim3A_144 = vector.broadcast %jit3A_143 : i32 to vector<16xi32>
      %select_n3A_145 = arith.select %and3A_142, %sub3A_135, %broadcast_in_dim3A_144 : vector<16xi1>, vector<16xi32>
      %swap3A_146 = arith.index_cast %rem3A_70 : i32 to index
      %swap3A_147 = arith.constant 32 : index
      %swap3A_148 = tpu.vector_load %arg10[%swap3A_146, %swap3A_147] {strides = array<i32>} : memref<2x80xi32, #tpu.memory_space<vmem>>, vector<1x16xi32>,
      %swap3A_149 = vector.shape_cast %swap3A_148 : vector<1x16xi32> to vector<16xi32>
      %swap3A_150 = vector.shape_cast %select_n3A_145 : vector<16xi32> to vector<1x16xi32>
      tpu.vector_store %arg10[%swap3A_146, %swap3A_147], %swap3A_150 {strides = array<i32>} : memref<2x80xi32, #tpu.memory_space<vmem>>, vector<1x16xi32>,
      %mul3A_151 = arith.constant 80 : i32
      %mul3A_152 = arith.muli %rem3A_72, %mul3A_151 : i32
      %add3A_153 = arith.constant 48 : i32
      %add3A_154 = arith.addi %mul3A_152, %add3A_153 : i32
      %get3A_155 = arith.index_cast %add3A_154 : i32 to index
      %get3A_156 = tpu.vector_load %arg9[%get3A_155] {strides = array<i32>} : memref<2000xi32, #tpu.memory_space<vmem>>, vector<16xi32>,
      %get3A_157 = vector.shape_cast %get3A_156 : vector<16xi32> to vector<16xi32>
      %sub3A_158 = vector.broadcast %mul3A_36 : i32 to vector<16xi32>
      %sub3A_159 = arith.subi %get3A_157, %sub3A_158 : vector<16xi32>
      %ge3A_160 = arith.constant 0 : i32
      %ge3A_161 = vector.broadcast %ge3A_160 : i32 to vector<16xi32>
      %ge3A_162 = arith.cmpi sge, %sub3A_159, %ge3A_161 : vector<16xi32>
      %lt3A_163 = arith.constant 12500 : i32
      %lt3A_164 = vector.broadcast %lt3A_163 : i32 to vector<16xi32>
      %lt3A_165 = arith.cmpi slt, %sub3A_159, %lt3A_164 : vector<16xi32>
      %and3A_166 = arith.andi %ge3A_162, %lt3A_165 : vector<16xi1>
      %jit3A_167 = arith.constant 12500 : i32
      %broadcast_in_dim3A_168 = vector.broadcast %jit3A_167 : i32 to vector<16xi32>
      %select_n3A_169 = arith.select %and3A_166, %sub3A_159, %broadcast_in_dim3A_168 : vector<16xi1>, vector<16xi32>
      %swap3A_170 = arith.index_cast %rem3A_70 : i32 to index
      %swap3A_171 = arith.constant 48 : index
      %swap3A_172 = tpu.vector_load %arg10[%swap3A_170, %swap3A_171] {strides = array<i32>} : memref<2x80xi32, #tpu.memory_space<vmem>>, vector<1x16xi32>,
      %swap3A_173 = vector.shape_cast %swap3A_172 : vector<1x16xi32> to vector<16xi32>
      %swap3A_174 = vector.shape_cast %select_n3A_169 : vector<16xi32> to vector<1x16xi32>
      tpu.vector_store %arg10[%swap3A_170, %swap3A_171], %swap3A_174 {strides = array<i32>} : memref<2x80xi32, #tpu.memory_space<vmem>>, vector<1x16xi32>,
      %mul3A_175 = arith.constant 80 : i32
      %mul3A_176 = arith.muli %rem3A_72, %mul3A_175 : i32
      %add3A_177 = arith.constant 64 : i32
      %add3A_178 = arith.addi %mul3A_176, %add3A_177 : i32
      %get3A_179 = arith.index_cast %add3A_178 : i32 to index
      %get3A_180 = tpu.vector_load %arg9[%get3A_179] {strides = array<i32>} : memref<2000xi32, #tpu.memory_space<vmem>>, vector<16xi32>,
      %get3A_181 = vector.shape_cast %get3A_180 : vector<16xi32> to vector<16xi32>
      %sub3A_182 = vector.broadcast %mul3A_36 : i32 to vector<16xi32>
      %sub3A_183 = arith.subi %get3A_181, %sub3A_182 : vector<16xi32>
      %ge3A_184 = arith.constant 0 : i32
      %ge3A_185 = vector.broadcast %ge3A_184 : i32 to vector<16xi32>
      %ge3A_186 = arith.cmpi sge, %sub3A_183, %ge3A_185 : vector<16xi32>
      %lt3A_187 = arith.constant 12500 : i32
      %lt3A_188 = vector.broadcast %lt3A_187 : i32 to vector<16xi32>
      %lt3A_189 = arith.cmpi slt, %sub3A_183, %lt3A_188 : vector<16xi32>
      %and3A_190 = arith.andi %ge3A_186, %lt3A_189 : vector<16xi1>
      %jit3A_191 = arith.constant 12500 : i32
      %broadcast_in_dim3A_192 = vector.broadcast %jit3A_191 : i32 to vector<16xi32>
      %select_n3A_193 = arith.select %and3A_190, %sub3A_183, %broadcast_in_dim3A_192 : vector<16xi1>, vector<16xi32>
      %swap3A_194 = arith.index_cast %rem3A_70 : i32 to index
      %swap3A_195 = arith.constant 64 : index
      %swap3A_196 = tpu.vector_load %arg10[%swap3A_194, %swap3A_195] {strides = array<i32>} : memref<2x80xi32, #tpu.memory_space<vmem>>, vector<1x16xi32>,
      %swap3A_197 = vector.shape_cast %swap3A_196 : vector<1x16xi32> to vector<16xi32>
      %swap3A_198 = vector.shape_cast %select_n3A_193 : vector<16xi32> to vector<1x16xi32>
      tpu.vector_store %arg10[%swap3A_194, %swap3A_195], %swap3A_198 {strides = array<i32>} : memref<2x80xi32, #tpu.memory_space<vmem>>, vector<1x16xi32>,
      %gt3A = arith.constant 0 : i32
      %gt3A_199 = arith.cmpi sgt, %scan3A_68, %gt3A : i32
      %convert_element_type3A_200 = arith.extui %gt3A_199 : i1 to i32
      %cond3A_201 = arith.constant 0 : i32
      %cond3A_202 = arith.cmpi ne, %convert_element_type3A_200, %cond3A_201 : i32
      scf.if %cond3A_202 {
        %add3A_203 = arith.constant 1 : i32
        %add3A_204 = arith.addi %scan3A_68, %add3A_203 : i32
        %rem3A_205 = arith.constant 2 : i32
        %rem3A_206 = arith.remsi %add3A_204, %rem3A_205 : i32
        %mul3A_207 = arith.constant 80 : i32
        %mul3A_208 = arith.muli %rem3A_72, %mul3A_207 : i32
        %dma_wait3A_209 = arith.constant 0 : i32
        %dma_wait3A_210 = arith.constant 0 : i32
        %dma_wait3A_211 = tpu.memref_slice %arg11[%rem3A_206, %dma_wait3A_209, %dma_wait3A_210] : memref<2x80x128xf32, #tpu.memory_space<vmem>> -> memref<1x80x128xf32, #tpu.memory_space<vmem>>
        %dma_wait3A_212 = tpu.memref_squeeze %dma_wait3A_211 : memref<1x80x128xf32, #tpu.memory_space<vmem>> -> memref<80x128xf32, #tpu.memory_space<vmem>>
        %dma_wait3A_213 = tpu.memref_slice %arg8[%mul3A_208] : memref<2000xi32, #tpu.memory_space<vmem>> -> memref<80xi32, #tpu.memory_space<vmem>>
        %dma_wait3A_214 = arith.constant 0 : i32
        %dma_wait3A_215 = arith.constant 0 : i32
        %dma_wait3A_216 = tpu.memref_slice %arg2[%dma_wait3A_214, %dma_wait3A_215] : memref<50000x128xf32, #tpu.memory_space<hbm>> -> memref<50000x128xf32, #tpu.memory_space<hbm>>
        tpu.wait_indirect_dma semaphore(%arg12 : memref<!tpu.dma_semaphore, #tpu.memory_space<semaphore_mem>>) src(%dma_wait3A_216 : memref<50000x128xf32, #tpu.memory_space<hbm>>) dst(%dma_wait3A_212 : memref<80x128xf32, #tpu.memory_space<vmem>>)
        "tpu.region"() ({
          %run_scoped3A = tpu.sem_alloc : memref<!tpu.dma_semaphore, #tpu.memory_space<semaphore_mem>>
          %dma_start3A_217 = arith.constant 0 : i32
          %dma_start3A_218 = arith.constant 0 : i32
          %dma_start3A_219 = tpu.memref_slice %arg11[%rem3A_206, %dma_start3A_217, %dma_start3A_218] : memref<2x80x128xf32, #tpu.memory_space<vmem>> -> memref<1x80x128xf32, #tpu.memory_space<vmem>>
          %dma_start3A_220 = tpu.memref_squeeze %dma_start3A_219 : memref<1x80x128xf32, #tpu.memory_space<vmem>> -> memref<80x128xf32, #tpu.memory_space<vmem>>
          %dma_start3A_221 = arith.constant 0 : i32
          %dma_start3A_222 = tpu.memref_slice %arg10[%rem3A_206, %dma_start3A_221] : memref<2x80xi32, #tpu.memory_space<vmem>> -> memref<1x80xi32, #tpu.memory_space<vmem>>
          %dma_start3A_223 = tpu.memref_squeeze %dma_start3A_222 : memref<1x80xi32, #tpu.memory_space<vmem>> -> memref<80xi32, #tpu.memory_space<vmem>>
          %dma_start3A_224 = arith.constant 0 : i32
          %dma_start3A_225 = arith.constant 0 : i32
          %dma_start3A_226 = tpu.memref_slice %arg7[%dma_start3A_224, %dma_start3A_225] : memref<12512x128xf32, #tpu.memory_space<vmem_shared>> -> memref<12512x128xf32, #tpu.memory_space<vmem_shared>>
          tpu.enqueue_indirect_dma source(%dma_start3A_220 : memref<80x128xf32, #tpu.memory_space<vmem>>) target(%dma_start3A_226 : memref<12512x128xf32, #tpu.memory_space<vmem_shared>>) offsets(%dma_start3A_223 : memref<80xi32, #tpu.memory_space<vmem>>) semaphore(%run_scoped3A : memref<!tpu.dma_semaphore, #tpu.memory_space<semaphore_mem>>) {add = true}
          %dma_wait3A_227 = arith.constant 0 : i32
          %dma_wait3A_228 = arith.constant 0 : i32
          %dma_wait3A_229 = tpu.memref_slice %arg11[%rem3A_206, %dma_wait3A_227, %dma_wait3A_228] : memref<2x80x128xf32, #tpu.memory_space<vmem>> -> memref<1x80x128xf32, #tpu.memory_space<vmem>>
          %dma_wait3A_230 = tpu.memref_squeeze %dma_wait3A_229 : memref<1x80x128xf32, #tpu.memory_space<vmem>> -> memref<80x128xf32, #tpu.memory_space<vmem>>
          %dma_wait3A_231 = arith.constant 0 : i32
          %dma_wait3A_232 = tpu.memref_slice %arg10[%rem3A_206, %dma_wait3A_231] : memref<2x80xi32, #tpu.memory_space<vmem>> -> memref<1x80xi32, #tpu.memory_space<vmem>>
          %dma_wait3A_233 = tpu.memref_squeeze %dma_wait3A_232 : memref<1x80xi32, #tpu.memory_space<vmem>> -> memref<80xi32, #tpu.memory_space<vmem>>
          %dma_wait3A_234 = arith.constant 0 : i32
          %dma_wait3A_235 = arith.constant 0 : i32
          %dma_wait3A_236 = tpu.memref_slice %arg7[%dma_wait3A_234, %dma_wait3A_235] : memref<12512x128xf32, #tpu.memory_space<vmem_shared>> -> memref<12512x128xf32, #tpu.memory_space<vmem_shared>>
          tpu.wait_indirect_dma semaphore(%run_scoped3A : memref<!tpu.dma_semaphore, #tpu.memory_space<semaphore_mem>>) src(%dma_wait3A_230 : memref<80x128xf32, #tpu.memory_space<vmem>>) dst(%dma_wait3A_236 : memref<12512x128xf32, #tpu.memory_space<vmem_shared>>)
          tpu.yield
        }) : () -> ()
      } else {
      }
    }
    %scan3A_43 = arith.constant 625 : i32
    %rem3A_44 = arith.constant 626 : i32
    %rem3A_45 = arith.constant 2 : i32
    %rem3A_46 = arith.remsi %rem3A_44, %rem3A_45 : i32
    %dma_wait3A_47 = arith.constant 0 : i32
    %dma_wait3A_48 = arith.constant 0 : i32
    %dma_wait3A_49 = tpu.memref_slice %arg11[%rem3A_46, %dma_wait3A_47, %dma_wait3A_48] : memref<2x80x128xf32, #tpu.memory_space<vmem>> -> memref<1x80x128xf32, #tpu.memory_space<vmem>>
    %dma_wait3A_50 = tpu.memref_squeeze %dma_wait3A_49 : memref<1x80x128xf32, #tpu.memory_space<vmem>> -> memref<80x128xf32, #tpu.memory_space<vmem>>
    %dma_wait3A_51 = arith.constant 1920 : i32
    %dma_wait3A_52 = tpu.memref_slice %arg8[%dma_wait3A_51] : memref<2000xi32, #tpu.memory_space<vmem>> -> memref<80xi32, #tpu.memory_space<vmem>>
    %dma_wait3A_53 = arith.constant 0 : i32
    %dma_wait3A_54 = arith.constant 0 : i32
    %dma_wait3A_55 = tpu.memref_slice %arg2[%dma_wait3A_53, %dma_wait3A_54] : memref<50000x128xf32, #tpu.memory_space<hbm>> -> memref<50000x128xf32, #tpu.memory_space<hbm>>
    tpu.wait_indirect_dma semaphore(%arg12 : memref<!tpu.dma_semaphore, #tpu.memory_space<semaphore_mem>>) src(%dma_wait3A_55 : memref<50000x128xf32, #tpu.memory_space<hbm>>) dst(%dma_wait3A_50 : memref<80x128xf32, #tpu.memory_space<vmem>>)
    "tpu.region"() ({
      %run_scoped3A = tpu.sem_alloc : memref<!tpu.dma_semaphore, #tpu.memory_space<semaphore_mem>>
      %dma_start3A = arith.constant 0 : i32
      %dma_start3A_68 = arith.constant 0 : i32
      %dma_start3A_69 = tpu.memref_slice %arg11[%rem3A_46, %dma_start3A, %dma_start3A_68] : memref<2x80x128xf32, #tpu.memory_space<vmem>> -> memref<1x80x128xf32, #tpu.memory_space<vmem>>
      %dma_start3A_70 = tpu.memref_squeeze %dma_start3A_69 : memref<1x80x128xf32, #tpu.memory_space<vmem>> -> memref<80x128xf32, #tpu.memory_space<vmem>>
      %dma_start3A_71 = arith.constant 0 : i32
      %dma_start3A_72 = tpu.memref_slice %arg10[%rem3A_46, %dma_start3A_71] : memref<2x80xi32, #tpu.memory_space<vmem>> -> memref<1x80xi32, #tpu.memory_space<vmem>>
      %dma_start3A_73 = tpu.memref_squeeze %dma_start3A_72 : memref<1x80xi32, #tpu.memory_space<vmem>> -> memref<80xi32, #tpu.memory_space<vmem>>
      %dma_start3A_74 = arith.constant 0 : i32
      %dma_start3A_75 = arith.constant 0 : i32
      %dma_start3A_76 = tpu.memref_slice %arg7[%dma_start3A_74, %dma_start3A_75] : memref<12512x128xf32, #tpu.memory_space<vmem_shared>> -> memref<12512x128xf32, #tpu.memory_space<vmem_shared>>
      tpu.enqueue_indirect_dma source(%dma_start3A_70 : memref<80x128xf32, #tpu.memory_space<vmem>>) target(%dma_start3A_76 : memref<12512x128xf32, #tpu.memory_space<vmem_shared>>) offsets(%dma_start3A_73 : memref<80xi32, #tpu.memory_space<vmem>>) semaphore(%run_scoped3A : memref<!tpu.dma_semaphore, #tpu.memory_space<semaphore_mem>>) {add = true}
      %dma_wait3A_77 = arith.constant 0 : i32
      %dma_wait3A_78 = arith.constant 0 : i32
      %dma_wait3A_79 = tpu.memref_slice %arg11[%rem3A_46, %dma_wait3A_77, %dma_wait3A_78] : memref<2x80x128xf32, #tpu.memory_space<vmem>> -> memref<1x80x128xf32, #tpu.memory_space<vmem>>
      %dma_wait3A_80 = tpu.memref_squeeze %dma_wait3A_79 : memref<1x80x128xf32, #tpu.memory_space<vmem>> -> memref<80x128xf32, #tpu.memory_space<vmem>>
      %dma_wait3A_81 = arith.constant 0 : i32
      %dma_wait3A_82 = tpu.memref_slice %arg10[%rem3A_46, %dma_wait3A_81] : memref<2x80xi32, #tpu.memory_space<vmem>> -> memref<1x80xi32, #tpu.memory_space<vmem>>
      %dma_wait3A_83 = tpu.memref_squeeze %dma_wait3A_82 : memref<1x80xi32, #tpu.memory_space<vmem>> -> memref<80xi32, #tpu.memory_space<vmem>>
      %dma_wait3A_84 = arith.constant 0 : i32
      %dma_wait3A_85 = arith.constant 0 : i32
      %dma_wait3A_86 = tpu.memref_slice %arg7[%dma_wait3A_84, %dma_wait3A_85] : memref<12512x128xf32, #tpu.memory_space<vmem_shared>> -> memref<12512x128xf32, #tpu.memory_space<vmem_shared>>
      tpu.wait_indirect_dma semaphore(%run_scoped3A : memref<!tpu.dma_semaphore, #tpu.memory_space<semaphore_mem>>) src(%dma_wait3A_80 : memref<80x128xf32, #tpu.memory_space<vmem>>) dst(%dma_wait3A_86 : memref<12512x128xf32, #tpu.memory_space<vmem_shared>>)
      tpu.yield
    }) : () -> ()
    %barrier3A_56 = arith.constant 0 : index
    tpu.barrier barrier_id(%barrier3A_56)
    %lt3A_57 = arith.constant 4 : i32
    %lt3A_58 = arith.cmpi slt, %arg1, %lt3A_57 : i32
    %convert_element_type3A_59 = arith.extui %lt3A_58 : i1 to i32
    %cond3A_60 = arith.constant 0 : i32
    %cond3A_61 = arith.cmpi ne, %convert_element_type3A_59, %cond3A_60 : i32
    scf.if %cond3A_61 {
      %mul3A_68 = arith.constant 782 : i32
      %mul3A_69 = arith.muli %arg1, %mul3A_68 : i32
      %add3A_70 = arith.addi %mul3A_36, %mul3A_69 : i32
      "tpu.region"() ({
        %run_scoped3A = tpu.sem_alloc : memref<!tpu.dma_semaphore, #tpu.memory_space<semaphore_mem>>
        %dma_start3A = arith.constant 0 : i32
        %dma_start3A_71 = tpu.memref_slice %arg6[%add3A_70, %dma_start3A] : memref<50000x128xf32, #tpu.memory_space<hbm>> -> memref<782x128xf32, #tpu.memory_space<hbm>>
        %dma_start3A_72 = arith.constant 0 : i32
        %dma_start3A_73 = tpu.memref_slice %arg7[%mul3A_69, %dma_start3A_72] : memref<12512x128xf32, #tpu.memory_space<vmem_shared>> -> memref<782x128xf32, #tpu.memory_space<vmem_shared>>
        tpu.enqueue_dma source(%dma_start3A_73 : memref<782x128xf32, #tpu.memory_space<vmem_shared>>) target(%dma_start3A_71 : memref<782x128xf32, #tpu.memory_space<hbm>>) target_semaphore(%run_scoped3A : memref<!tpu.dma_semaphore, #tpu.memory_space<semaphore_mem>>)
        %dma_wait3A_74 = arith.constant 0 : i32
        %dma_wait3A_75 = tpu.memref_slice %arg6[%add3A_70, %dma_wait3A_74] : memref<50000x128xf32, #tpu.memory_space<hbm>> -> memref<782x128xf32, #tpu.memory_space<hbm>>
        %dma_wait3A_76 = arith.constant 0 : i32
        %dma_wait3A_77 = tpu.memref_slice %arg7[%mul3A_69, %dma_wait3A_76] : memref<12512x128xf32, #tpu.memory_space<vmem_shared>> -> memref<782x128xf32, #tpu.memory_space<vmem_shared>>
        tpu.wait_dma2 semaphore(%run_scoped3A : memref<!tpu.dma_semaphore, #tpu.memory_space<semaphore_mem>>) src(%dma_wait3A_77 : memref<782x128xf32, #tpu.memory_space<vmem_shared>>) dst(%dma_wait3A_75 : memref<782x128xf32, #tpu.memory_space<hbm>>)
        tpu.yield
      }) : () -> ()
    } else {
    }
    %ge3A_62 = arith.constant 4 : i32
    %ge3A_63 = arith.cmpi sge, %arg1, %ge3A_62 : i32
    %convert_element_type3A_64 = arith.extui %ge3A_63 : i1 to i32
    %cond3A_65 = arith.constant 0 : i32
    %cond3A_66 = arith.cmpi ne, %convert_element_type3A_64, %cond3A_65 : i32
    scf.if %cond3A_66 {
      %sub3A = arith.constant 4 : i32
      %sub3A_68 = arith.subi %arg1, %sub3A : i32
      %mul3A_69 = arith.constant 781 : i32
      %mul3A_70 = arith.muli %sub3A_68, %mul3A_69 : i32
      %add3A_71 = arith.constant 3128 : i32
      %add3A_72 = arith.addi %add3A_71, %mul3A_70 : i32
      %add3A_73 = arith.addi %mul3A_36, %add3A_72 : i32
      "tpu.region"() ({
        %run_scoped3A = tpu.sem_alloc : memref<!tpu.dma_semaphore, #tpu.memory_space<semaphore_mem>>
        %dma_start3A = arith.constant 0 : i32
        %dma_start3A_74 = tpu.memref_slice %arg6[%add3A_73, %dma_start3A] : memref<50000x128xf32, #tpu.memory_space<hbm>> -> memref<781x128xf32, #tpu.memory_space<hbm>>
        %dma_start3A_75 = arith.constant 0 : i32
        %dma_start3A_76 = tpu.memref_slice %arg7[%add3A_72, %dma_start3A_75] : memref<12512x128xf32, #tpu.memory_space<vmem_shared>> -> memref<781x128xf32, #tpu.memory_space<vmem_shared>>
        tpu.enqueue_dma source(%dma_start3A_76 : memref<781x128xf32, #tpu.memory_space<vmem_shared>>) target(%dma_start3A_74 : memref<781x128xf32, #tpu.memory_space<hbm>>) target_semaphore(%run_scoped3A : memref<!tpu.dma_semaphore, #tpu.memory_space<semaphore_mem>>)
        %dma_wait3A_77 = arith.constant 0 : i32
        %dma_wait3A_78 = tpu.memref_slice %arg6[%add3A_73, %dma_wait3A_77] : memref<50000x128xf32, #tpu.memory_space<hbm>> -> memref<781x128xf32, #tpu.memory_space<hbm>>
        %dma_wait3A_79 = arith.constant 0 : i32
        %dma_wait3A_80 = tpu.memref_slice %arg7[%add3A_72, %dma_wait3A_79] : memref<12512x128xf32, #tpu.memory_space<vmem_shared>> -> memref<781x128xf32, #tpu.memory_space<vmem_shared>>
        tpu.wait_dma2 semaphore(%run_scoped3A : memref<!tpu.dma_semaphore, #tpu.memory_space<semaphore_mem>>) src(%dma_wait3A_80 : memref<781x128xf32, #tpu.memory_space<vmem_shared>>) dst(%dma_wait3A_78 : memref<781x128xf32, #tpu.memory_space<hbm>>)
        tpu.yield
      }) : () -> ()
    } else {
    }
    %barrier3A_67 = arith.constant 0 : index
    tpu.barrier barrier_id(%barrier3A_67)
    return
  }
}

#map = affine_map<(d0, d1) -> (0)>
module attributes {stable_mosaic.version = 14 : i64} {
  func.func @deg(%arg0: i32, %arg1: i32, %arg2: memref<800000xi32, #tpu.memory_space<hbm>>, %arg3: memref<800000xi32, #tpu.memory_space<hbm>>, %arg4: memref<128xf32, #tpu.memory_space<hbm>>, %arg5: memref<50176xf32, #tpu.memory_space<hbm>>, %arg6: memref<50176xf32, #tpu.memory_space<hbm>>, %arg7: memref<50176xf32, #tpu.memory_space<hbm>>, %arg8: memref<50176xf32, #tpu.memory_space<vmem_shared>>, %arg9: memref<1x128xi32, #tpu.memory_space<vmem>>, %arg10: memref<128xf32, #tpu.memory_space<vmem>>) attributes {dimension_semantics = [#tpu.dimension_semantics<core_parallel>, #tpu.dimension_semantics<subcore_parallel>], iteration_bounds = array<i64: 2, 16>, scalar_prefetch = 0 : i64, scratch_operands = 3 : i64, tpu.core_type = #tpu.core_type<sc_vector_subcore>, window_params = [{transform_indices = #map}, {transform_indices = #map}, {transform_indices = #map}, {transform_indices = #map}, {transform_indices = #map}, {transform_indices = #map}]} {
    %lt3A = arith.constant 10 : i32
    %lt3A_0 = arith.cmpi slt, %arg1, %lt3A : i32
    %jit3A = arith.constant 391 : i32
    %jit3A_1 = arith.constant 390 : i32
    %select_n3A = arith.select %lt3A_0, %jit3A, %jit3A_1 : i32
    %mul3A = arith.constant 390 : i32
    %mul3A_2 = arith.muli %arg1, %mul3A : i32
    %min3A = arith.constant 10 : i32
    %min3A_3 = arith.minsi %arg1, %min3A : i32
    %add3A = arith.addi %mul3A_2, %min3A_3 : i32
    %mul3A_4 = arith.constant 3136 : i32
    %mul3A_5 = arith.muli %arg1, %mul3A_4 : i32
    %multiple_of3A = tpu.assume_multiple %mul3A_5, 3136 : i32
    "tpu.region"() ({
      %run_scoped3A = tpu.sem_alloc : memref<!tpu.dma_semaphore, #tpu.memory_space<semaphore_mem>>
      tpu.enqueue_dma source(%arg4 : memref<128xf32, #tpu.memory_space<hbm>>) target(%arg10 : memref<128xf32, #tpu.memory_space<vmem>>) target_semaphore(%run_scoped3A : memref<!tpu.dma_semaphore, #tpu.memory_space<semaphore_mem>>)
      tpu.wait_dma2 semaphore(%run_scoped3A : memref<!tpu.dma_semaphore, #tpu.memory_space<semaphore_mem>>) src(%arg4 : memref<128xf32, #tpu.memory_space<hbm>>) dst(%arg10 : memref<128xf32, #tpu.memory_space<vmem>>)
      tpu.yield
    }) : () -> ()
    %eq3A = arith.constant 0 : i32
    %eq3A_6 = arith.cmpi eq, %arg0, %eq3A : i32
    %convert_element_type3A = arith.extui %eq3A_6 : i1 to i32
    %cond3A = arith.constant 0 : i32
    %cond3A_7 = arith.cmpi ne, %convert_element_type3A, %cond3A : i32
    scf.if %cond3A_7 {
      "tpu.region"() ({
        %run_scoped3A = tpu.sem_alloc : memref<!tpu.dma_semaphore, #tpu.memory_space<semaphore_mem>>
        %dma_start3A = tpu.memref_slice %arg8[%multiple_of3A] : memref<50176xf32, #tpu.memory_space<vmem_shared>> -> memref<3136xf32, #tpu.memory_space<vmem_shared>>
        %dma_start3A_23 = tpu.memref_slice %arg5[%multiple_of3A] : memref<50176xf32, #tpu.memory_space<hbm>> -> memref<3136xf32, #tpu.memory_space<hbm>>
        tpu.enqueue_dma source(%dma_start3A_23 : memref<3136xf32, #tpu.memory_space<hbm>>) target(%dma_start3A : memref<3136xf32, #tpu.memory_space<vmem_shared>>) target_semaphore(%run_scoped3A : memref<!tpu.dma_semaphore, #tpu.memory_space<semaphore_mem>>)
        %dma_wait3A = tpu.memref_slice %arg8[%multiple_of3A] : memref<50176xf32, #tpu.memory_space<vmem_shared>> -> memref<3136xf32, #tpu.memory_space<vmem_shared>>
        %dma_wait3A_24 = tpu.memref_slice %arg5[%multiple_of3A] : memref<50176xf32, #tpu.memory_space<hbm>> -> memref<3136xf32, #tpu.memory_space<hbm>>
        tpu.wait_dma2 semaphore(%run_scoped3A : memref<!tpu.dma_semaphore, #tpu.memory_space<semaphore_mem>>) src(%dma_wait3A_24 : memref<3136xf32, #tpu.memory_space<hbm>>) dst(%dma_wait3A : memref<3136xf32, #tpu.memory_space<vmem_shared>>)
        tpu.yield
      }) : () -> ()
      %barrier3A = arith.constant 0 : index
      tpu.barrier barrier_id(%barrier3A)
      %while3A = arith.constant 0 : i32
      %while3A_13 = arith.constant 0 : i32
      %while3A_14 = arith.subi %select_n3A, %while3A_13 : i32
      %while3A_15 = arith.addi %while3A_13, %while3A_14 : i32
      %while3A_16 = arith.constant 1 : i32
      %while3A_17 = arith.divsi %while3A_14, %while3A_16 : i32
      %while3A_18 = arith.muli %while3A_17, %while3A_16 : i32
      %while3A_19 = arith.addi %while3A_13, %while3A_18 : i32
      %while3A_20 = arith.constant 1 : i32
      scf.for %while3A_23 = %while3A_13 to %while3A_19 step %while3A_20  : i32 {
        %add3A_24 = arith.addi %add3A, %while3A_23 : i32
        %mul3A_25 = arith.constant 128 : i32
        %mul3A_26 = arith.muli %add3A_24, %mul3A_25 : i32
        %multiple_of3A_27 = tpu.assume_multiple %mul3A_26, 128 : i32
        %run_scoped3A = arith.constant 0 : i32
        "tpu.region"() ({
          %run_scoped3A_29 = tpu.sem_alloc : memref<!tpu.dma_semaphore, #tpu.memory_space<semaphore_mem>>
          %dma_start3A = arith.constant 0 : i32
          %dma_start3A_30 = tpu.memref_slice %arg9[%run_scoped3A, %dma_start3A] : memref<1x128xi32, #tpu.memory_space<vmem>> -> memref<1x128xi32, #tpu.memory_space<vmem>>
          %dma_start3A_31 = tpu.memref_squeeze %dma_start3A_30 : memref<1x128xi32, #tpu.memory_space<vmem>> -> memref<128xi32, #tpu.memory_space<vmem>>
          %dma_start3A_32 = tpu.memref_slice %arg2[%multiple_of3A_27] : memref<800000xi32, #tpu.memory_space<hbm>> -> memref<128xi32, #tpu.memory_space<hbm>>
          %dma_start3A_33 = arith.constant 0 : i32
          %dma_start3A_34 = tpu.memref_slice %arg9[%run_scoped3A, %dma_start3A_33] : memref<1x128xi32, #tpu.memory_space<vmem>> -> memref<1x128xi32, #tpu.memory_space<vmem>>
          %dma_start3A_35 = tpu.memref_squeeze %dma_start3A_34 : memref<1x128xi32, #tpu.memory_space<vmem>> -> memref<128xi32, #tpu.memory_space<vmem>>
          %dma_start3A_36 = tpu.memref_slice %arg2[%multiple_of3A_27] : memref<800000xi32, #tpu.memory_space<hbm>> -> memref<128xi32, #tpu.memory_space<hbm>>
          tpu.enqueue_dma source(%dma_start3A_36 : memref<128xi32, #tpu.memory_space<hbm>>) target(%dma_start3A_35 : memref<128xi32, #tpu.memory_space<vmem>>) target_semaphore(%run_scoped3A_29 : memref<!tpu.dma_semaphore, #tpu.memory_space<semaphore_mem>>)
          %dma_wait3A = arith.constant 0 : i32
          %dma_wait3A_37 = tpu.memref_slice %arg9[%run_scoped3A, %dma_wait3A] : memref<1x128xi32, #tpu.memory_space<vmem>> -> memref<1x128xi32, #tpu.memory_space<vmem>>
          %dma_wait3A_38 = tpu.memref_squeeze %dma_wait3A_37 : memref<1x128xi32, #tpu.memory_space<vmem>> -> memref<128xi32, #tpu.memory_space<vmem>>
          %dma_wait3A_39 = tpu.memref_slice %arg2[%multiple_of3A_27] : memref<800000xi32, #tpu.memory_space<hbm>> -> memref<128xi32, #tpu.memory_space<hbm>>
          %dma_wait3A_40 = arith.constant 0 : i32
          %dma_wait3A_41 = tpu.memref_slice %arg9[%run_scoped3A, %dma_wait3A_40] : memref<1x128xi32, #tpu.memory_space<vmem>> -> memref<1x128xi32, #tpu.memory_space<vmem>>
          %dma_wait3A_42 = tpu.memref_squeeze %dma_wait3A_41 : memref<1x128xi32, #tpu.memory_space<vmem>> -> memref<128xi32, #tpu.memory_space<vmem>>
          %dma_wait3A_43 = tpu.memref_slice %arg2[%multiple_of3A_27] : memref<800000xi32, #tpu.memory_space<hbm>> -> memref<128xi32, #tpu.memory_space<hbm>>
          tpu.wait_dma2 semaphore(%run_scoped3A_29 : memref<!tpu.dma_semaphore, #tpu.memory_space<semaphore_mem>>) src(%dma_wait3A_43 : memref<128xi32, #tpu.memory_space<hbm>>) dst(%dma_wait3A_42 : memref<128xi32, #tpu.memory_space<vmem>>)
          tpu.yield
        }) : () -> ()
        %run_scoped3A_28 = arith.constant 0 : i32
        "tpu.region"() ({
          %run_scoped3A_29 = tpu.sem_alloc : memref<!tpu.dma_semaphore, #tpu.memory_space<semaphore_mem>>
          %dma_start3A = arith.constant 0 : i32
          %dma_start3A_30 = tpu.memref_slice %arg9[%run_scoped3A_28, %dma_start3A] : memref<1x128xi32, #tpu.memory_space<vmem>> -> memref<1x128xi32, #tpu.memory_space<vmem>>
          %dma_start3A_31 = tpu.memref_squeeze %dma_start3A_30 : memref<1x128xi32, #tpu.memory_space<vmem>> -> memref<128xi32, #tpu.memory_space<vmem>>
          %dma_start3A_32 = arith.constant 0 : i32
          %dma_start3A_33 = tpu.memref_slice %arg8[%dma_start3A_32] : memref<50176xf32, #tpu.memory_space<vmem_shared>> -> memref<50176xf32, #tpu.memory_space<vmem_shared>>
          tpu.enqueue_indirect_dma source(%arg10 : memref<128xf32, #tpu.memory_space<vmem>>) target(%dma_start3A_33 : memref<50176xf32, #tpu.memory_space<vmem_shared>>) offsets(%dma_start3A_31 : memref<128xi32, #tpu.memory_space<vmem>>) semaphore(%run_scoped3A_29 : memref<!tpu.dma_semaphore, #tpu.memory_space<semaphore_mem>>) {add = true}
          %dma_wait3A = arith.constant 0 : i32
          %dma_wait3A_34 = tpu.memref_slice %arg9[%run_scoped3A_28, %dma_wait3A] : memref<1x128xi32, #tpu.memory_space<vmem>> -> memref<1x128xi32, #tpu.memory_space<vmem>>
          %dma_wait3A_35 = tpu.memref_squeeze %dma_wait3A_34 : memref<1x128xi32, #tpu.memory_space<vmem>> -> memref<128xi32, #tpu.memory_space<vmem>>
          %dma_wait3A_36 = arith.constant 0 : i32
          %dma_wait3A_37 = tpu.memref_slice %arg8[%dma_wait3A_36] : memref<50176xf32, #tpu.memory_space<vmem_shared>> -> memref<50176xf32, #tpu.memory_space<vmem_shared>>
          tpu.wait_indirect_dma semaphore(%run_scoped3A_29 : memref<!tpu.dma_semaphore, #tpu.memory_space<semaphore_mem>>) src(%arg10 : memref<128xf32, #tpu.memory_space<vmem>>) dst(%dma_wait3A_37 : memref<50176xf32, #tpu.memory_space<vmem_shared>>)
          tpu.yield
        }) : () -> ()
      }
      %while3A_21 = arith.constant 1 : i32
      scf.for %while3A_23 = %while3A_19 to %while3A_15 step %while3A_21  : i32 {
        %add3A_24 = arith.addi %add3A, %while3A_23 : i32
        %mul3A_25 = arith.constant 128 : i32
        %mul3A_26 = arith.muli %add3A_24, %mul3A_25 : i32
        %multiple_of3A_27 = tpu.assume_multiple %mul3A_26, 128 : i32
        %run_scoped3A = arith.constant 0 : i32
        "tpu.region"() ({
          %run_scoped3A_29 = tpu.sem_alloc : memref<!tpu.dma_semaphore, #tpu.memory_space<semaphore_mem>>
          %dma_start3A = arith.constant 0 : i32
          %dma_start3A_30 = tpu.memref_slice %arg9[%run_scoped3A, %dma_start3A] : memref<1x128xi32, #tpu.memory_space<vmem>> -> memref<1x128xi32, #tpu.memory_space<vmem>>
          %dma_start3A_31 = tpu.memref_squeeze %dma_start3A_30 : memref<1x128xi32, #tpu.memory_space<vmem>> -> memref<128xi32, #tpu.memory_space<vmem>>
          %dma_start3A_32 = tpu.memref_slice %arg2[%multiple_of3A_27] : memref<800000xi32, #tpu.memory_space<hbm>> -> memref<128xi32, #tpu.memory_space<hbm>>
          %dma_start3A_33 = arith.constant 0 : i32
          %dma_start3A_34 = tpu.memref_slice %arg9[%run_scoped3A, %dma_start3A_33] : memref<1x128xi32, #tpu.memory_space<vmem>> -> memref<1x128xi32, #tpu.memory_space<vmem>>
          %dma_start3A_35 = tpu.memref_squeeze %dma_start3A_34 : memref<1x128xi32, #tpu.memory_space<vmem>> -> memref<128xi32, #tpu.memory_space<vmem>>
          %dma_start3A_36 = tpu.memref_slice %arg2[%multiple_of3A_27] : memref<800000xi32, #tpu.memory_space<hbm>> -> memref<128xi32, #tpu.memory_space<hbm>>
          tpu.enqueue_dma source(%dma_start3A_36 : memref<128xi32, #tpu.memory_space<hbm>>) target(%dma_start3A_35 : memref<128xi32, #tpu.memory_space<vmem>>) target_semaphore(%run_scoped3A_29 : memref<!tpu.dma_semaphore, #tpu.memory_space<semaphore_mem>>)
          %dma_wait3A = arith.constant 0 : i32
          %dma_wait3A_37 = tpu.memref_slice %arg9[%run_scoped3A, %dma_wait3A] : memref<1x128xi32, #tpu.memory_space<vmem>> -> memref<1x128xi32, #tpu.memory_space<vmem>>
          %dma_wait3A_38 = tpu.memref_squeeze %dma_wait3A_37 : memref<1x128xi32, #tpu.memory_space<vmem>> -> memref<128xi32, #tpu.memory_space<vmem>>
          %dma_wait3A_39 = tpu.memref_slice %arg2[%multiple_of3A_27] : memref<800000xi32, #tpu.memory_space<hbm>> -> memref<128xi32, #tpu.memory_space<hbm>>
          %dma_wait3A_40 = arith.constant 0 : i32
          %dma_wait3A_41 = tpu.memref_slice %arg9[%run_scoped3A, %dma_wait3A_40] : memref<1x128xi32, #tpu.memory_space<vmem>> -> memref<1x128xi32, #tpu.memory_space<vmem>>
          %dma_wait3A_42 = tpu.memref_squeeze %dma_wait3A_41 : memref<1x128xi32, #tpu.memory_space<vmem>> -> memref<128xi32, #tpu.memory_space<vmem>>
          %dma_wait3A_43 = tpu.memref_slice %arg2[%multiple_of3A_27] : memref<800000xi32, #tpu.memory_space<hbm>> -> memref<128xi32, #tpu.memory_space<hbm>>
          tpu.wait_dma2 semaphore(%run_scoped3A_29 : memref<!tpu.dma_semaphore, #tpu.memory_space<semaphore_mem>>) src(%dma_wait3A_43 : memref<128xi32, #tpu.memory_space<hbm>>) dst(%dma_wait3A_42 : memref<128xi32, #tpu.memory_space<vmem>>)
          tpu.yield
        }) : () -> ()
        %run_scoped3A_28 = arith.constant 0 : i32
        "tpu.region"() ({
          %run_scoped3A_29 = tpu.sem_alloc : memref<!tpu.dma_semaphore, #tpu.memory_space<semaphore_mem>>
          %dma_start3A = arith.constant 0 : i32
          %dma_start3A_30 = tpu.memref_slice %arg9[%run_scoped3A_28, %dma_start3A] : memref<1x128xi32, #tpu.memory_space<vmem>> -> memref<1x128xi32, #tpu.memory_space<vmem>>
          %dma_start3A_31 = tpu.memref_squeeze %dma_start3A_30 : memref<1x128xi32, #tpu.memory_space<vmem>> -> memref<128xi32, #tpu.memory_space<vmem>>
          %dma_start3A_32 = arith.constant 0 : i32
          %dma_start3A_33 = tpu.memref_slice %arg8[%dma_start3A_32] : memref<50176xf32, #tpu.memory_space<vmem_shared>> -> memref<50176xf32, #tpu.memory_space<vmem_shared>>
          tpu.enqueue_indirect_dma source(%arg10 : memref<128xf32, #tpu.memory_space<vmem>>) target(%dma_start3A_33 : memref<50176xf32, #tpu.memory_space<vmem_shared>>) offsets(%dma_start3A_31 : memref<128xi32, #tpu.memory_space<vmem>>) semaphore(%run_scoped3A_29 : memref<!tpu.dma_semaphore, #tpu.memory_space<semaphore_mem>>) {add = true}
          %dma_wait3A = arith.constant 0 : i32
          %dma_wait3A_34 = tpu.memref_slice %arg9[%run_scoped3A_28, %dma_wait3A] : memref<1x128xi32, #tpu.memory_space<vmem>> -> memref<1x128xi32, #tpu.memory_space<vmem>>
          %dma_wait3A_35 = tpu.memref_squeeze %dma_wait3A_34 : memref<1x128xi32, #tpu.memory_space<vmem>> -> memref<128xi32, #tpu.memory_space<vmem>>
          %dma_wait3A_36 = arith.constant 0 : i32
          %dma_wait3A_37 = tpu.memref_slice %arg8[%dma_wait3A_36] : memref<50176xf32, #tpu.memory_space<vmem_shared>> -> memref<50176xf32, #tpu.memory_space<vmem_shared>>
          tpu.wait_indirect_dma semaphore(%run_scoped3A_29 : memref<!tpu.dma_semaphore, #tpu.memory_space<semaphore_mem>>) src(%arg10 : memref<128xf32, #tpu.memory_space<vmem>>) dst(%dma_wait3A_37 : memref<50176xf32, #tpu.memory_space<vmem_shared>>)
          tpu.yield
        }) : () -> ()
      }
      %barrier3A_22 = arith.constant 0 : index
      tpu.barrier barrier_id(%barrier3A_22)
      "tpu.region"() ({
        %run_scoped3A = tpu.sem_alloc : memref<!tpu.dma_semaphore, #tpu.memory_space<semaphore_mem>>
        %dma_start3A = tpu.memref_slice %arg6[%multiple_of3A] : memref<50176xf32, #tpu.memory_space<hbm>> -> memref<3136xf32, #tpu.memory_space<hbm>>
        %dma_start3A_23 = tpu.memref_slice %arg8[%multiple_of3A] : memref<50176xf32, #tpu.memory_space<vmem_shared>> -> memref<3136xf32, #tpu.memory_space<vmem_shared>>
        tpu.enqueue_dma source(%dma_start3A_23 : memref<3136xf32, #tpu.memory_space<vmem_shared>>) target(%dma_start3A : memref<3136xf32, #tpu.memory_space<hbm>>) target_semaphore(%run_scoped3A : memref<!tpu.dma_semaphore, #tpu.memory_space<semaphore_mem>>)
        %dma_wait3A = tpu.memref_slice %arg6[%multiple_of3A] : memref<50176xf32, #tpu.memory_space<hbm>> -> memref<3136xf32, #tpu.memory_space<hbm>>
        %dma_wait3A_24 = tpu.memref_slice %arg8[%multiple_of3A] : memref<50176xf32, #tpu.memory_space<vmem_shared>> -> memref<3136xf32, #tpu.memory_space<vmem_shared>>
        tpu.wait_dma2 semaphore(%run_scoped3A : memref<!tpu.dma_semaphore, #tpu.memory_space<semaphore_mem>>) src(%dma_wait3A_24 : memref<3136xf32, #tpu.memory_space<vmem_shared>>) dst(%dma_wait3A : memref<3136xf32, #tpu.memory_space<hbm>>)
        tpu.yield
      }) : () -> ()
    } else {
    }
    %eq3A_8 = arith.constant 1 : i32
    %eq3A_9 = arith.cmpi eq, %arg0, %eq3A_8 : i32
    %convert_element_type3A_10 = arith.extui %eq3A_9 : i1 to i32
    %cond3A_11 = arith.constant 0 : i32
    %cond3A_12 = arith.cmpi ne, %convert_element_type3A_10, %cond3A_11 : i32
    scf.if %cond3A_12 {
      "tpu.region"() ({
        %run_scoped3A = tpu.sem_alloc : memref<!tpu.dma_semaphore, #tpu.memory_space<semaphore_mem>>
        %dma_start3A = tpu.memref_slice %arg8[%multiple_of3A] : memref<50176xf32, #tpu.memory_space<vmem_shared>> -> memref<3136xf32, #tpu.memory_space<vmem_shared>>
        %dma_start3A_23 = tpu.memref_slice %arg5[%multiple_of3A] : memref<50176xf32, #tpu.memory_space<hbm>> -> memref<3136xf32, #tpu.memory_space<hbm>>
        tpu.enqueue_dma source(%dma_start3A_23 : memref<3136xf32, #tpu.memory_space<hbm>>) target(%dma_start3A : memref<3136xf32, #tpu.memory_space<vmem_shared>>) target_semaphore(%run_scoped3A : memref<!tpu.dma_semaphore, #tpu.memory_space<semaphore_mem>>)
        %dma_wait3A = tpu.memref_slice %arg8[%multiple_of3A] : memref<50176xf32, #tpu.memory_space<vmem_shared>> -> memref<3136xf32, #tpu.memory_space<vmem_shared>>
        %dma_wait3A_24 = tpu.memref_slice %arg5[%multiple_of3A] : memref<50176xf32, #tpu.memory_space<hbm>> -> memref<3136xf32, #tpu.memory_space<hbm>>
        tpu.wait_dma2 semaphore(%run_scoped3A : memref<!tpu.dma_semaphore, #tpu.memory_space<semaphore_mem>>) src(%dma_wait3A_24 : memref<3136xf32, #tpu.memory_space<hbm>>) dst(%dma_wait3A : memref<3136xf32, #tpu.memory_space<vmem_shared>>)
        tpu.yield
      }) : () -> ()
      %barrier3A = arith.constant 0 : index
      tpu.barrier barrier_id(%barrier3A)
      %while3A = arith.constant 0 : i32
      %while3A_13 = arith.constant 0 : i32
      %while3A_14 = arith.subi %select_n3A, %while3A_13 : i32
      %while3A_15 = arith.addi %while3A_13, %while3A_14 : i32
      %while3A_16 = arith.constant 1 : i32
      %while3A_17 = arith.divsi %while3A_14, %while3A_16 : i32
      %while3A_18 = arith.muli %while3A_17, %while3A_16 : i32
      %while3A_19 = arith.addi %while3A_13, %while3A_18 : i32
      %while3A_20 = arith.constant 1 : i32
      scf.for %while3A_23 = %while3A_13 to %while3A_19 step %while3A_20  : i32 {
        %add3A_24 = arith.addi %add3A, %while3A_23 : i32
        %mul3A_25 = arith.constant 128 : i32
        %mul3A_26 = arith.muli %add3A_24, %mul3A_25 : i32
        %multiple_of3A_27 = tpu.assume_multiple %mul3A_26, 128 : i32
        %run_scoped3A = arith.constant 0 : i32
        "tpu.region"() ({
          %run_scoped3A_29 = tpu.sem_alloc : memref<!tpu.dma_semaphore, #tpu.memory_space<semaphore_mem>>
          %dma_start3A = arith.constant 0 : i32
          %dma_start3A_30 = tpu.memref_slice %arg9[%run_scoped3A, %dma_start3A] : memref<1x128xi32, #tpu.memory_space<vmem>> -> memref<1x128xi32, #tpu.memory_space<vmem>>
          %dma_start3A_31 = tpu.memref_squeeze %dma_start3A_30 : memref<1x128xi32, #tpu.memory_space<vmem>> -> memref<128xi32, #tpu.memory_space<vmem>>
          %dma_start3A_32 = tpu.memref_slice %arg3[%multiple_of3A_27] : memref<800000xi32, #tpu.memory_space<hbm>> -> memref<128xi32, #tpu.memory_space<hbm>>
          %dma_start3A_33 = arith.constant 0 : i32
          %dma_start3A_34 = tpu.memref_slice %arg9[%run_scoped3A, %dma_start3A_33] : memref<1x128xi32, #tpu.memory_space<vmem>> -> memref<1x128xi32, #tpu.memory_space<vmem>>
          %dma_start3A_35 = tpu.memref_squeeze %dma_start3A_34 : memref<1x128xi32, #tpu.memory_space<vmem>> -> memref<128xi32, #tpu.memory_space<vmem>>
          %dma_start3A_36 = tpu.memref_slice %arg3[%multiple_of3A_27] : memref<800000xi32, #tpu.memory_space<hbm>> -> memref<128xi32, #tpu.memory_space<hbm>>
          tpu.enqueue_dma source(%dma_start3A_36 : memref<128xi32, #tpu.memory_space<hbm>>) target(%dma_start3A_35 : memref<128xi32, #tpu.memory_space<vmem>>) target_semaphore(%run_scoped3A_29 : memref<!tpu.dma_semaphore, #tpu.memory_space<semaphore_mem>>)
          %dma_wait3A = arith.constant 0 : i32
          %dma_wait3A_37 = tpu.memref_slice %arg9[%run_scoped3A, %dma_wait3A] : memref<1x128xi32, #tpu.memory_space<vmem>> -> memref<1x128xi32, #tpu.memory_space<vmem>>
          %dma_wait3A_38 = tpu.memref_squeeze %dma_wait3A_37 : memref<1x128xi32, #tpu.memory_space<vmem>> -> memref<128xi32, #tpu.memory_space<vmem>>
          %dma_wait3A_39 = tpu.memref_slice %arg3[%multiple_of3A_27] : memref<800000xi32, #tpu.memory_space<hbm>> -> memref<128xi32, #tpu.memory_space<hbm>>
          %dma_wait3A_40 = arith.constant 0 : i32
          %dma_wait3A_41 = tpu.memref_slice %arg9[%run_scoped3A, %dma_wait3A_40] : memref<1x128xi32, #tpu.memory_space<vmem>> -> memref<1x128xi32, #tpu.memory_space<vmem>>
          %dma_wait3A_42 = tpu.memref_squeeze %dma_wait3A_41 : memref<1x128xi32, #tpu.memory_space<vmem>> -> memref<128xi32, #tpu.memory_space<vmem>>
          %dma_wait3A_43 = tpu.memref_slice %arg3[%multiple_of3A_27] : memref<800000xi32, #tpu.memory_space<hbm>> -> memref<128xi32, #tpu.memory_space<hbm>>
          tpu.wait_dma2 semaphore(%run_scoped3A_29 : memref<!tpu.dma_semaphore, #tpu.memory_space<semaphore_mem>>) src(%dma_wait3A_43 : memref<128xi32, #tpu.memory_space<hbm>>) dst(%dma_wait3A_42 : memref<128xi32, #tpu.memory_space<vmem>>)
          tpu.yield
        }) : () -> ()
        %run_scoped3A_28 = arith.constant 0 : i32
        "tpu.region"() ({
          %run_scoped3A_29 = tpu.sem_alloc : memref<!tpu.dma_semaphore, #tpu.memory_space<semaphore_mem>>
          %dma_start3A = arith.constant 0 : i32
          %dma_start3A_30 = tpu.memref_slice %arg9[%run_scoped3A_28, %dma_start3A] : memref<1x128xi32, #tpu.memory_space<vmem>> -> memref<1x128xi32, #tpu.memory_space<vmem>>
          %dma_start3A_31 = tpu.memref_squeeze %dma_start3A_30 : memref<1x128xi32, #tpu.memory_space<vmem>> -> memref<128xi32, #tpu.memory_space<vmem>>
          %dma_start3A_32 = arith.constant 0 : i32
          %dma_start3A_33 = tpu.memref_slice %arg8[%dma_start3A_32] : memref<50176xf32, #tpu.memory_space<vmem_shared>> -> memref<50176xf32, #tpu.memory_space<vmem_shared>>
          tpu.enqueue_indirect_dma source(%arg10 : memref<128xf32, #tpu.memory_space<vmem>>) target(%dma_start3A_33 : memref<50176xf32, #tpu.memory_space<vmem_shared>>) offsets(%dma_start3A_31 : memref<128xi32, #tpu.memory_space<vmem>>) semaphore(%run_scoped3A_29 : memref<!tpu.dma_semaphore, #tpu.memory_space<semaphore_mem>>) {add = true}
          %dma_wait3A = arith.constant 0 : i32
          %dma_wait3A_34 = tpu.memref_slice %arg9[%run_scoped3A_28, %dma_wait3A] : memref<1x128xi32, #tpu.memory_space<vmem>> -> memref<1x128xi32, #tpu.memory_space<vmem>>
          %dma_wait3A_35 = tpu.memref_squeeze %dma_wait3A_34 : memref<1x128xi32, #tpu.memory_space<vmem>> -> memref<128xi32, #tpu.memory_space<vmem>>
          %dma_wait3A_36 = arith.constant 0 : i32
          %dma_wait3A_37 = tpu.memref_slice %arg8[%dma_wait3A_36] : memref<50176xf32, #tpu.memory_space<vmem_shared>> -> memref<50176xf32, #tpu.memory_space<vmem_shared>>
          tpu.wait_indirect_dma semaphore(%run_scoped3A_29 : memref<!tpu.dma_semaphore, #tpu.memory_space<semaphore_mem>>) src(%arg10 : memref<128xf32, #tpu.memory_space<vmem>>) dst(%dma_wait3A_37 : memref<50176xf32, #tpu.memory_space<vmem_shared>>)
          tpu.yield
        }) : () -> ()
      }
      %while3A_21 = arith.constant 1 : i32
      scf.for %while3A_23 = %while3A_19 to %while3A_15 step %while3A_21  : i32 {
        %add3A_24 = arith.addi %add3A, %while3A_23 : i32
        %mul3A_25 = arith.constant 128 : i32
        %mul3A_26 = arith.muli %add3A_24, %mul3A_25 : i32
        %multiple_of3A_27 = tpu.assume_multiple %mul3A_26, 128 : i32
        %run_scoped3A = arith.constant 0 : i32
        "tpu.region"() ({
          %run_scoped3A_29 = tpu.sem_alloc : memref<!tpu.dma_semaphore, #tpu.memory_space<semaphore_mem>>
          %dma_start3A = arith.constant 0 : i32
          %dma_start3A_30 = tpu.memref_slice %arg9[%run_scoped3A, %dma_start3A] : memref<1x128xi32, #tpu.memory_space<vmem>> -> memref<1x128xi32, #tpu.memory_space<vmem>>
          %dma_start3A_31 = tpu.memref_squeeze %dma_start3A_30 : memref<1x128xi32, #tpu.memory_space<vmem>> -> memref<128xi32, #tpu.memory_space<vmem>>
          %dma_start3A_32 = tpu.memref_slice %arg3[%multiple_of3A_27] : memref<800000xi32, #tpu.memory_space<hbm>> -> memref<128xi32, #tpu.memory_space<hbm>>
          %dma_start3A_33 = arith.constant 0 : i32
          %dma_start3A_34 = tpu.memref_slice %arg9[%run_scoped3A, %dma_start3A_33] : memref<1x128xi32, #tpu.memory_space<vmem>> -> memref<1x128xi32, #tpu.memory_space<vmem>>
          %dma_start3A_35 = tpu.memref_squeeze %dma_start3A_34 : memref<1x128xi32, #tpu.memory_space<vmem>> -> memref<128xi32, #tpu.memory_space<vmem>>
          %dma_start3A_36 = tpu.memref_slice %arg3[%multiple_of3A_27] : memref<800000xi32, #tpu.memory_space<hbm>> -> memref<128xi32, #tpu.memory_space<hbm>>
          tpu.enqueue_dma source(%dma_start3A_36 : memref<128xi32, #tpu.memory_space<hbm>>) target(%dma_start3A_35 : memref<128xi32, #tpu.memory_space<vmem>>) target_semaphore(%run_scoped3A_29 : memref<!tpu.dma_semaphore, #tpu.memory_space<semaphore_mem>>)
          %dma_wait3A = arith.constant 0 : i32
          %dma_wait3A_37 = tpu.memref_slice %arg9[%run_scoped3A, %dma_wait3A] : memref<1x128xi32, #tpu.memory_space<vmem>> -> memref<1x128xi32, #tpu.memory_space<vmem>>
          %dma_wait3A_38 = tpu.memref_squeeze %dma_wait3A_37 : memref<1x128xi32, #tpu.memory_space<vmem>> -> memref<128xi32, #tpu.memory_space<vmem>>
          %dma_wait3A_39 = tpu.memref_slice %arg3[%multiple_of3A_27] : memref<800000xi32, #tpu.memory_space<hbm>> -> memref<128xi32, #tpu.memory_space<hbm>>
          %dma_wait3A_40 = arith.constant 0 : i32
          %dma_wait3A_41 = tpu.memref_slice %arg9[%run_scoped3A, %dma_wait3A_40] : memref<1x128xi32, #tpu.memory_space<vmem>> -> memref<1x128xi32, #tpu.memory_space<vmem>>
          %dma_wait3A_42 = tpu.memref_squeeze %dma_wait3A_41 : memref<1x128xi32, #tpu.memory_space<vmem>> -> memref<128xi32, #tpu.memory_space<vmem>>
          %dma_wait3A_43 = tpu.memref_slice %arg3[%multiple_of3A_27] : memref<800000xi32, #tpu.memory_space<hbm>> -> memref<128xi32, #tpu.memory_space<hbm>>
          tpu.wait_dma2 semaphore(%run_scoped3A_29 : memref<!tpu.dma_semaphore, #tpu.memory_space<semaphore_mem>>) src(%dma_wait3A_43 : memref<128xi32, #tpu.memory_space<hbm>>) dst(%dma_wait3A_42 : memref<128xi32, #tpu.memory_space<vmem>>)
          tpu.yield
        }) : () -> ()
        %run_scoped3A_28 = arith.constant 0 : i32
        "tpu.region"() ({
          %run_scoped3A_29 = tpu.sem_alloc : memref<!tpu.dma_semaphore, #tpu.memory_space<semaphore_mem>>
          %dma_start3A = arith.constant 0 : i32
          %dma_start3A_30 = tpu.memref_slice %arg9[%run_scoped3A_28, %dma_start3A] : memref<1x128xi32, #tpu.memory_space<vmem>> -> memref<1x128xi32, #tpu.memory_space<vmem>>
          %dma_start3A_31 = tpu.memref_squeeze %dma_start3A_30 : memref<1x128xi32, #tpu.memory_space<vmem>> -> memref<128xi32, #tpu.memory_space<vmem>>
          %dma_start3A_32 = arith.constant 0 : i32
          %dma_start3A_33 = tpu.memref_slice %arg8[%dma_start3A_32] : memref<50176xf32, #tpu.memory_space<vmem_shared>> -> memref<50176xf32, #tpu.memory_space<vmem_shared>>
          tpu.enqueue_indirect_dma source(%arg10 : memref<128xf32, #tpu.memory_space<vmem>>) target(%dma_start3A_33 : memref<50176xf32, #tpu.memory_space<vmem_shared>>) offsets(%dma_start3A_31 : memref<128xi32, #tpu.memory_space<vmem>>) semaphore(%run_scoped3A_29 : memref<!tpu.dma_semaphore, #tpu.memory_space<semaphore_mem>>) {add = true}
          %dma_wait3A = arith.constant 0 : i32
          %dma_wait3A_34 = tpu.memref_slice %arg9[%run_scoped3A_28, %dma_wait3A] : memref<1x128xi32, #tpu.memory_space<vmem>> -> memref<1x128xi32, #tpu.memory_space<vmem>>
          %dma_wait3A_35 = tpu.memref_squeeze %dma_wait3A_34 : memref<1x128xi32, #tpu.memory_space<vmem>> -> memref<128xi32, #tpu.memory_space<vmem>>
          %dma_wait3A_36 = arith.constant 0 : i32
          %dma_wait3A_37 = tpu.memref_slice %arg8[%dma_wait3A_36] : memref<50176xf32, #tpu.memory_space<vmem_shared>> -> memref<50176xf32, #tpu.memory_space<vmem_shared>>
          tpu.wait_indirect_dma semaphore(%run_scoped3A_29 : memref<!tpu.dma_semaphore, #tpu.memory_space<semaphore_mem>>) src(%arg10 : memref<128xf32, #tpu.memory_space<vmem>>) dst(%dma_wait3A_37 : memref<50176xf32, #tpu.memory_space<vmem_shared>>)
          tpu.yield
        }) : () -> ()
      }
      %barrier3A_22 = arith.constant 0 : index
      tpu.barrier barrier_id(%barrier3A_22)
      "tpu.region"() ({
        %run_scoped3A = tpu.sem_alloc : memref<!tpu.dma_semaphore, #tpu.memory_space<semaphore_mem>>
        %dma_start3A = tpu.memref_slice %arg7[%multiple_of3A] : memref<50176xf32, #tpu.memory_space<hbm>> -> memref<3136xf32, #tpu.memory_space<hbm>>
        %dma_start3A_23 = tpu.memref_slice %arg8[%multiple_of3A] : memref<50176xf32, #tpu.memory_space<vmem_shared>> -> memref<3136xf32, #tpu.memory_space<vmem_shared>>
        tpu.enqueue_dma source(%dma_start3A_23 : memref<3136xf32, #tpu.memory_space<vmem_shared>>) target(%dma_start3A : memref<3136xf32, #tpu.memory_space<hbm>>) target_semaphore(%run_scoped3A : memref<!tpu.dma_semaphore, #tpu.memory_space<semaphore_mem>>)
        %dma_wait3A = tpu.memref_slice %arg7[%multiple_of3A] : memref<50176xf32, #tpu.memory_space<hbm>> -> memref<3136xf32, #tpu.memory_space<hbm>>
        %dma_wait3A_24 = tpu.memref_slice %arg8[%multiple_of3A] : memref<50176xf32, #tpu.memory_space<vmem_shared>> -> memref<3136xf32, #tpu.memory_space<vmem_shared>>
        tpu.wait_dma2 semaphore(%run_scoped3A : memref<!tpu.dma_semaphore, #tpu.memory_space<semaphore_mem>>) src(%dma_wait3A_24 : memref<3136xf32, #tpu.memory_space<vmem_shared>>) dst(%dma_wait3A : memref<3136xf32, #tpu.memory_space<hbm>>)
        tpu.yield
      }) : () -> ()
    } else {
    }
    return
  }
}

#map = affine_map<(d0, d1) -> (0, 0)>
#map1 = affine_map<(d0, d1) -> (0)>
module attributes {stable_mosaic.version = 14 : i64} {
  func.func @gather(%arg0: i32, %arg1: i32, %arg2: memref<50000x128xf32, #tpu.memory_space<hbm>>, %arg3: memref<512xi32, #tpu.memory_space<hbm>>, %arg4: memref<512x128xf32, #tpu.memory_space<hbm>>, %arg5: memref<128xi32, #tpu.memory_space<vmem>>, %arg6: memref<128x128xf32, #tpu.memory_space<vmem>>, %arg7: memref<!tpu.dma_semaphore, #tpu.memory_space<semaphore_mem>>) attributes {dimension_semantics = [#tpu.dimension_semantics<core_parallel>, #tpu.dimension_semantics<subcore_parallel>], iteration_bounds = array<i64: 2, 16>, scalar_prefetch = 0 : i64, scratch_operands = 3 : i64, tpu.core_type = #tpu.core_type<sc_vector_subcore>, window_params = [{transform_indices = #map}, {transform_indices = #map1}, {transform_indices = #map}]} {
    %mul3A = arith.constant 2 : i32
    %mul3A_0 = arith.muli %arg1, %mul3A : i32
    %add3A = arith.addi %mul3A_0, %arg0 : i32
    %lt3A = arith.constant 4 : i32
    %lt3A_1 = arith.cmpi slt, %add3A, %lt3A : i32
    %convert_element_type3A = arith.extui %lt3A_1 : i1 to i32
    %cond3A = arith.constant 0 : i32
    %cond3A_2 = arith.cmpi ne, %convert_element_type3A, %cond3A : i32
    scf.if %cond3A_2 {
      %mul3A_3 = arith.constant 128 : i32
      %mul3A_4 = arith.muli %add3A, %mul3A_3 : i32
      %multiple_of3A = tpu.assume_multiple %mul3A_4, 128 : i32
      "tpu.region"() ({
        %run_scoped3A = tpu.sem_alloc : memref<!tpu.dma_semaphore, #tpu.memory_space<semaphore_mem>>
        %dma_start3A_9 = tpu.memref_slice %arg3[%multiple_of3A] : memref<512xi32, #tpu.memory_space<hbm>> -> memref<128xi32, #tpu.memory_space<hbm>>
        %dma_start3A_10 = tpu.memref_slice %arg3[%multiple_of3A] : memref<512xi32, #tpu.memory_space<hbm>> -> memref<128xi32, #tpu.memory_space<hbm>>
        tpu.enqueue_dma source(%dma_start3A_10 : memref<128xi32, #tpu.memory_space<hbm>>) target(%arg5 : memref<128xi32, #tpu.memory_space<vmem>>) target_semaphore(%run_scoped3A : memref<!tpu.dma_semaphore, #tpu.memory_space<semaphore_mem>>)
        %dma_wait3A_11 = tpu.memref_slice %arg3[%multiple_of3A] : memref<512xi32, #tpu.memory_space<hbm>> -> memref<128xi32, #tpu.memory_space<hbm>>
        %dma_wait3A_12 = tpu.memref_slice %arg3[%multiple_of3A] : memref<512xi32, #tpu.memory_space<hbm>> -> memref<128xi32, #tpu.memory_space<hbm>>
        tpu.wait_dma2 semaphore(%run_scoped3A : memref<!tpu.dma_semaphore, #tpu.memory_space<semaphore_mem>>) src(%dma_wait3A_12 : memref<128xi32, #tpu.memory_space<hbm>>) dst(%arg5 : memref<128xi32, #tpu.memory_space<vmem>>)
        tpu.yield
      }) : () -> ()
      %dma_start3A = arith.constant 0 : i32
      %dma_start3A_5 = arith.constant 0 : i32
      %dma_start3A_6 = tpu.memref_slice %arg2[%dma_start3A, %dma_start3A_5] : memref<50000x128xf32, #tpu.memory_space<hbm>> -> memref<50000x128xf32, #tpu.memory_space<hbm>>
      tpu.enqueue_indirect_dma source(%dma_start3A_6 : memref<50000x128xf32, #tpu.memory_space<hbm>>) target(%arg6 : memref<128x128xf32, #tpu.memory_space<vmem>>) offsets(%arg5 : memref<128xi32, #tpu.memory_space<vmem>>) semaphore(%arg7 : memref<!tpu.dma_semaphore, #tpu.memory_space<semaphore_mem>>)
      %dma_wait3A = arith.constant 0 : i32
      %dma_wait3A_7 = arith.constant 0 : i32
      %dma_wait3A_8 = tpu.memref_slice %arg2[%dma_wait3A, %dma_wait3A_7] : memref<50000x128xf32, #tpu.memory_space<hbm>> -> memref<50000x128xf32, #tpu.memory_space<hbm>>
      tpu.wait_indirect_dma semaphore(%arg7 : memref<!tpu.dma_semaphore, #tpu.memory_space<semaphore_mem>>) src(%dma_wait3A_8 : memref<50000x128xf32, #tpu.memory_space<hbm>>) dst(%arg6 : memref<128x128xf32, #tpu.memory_space<vmem>>)
      "tpu.region"() ({
        %run_scoped3A = tpu.sem_alloc : memref<!tpu.dma_semaphore, #tpu.memory_space<semaphore_mem>>
        %dma_start3A_9 = arith.constant 0 : i32
        %dma_start3A_10 = tpu.memref_slice %arg4[%multiple_of3A, %dma_start3A_9] : memref<512x128xf32, #tpu.memory_space<hbm>> -> memref<128x128xf32, #tpu.memory_space<hbm>>
        %dma_start3A_11 = arith.constant 0 : i32
        %dma_start3A_12 = tpu.memref_slice %arg4[%multiple_of3A, %dma_start3A_11] : memref<512x128xf32, #tpu.memory_space<hbm>> -> memref<128x128xf32, #tpu.memory_space<hbm>>
        tpu.enqueue_dma source(%arg6 : memref<128x128xf32, #tpu.memory_space<vmem>>) target(%dma_start3A_12 : memref<128x128xf32, #tpu.memory_space<hbm>>) target_semaphore(%run_scoped3A : memref<!tpu.dma_semaphore, #tpu.memory_space<semaphore_mem>>)
        %dma_wait3A_13 = arith.constant 0 : i32
        %dma_wait3A_14 = tpu.memref_slice %arg4[%multiple_of3A, %dma_wait3A_13] : memref<512x128xf32, #tpu.memory_space<hbm>> -> memref<128x128xf32, #tpu.memory_space<hbm>>
        %dma_wait3A_15 = arith.constant 0 : i32
        %dma_wait3A_16 = tpu.memref_slice %arg4[%multiple_of3A, %dma_wait3A_15] : memref<512x128xf32, #tpu.memory_space<hbm>> -> memref<128x128xf32, #tpu.memory_space<hbm>>
        tpu.wait_dma2 semaphore(%run_scoped3A : memref<!tpu.dma_semaphore, #tpu.memory_space<semaphore_mem>>) src(%arg6 : memref<128x128xf32, #tpu.memory_space<vmem>>) dst(%dma_wait3A_16 : memref<128x128xf32, #tpu.memory_space<hbm>>)
        tpu.yield
      }) : () -> ()
    } else {
    }
    return
  }
}

#map = affine_map<(d0, d1) -> (0, 0)>
#map1 = affine_map<(d0, d1) -> (0)>
module attributes {stable_mosaic.version = 14 : i64} {
  func.func @sage(%arg0: i32, %arg1: i32, %arg2: memref<50000x128xf32, #tpu.memory_space<hbm>>, %arg3: memref<800000xi32, #tpu.memory_space<hbm>>, %arg4: memref<800000xi32, #tpu.memory_space<hbm>>, %arg5: memref<12512x128xf32, #tpu.memory_space<hbm>>, %arg6: memref<50000x128xf32, #tpu.memory_space<hbm>>, %arg7: memref<12512x128xf32, #tpu.memory_space<vmem_shared>>, %arg8: memref<2000xi32, #tpu.memory_space<vmem>>, %arg9: memref<2000xi32, #tpu.memory_space<vmem>>, %arg10: memref<2x80xi32, #tpu.memory_space<vmem>>, %arg11: memref<2x80x128xf32, #tpu.memory_space<vmem>>, %arg12: memref<!tpu.dma_semaphore, #tpu.memory_space<semaphore_mem>>) attributes {dimension_semantics = [#tpu.dimension_semantics<core_parallel>, #tpu.dimension_semantics<subcore_parallel>], iteration_bounds = array<i64: 2, 16>, scalar_prefetch = 0 : i64, scratch_operands = 6 : i64, tpu.core_type = #tpu.core_type<sc_vector_subcore>, window_params = [{transform_indices = #map}, {transform_indices = #map1}, {transform_indices = #map1}, {transform_indices = #map}, {transform_indices = #map}]} {
    %mul3A = arith.constant 50000 : i32
    %mul3A_0 = arith.muli %arg1, %mul3A : i32
    %mul3A_1 = arith.constant 782 : i32
    %mul3A_2 = arith.muli %arg1, %mul3A_1 : i32
    %multiple_of3A = tpu.assume_multiple %mul3A_2, 782 : i32
    %mul3A_3 = arith.constant 2 : i32
    %mul3A_4 = arith.muli %arg0, %mul3A_3 : i32
    %add3A = arith.constant 0 : i32
    %add3A_5 = arith.addi %mul3A_4, %add3A : i32
    %mul3A_6 = arith.constant 12500 : i32
    %mul3A_7 = arith.muli %add3A_5, %mul3A_6 : i32
    "tpu.region"() ({
      %run_scoped3A = tpu.sem_alloc : memref<!tpu.dma_semaphore, #tpu.memory_space<semaphore_mem>>
      %dma_start3A = arith.constant 0 : i32
      %dma_start3A_68 = tpu.memref_slice %arg7[%multiple_of3A, %dma_start3A] : memref<12512x128xf32, #tpu.memory_space<vmem_shared>> -> memref<782x128xf32, #tpu.memory_space<vmem_shared>>
      %dma_start3A_69 = arith.constant 0 : i32
      %dma_start3A_70 = tpu.memref_slice %arg5[%multiple_of3A, %dma_start3A_69] : memref<12512x128xf32, #tpu.memory_space<hbm>> -> memref<782x128xf32, #tpu.memory_space<hbm>>
      tpu.enqueue_dma source(%dma_start3A_70 : memref<782x128xf32, #tpu.memory_space<hbm>>) target(%dma_start3A_68 : memref<782x128xf32, #tpu.memory_space<vmem_shared>>) target_semaphore(%run_scoped3A : memref<!tpu.dma_semaphore, #tpu.memory_space<semaphore_mem>>)
      %dma_wait3A_71 = arith.constant 0 : i32
      %dma_wait3A_72 = tpu.memref_slice %arg7[%multiple_of3A, %dma_wait3A_71] : memref<12512x128xf32, #tpu.memory_space<vmem_shared>> -> memref<782x128xf32, #tpu.memory_space<vmem_shared>>
      %dma_wait3A_73 = arith.constant 0 : i32
      %dma_wait3A_74 = tpu.memref_slice %arg5[%multiple_of3A, %dma_wait3A_73] : memref<12512x128xf32, #tpu.memory_space<hbm>> -> memref<782x128xf32, #tpu.memory_space<hbm>>
      tpu.wait_dma2 semaphore(%run_scoped3A : memref<!tpu.dma_semaphore, #tpu.memory_space<semaphore_mem>>) src(%dma_wait3A_74 : memref<782x128xf32, #tpu.memory_space<hbm>>) dst(%dma_wait3A_72 : memref<782x128xf32, #tpu.memory_space<vmem_shared>>)
      tpu.yield
    }) : () -> ()
    %barrier3A = arith.constant 0 : index
    tpu.barrier barrier_id(%barrier3A)
    %scan3A = arith.constant 0 : i32
    %scan3A_8 = arith.constant 0 : i32
    %scan3A_9 = arith.constant 625 : i32
    %scan3A_10 = arith.addi %scan3A_8, %scan3A_9 : i32
    %scan3A_11 = arith.constant 1 : i32
    scf.for %scan3A_68 = %scan3A_8 to %scan3A_10 step %scan3A_11  : i32 {
      %rem3A_69 = arith.constant 2 : i32
      %rem3A_70 = arith.remsi %scan3A_68, %rem3A_69 : i32
      %rem3A_71 = arith.constant 25 : i32
      %rem3A_72 = arith.remsi %scan3A_68, %rem3A_71 : i32
      %eq3A = arith.constant 0 : i32
      %eq3A_73 = arith.cmpi eq, %rem3A_72, %eq3A : i32
      %convert_element_type3A_74 = arith.extui %eq3A_73 : i1 to i32
      %cond3A_75 = arith.constant 0 : i32
      %cond3A_76 = arith.cmpi ne, %convert_element_type3A_74, %cond3A_75 : i32
      scf.if %cond3A_76 {
        %jit3A_203 = arith.constant 25 : i32
        %div3A = arith.divsi %scan3A_68, %jit3A_203 : i32
        %sign3A = arith.constant 0 : i32
        %sign3A_204 = arith.cmpi sgt, %scan3A_68, %sign3A : i32
        %sign3A_205 = arith.extui %sign3A_204 : i1 to i32
        %sign3A_206 = arith.constant 0 : i32
        %sign3A_207 = arith.cmpi slt, %scan3A_68, %sign3A_206 : i32
        %sign3A_208 = arith.extui %sign3A_207 : i1 to i32
        %sign3A_209 = arith.subi %sign3A_205, %sign3A_208 : i32
        %sign3A_210 = arith.constant 0 : i32
        %sign3A_211 = arith.cmpi sgt, %jit3A_203, %sign3A_210 : i32
        %sign3A_212 = arith.extui %sign3A_211 : i1 to i32
        %sign3A_213 = arith.constant 0 : i32
        %sign3A_214 = arith.cmpi slt, %jit3A_203, %sign3A_213 : i32
        %sign3A_215 = arith.extui %sign3A_214 : i1 to i32
        %sign3A_216 = arith.subi %sign3A_212, %sign3A_215 : i32
        %ne3A = arith.cmpi ne, %sign3A_209, %sign3A_216 : i32
        %rem3A_217 = arith.remsi %scan3A_68, %jit3A_203 : i32
        %ne3A_218 = arith.constant 0 : i32
        %ne3A_219 = arith.cmpi ne, %rem3A_217, %ne3A_218 : i32
        %and3A_220 = arith.andi %ne3A, %ne3A_219 : i1
        %sub3A_221 = arith.constant 1 : i32
        %sub3A_222 = arith.subi %div3A, %sub3A_221 : i32
        %select_n3A_223 = arith.select %and3A_220, %sub3A_222, %div3A : i32
        %mul3A_224 = arith.constant 2000 : i32
        %mul3A_225 = arith.muli %select_n3A_223, %mul3A_224 : i32
        %add3A_226 = arith.addi %mul3A_0, %mul3A_225 : i32
        %multiple_of3A_227 = tpu.assume_multiple %add3A_226, 2000 : i32
        "tpu.region"() ({
          %run_scoped3A = tpu.sem_alloc : memref<!tpu.dma_semaphore, #tpu.memory_space<semaphore_mem>>
          %dma_start3A_228 = tpu.memref_slice %arg3[%multiple_of3A_227] : memref<800000xi32, #tpu.memory_space<hbm>> -> memref<2000xi32, #tpu.memory_space<hbm>>
          %dma_start3A_229 = tpu.memref_slice %arg3[%multiple_of3A_227] : memref<800000xi32, #tpu.memory_space<hbm>> -> memref<2000xi32, #tpu.memory_space<hbm>>
          tpu.enqueue_dma source(%dma_start3A_229 : memref<2000xi32, #tpu.memory_space<hbm>>) target(%arg8 : memref<2000xi32, #tpu.memory_space<vmem>>) target_semaphore(%run_scoped3A : memref<!tpu.dma_semaphore, #tpu.memory_space<semaphore_mem>>)
          %dma_wait3A_230 = tpu.memref_slice %arg3[%multiple_of3A_227] : memref<800000xi32, #tpu.memory_space<hbm>> -> memref<2000xi32, #tpu.memory_space<hbm>>
          %dma_wait3A_231 = tpu.memref_slice %arg3[%multiple_of3A_227] : memref<800000xi32, #tpu.memory_space<hbm>> -> memref<2000xi32, #tpu.memory_space<hbm>>
          tpu.wait_dma2 semaphore(%run_scoped3A : memref<!tpu.dma_semaphore, #tpu.memory_space<semaphore_mem>>) src(%dma_wait3A_231 : memref<2000xi32, #tpu.memory_space<hbm>>) dst(%arg8 : memref<2000xi32, #tpu.memory_space<vmem>>)
          tpu.yield
        }) : () -> ()
        "tpu.region"() ({
          %run_scoped3A = tpu.sem_alloc : memref<!tpu.dma_semaphore, #tpu.memory_space<semaphore_mem>>
          %dma_start3A_228 = tpu.memref_slice %arg4[%multiple_of3A_227] : memref<800000xi32, #tpu.memory_space<hbm>> -> memref<2000xi32, #tpu.memory_space<hbm>>
          %dma_start3A_229 = tpu.memref_slice %arg4[%multiple_of3A_227] : memref<800000xi32, #tpu.memory_space<hbm>> -> memref<2000xi32, #tpu.memory_space<hbm>>
          tpu.enqueue_dma source(%dma_start3A_229 : memref<2000xi32, #tpu.memory_space<hbm>>) target(%arg9 : memref<2000xi32, #tpu.memory_space<vmem>>) target_semaphore(%run_scoped3A : memref<!tpu.dma_semaphore, #tpu.memory_space<semaphore_mem>>)
          %dma_wait3A_230 = tpu.memref_slice %arg4[%multiple_of3A_227] : memref<800000xi32, #tpu.memory_space<hbm>> -> memref<2000xi32, #tpu.memory_space<hbm>>
          %dma_wait3A_231 = tpu.memref_slice %arg4[%multiple_of3A_227] : memref<800000xi32, #tpu.memory_space<hbm>> -> memref<2000xi32, #tpu.memory_space<hbm>>
          tpu.wait_dma2 semaphore(%run_scoped3A : memref<!tpu.dma_semaphore, #tpu.memory_space<semaphore_mem>>) src(%dma_wait3A_231 : memref<2000xi32, #tpu.memory_space<hbm>>) dst(%arg9 : memref<2000xi32, #tpu.memory_space<vmem>>)
          tpu.yield
        }) : () -> ()
      } else {
      }
      %mul3A_77 = arith.constant 80 : i32
      %mul3A_78 = arith.muli %rem3A_72, %mul3A_77 : i32
      %dma_start3A = arith.constant 0 : i32
      %dma_start3A_79 = arith.constant 0 : i32
      %dma_start3A_80 = tpu.memref_slice %arg11[%rem3A_70, %dma_start3A, %dma_start3A_79] : memref<2x80x128xf32, #tpu.memory_space<vmem>> -> memref<1x80x128xf32, #tpu.memory_space<vmem>>
      %dma_start3A_81 = tpu.memref_squeeze %dma_start3A_80 : memref<1x80x128xf32, #tpu.memory_space<vmem>> -> memref<80x128xf32, #tpu.memory_space<vmem>>
      %dma_start3A_82 = tpu.memref_slice %arg8[%mul3A_78] : memref<2000xi32, #tpu.memory_space<vmem>> -> memref<80xi32, #tpu.memory_space<vmem>>
      %dma_start3A_83 = arith.constant 0 : i32
      %dma_start3A_84 = arith.constant 0 : i32
      %dma_start3A_85 = tpu.memref_slice %arg2[%dma_start3A_83, %dma_start3A_84] : memref<50000x128xf32, #tpu.memory_space<hbm>> -> memref<50000x128xf32, #tpu.memory_space<hbm>>
      tpu.enqueue_indirect_dma source(%dma_start3A_85 : memref<50000x128xf32, #tpu.memory_space<hbm>>) target(%dma_start3A_81 : memref<80x128xf32, #tpu.memory_space<vmem>>) offsets(%dma_start3A_82 : memref<80xi32, #tpu.memory_space<vmem>>) semaphore(%arg12 : memref<!tpu.dma_semaphore, #tpu.memory_space<semaphore_mem>>)
      %mul3A_86 = arith.constant 80 : i32
      %mul3A_87 = arith.muli %rem3A_72, %mul3A_86 : i32
      %add3A_88 = arith.constant 0 : i32
      %add3A_89 = arith.addi %mul3A_87, %add3A_88 : i32
      %get3A = arith.index_cast %add3A_89 : i32 to index
      %get3A_90 = tpu.vector_load %arg9[%get3A] {strides = array<i32>} : memref<2000xi32, #tpu.memory_space<vmem>>, vector<16xi32>,
      %get3A_91 = vector.shape_cast %get3A_90 : vector<16xi32> to vector<16xi32>
      %sub3A = vector.broadcast %mul3A_7 : i32 to vector<16xi32>
      %sub3A_92 = arith.subi %get3A_91, %sub3A : vector<16xi32>
      %ge3A_93 = arith.constant 0 : i32
      %ge3A_94 = vector.broadcast %ge3A_93 : i32 to vector<16xi32>
      %ge3A_95 = arith.cmpi sge, %sub3A_92, %ge3A_94 : vector<16xi32>
      %lt3A_96 = arith.constant 12500 : i32
      %lt3A_97 = vector.broadcast %lt3A_96 : i32 to vector<16xi32>
      %lt3A_98 = arith.cmpi slt, %sub3A_92, %lt3A_97 : vector<16xi32>
      %and3A = arith.andi %ge3A_95, %lt3A_98 : vector<16xi1>
      %jit3A = arith.constant 12500 : i32
      %broadcast_in_dim3A = vector.broadcast %jit3A : i32 to vector<16xi32>
      %select_n3A = arith.select %and3A, %sub3A_92, %broadcast_in_dim3A : vector<16xi1>, vector<16xi32>
      %swap3A = arith.index_cast %rem3A_70 : i32 to index
      %swap3A_99 = arith.constant 0 : index
      %swap3A_100 = tpu.vector_load %arg10[%swap3A, %swap3A_99] {strides = array<i32>} : memref<2x80xi32, #tpu.memory_space<vmem>>, vector<1x16xi32>,
      %swap3A_101 = vector.shape_cast %swap3A_100 : vector<1x16xi32> to vector<16xi32>
      %swap3A_102 = vector.shape_cast %select_n3A : vector<16xi32> to vector<1x16xi32>
      tpu.vector_store %arg10[%swap3A, %swap3A_99], %swap3A_102 {strides = array<i32>} : memref<2x80xi32, #tpu.memory_space<vmem>>, vector<1x16xi32>,
      %mul3A_103 = arith.constant 80 : i32
      %mul3A_104 = arith.muli %rem3A_72, %mul3A_103 : i32
      %add3A_105 = arith.constant 16 : i32
      %add3A_106 = arith.addi %mul3A_104, %add3A_105 : i32
      %get3A_107 = arith.index_cast %add3A_106 : i32 to index
      %get3A_108 = tpu.vector_load %arg9[%get3A_107] {strides = array<i32>} : memref<2000xi32, #tpu.memory_space<vmem>>, vector<16xi32>,
      %get3A_109 = vector.shape_cast %get3A_108 : vector<16xi32> to vector<16xi32>
      %sub3A_110 = vector.broadcast %mul3A_7 : i32 to vector<16xi32>
      %sub3A_111 = arith.subi %get3A_109, %sub3A_110 : vector<16xi32>
      %ge3A_112 = arith.constant 0 : i32
      %ge3A_113 = vector.broadcast %ge3A_112 : i32 to vector<16xi32>
      %ge3A_114 = arith.cmpi sge, %sub3A_111, %ge3A_113 : vector<16xi32>
      %lt3A_115 = arith.constant 12500 : i32
      %lt3A_116 = vector.broadcast %lt3A_115 : i32 to vector<16xi32>
      %lt3A_117 = arith.cmpi slt, %sub3A_111, %lt3A_116 : vector<16xi32>
      %and3A_118 = arith.andi %ge3A_114, %lt3A_117 : vector<16xi1>
      %jit3A_119 = arith.constant 12500 : i32
      %broadcast_in_dim3A_120 = vector.broadcast %jit3A_119 : i32 to vector<16xi32>
      %select_n3A_121 = arith.select %and3A_118, %sub3A_111, %broadcast_in_dim3A_120 : vector<16xi1>, vector<16xi32>
      %swap3A_122 = arith.index_cast %rem3A_70 : i32 to index
      %swap3A_123 = arith.constant 16 : index
      %swap3A_124 = tpu.vector_load %arg10[%swap3A_122, %swap3A_123] {strides = array<i32>} : memref<2x80xi32, #tpu.memory_space<vmem>>, vector<1x16xi32>,
      %swap3A_125 = vector.shape_cast %swap3A_124 : vector<1x16xi32> to vector<16xi32>
      %swap3A_126 = vector.shape_cast %select_n3A_121 : vector<16xi32> to vector<1x16xi32>
      tpu.vector_store %arg10[%swap3A_122, %swap3A_123], %swap3A_126 {strides = array<i32>} : memref<2x80xi32, #tpu.memory_space<vmem>>, vector<1x16xi32>,
      %mul3A_127 = arith.constant 80 : i32
      %mul3A_128 = arith.muli %rem3A_72, %mul3A_127 : i32
      %add3A_129 = arith.constant 32 : i32
      %add3A_130 = arith.addi %mul3A_128, %add3A_129 : i32
      %get3A_131 = arith.index_cast %add3A_130 : i32 to index
      %get3A_132 = tpu.vector_load %arg9[%get3A_131] {strides = array<i32>} : memref<2000xi32, #tpu.memory_space<vmem>>, vector<16xi32>,
      %get3A_133 = vector.shape_cast %get3A_132 : vector<16xi32> to vector<16xi32>
      %sub3A_134 = vector.broadcast %mul3A_7 : i32 to vector<16xi32>
      %sub3A_135 = arith.subi %get3A_133, %sub3A_134 : vector<16xi32>
      %ge3A_136 = arith.constant 0 : i32
      %ge3A_137 = vector.broadcast %ge3A_136 : i32 to vector<16xi32>
      %ge3A_138 = arith.cmpi sge, %sub3A_135, %ge3A_137 : vector<16xi32>
      %lt3A_139 = arith.constant 12500 : i32
      %lt3A_140 = vector.broadcast %lt3A_139 : i32 to vector<16xi32>
      %lt3A_141 = arith.cmpi slt, %sub3A_135, %lt3A_140 : vector<16xi32>
      %and3A_142 = arith.andi %ge3A_138, %lt3A_141 : vector<16xi1>
      %jit3A_143 = arith.constant 12500 : i32
      %broadcast_in_dim3A_144 = vector.broadcast %jit3A_143 : i32 to vector<16xi32>
      %select_n3A_145 = arith.select %and3A_142, %sub3A_135, %broadcast_in_dim3A_144 : vector<16xi1>, vector<16xi32>
      %swap3A_146 = arith.index_cast %rem3A_70 : i32 to index
      %swap3A_147 = arith.constant 32 : index
      %swap3A_148 = tpu.vector_load %arg10[%swap3A_146, %swap3A_147] {strides = array<i32>} : memref<2x80xi32, #tpu.memory_space<vmem>>, vector<1x16xi32>,
      %swap3A_149 = vector.shape_cast %swap3A_148 : vector<1x16xi32> to vector<16xi32>
      %swap3A_150 = vector.shape_cast %select_n3A_145 : vector<16xi32> to vector<1x16xi32>
      tpu.vector_store %arg10[%swap3A_146, %swap3A_147], %swap3A_150 {strides = array<i32>} : memref<2x80xi32, #tpu.memory_space<vmem>>, vector<1x16xi32>,
      %mul3A_151 = arith.constant 80 : i32
      %mul3A_152 = arith.muli %rem3A_72, %mul3A_151 : i32
      %add3A_153 = arith.constant 48 : i32
      %add3A_154 = arith.addi %mul3A_152, %add3A_153 : i32
      %get3A_155 = arith.index_cast %add3A_154 : i32 to index
      %get3A_156 = tpu.vector_load %arg9[%get3A_155] {strides = array<i32>} : memref<2000xi32, #tpu.memory_space<vmem>>, vector<16xi32>,
      %get3A_157 = vector.shape_cast %get3A_156 : vector<16xi32> to vector<16xi32>
      %sub3A_158 = vector.broadcast %mul3A_7 : i32 to vector<16xi32>
      %sub3A_159 = arith.subi %get3A_157, %sub3A_158 : vector<16xi32>
      %ge3A_160 = arith.constant 0 : i32
      %ge3A_161 = vector.broadcast %ge3A_160 : i32 to vector<16xi32>
      %ge3A_162 = arith.cmpi sge, %sub3A_159, %ge3A_161 : vector<16xi32>
      %lt3A_163 = arith.constant 12500 : i32
      %lt3A_164 = vector.broadcast %lt3A_163 : i32 to vector<16xi32>
      %lt3A_165 = arith.cmpi slt, %sub3A_159, %lt3A_164 : vector<16xi32>
      %and3A_166 = arith.andi %ge3A_162, %lt3A_165 : vector<16xi1>
      %jit3A_167 = arith.constant 12500 : i32
      %broadcast_in_dim3A_168 = vector.broadcast %jit3A_167 : i32 to vector<16xi32>
      %select_n3A_169 = arith.select %and3A_166, %sub3A_159, %broadcast_in_dim3A_168 : vector<16xi1>, vector<16xi32>
      %swap3A_170 = arith.index_cast %rem3A_70 : i32 to index
      %swap3A_171 = arith.constant 48 : index
      %swap3A_172 = tpu.vector_load %arg10[%swap3A_170, %swap3A_171] {strides = array<i32>} : memref<2x80xi32, #tpu.memory_space<vmem>>, vector<1x16xi32>,
      %swap3A_173 = vector.shape_cast %swap3A_172 : vector<1x16xi32> to vector<16xi32>
      %swap3A_174 = vector.shape_cast %select_n3A_169 : vector<16xi32> to vector<1x16xi32>
      tpu.vector_store %arg10[%swap3A_170, %swap3A_171], %swap3A_174 {strides = array<i32>} : memref<2x80xi32, #tpu.memory_space<vmem>>, vector<1x16xi32>,
      %mul3A_175 = arith.constant 80 : i32
      %mul3A_176 = arith.muli %rem3A_72, %mul3A_175 : i32
      %add3A_177 = arith.constant 64 : i32
      %add3A_178 = arith.addi %mul3A_176, %add3A_177 : i32
      %get3A_179 = arith.index_cast %add3A_178 : i32 to index
      %get3A_180 = tpu.vector_load %arg9[%get3A_179] {strides = array<i32>} : memref<2000xi32, #tpu.memory_space<vmem>>, vector<16xi32>,
      %get3A_181 = vector.shape_cast %get3A_180 : vector<16xi32> to vector<16xi32>
      %sub3A_182 = vector.broadcast %mul3A_7 : i32 to vector<16xi32>
      %sub3A_183 = arith.subi %get3A_181, %sub3A_182 : vector<16xi32>
      %ge3A_184 = arith.constant 0 : i32
      %ge3A_185 = vector.broadcast %ge3A_184 : i32 to vector<16xi32>
      %ge3A_186 = arith.cmpi sge, %sub3A_183, %ge3A_185 : vector<16xi32>
      %lt3A_187 = arith.constant 12500 : i32
      %lt3A_188 = vector.broadcast %lt3A_187 : i32 to vector<16xi32>
      %lt3A_189 = arith.cmpi slt, %sub3A_183, %lt3A_188 : vector<16xi32>
      %and3A_190 = arith.andi %ge3A_186, %lt3A_189 : vector<16xi1>
      %jit3A_191 = arith.constant 12500 : i32
      %broadcast_in_dim3A_192 = vector.broadcast %jit3A_191 : i32 to vector<16xi32>
      %select_n3A_193 = arith.select %and3A_190, %sub3A_183, %broadcast_in_dim3A_192 : vector<16xi1>, vector<16xi32>
      %swap3A_194 = arith.index_cast %rem3A_70 : i32 to index
      %swap3A_195 = arith.constant 64 : index
      %swap3A_196 = tpu.vector_load %arg10[%swap3A_194, %swap3A_195] {strides = array<i32>} : memref<2x80xi32, #tpu.memory_space<vmem>>, vector<1x16xi32>,
      %swap3A_197 = vector.shape_cast %swap3A_196 : vector<1x16xi32> to vector<16xi32>
      %swap3A_198 = vector.shape_cast %select_n3A_193 : vector<16xi32> to vector<1x16xi32>
      tpu.vector_store %arg10[%swap3A_194, %swap3A_195], %swap3A_198 {strides = array<i32>} : memref<2x80xi32, #tpu.memory_space<vmem>>, vector<1x16xi32>,
      %gt3A = arith.constant 0 : i32
      %gt3A_199 = arith.cmpi sgt, %scan3A_68, %gt3A : i32
      %convert_element_type3A_200 = arith.extui %gt3A_199 : i1 to i32
      %cond3A_201 = arith.constant 0 : i32
      %cond3A_202 = arith.cmpi ne, %convert_element_type3A_200, %cond3A_201 : i32
      scf.if %cond3A_202 {
        %add3A_203 = arith.constant 1 : i32
        %add3A_204 = arith.addi %scan3A_68, %add3A_203 : i32
        %rem3A_205 = arith.constant 2 : i32
        %rem3A_206 = arith.remsi %add3A_204, %rem3A_205 : i32
        %mul3A_207 = arith.constant 80 : i32
        %mul3A_208 = arith.muli %rem3A_72, %mul3A_207 : i32
        %dma_wait3A_209 = arith.constant 0 : i32
        %dma_wait3A_210 = arith.constant 0 : i32
        %dma_wait3A_211 = tpu.memref_slice %arg11[%rem3A_206, %dma_wait3A_209, %dma_wait3A_210] : memref<2x80x128xf32, #tpu.memory_space<vmem>> -> memref<1x80x128xf32, #tpu.memory_space<vmem>>
        %dma_wait3A_212 = tpu.memref_squeeze %dma_wait3A_211 : memref<1x80x128xf32, #tpu.memory_space<vmem>> -> memref<80x128xf32, #tpu.memory_space<vmem>>
        %dma_wait3A_213 = tpu.memref_slice %arg8[%mul3A_208] : memref<2000xi32, #tpu.memory_space<vmem>> -> memref<80xi32, #tpu.memory_space<vmem>>
        %dma_wait3A_214 = arith.constant 0 : i32
        %dma_wait3A_215 = arith.constant 0 : i32
        %dma_wait3A_216 = tpu.memref_slice %arg2[%dma_wait3A_214, %dma_wait3A_215] : memref<50000x128xf32, #tpu.memory_space<hbm>> -> memref<50000x128xf32, #tpu.memory_space<hbm>>
        tpu.wait_indirect_dma semaphore(%arg12 : memref<!tpu.dma_semaphore, #tpu.memory_space<semaphore_mem>>) src(%dma_wait3A_216 : memref<50000x128xf32, #tpu.memory_space<hbm>>) dst(%dma_wait3A_212 : memref<80x128xf32, #tpu.memory_space<vmem>>)
        "tpu.region"() ({
          %run_scoped3A = tpu.sem_alloc : memref<!tpu.dma_semaphore, #tpu.memory_space<semaphore_mem>>
          %dma_start3A_217 = arith.constant 0 : i32
          %dma_start3A_218 = arith.constant 0 : i32
          %dma_start3A_219 = tpu.memref_slice %arg11[%rem3A_206, %dma_start3A_217, %dma_start3A_218] : memref<2x80x128xf32, #tpu.memory_space<vmem>> -> memref<1x80x128xf32, #tpu.memory_space<vmem>>
          %dma_start3A_220 = tpu.memref_squeeze %dma_start3A_219 : memref<1x80x128xf32, #tpu.memory_space<vmem>> -> memref<80x128xf32, #tpu.memory_space<vmem>>
          %dma_start3A_221 = arith.constant 0 : i32
          %dma_start3A_222 = tpu.memref_slice %arg10[%rem3A_206, %dma_start3A_221] : memref<2x80xi32, #tpu.memory_space<vmem>> -> memref<1x80xi32, #tpu.memory_space<vmem>>
          %dma_start3A_223 = tpu.memref_squeeze %dma_start3A_222 : memref<1x80xi32, #tpu.memory_space<vmem>> -> memref<80xi32, #tpu.memory_space<vmem>>
          %dma_start3A_224 = arith.constant 0 : i32
          %dma_start3A_225 = arith.constant 0 : i32
          %dma_start3A_226 = tpu.memref_slice %arg7[%dma_start3A_224, %dma_start3A_225] : memref<12512x128xf32, #tpu.memory_space<vmem_shared>> -> memref<12512x128xf32, #tpu.memory_space<vmem_shared>>
          tpu.enqueue_indirect_dma source(%dma_start3A_220 : memref<80x128xf32, #tpu.memory_space<vmem>>) target(%dma_start3A_226 : memref<12512x128xf32, #tpu.memory_space<vmem_shared>>) offsets(%dma_start3A_223 : memref<80xi32, #tpu.memory_space<vmem>>) semaphore(%run_scoped3A : memref<!tpu.dma_semaphore, #tpu.memory_space<semaphore_mem>>) {add = true}
          %dma_wait3A_227 = arith.constant 0 : i32
          %dma_wait3A_228 = arith.constant 0 : i32
          %dma_wait3A_229 = tpu.memref_slice %arg11[%rem3A_206, %dma_wait3A_227, %dma_wait3A_228] : memref<2x80x128xf32, #tpu.memory_space<vmem>> -> memref<1x80x128xf32, #tpu.memory_space<vmem>>
          %dma_wait3A_230 = tpu.memref_squeeze %dma_wait3A_229 : memref<1x80x128xf32, #tpu.memory_space<vmem>> -> memref<80x128xf32, #tpu.memory_space<vmem>>
          %dma_wait3A_231 = arith.constant 0 : i32
          %dma_wait3A_232 = tpu.memref_slice %arg10[%rem3A_206, %dma_wait3A_231] : memref<2x80xi32, #tpu.memory_space<vmem>> -> memref<1x80xi32, #tpu.memory_space<vmem>>
          %dma_wait3A_233 = tpu.memref_squeeze %dma_wait3A_232 : memref<1x80xi32, #tpu.memory_space<vmem>> -> memref<80xi32, #tpu.memory_space<vmem>>
          %dma_wait3A_234 = arith.constant 0 : i32
          %dma_wait3A_235 = arith.constant 0 : i32
          %dma_wait3A_236 = tpu.memref_slice %arg7[%dma_wait3A_234, %dma_wait3A_235] : memref<12512x128xf32, #tpu.memory_space<vmem_shared>> -> memref<12512x128xf32, #tpu.memory_space<vmem_shared>>
          tpu.wait_indirect_dma semaphore(%run_scoped3A : memref<!tpu.dma_semaphore, #tpu.memory_space<semaphore_mem>>) src(%dma_wait3A_230 : memref<80x128xf32, #tpu.memory_space<vmem>>) dst(%dma_wait3A_236 : memref<12512x128xf32, #tpu.memory_space<vmem_shared>>)
          tpu.yield
        }) : () -> ()
      } else {
      }
    }
    %scan3A_12 = arith.constant 625 : i32
    %rem3A = arith.constant 626 : i32
    %rem3A_13 = arith.constant 2 : i32
    %rem3A_14 = arith.remsi %rem3A, %rem3A_13 : i32
    %dma_wait3A = arith.constant 0 : i32
    %dma_wait3A_15 = arith.constant 0 : i32
    %dma_wait3A_16 = tpu.memref_slice %arg11[%rem3A_14, %dma_wait3A, %dma_wait3A_15] : memref<2x80x128xf32, #tpu.memory_space<vmem>> -> memref<1x80x128xf32, #tpu.memory_space<vmem>>
    %dma_wait3A_17 = tpu.memref_squeeze %dma_wait3A_16 : memref<1x80x128xf32, #tpu.memory_space<vmem>> -> memref<80x128xf32, #tpu.memory_space<vmem>>
    %dma_wait3A_18 = arith.constant 1920 : i32
    %dma_wait3A_19 = tpu.memref_slice %arg8[%dma_wait3A_18] : memref<2000xi32, #tpu.memory_space<vmem>> -> memref<80xi32, #tpu.memory_space<vmem>>
    %dma_wait3A_20 = arith.constant 0 : i32
    %dma_wait3A_21 = arith.constant 0 : i32
    %dma_wait3A_22 = tpu.memref_slice %arg2[%dma_wait3A_20, %dma_wait3A_21] : memref<50000x128xf32, #tpu.memory_space<hbm>> -> memref<50000x128xf32, #tpu.memory_space<hbm>>
    tpu.wait_indirect_dma semaphore(%arg12 : memref<!tpu.dma_semaphore, #tpu.memory_space<semaphore_mem>>) src(%dma_wait3A_22 : memref<50000x128xf32, #tpu.memory_space<hbm>>) dst(%dma_wait3A_17 : memref<80x128xf32, #tpu.memory_space<vmem>>)
    "tpu.region"() ({
      %run_scoped3A = tpu.sem_alloc : memref<!tpu.dma_semaphore, #tpu.memory_space<semaphore_mem>>
      %dma_start3A = arith.constant 0 : i32
      %dma_start3A_68 = arith.constant 0 : i32
      %dma_start3A_69 = tpu.memref_slice %arg11[%rem3A_14, %dma_start3A, %dma_start3A_68] : memref<2x80x128xf32, #tpu.memory_space<vmem>> -> memref<1x80x128xf32, #tpu.memory_space<vmem>>
      %dma_start3A_70 = tpu.memref_squeeze %dma_start3A_69 : memref<1x80x128xf32, #tpu.memory_space<vmem>> -> memref<80x128xf32, #tpu.memory_space<vmem>>
      %dma_start3A_71 = arith.constant 0 : i32
      %dma_start3A_72 = tpu.memref_slice %arg10[%rem3A_14, %dma_start3A_71] : memref<2x80xi32, #tpu.memory_space<vmem>> -> memref<1x80xi32, #tpu.memory_space<vmem>>
      %dma_start3A_73 = tpu.memref_squeeze %dma_start3A_72 : memref<1x80xi32, #tpu.memory_space<vmem>> -> memref<80xi32, #tpu.memory_space<vmem>>
      %dma_start3A_74 = arith.constant 0 : i32
      %dma_start3A_75 = arith.constant 0 : i32
      %dma_start3A_76 = tpu.memref_slice %arg7[%dma_start3A_74, %dma_start3A_75] : memref<12512x128xf32, #tpu.memory_space<vmem_shared>> -> memref<12512x128xf32, #tpu.memory_space<vmem_shared>>
      tpu.enqueue_indirect_dma source(%dma_start3A_70 : memref<80x128xf32, #tpu.memory_space<vmem>>) target(%dma_start3A_76 : memref<12512x128xf32, #tpu.memory_space<vmem_shared>>) offsets(%dma_start3A_73 : memref<80xi32, #tpu.memory_space<vmem>>) semaphore(%run_scoped3A : memref<!tpu.dma_semaphore, #tpu.memory_space<semaphore_mem>>) {add = true}
      %dma_wait3A_77 = arith.constant 0 : i32
      %dma_wait3A_78 = arith.constant 0 : i32
      %dma_wait3A_79 = tpu.memref_slice %arg11[%rem3A_14, %dma_wait3A_77, %dma_wait3A_78] : memref<2x80x128xf32, #tpu.memory_space<vmem>> -> memref<1x80x128xf32, #tpu.memory_space<vmem>>
      %dma_wait3A_80 = tpu.memref_squeeze %dma_wait3A_79 : memref<1x80x128xf32, #tpu.memory_space<vmem>> -> memref<80x128xf32, #tpu.memory_space<vmem>>
      %dma_wait3A_81 = arith.constant 0 : i32
      %dma_wait3A_82 = tpu.memref_slice %arg10[%rem3A_14, %dma_wait3A_81] : memref<2x80xi32, #tpu.memory_space<vmem>> -> memref<1x80xi32, #tpu.memory_space<vmem>>
      %dma_wait3A_83 = tpu.memref_squeeze %dma_wait3A_82 : memref<1x80xi32, #tpu.memory_space<vmem>> -> memref<80xi32, #tpu.memory_space<vmem>>
      %dma_wait3A_84 = arith.constant 0 : i32
      %dma_wait3A_85 = arith.constant 0 : i32
      %dma_wait3A_86 = tpu.memref_slice %arg7[%dma_wait3A_84, %dma_wait3A_85] : memref<12512x128xf32, #tpu.memory_space<vmem_shared>> -> memref<12512x128xf32, #tpu.memory_space<vmem_shared>>
      tpu.wait_indirect_dma semaphore(%run_scoped3A : memref<!tpu.dma_semaphore, #tpu.memory_space<semaphore_mem>>) src(%dma_wait3A_80 : memref<80x128xf32, #tpu.memory_space<vmem>>) dst(%dma_wait3A_86 : memref<12512x128xf32, #tpu.memory_space<vmem_shared>>)
      tpu.yield
    }) : () -> ()
    %barrier3A_23 = arith.constant 0 : index
    tpu.barrier barrier_id(%barrier3A_23)
    %lt3A = arith.constant 4 : i32
    %lt3A_24 = arith.cmpi slt, %arg1, %lt3A : i32
    %convert_element_type3A = arith.extui %lt3A_24 : i1 to i32
    %cond3A = arith.constant 0 : i32
    %cond3A_25 = arith.cmpi ne, %convert_element_type3A, %cond3A : i32
    scf.if %cond3A_25 {
      %mul3A_68 = arith.constant 782 : i32
      %mul3A_69 = arith.muli %arg1, %mul3A_68 : i32
      %add3A_70 = arith.addi %mul3A_7, %mul3A_69 : i32
      "tpu.region"() ({
        %run_scoped3A = tpu.sem_alloc : memref<!tpu.dma_semaphore, #tpu.memory_space<semaphore_mem>>
        %dma_start3A = arith.constant 0 : i32
        %dma_start3A_71 = tpu.memref_slice %arg6[%add3A_70, %dma_start3A] : memref<50000x128xf32, #tpu.memory_space<hbm>> -> memref<782x128xf32, #tpu.memory_space<hbm>>
        %dma_start3A_72 = arith.constant 0 : i32
        %dma_start3A_73 = tpu.memref_slice %arg7[%mul3A_69, %dma_start3A_72] : memref<12512x128xf32, #tpu.memory_space<vmem_shared>> -> memref<782x128xf32, #tpu.memory_space<vmem_shared>>
        tpu.enqueue_dma source(%dma_start3A_73 : memref<782x128xf32, #tpu.memory_space<vmem_shared>>) target(%dma_start3A_71 : memref<782x128xf32, #tpu.memory_space<hbm>>) target_semaphore(%run_scoped3A : memref<!tpu.dma_semaphore, #tpu.memory_space<semaphore_mem>>)
        %dma_wait3A_74 = arith.constant 0 : i32
        %dma_wait3A_75 = tpu.memref_slice %arg6[%add3A_70, %dma_wait3A_74] : memref<50000x128xf32, #tpu.memory_space<hbm>> -> memref<782x128xf32, #tpu.memory_space<hbm>>
        %dma_wait3A_76 = arith.constant 0 : i32
        %dma_wait3A_77 = tpu.memref_slice %arg7[%mul3A_69, %dma_wait3A_76] : memref<12512x128xf32, #tpu.memory_space<vmem_shared>> -> memref<782x128xf32, #tpu.memory_space<vmem_shared>>
        tpu.wait_dma2 semaphore(%run_scoped3A : memref<!tpu.dma_semaphore, #tpu.memory_space<semaphore_mem>>) src(%dma_wait3A_77 : memref<782x128xf32, #tpu.memory_space<vmem_shared>>) dst(%dma_wait3A_75 : memref<782x128xf32, #tpu.memory_space<hbm>>)
        tpu.yield
      }) : () -> ()
    } else {
    }
    %ge3A = arith.constant 4 : i32
    %ge3A_26 = arith.cmpi sge, %arg1, %ge3A : i32
    %convert_element_type3A_27 = arith.extui %ge3A_26 : i1 to i32
    %cond3A_28 = arith.constant 0 : i32
    %cond3A_29 = arith.cmpi ne, %convert_element_type3A_27, %cond3A_28 : i32
    scf.if %cond3A_29 {
      %sub3A = arith.constant 4 : i32
      %sub3A_68 = arith.subi %arg1, %sub3A : i32
      %mul3A_69 = arith.constant 781 : i32
      %mul3A_70 = arith.muli %sub3A_68, %mul3A_69 : i32
      %add3A_71 = arith.constant 3128 : i32
      %add3A_72 = arith.addi %add3A_71, %mul3A_70 : i32
      %add3A_73 = arith.addi %mul3A_7, %add3A_72 : i32
      "tpu.region"() ({
        %run_scoped3A = tpu.sem_alloc : memref<!tpu.dma_semaphore, #tpu.memory_space<semaphore_mem>>
        %dma_start3A = arith.constant 0 : i32
        %dma_start3A_74 = tpu.memref_slice %arg6[%add3A_73, %dma_start3A] : memref<50000x128xf32, #tpu.memory_space<hbm>> -> memref<781x128xf32, #tpu.memory_space<hbm>>
        %dma_start3A_75 = arith.constant 0 : i32
        %dma_start3A_76 = tpu.memref_slice %arg7[%add3A_72, %dma_start3A_75] : memref<12512x128xf32, #tpu.memory_space<vmem_shared>> -> memref<781x128xf32, #tpu.memory_space<vmem_shared>>
        tpu.enqueue_dma source(%dma_start3A_76 : memref<781x128xf32, #tpu.memory_space<vmem_shared>>) target(%dma_start3A_74 : memref<781x128xf32, #tpu.memory_space<hbm>>) target_semaphore(%run_scoped3A : memref<!tpu.dma_semaphore, #tpu.memory_space<semaphore_mem>>)
        %dma_wait3A_77 = arith.constant 0 : i32
        %dma_wait3A_78 = tpu.memref_slice %arg6[%add3A_73, %dma_wait3A_77] : memref<50000x128xf32, #tpu.memory_space<hbm>> -> memref<781x128xf32, #tpu.memory_space<hbm>>
        %dma_wait3A_79 = arith.constant 0 : i32
        %dma_wait3A_80 = tpu.memref_slice %arg7[%add3A_72, %dma_wait3A_79] : memref<12512x128xf32, #tpu.memory_space<vmem_shared>> -> memref<781x128xf32, #tpu.memory_space<vmem_shared>>
        tpu.wait_dma2 semaphore(%run_scoped3A : memref<!tpu.dma_semaphore, #tpu.memory_space<semaphore_mem>>) src(%dma_wait3A_80 : memref<781x128xf32, #tpu.memory_space<vmem_shared>>) dst(%dma_wait3A_78 : memref<781x128xf32, #tpu.memory_space<hbm>>)
        tpu.yield
      }) : () -> ()
    } else {
    }
    %barrier3A_30 = arith.constant 0 : index
    tpu.barrier barrier_id(%barrier3A_30)
    %mul3A_31 = arith.constant 2 : i32
    %mul3A_32 = arith.muli %arg0, %mul3A_31 : i32
    %add3A_33 = arith.constant 1 : i32
    %add3A_34 = arith.addi %mul3A_32, %add3A_33 : i32
    %mul3A_35 = arith.constant 12500 : i32
    %mul3A_36 = arith.muli %add3A_34, %mul3A_35 : i32
    "tpu.region"() ({
      %run_scoped3A = tpu.sem_alloc : memref<!tpu.dma_semaphore, #tpu.memory_space<semaphore_mem>>
      %dma_start3A = arith.constant 0 : i32
      %dma_start3A_68 = tpu.memref_slice %arg7[%multiple_of3A, %dma_start3A] : memref<12512x128xf32, #tpu.memory_space<vmem_shared>> -> memref<782x128xf32, #tpu.memory_space<vmem_shared>>
      %dma_start3A_69 = arith.constant 0 : i32
      %dma_start3A_70 = tpu.memref_slice %arg5[%multiple_of3A, %dma_start3A_69] : memref<12512x128xf32, #tpu.memory_space<hbm>> -> memref<782x128xf32, #tpu.memory_space<hbm>>
      tpu.enqueue_dma source(%dma_start3A_70 : memref<782x128xf32, #tpu.memory_space<hbm>>) target(%dma_start3A_68 : memref<782x128xf32, #tpu.memory_space<vmem_shared>>) target_semaphore(%run_scoped3A : memref<!tpu.dma_semaphore, #tpu.memory_space<semaphore_mem>>)
      %dma_wait3A_71 = arith.constant 0 : i32
      %dma_wait3A_72 = tpu.memref_slice %arg7[%multiple_of3A, %dma_wait3A_71] : memref<12512x128xf32, #tpu.memory_space<vmem_shared>> -> memref<782x128xf32, #tpu.memory_space<vmem_shared>>
      %dma_wait3A_73 = arith.constant 0 : i32
      %dma_wait3A_74 = tpu.memref_slice %arg5[%multiple_of3A, %dma_wait3A_73] : memref<12512x128xf32, #tpu.memory_space<hbm>> -> memref<782x128xf32, #tpu.memory_space<hbm>>
      tpu.wait_dma2 semaphore(%run_scoped3A : memref<!tpu.dma_semaphore, #tpu.memory_space<semaphore_mem>>) src(%dma_wait3A_74 : memref<782x128xf32, #tpu.memory_space<hbm>>) dst(%dma_wait3A_72 : memref<782x128xf32, #tpu.memory_space<vmem_shared>>)
      tpu.yield
    }) : () -> ()
    %barrier3A_37 = arith.constant 0 : index
    tpu.barrier barrier_id(%barrier3A_37)
    %scan3A_38 = arith.constant 0 : i32
    %scan3A_39 = arith.constant 0 : i32
    %scan3A_40 = arith.constant 625 : i32
    %scan3A_41 = arith.addi %scan3A_39, %scan3A_40 : i32
    %scan3A_42 = arith.constant 1 : i32
    scf.for %scan3A_68 = %scan3A_39 to %scan3A_41 step %scan3A_42  : i32 {
      %rem3A_69 = arith.constant 2 : i32
      %rem3A_70 = arith.remsi %scan3A_68, %rem3A_69 : i32
      %rem3A_71 = arith.constant 25 : i32
      %rem3A_72 = arith.remsi %scan3A_68, %rem3A_71 : i32
      %eq3A = arith.constant 0 : i32
      %eq3A_73 = arith.cmpi eq, %rem3A_72, %eq3A : i32
      %convert_element_type3A_74 = arith.extui %eq3A_73 : i1 to i32
      %cond3A_75 = arith.constant 0 : i32
      %cond3A_76 = arith.cmpi ne, %convert_element_type3A_74, %cond3A_75 : i32
      scf.if %cond3A_76 {
        %jit3A_203 = arith.constant 25 : i32
        %div3A = arith.divsi %scan3A_68, %jit3A_203 : i32
        %sign3A = arith.constant 0 : i32
        %sign3A_204 = arith.cmpi sgt, %scan3A_68, %sign3A : i32
        %sign3A_205 = arith.extui %sign3A_204 : i1 to i32
        %sign3A_206 = arith.constant 0 : i32
        %sign3A_207 = arith.cmpi slt, %scan3A_68, %sign3A_206 : i32
        %sign3A_208 = arith.extui %sign3A_207 : i1 to i32
        %sign3A_209 = arith.subi %sign3A_205, %sign3A_208 : i32
        %sign3A_210 = arith.constant 0 : i32
        %sign3A_211 = arith.cmpi sgt, %jit3A_203, %sign3A_210 : i32
        %sign3A_212 = arith.extui %sign3A_211 : i1 to i32
        %sign3A_213 = arith.constant 0 : i32
        %sign3A_214 = arith.cmpi slt, %jit3A_203, %sign3A_213 : i32
        %sign3A_215 = arith.extui %sign3A_214 : i1 to i32
        %sign3A_216 = arith.subi %sign3A_212, %sign3A_215 : i32
        %ne3A = arith.cmpi ne, %sign3A_209, %sign3A_216 : i32
        %rem3A_217 = arith.remsi %scan3A_68, %jit3A_203 : i32
        %ne3A_218 = arith.constant 0 : i32
        %ne3A_219 = arith.cmpi ne, %rem3A_217, %ne3A_218 : i32
        %and3A_220 = arith.andi %ne3A, %ne3A_219 : i1
        %sub3A_221 = arith.constant 1 : i32
        %sub3A_222 = arith.subi %div3A, %sub3A_221 : i32
        %select_n3A_223 = arith.select %and3A_220, %sub3A_222, %div3A : i32
        %mul3A_224 = arith.constant 2000 : i32
        %mul3A_225 = arith.muli %select_n3A_223, %mul3A_224 : i32
        %add3A_226 = arith.addi %mul3A_0, %mul3A_225 : i32
        %multiple_of3A_227 = tpu.assume_multiple %add3A_226, 2000 : i32
        "tpu.region"() ({
          %run_scoped3A = tpu.sem_alloc : memref<!tpu.dma_semaphore, #tpu.memory_space<semaphore_mem>>
          %dma_start3A_228 = tpu.memref_slice %arg3[%multiple_of3A_227] : memref<800000xi32, #tpu.memory_space<hbm>> -> memref<2000xi32, #tpu.memory_space<hbm>>
          %dma_start3A_229 = tpu.memref_slice %arg3[%multiple_of3A_227] : memref<800000xi32, #tpu.memory_space<hbm>> -> memref<2000xi32, #tpu.memory_space<hbm>>
          tpu.enqueue_dma source(%dma_start3A_229 : memref<2000xi32, #tpu.memory_space<hbm>>) target(%arg8 : memref<2000xi32, #tpu.memory_space<vmem>>) target_semaphore(%run_scoped3A : memref<!tpu.dma_semaphore, #tpu.memory_space<semaphore_mem>>)
          %dma_wait3A_230 = tpu.memref_slice %arg3[%multiple_of3A_227] : memref<800000xi32, #tpu.memory_space<hbm>> -> memref<2000xi32, #tpu.memory_space<hbm>>
          %dma_wait3A_231 = tpu.memref_slice %arg3[%multiple_of3A_227] : memref<800000xi32, #tpu.memory_space<hbm>> -> memref<2000xi32, #tpu.memory_space<hbm>>
          tpu.wait_dma2 semaphore(%run_scoped3A : memref<!tpu.dma_semaphore, #tpu.memory_space<semaphore_mem>>) src(%dma_wait3A_231 : memref<2000xi32, #tpu.memory_space<hbm>>) dst(%arg8 : memref<2000xi32, #tpu.memory_space<vmem>>)
          tpu.yield
        }) : () -> ()
        "tpu.region"() ({
          %run_scoped3A = tpu.sem_alloc : memref<!tpu.dma_semaphore, #tpu.memory_space<semaphore_mem>>
          %dma_start3A_228 = tpu.memref_slice %arg4[%multiple_of3A_227] : memref<800000xi32, #tpu.memory_space<hbm>> -> memref<2000xi32, #tpu.memory_space<hbm>>
          %dma_start3A_229 = tpu.memref_slice %arg4[%multiple_of3A_227] : memref<800000xi32, #tpu.memory_space<hbm>> -> memref<2000xi32, #tpu.memory_space<hbm>>
          tpu.enqueue_dma source(%dma_start3A_229 : memref<2000xi32, #tpu.memory_space<hbm>>) target(%arg9 : memref<2000xi32, #tpu.memory_space<vmem>>) target_semaphore(%run_scoped3A : memref<!tpu.dma_semaphore, #tpu.memory_space<semaphore_mem>>)
          %dma_wait3A_230 = tpu.memref_slice %arg4[%multiple_of3A_227] : memref<800000xi32, #tpu.memory_space<hbm>> -> memref<2000xi32, #tpu.memory_space<hbm>>
          %dma_wait3A_231 = tpu.memref_slice %arg4[%multiple_of3A_227] : memref<800000xi32, #tpu.memory_space<hbm>> -> memref<2000xi32, #tpu.memory_space<hbm>>
          tpu.wait_dma2 semaphore(%run_scoped3A : memref<!tpu.dma_semaphore, #tpu.memory_space<semaphore_mem>>) src(%dma_wait3A_231 : memref<2000xi32, #tpu.memory_space<hbm>>) dst(%arg9 : memref<2000xi32, #tpu.memory_space<vmem>>)
          tpu.yield
        }) : () -> ()
      } else {
      }
      %mul3A_77 = arith.constant 80 : i32
      %mul3A_78 = arith.muli %rem3A_72, %mul3A_77 : i32
      %dma_start3A = arith.constant 0 : i32
      %dma_start3A_79 = arith.constant 0 : i32
      %dma_start3A_80 = tpu.memref_slice %arg11[%rem3A_70, %dma_start3A, %dma_start3A_79] : memref<2x80x128xf32, #tpu.memory_space<vmem>> -> memref<1x80x128xf32, #tpu.memory_space<vmem>>
      %dma_start3A_81 = tpu.memref_squeeze %dma_start3A_80 : memref<1x80x128xf32, #tpu.memory_space<vmem>> -> memref<80x128xf32, #tpu.memory_space<vmem>>
      %dma_start3A_82 = tpu.memref_slice %arg8[%mul3A_78] : memref<2000xi32, #tpu.memory_space<vmem>> -> memref<80xi32, #tpu.memory_space<vmem>>
      %dma_start3A_83 = arith.constant 0 : i32
      %dma_start3A_84 = arith.constant 0 : i32
      %dma_start3A_85 = tpu.memref_slice %arg2[%dma_start3A_83, %dma_start3A_84] : memref<50000x128xf32, #tpu.memory_space<hbm>> -> memref<50000x128xf32, #tpu.memory_space<hbm>>
      tpu.enqueue_indirect_dma source(%dma_start3A_85 : memref<50000x128xf32, #tpu.memory_space<hbm>>) target(%dma_start3A_81 : memref<80x128xf32, #tpu.memory_space<vmem>>) offsets(%dma_start3A_82 : memref<80xi32, #tpu.memory_space<vmem>>) semaphore(%arg12 : memref<!tpu.dma_semaphore, #tpu.memory_space<semaphore_mem>>)
      %mul3A_86 = arith.constant 80 : i32
      %mul3A_87 = arith.muli %rem3A_72, %mul3A_86 : i32
      %add3A_88 = arith.constant 0 : i32
      %add3A_89 = arith.addi %mul3A_87, %add3A_88 : i32
      %get3A = arith.index_cast %add3A_89 : i32 to index
      %get3A_90 = tpu.vector_load %arg9[%get3A] {strides = array<i32>} : memref<2000xi32, #tpu.memory_space<vmem>>, vector<16xi32>,
      %get3A_91 = vector.shape_cast %get3A_90 : vector<16xi32> to vector<16xi32>
      %sub3A = vector.broadcast %mul3A_36 : i32 to vector<16xi32>
      %sub3A_92 = arith.subi %get3A_91, %sub3A : vector<16xi32>
      %ge3A_93 = arith.constant 0 : i32
      %ge3A_94 = vector.broadcast %ge3A_93 : i32 to vector<16xi32>
      %ge3A_95 = arith.cmpi sge, %sub3A_92, %ge3A_94 : vector<16xi32>
      %lt3A_96 = arith.constant 12500 : i32
      %lt3A_97 = vector.broadcast %lt3A_96 : i32 to vector<16xi32>
      %lt3A_98 = arith.cmpi slt, %sub3A_92, %lt3A_97 : vector<16xi32>
      %and3A = arith.andi %ge3A_95, %lt3A_98 : vector<16xi1>
      %jit3A = arith.constant 12500 : i32
      %broadcast_in_dim3A = vector.broadcast %jit3A : i32 to vector<16xi32>
      %select_n3A = arith.select %and3A, %sub3A_92, %broadcast_in_dim3A : vector<16xi1>, vector<16xi32>
      %swap3A = arith.index_cast %rem3A_70 : i32 to index
      %swap3A_99 = arith.constant 0 : index
      %swap3A_100 = tpu.vector_load %arg10[%swap3A, %swap3A_99] {strides = array<i32>} : memref<2x80xi32, #tpu.memory_space<vmem>>, vector<1x16xi32>,
      %swap3A_101 = vector.shape_cast %swap3A_100 : vector<1x16xi32> to vector<16xi32>
      %swap3A_102 = vector.shape_cast %select_n3A : vector<16xi32> to vector<1x16xi32>
      tpu.vector_store %arg10[%swap3A, %swap3A_99], %swap3A_102 {strides = array<i32>} : memref<2x80xi32, #tpu.memory_space<vmem>>, vector<1x16xi32>,
      %mul3A_103 = arith.constant 80 : i32
      %mul3A_104 = arith.muli %rem3A_72, %mul3A_103 : i32
      %add3A_105 = arith.constant 16 : i32
      %add3A_106 = arith.addi %mul3A_104, %add3A_105 : i32
      %get3A_107 = arith.index_cast %add3A_106 : i32 to index
      %get3A_108 = tpu.vector_load %arg9[%get3A_107] {strides = array<i32>} : memref<2000xi32, #tpu.memory_space<vmem>>, vector<16xi32>,
      %get3A_109 = vector.shape_cast %get3A_108 : vector<16xi32> to vector<16xi32>
      %sub3A_110 = vector.broadcast %mul3A_36 : i32 to vector<16xi32>
      %sub3A_111 = arith.subi %get3A_109, %sub3A_110 : vector<16xi32>
      %ge3A_112 = arith.constant 0 : i32
      %ge3A_113 = vector.broadcast %ge3A_112 : i32 to vector<16xi32>
      %ge3A_114 = arith.cmpi sge, %sub3A_111, %ge3A_113 : vector<16xi32>
      %lt3A_115 = arith.constant 12500 : i32
      %lt3A_116 = vector.broadcast %lt3A_115 : i32 to vector<16xi32>
      %lt3A_117 = arith.cmpi slt, %sub3A_111, %lt3A_116 : vector<16xi32>
      %and3A_118 = arith.andi %ge3A_114, %lt3A_117 : vector<16xi1>
      %jit3A_119 = arith.constant 12500 : i32
      %broadcast_in_dim3A_120 = vector.broadcast %jit3A_119 : i32 to vector<16xi32>
      %select_n3A_121 = arith.select %and3A_118, %sub3A_111, %broadcast_in_dim3A_120 : vector<16xi1>, vector<16xi32>
      %swap3A_122 = arith.index_cast %rem3A_70 : i32 to index
      %swap3A_123 = arith.constant 16 : index
      %swap3A_124 = tpu.vector_load %arg10[%swap3A_122, %swap3A_123] {strides = array<i32>} : memref<2x80xi32, #tpu.memory_space<vmem>>, vector<1x16xi32>,
      %swap3A_125 = vector.shape_cast %swap3A_124 : vector<1x16xi32> to vector<16xi32>
      %swap3A_126 = vector.shape_cast %select_n3A_121 : vector<16xi32> to vector<1x16xi32>
      tpu.vector_store %arg10[%swap3A_122, %swap3A_123], %swap3A_126 {strides = array<i32>} : memref<2x80xi32, #tpu.memory_space<vmem>>, vector<1x16xi32>,
      %mul3A_127 = arith.constant 80 : i32
      %mul3A_128 = arith.muli %rem3A_72, %mul3A_127 : i32
      %add3A_129 = arith.constant 32 : i32
      %add3A_130 = arith.addi %mul3A_128, %add3A_129 : i32
      %get3A_131 = arith.index_cast %add3A_130 : i32 to index
      %get3A_132 = tpu.vector_load %arg9[%get3A_131] {strides = array<i32>} : memref<2000xi32, #tpu.memory_space<vmem>>, vector<16xi32>,
      %get3A_133 = vector.shape_cast %get3A_132 : vector<16xi32> to vector<16xi32>
      %sub3A_134 = vector.broadcast %mul3A_36 : i32 to vector<16xi32>
      %sub3A_135 = arith.subi %get3A_133, %sub3A_134 : vector<16xi32>
      %ge3A_136 = arith.constant 0 : i32
      %ge3A_137 = vector.broadcast %ge3A_136 : i32 to vector<16xi32>
      %ge3A_138 = arith.cmpi sge, %sub3A_135, %ge3A_137 : vector<16xi32>
      %lt3A_139 = arith.constant 12500 : i32
      %lt3A_140 = vector.broadcast %lt3A_139 : i32 to vector<16xi32>
      %lt3A_141 = arith.cmpi slt, %sub3A_135, %lt3A_140 : vector<16xi32>
      %and3A_142 = arith.andi %ge3A_138, %lt3A_141 : vector<16xi1>
      %jit3A_143 = arith.constant 12500 : i32
      %broadcast_in_dim3A_144 = vector.broadcast %jit3A_143 : i32 to vector<16xi32>
      %select_n3A_145 = arith.select %and3A_142, %sub3A_135, %broadcast_in_dim3A_144 : vector<16xi1>, vector<16xi32>
      %swap3A_146 = arith.index_cast %rem3A_70 : i32 to index
      %swap3A_147 = arith.constant 32 : index
      %swap3A_148 = tpu.vector_load %arg10[%swap3A_146, %swap3A_147] {strides = array<i32>} : memref<2x80xi32, #tpu.memory_space<vmem>>, vector<1x16xi32>,
      %swap3A_149 = vector.shape_cast %swap3A_148 : vector<1x16xi32> to vector<16xi32>
      %swap3A_150 = vector.shape_cast %select_n3A_145 : vector<16xi32> to vector<1x16xi32>
      tpu.vector_store %arg10[%swap3A_146, %swap3A_147], %swap3A_150 {strides = array<i32>} : memref<2x80xi32, #tpu.memory_space<vmem>>, vector<1x16xi32>,
      %mul3A_151 = arith.constant 80 : i32
      %mul3A_152 = arith.muli %rem3A_72, %mul3A_151 : i32
      %add3A_153 = arith.constant 48 : i32
      %add3A_154 = arith.addi %mul3A_152, %add3A_153 : i32
      %get3A_155 = arith.index_cast %add3A_154 : i32 to index
      %get3A_156 = tpu.vector_load %arg9[%get3A_155] {strides = array<i32>} : memref<2000xi32, #tpu.memory_space<vmem>>, vector<16xi32>,
      %get3A_157 = vector.shape_cast %get3A_156 : vector<16xi32> to vector<16xi32>
      %sub3A_158 = vector.broadcast %mul3A_36 : i32 to vector<16xi32>
      %sub3A_159 = arith.subi %get3A_157, %sub3A_158 : vector<16xi32>
      %ge3A_160 = arith.constant 0 : i32
      %ge3A_161 = vector.broadcast %ge3A_160 : i32 to vector<16xi32>
      %ge3A_162 = arith.cmpi sge, %sub3A_159, %ge3A_161 : vector<16xi32>
      %lt3A_163 = arith.constant 12500 : i32
      %lt3A_164 = vector.broadcast %lt3A_163 : i32 to vector<16xi32>
      %lt3A_165 = arith.cmpi slt, %sub3A_159, %lt3A_164 : vector<16xi32>
      %and3A_166 = arith.andi %ge3A_162, %lt3A_165 : vector<16xi1>
      %jit3A_167 = arith.constant 12500 : i32
      %broadcast_in_dim3A_168 = vector.broadcast %jit3A_167 : i32 to vector<16xi32>
      %select_n3A_169 = arith.select %and3A_166, %sub3A_159, %broadcast_in_dim3A_168 : vector<16xi1>, vector<16xi32>
      %swap3A_170 = arith.index_cast %rem3A_70 : i32 to index
      %swap3A_171 = arith.constant 48 : index
      %swap3A_172 = tpu.vector_load %arg10[%swap3A_170, %swap3A_171] {strides = array<i32>} : memref<2x80xi32, #tpu.memory_space<vmem>>, vector<1x16xi32>,
      %swap3A_173 = vector.shape_cast %swap3A_172 : vector<1x16xi32> to vector<16xi32>
      %swap3A_174 = vector.shape_cast %select_n3A_169 : vector<16xi32> to vector<1x16xi32>
      tpu.vector_store %arg10[%swap3A_170, %swap3A_171], %swap3A_174 {strides = array<i32>} : memref<2x80xi32, #tpu.memory_space<vmem>>, vector<1x16xi32>,
      %mul3A_175 = arith.constant 80 : i32
      %mul3A_176 = arith.muli %rem3A_72, %mul3A_175 : i32
      %add3A_177 = arith.constant 64 : i32
      %add3A_178 = arith.addi %mul3A_176, %add3A_177 : i32
      %get3A_179 = arith.index_cast %add3A_178 : i32 to index
      %get3A_180 = tpu.vector_load %arg9[%get3A_179] {strides = array<i32>} : memref<2000xi32, #tpu.memory_space<vmem>>, vector<16xi32>,
      %get3A_181 = vector.shape_cast %get3A_180 : vector<16xi32> to vector<16xi32>
      %sub3A_182 = vector.broadcast %mul3A_36 : i32 to vector<16xi32>
      %sub3A_183 = arith.subi %get3A_181, %sub3A_182 : vector<16xi32>
      %ge3A_184 = arith.constant 0 : i32
      %ge3A_185 = vector.broadcast %ge3A_184 : i32 to vector<16xi32>
      %ge3A_186 = arith.cmpi sge, %sub3A_183, %ge3A_185 : vector<16xi32>
      %lt3A_187 = arith.constant 12500 : i32
      %lt3A_188 = vector.broadcast %lt3A_187 : i32 to vector<16xi32>
      %lt3A_189 = arith.cmpi slt, %sub3A_183, %lt3A_188 : vector<16xi32>
      %and3A_190 = arith.andi %ge3A_186, %lt3A_189 : vector<16xi1>
      %jit3A_191 = arith.constant 12500 : i32
      %broadcast_in_dim3A_192 = vector.broadcast %jit3A_191 : i32 to vector<16xi32>
      %select_n3A_193 = arith.select %and3A_190, %sub3A_183, %broadcast_in_dim3A_192 : vector<16xi1>, vector<16xi32>
      %swap3A_194 = arith.index_cast %rem3A_70 : i32 to index
      %swap3A_195 = arith.constant 64 : index
      %swap3A_196 = tpu.vector_load %arg10[%swap3A_194, %swap3A_195] {strides = array<i32>} : memref<2x80xi32, #tpu.memory_space<vmem>>, vector<1x16xi32>,
      %swap3A_197 = vector.shape_cast %swap3A_196 : vector<1x16xi32> to vector<16xi32>
      %swap3A_198 = vector.shape_cast %select_n3A_193 : vector<16xi32> to vector<1x16xi32>
      tpu.vector_store %arg10[%swap3A_194, %swap3A_195], %swap3A_198 {strides = array<i32>} : memref<2x80xi32, #tpu.memory_space<vmem>>, vector<1x16xi32>,
      %gt3A = arith.constant 0 : i32
      %gt3A_199 = arith.cmpi sgt, %scan3A_68, %gt3A : i32
      %convert_element_type3A_200 = arith.extui %gt3A_199 : i1 to i32
      %cond3A_201 = arith.constant 0 : i32
      %cond3A_202 = arith.cmpi ne, %convert_element_type3A_200, %cond3A_201 : i32
      scf.if %cond3A_202 {
        %add3A_203 = arith.constant 1 : i32
        %add3A_204 = arith.addi %scan3A_68, %add3A_203 : i32
        %rem3A_205 = arith.constant 2 : i32
        %rem3A_206 = arith.remsi %add3A_204, %rem3A_205 : i32
        %mul3A_207 = arith.constant 80 : i32
        %mul3A_208 = arith.muli %rem3A_72, %mul3A_207 : i32
        %dma_wait3A_209 = arith.constant 0 : i32
        %dma_wait3A_210 = arith.constant 0 : i32
        %dma_wait3A_211 = tpu.memref_slice %arg11[%rem3A_206, %dma_wait3A_209, %dma_wait3A_210] : memref<2x80x128xf32, #tpu.memory_space<vmem>> -> memref<1x80x128xf32, #tpu.memory_space<vmem>>
        %dma_wait3A_212 = tpu.memref_squeeze %dma_wait3A_211 : memref<1x80x128xf32, #tpu.memory_space<vmem>> -> memref<80x128xf32, #tpu.memory_space<vmem>>
        %dma_wait3A_213 = tpu.memref_slice %arg8[%mul3A_208] : memref<2000xi32, #tpu.memory_space<vmem>> -> memref<80xi32, #tpu.memory_space<vmem>>
        %dma_wait3A_214 = arith.constant 0 : i32
        %dma_wait3A_215 = arith.constant 0 : i32
        %dma_wait3A_216 = tpu.memref_slice %arg2[%dma_wait3A_214, %dma_wait3A_215] : memref<50000x128xf32, #tpu.memory_space<hbm>> -> memref<50000x128xf32, #tpu.memory_space<hbm>>
        tpu.wait_indirect_dma semaphore(%arg12 : memref<!tpu.dma_semaphore, #tpu.memory_space<semaphore_mem>>) src(%dma_wait3A_216 : memref<50000x128xf32, #tpu.memory_space<hbm>>) dst(%dma_wait3A_212 : memref<80x128xf32, #tpu.memory_space<vmem>>)
        "tpu.region"() ({
          %run_scoped3A = tpu.sem_alloc : memref<!tpu.dma_semaphore, #tpu.memory_space<semaphore_mem>>
          %dma_start3A_217 = arith.constant 0 : i32
          %dma_start3A_218 = arith.constant 0 : i32
          %dma_start3A_219 = tpu.memref_slice %arg11[%rem3A_206, %dma_start3A_217, %dma_start3A_218] : memref<2x80x128xf32, #tpu.memory_space<vmem>> -> memref<1x80x128xf32, #tpu.memory_space<vmem>>
          %dma_start3A_220 = tpu.memref_squeeze %dma_start3A_219 : memref<1x80x128xf32, #tpu.memory_space<vmem>> -> memref<80x128xf32, #tpu.memory_space<vmem>>
          %dma_start3A_221 = arith.constant 0 : i32
          %dma_start3A_222 = tpu.memref_slice %arg10[%rem3A_206, %dma_start3A_221] : memref<2x80xi32, #tpu.memory_space<vmem>> -> memref<1x80xi32, #tpu.memory_space<vmem>>
          %dma_start3A_223 = tpu.memref_squeeze %dma_start3A_222 : memref<1x80xi32, #tpu.memory_space<vmem>> -> memref<80xi32, #tpu.memory_space<vmem>>
          %dma_start3A_224 = arith.constant 0 : i32
          %dma_start3A_225 = arith.constant 0 : i32
          %dma_start3A_226 = tpu.memref_slice %arg7[%dma_start3A_224, %dma_start3A_225] : memref<12512x128xf32, #tpu.memory_space<vmem_shared>> -> memref<12512x128xf32, #tpu.memory_space<vmem_shared>>
          tpu.enqueue_indirect_dma source(%dma_start3A_220 : memref<80x128xf32, #tpu.memory_space<vmem>>) target(%dma_start3A_226 : memref<12512x128xf32, #tpu.memory_space<vmem_shared>>) offsets(%dma_start3A_223 : memref<80xi32, #tpu.memory_space<vmem>>) semaphore(%run_scoped3A : memref<!tpu.dma_semaphore, #tpu.memory_space<semaphore_mem>>) {add = true}
          %dma_wait3A_227 = arith.constant 0 : i32
          %dma_wait3A_228 = arith.constant 0 : i32
          %dma_wait3A_229 = tpu.memref_slice %arg11[%rem3A_206, %dma_wait3A_227, %dma_wait3A_228] : memref<2x80x128xf32, #tpu.memory_space<vmem>> -> memref<1x80x128xf32, #tpu.memory_space<vmem>>
          %dma_wait3A_230 = tpu.memref_squeeze %dma_wait3A_229 : memref<1x80x128xf32, #tpu.memory_space<vmem>> -> memref<80x128xf32, #tpu.memory_space<vmem>>
          %dma_wait3A_231 = arith.constant 0 : i32
          %dma_wait3A_232 = tpu.memref_slice %arg10[%rem3A_206, %dma_wait3A_231] : memref<2x80xi32, #tpu.memory_space<vmem>> -> memref<1x80xi32, #tpu.memory_space<vmem>>
          %dma_wait3A_233 = tpu.memref_squeeze %dma_wait3A_232 : memref<1x80xi32, #tpu.memory_space<vmem>> -> memref<80xi32, #tpu.memory_space<vmem>>
          %dma_wait3A_234 = arith.constant 0 : i32
          %dma_wait3A_235 = arith.constant 0 : i32
          %dma_wait3A_236 = tpu.memref_slice %arg7[%dma_wait3A_234, %dma_wait3A_235] : memref<12512x128xf32, #tpu.memory_space<vmem_shared>> -> memref<12512x128xf32, #tpu.memory_space<vmem_shared>>
          tpu.wait_indirect_dma semaphore(%run_scoped3A : memref<!tpu.dma_semaphore, #tpu.memory_space<semaphore_mem>>) src(%dma_wait3A_230 : memref<80x128xf32, #tpu.memory_space<vmem>>) dst(%dma_wait3A_236 : memref<12512x128xf32, #tpu.memory_space<vmem_shared>>)
          tpu.yield
        }) : () -> ()
      } else {
      }
    }
    %scan3A_43 = arith.constant 625 : i32
    %rem3A_44 = arith.constant 626 : i32
    %rem3A_45 = arith.constant 2 : i32
    %rem3A_46 = arith.remsi %rem3A_44, %rem3A_45 : i32
    %dma_wait3A_47 = arith.constant 0 : i32
    %dma_wait3A_48 = arith.constant 0 : i32
    %dma_wait3A_49 = tpu.memref_slice %arg11[%rem3A_46, %dma_wait3A_47, %dma_wait3A_48] : memref<2x80x128xf32, #tpu.memory_space<vmem>> -> memref<1x80x128xf32, #tpu.memory_space<vmem>>
    %dma_wait3A_50 = tpu.memref_squeeze %dma_wait3A_49 : memref<1x80x128xf32, #tpu.memory_space<vmem>> -> memref<80x128xf32, #tpu.memory_space<vmem>>
    %dma_wait3A_51 = arith.constant 1920 : i32
    %dma_wait3A_52 = tpu.memref_slice %arg8[%dma_wait3A_51] : memref<2000xi32, #tpu.memory_space<vmem>> -> memref<80xi32, #tpu.memory_space<vmem>>
    %dma_wait3A_53 = arith.constant 0 : i32
    %dma_wait3A_54 = arith.constant 0 : i32
    %dma_wait3A_55 = tpu.memref_slice %arg2[%dma_wait3A_53, %dma_wait3A_54] : memref<50000x128xf32, #tpu.memory_space<hbm>> -> memref<50000x128xf32, #tpu.memory_space<hbm>>
    tpu.wait_indirect_dma semaphore(%arg12 : memref<!tpu.dma_semaphore, #tpu.memory_space<semaphore_mem>>) src(%dma_wait3A_55 : memref<50000x128xf32, #tpu.memory_space<hbm>>) dst(%dma_wait3A_50 : memref<80x128xf32, #tpu.memory_space<vmem>>)
    "tpu.region"() ({
      %run_scoped3A = tpu.sem_alloc : memref<!tpu.dma_semaphore, #tpu.memory_space<semaphore_mem>>
      %dma_start3A = arith.constant 0 : i32
      %dma_start3A_68 = arith.constant 0 : i32
      %dma_start3A_69 = tpu.memref_slice %arg11[%rem3A_46, %dma_start3A, %dma_start3A_68] : memref<2x80x128xf32, #tpu.memory_space<vmem>> -> memref<1x80x128xf32, #tpu.memory_space<vmem>>
      %dma_start3A_70 = tpu.memref_squeeze %dma_start3A_69 : memref<1x80x128xf32, #tpu.memory_space<vmem>> -> memref<80x128xf32, #tpu.memory_space<vmem>>
      %dma_start3A_71 = arith.constant 0 : i32
      %dma_start3A_72 = tpu.memref_slice %arg10[%rem3A_46, %dma_start3A_71] : memref<2x80xi32, #tpu.memory_space<vmem>> -> memref<1x80xi32, #tpu.memory_space<vmem>>
      %dma_start3A_73 = tpu.memref_squeeze %dma_start3A_72 : memref<1x80xi32, #tpu.memory_space<vmem>> -> memref<80xi32, #tpu.memory_space<vmem>>
      %dma_start3A_74 = arith.constant 0 : i32
      %dma_start3A_75 = arith.constant 0 : i32
      %dma_start3A_76 = tpu.memref_slice %arg7[%dma_start3A_74, %dma_start3A_75] : memref<12512x128xf32, #tpu.memory_space<vmem_shared>> -> memref<12512x128xf32, #tpu.memory_space<vmem_shared>>
      tpu.enqueue_indirect_dma source(%dma_start3A_70 : memref<80x128xf32, #tpu.memory_space<vmem>>) target(%dma_start3A_76 : memref<12512x128xf32, #tpu.memory_space<vmem_shared>>) offsets(%dma_start3A_73 : memref<80xi32, #tpu.memory_space<vmem>>) semaphore(%run_scoped3A : memref<!tpu.dma_semaphore, #tpu.memory_space<semaphore_mem>>) {add = true}
      %dma_wait3A_77 = arith.constant 0 : i32
      %dma_wait3A_78 = arith.constant 0 : i32
      %dma_wait3A_79 = tpu.memref_slice %arg11[%rem3A_46, %dma_wait3A_77, %dma_wait3A_78] : memref<2x80x128xf32, #tpu.memory_space<vmem>> -> memref<1x80x128xf32, #tpu.memory_space<vmem>>
      %dma_wait3A_80 = tpu.memref_squeeze %dma_wait3A_79 : memref<1x80x128xf32, #tpu.memory_space<vmem>> -> memref<80x128xf32, #tpu.memory_space<vmem>>
      %dma_wait3A_81 = arith.constant 0 : i32
      %dma_wait3A_82 = tpu.memref_slice %arg10[%rem3A_46, %dma_wait3A_81] : memref<2x80xi32, #tpu.memory_space<vmem>> -> memref<1x80xi32, #tpu.memory_space<vmem>>
      %dma_wait3A_83 = tpu.memref_squeeze %dma_wait3A_82 : memref<1x80xi32, #tpu.memory_space<vmem>> -> memref<80xi32, #tpu.memory_space<vmem>>
      %dma_wait3A_84 = arith.constant 0 : i32
      %dma_wait3A_85 = arith.constant 0 : i32
      %dma_wait3A_86 = tpu.memref_slice %arg7[%dma_wait3A_84, %dma_wait3A_85] : memref<12512x128xf32, #tpu.memory_space<vmem_shared>> -> memref<12512x128xf32, #tpu.memory_space<vmem_shared>>
      tpu.wait_indirect_dma semaphore(%run_scoped3A : memref<!tpu.dma_semaphore, #tpu.memory_space<semaphore_mem>>) src(%dma_wait3A_80 : memref<80x128xf32, #tpu.memory_space<vmem>>) dst(%dma_wait3A_86 : memref<12512x128xf32, #tpu.memory_space<vmem_shared>>)
      tpu.yield
    }) : () -> ()
    %barrier3A_56 = arith.constant 0 : index
    tpu.barrier barrier_id(%barrier3A_56)
    %lt3A_57 = arith.constant 4 : i32
    %lt3A_58 = arith.cmpi slt, %arg1, %lt3A_57 : i32
    %convert_element_type3A_59 = arith.extui %lt3A_58 : i1 to i32
    %cond3A_60 = arith.constant 0 : i32
    %cond3A_61 = arith.cmpi ne, %convert_element_type3A_59, %cond3A_60 : i32
    scf.if %cond3A_61 {
      %mul3A_68 = arith.constant 782 : i32
      %mul3A_69 = arith.muli %arg1, %mul3A_68 : i32
      %add3A_70 = arith.addi %mul3A_36, %mul3A_69 : i32
      "tpu.region"() ({
        %run_scoped3A = tpu.sem_alloc : memref<!tpu.dma_semaphore, #tpu.memory_space<semaphore_mem>>
        %dma_start3A = arith.constant 0 : i32
        %dma_start3A_71 = tpu.memref_slice %arg6[%add3A_70, %dma_start3A] : memref<50000x128xf32, #tpu.memory_space<hbm>> -> memref<782x128xf32, #tpu.memory_space<hbm>>
        %dma_start3A_72 = arith.constant 0 : i32
        %dma_start3A_73 = tpu.memref_slice %arg7[%mul3A_69, %dma_start3A_72] : memref<12512x128xf32, #tpu.memory_space<vmem_shared>> -> memref<782x128xf32, #tpu.memory_space<vmem_shared>>
        tpu.enqueue_dma source(%dma_start3A_73 : memref<782x128xf32, #tpu.memory_space<vmem_shared>>) target(%dma_start3A_71 : memref<782x128xf32, #tpu.memory_space<hbm>>) target_semaphore(%run_scoped3A : memref<!tpu.dma_semaphore, #tpu.memory_space<semaphore_mem>>)
        %dma_wait3A_74 = arith.constant 0 : i32
        %dma_wait3A_75 = tpu.memref_slice %arg6[%add3A_70, %dma_wait3A_74] : memref<50000x128xf32, #tpu.memory_space<hbm>> -> memref<782x128xf32, #tpu.memory_space<hbm>>
        %dma_wait3A_76 = arith.constant 0 : i32
        %dma_wait3A_77 = tpu.memref_slice %arg7[%mul3A_69, %dma_wait3A_76] : memref<12512x128xf32, #tpu.memory_space<vmem_shared>> -> memref<782x128xf32, #tpu.memory_space<vmem_shared>>
        tpu.wait_dma2 semaphore(%run_scoped3A : memref<!tpu.dma_semaphore, #tpu.memory_space<semaphore_mem>>) src(%dma_wait3A_77 : memref<782x128xf32, #tpu.memory_space<vmem_shared>>) dst(%dma_wait3A_75 : memref<782x128xf32, #tpu.memory_space<hbm>>)
        tpu.yield
      }) : () -> ()
    } else {
    }
    %ge3A_62 = arith.constant 4 : i32
    %ge3A_63 = arith.cmpi sge, %arg1, %ge3A_62 : i32
    %convert_element_type3A_64 = arith.extui %ge3A_63 : i1 to i32
    %cond3A_65 = arith.constant 0 : i32
    %cond3A_66 = arith.cmpi ne, %convert_element_type3A_64, %cond3A_65 : i32
    scf.if %cond3A_66 {
      %sub3A = arith.constant 4 : i32
      %sub3A_68 = arith.subi %arg1, %sub3A : i32
      %mul3A_69 = arith.constant 781 : i32
      %mul3A_70 = arith.muli %sub3A_68, %mul3A_69 : i32
      %add3A_71 = arith.constant 3128 : i32
      %add3A_72 = arith.addi %add3A_71, %mul3A_70 : i32
      %add3A_73 = arith.addi %mul3A_36, %add3A_72 : i32
      "tpu.region"() ({
        %run_scoped3A = tpu.sem_alloc : memref<!tpu.dma_semaphore, #tpu.memory_space<semaphore_mem>>
        %dma_start3A = arith.constant 0 : i32
        %dma_start3A_74 = tpu.memref_slice %arg6[%add3A_73, %dma_start3A] : memref<50000x128xf32, #tpu.memory_space<hbm>> -> memref<781x128xf32, #tpu.memory_space<hbm>>
        %dma_start3A_75 = arith.constant 0 : i32
        %dma_start3A_76 = tpu.memref_slice %arg7[%add3A_72, %dma_start3A_75] : memref<12512x128xf32, #tpu.memory_space<vmem_shared>> -> memref<781x128xf32, #tpu.memory_space<vmem_shared>>
        tpu.enqueue_dma source(%dma_start3A_76 : memref<781x128xf32, #tpu.memory_space<vmem_shared>>) target(%dma_start3A_74 : memref<781x128xf32, #tpu.memory_space<hbm>>) target_semaphore(%run_scoped3A : memref<!tpu.dma_semaphore, #tpu.memory_space<semaphore_mem>>)
        %dma_wait3A_77 = arith.constant 0 : i32
        %dma_wait3A_78 = tpu.memref_slice %arg6[%add3A_73, %dma_wait3A_77] : memref<50000x128xf32, #tpu.memory_space<hbm>> -> memref<781x128xf32, #tpu.memory_space<hbm>>
        %dma_wait3A_79 = arith.constant 0 : i32
        %dma_wait3A_80 = tpu.memref_slice %arg7[%add3A_72, %dma_wait3A_79] : memref<12512x128xf32, #tpu.memory_space<vmem_shared>> -> memref<781x128xf32, #tpu.memory_space<vmem_shared>>
        tpu.wait_dma2 semaphore(%run_scoped3A : memref<!tpu.dma_semaphore, #tpu.memory_space<semaphore_mem>>) src(%dma_wait3A_80 : memref<781x128xf32, #tpu.memory_space<vmem_shared>>) dst(%dma_wait3A_78 : memref<781x128xf32, #tpu.memory_space<hbm>>)
        tpu.yield
      }) : () -> ()
    } else {
    }
    %barrier3A_67 = arith.constant 0 : index
    tpu.barrier barrier_id(%barrier3A_67)
    return
  }
}

module attributes {stable_mosaic.version = 14 : i64} {
  func.func @_a1_body(%arg0: i32, %arg1: memref<1000x128xf32, #tpu.memory_space<vmem>>, %arg2: memref<1000x128xf32, #tpu.memory_space<vmem>>, %arg3: memref<128x128xf32, #tpu.memory_space<vmem>>, %arg4: memref<1x128xf32, #tpu.memory_space<vmem>>, %arg5: memref<128x128xf32, #tpu.memory_space<vmem>>, %arg6: memref<1x128xf32, #tpu.memory_space<vmem>>, %arg7: memref<128x127xf32, #tpu.memory_space<vmem>>, %arg8: memref<128x127xf32, #tpu.memory_space<vmem>>, %arg9: memref<1000x127xf32, #tpu.memory_space<vmem>>) attributes {dimension_semantics = [#tpu.dimension_semantics<arbitrary>], iteration_bounds = array<i64: 25>, scalar_prefetch = 0 : i64, scratch_operands = 0 : i64, tpu.core_type = #tpu.core_type<tc>, window_params = [{transform_indices = @transform_0, window_bounds = array<i64: 1000, 128>}, {transform_indices = @transform_1, window_bounds = array<i64: 1000, 128>}, {pipeline_mode = #tpu.pipeline_mode<synchronous>, transform_indices = @transform_2, window_bounds = array<i64: 128, 128>}, {pipeline_mode = #tpu.pipeline_mode<synchronous>, transform_indices = @transform_3, window_bounds = array<i64: 1, 128>}, {pipeline_mode = #tpu.pipeline_mode<synchronous>, transform_indices = @transform_4, window_bounds = array<i64: 128, 128>}, {pipeline_mode = #tpu.pipeline_mode<synchronous>, transform_indices = @transform_5, window_bounds = array<i64: 1, 128>}, {pipeline_mode = #tpu.pipeline_mode<synchronous>, transform_indices = @transform_6, window_bounds = array<i64: 128, 127>}, {pipeline_mode = #tpu.pipeline_mode<synchronous>, transform_indices = @transform_7, window_bounds = array<i64: 128, 127>}, {transform_indices = @transform_8, window_bounds = array<i64: 1000, 127>}]} {
    %get3A = arith.constant 0 : index
    %get3A_0 = arith.constant 0 : index
    %get3A_1 = vector.load %arg1[%get3A, %get3A_0] : memref<1000x128xf32, #tpu.memory_space<vmem>>, vector<1000x128xf32>
    %get3A_2 = arith.constant 0 : index
    %get3A_3 = arith.constant 0 : index
    %get3A_4 = vector.load %arg3[%get3A_2, %get3A_3] : memref<128x128xf32, #tpu.memory_space<vmem>>, vector<128x128xf32>
    %dot_general3A = arith.constant dense<0.000000e+00> : vector<1000x128xf32>
    %dot_general3A_5 = tpu.matmul %get3A_1, %get3A_4, %dot_general3A {dimension_numbers = #tpu.dot_dimension_numbers<[1], [0], [0], [1], [0, 0, 1, 1], [], []>, transpose_lhs_hint = false} : vector<1000x128xf32>, vector<128x128xf32>, vector<1000x128xf32> -> vector<1000x128xf32>
    %get3A_6 = arith.constant 0 : index
    %get3A_7 = arith.constant 0 : index
    %get3A_8 = vector.load %arg4[%get3A_6, %get3A_7] : memref<1x128xf32, #tpu.memory_space<vmem>>, vector<1x128xf32>
    %add3A = vector.broadcast %get3A_8 : vector<1x128xf32> to vector<1000x128xf32>
    %add3A_9 = arith.addf %dot_general3A_5, %add3A : vector<1000x128xf32>
    %ge3A = arith.constant 0.000000e+00 : f32
    %ge3A_10 = vector.broadcast %ge3A : f32 to vector<1000x128xf32>
    %ge3A_11 = arith.cmpf oge, %add3A_9, %ge3A_10 : vector<1000x128xf32>
    %mul3A = arith.constant 3.000000e-01 : f32
    %mul3A_12 = vector.broadcast %mul3A : f32 to vector<1000x128xf32>
    %mul3A_13 = arith.mulf %mul3A_12, %add3A_9 : vector<1000x128xf32>
    %select_n3A = arith.select %ge3A_11, %add3A_9, %mul3A_13 : vector<1000x128xi1>, vector<1000x128xf32>
    %get3A_14 = arith.constant 0 : index
    %get3A_15 = arith.constant 0 : index
    %get3A_16 = vector.load %arg2[%get3A_14, %get3A_15] : memref<1000x128xf32, #tpu.memory_space<vmem>>, vector<1000x128xf32>
    %get3A_17 = arith.constant 0 : index
    %get3A_18 = arith.constant 0 : index
    %get3A_19 = vector.load %arg5[%get3A_17, %get3A_18] : memref<128x128xf32, #tpu.memory_space<vmem>>, vector<128x128xf32>
    %dot_general3A_20 = arith.constant dense<0.000000e+00> : vector<1000x128xf32>
    %dot_general3A_21 = tpu.matmul %get3A_16, %get3A_19, %dot_general3A_20 {dimension_numbers = #tpu.dot_dimension_numbers<[1], [0], [0], [1], [0, 0, 1, 1], [], []>, transpose_lhs_hint = false} : vector<1000x128xf32>, vector<128x128xf32>, vector<1000x128xf32> -> vector<1000x128xf32>
    %get3A_22 = arith.constant 0 : index
    %get3A_23 = arith.constant 0 : index
    %get3A_24 = vector.load %arg6[%get3A_22, %get3A_23] : memref<1x128xf32, #tpu.memory_space<vmem>>, vector<1x128xf32>
    %add3A_25 = vector.broadcast %get3A_24 : vector<1x128xf32> to vector<1000x128xf32>
    %add3A_26 = arith.addf %dot_general3A_21, %add3A_25 : vector<1000x128xf32>
    %ge3A_27 = arith.constant 0.000000e+00 : f32
    %ge3A_28 = vector.broadcast %ge3A_27 : f32 to vector<1000x128xf32>
    %ge3A_29 = arith.cmpf oge, %add3A_26, %ge3A_28 : vector<1000x128xf32>
    %mul3A_30 = arith.constant 3.000000e-01 : f32
    %mul3A_31 = vector.broadcast %mul3A_30 : f32 to vector<1000x128xf32>
    %mul3A_32 = arith.mulf %mul3A_31, %add3A_26 : vector<1000x128xf32>
    %select_n3A_33 = arith.select %ge3A_29, %add3A_26, %mul3A_32 : vector<1000x128xi1>, vector<1000x128xf32>
    %get3A_34 = arith.constant 0 : index
    %get3A_35 = arith.constant 0 : index
    %get3A_36 = vector.load %arg7[%get3A_34, %get3A_35] : memref<128x127xf32, #tpu.memory_space<vmem>>, vector<128x127xf32>
    %dot_general3A_37 = arith.constant dense<0.000000e+00> : vector<1000x127xf32>
    %dot_general3A_38 = tpu.matmul %select_n3A, %get3A_36, %dot_general3A_37 {dimension_numbers = #tpu.dot_dimension_numbers<[1], [0], [0], [1], [0, 0, 1, 1], [], []>, transpose_lhs_hint = false} : vector<1000x128xf32>, vector<128x127xf32>, vector<1000x127xf32> -> vector<1000x127xf32>
    %get3A_39 = arith.constant 0 : index
    %get3A_40 = arith.constant 0 : index
    %get3A_41 = vector.load %arg8[%get3A_39, %get3A_40] : memref<128x127xf32, #tpu.memory_space<vmem>>, vector<128x127xf32>
    %dot_general3A_42 = arith.constant dense<0.000000e+00> : vector<1000x127xf32>
    %dot_general3A_43 = tpu.matmul %select_n3A_33, %get3A_41, %dot_general3A_42 {dimension_numbers = #tpu.dot_dimension_numbers<[1], [0], [0], [1], [0, 0, 1, 1], [], []>, transpose_lhs_hint = false} : vector<1000x128xf32>, vector<128x127xf32>, vector<1000x127xf32> -> vector<1000x127xf32>
    %add3A_44 = arith.addf %dot_general3A_38, %dot_general3A_43 : vector<1000x127xf32>
    %swap3A = arith.constant 0 : index
    %swap3A_45 = arith.constant 0 : index
    %swap3A_46 = vector.load %arg9[%swap3A, %swap3A_45] : memref<1000x127xf32, #tpu.memory_space<vmem>>, vector<1000x127xf32>
    tpu.vector_store %arg9[%swap3A, %swap3A_45], %add3A_44 {strides = array<i32>} : memref<1000x127xf32, #tpu.memory_space<vmem>>, vector<1000x127xf32>,
    return
  }
  func.func @transform_0(%arg0: i32) -> (i32, i32) {
    %c0_i32 = arith.constant 0 : i32
    %c0_i32_0 = arith.constant 0 : i32
    return %arg0, %c0_i32 : i32, i32
  }
  func.func @transform_1(%arg0: i32) -> (i32, i32) {
    %c0_i32 = arith.constant 0 : i32
    %c0_i32_0 = arith.constant 0 : i32
    return %arg0, %c0_i32 : i32, i32
  }
  func.func @transform_2(%arg0: i32) -> (i32, i32) {
    %c0_i32 = arith.constant 0 : i32
    %c0_i32_0 = arith.constant 0 : i32
    %c0_i32_1 = arith.constant 0 : i32
    return %c0_i32, %c0_i32_0 : i32, i32
  }
  func.func @transform_3(%arg0: i32) -> (i32, i32) {
    %c0_i32 = arith.constant 0 : i32
    %c0_i32_0 = arith.constant 0 : i32
    %c0_i32_1 = arith.constant 0 : i32
    return %c0_i32, %c0_i32_0 : i32, i32
  }
  func.func @transform_4(%arg0: i32) -> (i32, i32) {
    %c0_i32 = arith.constant 0 : i32
    %c0_i32_0 = arith.constant 0 : i32
    %c0_i32_1 = arith.constant 0 : i32
    return %c0_i32, %c0_i32_0 : i32, i32
  }
  func.func @transform_5(%arg0: i32) -> (i32, i32) {
    %c0_i32 = arith.constant 0 : i32
    %c0_i32_0 = arith.constant 0 : i32
    %c0_i32_1 = arith.constant 0 : i32
    return %c0_i32, %c0_i32_0 : i32, i32
  }
  func.func @transform_6(%arg0: i32) -> (i32, i32) {
    %c0_i32 = arith.constant 0 : i32
    %c0_i32_0 = arith.constant 0 : i32
    %c0_i32_1 = arith.constant 0 : i32
    return %c0_i32, %c0_i32_0 : i32, i32
  }
  func.func @transform_7(%arg0: i32) -> (i32, i32) {
    %c0_i32 = arith.constant 0 : i32
    %c0_i32_0 = arith.constant 0 : i32
    %c0_i32_1 = arith.constant 0 : i32
    return %c0_i32, %c0_i32_0 : i32, i32
  }
  func.func @transform_8(%arg0: i32) -> (i32, i32) {
    %c0_i32 = arith.constant 0 : i32
    %c0_i32_0 = arith.constant 0 : i32
    return %arg0, %c0_i32 : i32, i32
  }
}

module attributes {stable_mosaic.version = 14 : i64} {
  func.func @_a2_body(%arg0: i32, %arg1: memref<1000x127xf32, #tpu.memory_space<vmem>>, %arg2: memref<1000x127xf32, #tpu.memory_space<vmem>>, %arg3: memref<1000x1xf32, #tpu.memory_space<vmem>>, %arg4: memref<127x127xf32, #tpu.memory_space<vmem>>, %arg5: memref<1x127xf32, #tpu.memory_space<vmem>>, %arg6: memref<127x127xf32, #tpu.memory_space<vmem>>, %arg7: memref<1x127xf32, #tpu.memory_space<vmem>>, %arg8: memref<128x128xf32, #tpu.memory_space<vmem>>, %arg9: memref<1000x128xf32, #tpu.memory_space<vmem>>, %arg10: memref<1000x128xf32, #tpu.memory_space<vmem>>) attributes {dimension_semantics = [#tpu.dimension_semantics<arbitrary>], iteration_bounds = array<i64: 50>, scalar_prefetch = 0 : i64, scratch_operands = 0 : i64, tpu.core_type = #tpu.core_type<tc>, window_params = [{transform_indices = @transform_0, window_bounds = array<i64: 1000, 127>}, {transform_indices = @transform_1, window_bounds = array<i64: 1000, 127>}, {transform_indices = @transform_2, window_bounds = array<i64: 1000, 1>}, {pipeline_mode = #tpu.pipeline_mode<synchronous>, transform_indices = @transform_3, window_bounds = array<i64: 127, 127>}, {pipeline_mode = #tpu.pipeline_mode<synchronous>, transform_indices = @transform_4, window_bounds = array<i64: 1, 127>}, {pipeline_mode = #tpu.pipeline_mode<synchronous>, transform_indices = @transform_5, window_bounds = array<i64: 127, 127>}, {pipeline_mode = #tpu.pipeline_mode<synchronous>, transform_indices = @transform_6, window_bounds = array<i64: 1, 127>}, {pipeline_mode = #tpu.pipeline_mode<synchronous>, transform_indices = @transform_7, window_bounds = array<i64: 128, 128>}, {transform_indices = @transform_8, window_bounds = array<i64: 1000, 128>}, {transform_indices = @transform_9, window_bounds = array<i64: 1000, 128>}]} {
    %get3A = arith.constant 0 : index
    %get3A_0 = arith.constant 0 : index
    %get3A_1 = vector.load %arg1[%get3A, %get3A_0] : memref<1000x127xf32, #tpu.memory_space<vmem>>, vector<1000x127xf32>
    %get3A_2 = arith.constant 0 : index
    %get3A_3 = arith.constant 0 : index
    %get3A_4 = vector.load %arg4[%get3A_2, %get3A_3] : memref<127x127xf32, #tpu.memory_space<vmem>>, vector<127x127xf32>
    %dot_general3A = arith.constant dense<0.000000e+00> : vector<1000x127xf32>
    %dot_general3A_5 = tpu.matmul %get3A_1, %get3A_4, %dot_general3A {dimension_numbers = #tpu.dot_dimension_numbers<[1], [0], [0], [1], [0, 0, 1, 1], [], []>, transpose_lhs_hint = false} : vector<1000x127xf32>, vector<127x127xf32>, vector<1000x127xf32> -> vector<1000x127xf32>
    %get3A_6 = arith.constant 0 : index
    %get3A_7 = arith.constant 0 : index
    %get3A_8 = vector.load %arg5[%get3A_6, %get3A_7] : memref<1x127xf32, #tpu.memory_space<vmem>>, vector<1x127xf32>
    %add3A = vector.broadcast %get3A_8 : vector<1x127xf32> to vector<1000x127xf32>
    %add3A_9 = arith.addf %dot_general3A_5, %add3A : vector<1000x127xf32>
    %ge3A = arith.constant 0.000000e+00 : f32
    %ge3A_10 = vector.broadcast %ge3A : f32 to vector<1000x127xf32>
    %ge3A_11 = arith.cmpf oge, %add3A_9, %ge3A_10 : vector<1000x127xf32>
    %mul3A = arith.constant 3.000000e-01 : f32
    %mul3A_12 = vector.broadcast %mul3A : f32 to vector<1000x127xf32>
    %mul3A_13 = arith.mulf %mul3A_12, %add3A_9 : vector<1000x127xf32>
    %select_n3A = arith.select %ge3A_11, %add3A_9, %mul3A_13 : vector<1000x127xi1>, vector<1000x127xf32>
    %get3A_14 = arith.constant 0 : index
    %get3A_15 = arith.constant 0 : index
    %get3A_16 = vector.load %arg2[%get3A_14, %get3A_15] : memref<1000x127xf32, #tpu.memory_space<vmem>>, vector<1000x127xf32>
    %get3A_17 = arith.constant 0 : index
    %get3A_18 = arith.constant 0 : index
    %get3A_19 = vector.load %arg6[%get3A_17, %get3A_18] : memref<127x127xf32, #tpu.memory_space<vmem>>, vector<127x127xf32>
    %dot_general3A_20 = arith.constant dense<0.000000e+00> : vector<1000x127xf32>
    %dot_general3A_21 = tpu.matmul %select_n3A, %get3A_19, %dot_general3A_20 {dimension_numbers = #tpu.dot_dimension_numbers<[1], [0], [0], [1], [0, 0, 1, 1], [], []>, transpose_lhs_hint = false} : vector<1000x127xf32>, vector<127x127xf32>, vector<1000x127xf32> -> vector<1000x127xf32>
    %add3A_22 = arith.addf %get3A_16, %dot_general3A_21 : vector<1000x127xf32>
    %get3A_23 = arith.constant 0 : index
    %get3A_24 = arith.constant 0 : index
    %get3A_25 = vector.load %arg7[%get3A_23, %get3A_24] : memref<1x127xf32, #tpu.memory_space<vmem>>, vector<1x127xf32>
    %add3A_26 = vector.broadcast %get3A_25 : vector<1x127xf32> to vector<1000x127xf32>
    %add3A_27 = arith.addf %add3A_22, %add3A_26 : vector<1000x127xf32>
    %get3A_28 = arith.constant 0 : index
    %get3A_29 = arith.constant 0 : index
    %get3A_30 = vector.load %arg3[%get3A_28, %get3A_29] : memref<1000x1xf32, #tpu.memory_space<vmem>>, vector<1000x1xf32>
    %concatenate3A = tpu.concatenate %add3A_27, %get3A_30 in 1 : vector<1000x127xf32>, vector<1000x1xf32> -> vector<1000x128xf32>
    %swap3A = arith.constant 0 : index
    %swap3A_31 = arith.constant 0 : index
    %swap3A_32 = vector.load %arg9[%swap3A, %swap3A_31] : memref<1000x128xf32, #tpu.memory_space<vmem>>, vector<1000x128xf32>
    tpu.vector_store %arg9[%swap3A, %swap3A_31], %concatenate3A {strides = array<i32>} : memref<1000x128xf32, #tpu.memory_space<vmem>>, vector<1000x128xf32>,
    %get3A_33 = arith.constant 0 : index
    %get3A_34 = arith.constant 0 : index
    %get3A_35 = vector.load %arg8[%get3A_33, %get3A_34] : memref<128x128xf32, #tpu.memory_space<vmem>>, vector<128x128xf32>
    %dot_general3A_36 = arith.constant dense<0.000000e+00> : vector<1000x128xf32>
    %dot_general3A_37 = tpu.matmul %concatenate3A, %get3A_35, %dot_general3A_36 {dimension_numbers = #tpu.dot_dimension_numbers<[1], [0], [0], [1], [0, 0, 1, 1], [], []>, transpose_lhs_hint = false} : vector<1000x128xf32>, vector<128x128xf32>, vector<1000x128xf32> -> vector<1000x128xf32>
    %swap3A_38 = arith.constant 0 : index
    %swap3A_39 = arith.constant 0 : index
    %swap3A_40 = vector.load %arg10[%swap3A_38, %swap3A_39] : memref<1000x128xf32, #tpu.memory_space<vmem>>, vector<1000x128xf32>
    tpu.vector_store %arg10[%swap3A_38, %swap3A_39], %dot_general3A_37 {strides = array<i32>} : memref<1000x128xf32, #tpu.memory_space<vmem>>, vector<1000x128xf32>,
    return
  }
  func.func @transform_0(%arg0: i32) -> (i32, i32) {
    %c0_i32 = arith.constant 0 : i32
    %c0_i32_0 = arith.constant 0 : i32
    return %arg0, %c0_i32 : i32, i32
  }
  func.func @transform_1(%arg0: i32) -> (i32, i32) {
    %jit3A = arith.constant 25 : i32
    %eq3A = arith.constant 0 : i32
    %eq3A_0 = arith.cmpi eq, %jit3A, %eq3A : i32
    %jit3A_1 = arith.constant 1 : i32
    %select_n3A = arith.select %eq3A_0, %jit3A_1, %jit3A : i32
    %rem3A = arith.remsi %arg0, %select_n3A : i32
    %ne3A = arith.constant 0 : i32
    %ne3A_2 = arith.cmpi ne, %rem3A, %ne3A : i32
    %lt3A = arith.constant 0 : i32
    %lt3A_3 = arith.cmpi slt, %rem3A, %lt3A : i32
    %lt3A_4 = arith.constant 0 : i32
    %lt3A_5 = arith.cmpi slt, %select_n3A, %lt3A_4 : i32
    %ne3A_6 = arith.xori %lt3A_3, %lt3A_5 : i1
    %and3A = arith.andi %ne3A_6, %ne3A_2 : i1
    %add3A = arith.addi %rem3A, %select_n3A : i32
    %select_n3A_7 = arith.select %and3A, %add3A, %rem3A : i32
    %c0_i32 = arith.constant 0 : i32
    %c0_i32_8 = arith.constant 0 : i32
    return %select_n3A_7, %c0_i32 : i32, i32
  }
  func.func @transform_2(%arg0: i32) -> (i32, i32) {
    %c0_i32 = arith.constant 0 : i32
    %c0_i32_0 = arith.constant 0 : i32
    return %arg0, %c0_i32 : i32, i32
  }
  func.func @transform_3(%arg0: i32) -> (i32, i32) {
    %c0_i32 = arith.constant 0 : i32
    %c0_i32_0 = arith.constant 0 : i32
    %c0_i32_1 = arith.constant 0 : i32
    return %c0_i32, %c0_i32_0 : i32, i32
  }
  func.func @transform_4(%arg0: i32) -> (i32, i32) {
    %c0_i32 = arith.constant 0 : i32
    %c0_i32_0 = arith.constant 0 : i32
    %c0_i32_1 = arith.constant 0 : i32
    return %c0_i32, %c0_i32_0 : i32, i32
  }
  func.func @transform_5(%arg0: i32) -> (i32, i32) {
    %c0_i32 = arith.constant 0 : i32
    %c0_i32_0 = arith.constant 0 : i32
    %c0_i32_1 = arith.constant 0 : i32
    return %c0_i32, %c0_i32_0 : i32, i32
  }
  func.func @transform_6(%arg0: i32) -> (i32, i32) {
    %c0_i32 = arith.constant 0 : i32
    %c0_i32_0 = arith.constant 0 : i32
    %c0_i32_1 = arith.constant 0 : i32
    return %c0_i32, %c0_i32_0 : i32, i32
  }
  func.func @transform_7(%arg0: i32) -> (i32, i32) {
    %c0_i32 = arith.constant 0 : i32
    %c0_i32_0 = arith.constant 0 : i32
    %c0_i32_1 = arith.constant 0 : i32
    return %c0_i32, %c0_i32_0 : i32, i32
  }
  func.func @transform_8(%arg0: i32) -> (i32, i32) {
    %c0_i32 = arith.constant 0 : i32
    %c0_i32_0 = arith.constant 0 : i32
    return %arg0, %c0_i32 : i32, i32
  }
  func.func @transform_9(%arg0: i32) -> (i32, i32) {
    %c0_i32 = arith.constant 0 : i32
    %c0_i32_0 = arith.constant 0 : i32
    return %arg0, %c0_i32 : i32, i32
  }
}

module attributes {stable_mosaic.version = 14 : i64} {
  func.func @_b_body(%arg0: i32, %arg1: memref<1000x128xf32, #tpu.memory_space<vmem>>, %arg2: memref<1000x1xf32, #tpu.memory_space<vmem>>, %arg3: memref<1000x128xf32, #tpu.memory_space<vmem>>, %arg4: memref<1000x127xf32, #tpu.memory_space<vmem>>, %arg5: memref<1000x127xf32, #tpu.memory_space<vmem>>, %arg6: memref<1000x1xf32, #tpu.memory_space<vmem>>, %arg7: memref<128x128xf32, #tpu.memory_space<vmem>>, %arg8: memref<1x128xf32, #tpu.memory_space<vmem>>, %arg9: memref<128x128xf32, #tpu.memory_space<vmem>>, %arg10: memref<1x128xf32, #tpu.memory_space<vmem>>, %arg11: memref<128x128xf32, #tpu.memory_space<vmem>>, %arg12: memref<1000x128xf32, #tpu.memory_space<vmem>>, %arg13: memref<1000x128xf32, #tpu.memory_space<vmem>>) attributes {dimension_semantics = [#tpu.dimension_semantics<arbitrary>], iteration_bounds = array<i64: 50>, scalar_prefetch = 0 : i64, scratch_operands = 0 : i64, tpu.core_type = #tpu.core_type<tc>, window_params = [{transform_indices = @transform_0, window_bounds = array<i64: 1000, 128>}, {transform_indices = @transform_1, window_bounds = array<i64: 1000, 1>}, {transform_indices = @transform_2, window_bounds = array<i64: 1000, 128>}, {transform_indices = @transform_3, window_bounds = array<i64: 1000, 127>}, {transform_indices = @transform_4, window_bounds = array<i64: 1000, 127>}, {transform_indices = @transform_5, window_bounds = array<i64: 1000, 1>}, {pipeline_mode = #tpu.pipeline_mode<synchronous>, transform_indices = @transform_6, window_bounds = array<i64: 128, 128>}, {pipeline_mode = #tpu.pipeline_mode<synchronous>, transform_indices = @transform_7, window_bounds = array<i64: 1, 128>}, {pipeline_mode = #tpu.pipeline_mode<synchronous>, transform_indices = @transform_8, window_bounds = array<i64: 128, 128>}, {pipeline_mode = #tpu.pipeline_mode<synchronous>, transform_indices = @transform_9, window_bounds = array<i64: 1, 128>}, {pipeline_mode = #tpu.pipeline_mode<synchronous>, transform_indices = @transform_10, window_bounds = array<i64: 128, 128>}, {transform_indices = @transform_11, window_bounds = array<i64: 1000, 128>}, {transform_indices = @transform_12, window_bounds = array<i64: 1000, 128>}]} {
    %get3A = arith.constant 0 : index
    %get3A_0 = arith.constant 0 : index
    %get3A_1 = vector.load %arg1[%get3A, %get3A_0] : memref<1000x128xf32, #tpu.memory_space<vmem>>, vector<1000x128xf32>
    %get3A_2 = arith.constant 0 : index
    %get3A_3 = arith.constant 0 : index
    %get3A_4 = vector.load %arg2[%get3A_2, %get3A_3] : memref<1000x1xf32, #tpu.memory_space<vmem>>, vector<1000x1xf32>
    %max3A = arith.constant 1.000000e+00 : f32
    %max3A_5 = vector.broadcast %max3A : f32 to vector<1000x1xf32>
    %max3A_6 = arith.maximumf %get3A_4, %max3A_5 : vector<1000x1xf32>
    %div3A = vector.broadcast %max3A_6 : vector<1000x1xf32> to vector<1000x128xf32>
    %div3A_7 = arith.divf %get3A_1, %div3A : vector<1000x128xf32>
    %get3A_8 = arith.constant 0 : index
    %get3A_9 = arith.constant 0 : index
    %get3A_10 = vector.load %arg3[%get3A_8, %get3A_9] : memref<1000x128xf32, #tpu.memory_space<vmem>>, vector<1000x128xf32>
    %get3A_11 = arith.constant 0 : index
    %get3A_12 = arith.constant 0 : index
    %get3A_13 = vector.load %arg7[%get3A_11, %get3A_12] : memref<128x128xf32, #tpu.memory_space<vmem>>, vector<128x128xf32>
    %dot_general3A = arith.constant dense<0.000000e+00> : vector<1000x128xf32>
    %dot_general3A_14 = tpu.matmul %get3A_10, %get3A_13, %dot_general3A {dimension_numbers = #tpu.dot_dimension_numbers<[1], [0], [0], [1], [0, 0, 1, 1], [], []>, transpose_lhs_hint = false} : vector<1000x128xf32>, vector<128x128xf32>, vector<1000x128xf32> -> vector<1000x128xf32>
    %add3A = arith.addf %dot_general3A_14, %div3A_7 : vector<1000x128xf32>
    %get3A_15 = arith.constant 0 : index
    %get3A_16 = arith.constant 0 : index
    %get3A_17 = vector.load %arg8[%get3A_15, %get3A_16] : memref<1x128xf32, #tpu.memory_space<vmem>>, vector<1x128xf32>
    %add3A_18 = vector.broadcast %get3A_17 : vector<1x128xf32> to vector<1000x128xf32>
    %add3A_19 = arith.addf %add3A, %add3A_18 : vector<1000x128xf32>
    %get3A_20 = arith.constant 0 : index
    %get3A_21 = arith.constant 0 : index
    %get3A_22 = vector.load %arg4[%get3A_20, %get3A_21] : memref<1000x127xf32, #tpu.memory_space<vmem>>, vector<1000x127xf32>
    %get3A_23 = arith.constant 0 : index
    %get3A_24 = arith.constant 0 : index
    %get3A_25 = vector.load %arg6[%get3A_23, %get3A_24] : memref<1000x1xf32, #tpu.memory_space<vmem>>, vector<1000x1xf32>
    %concatenate3A = tpu.concatenate %get3A_22, %get3A_25 in 1 : vector<1000x127xf32>, vector<1000x1xf32> -> vector<1000x128xf32>
    %get3A_26 = arith.constant 0 : index
    %get3A_27 = arith.constant 0 : index
    %get3A_28 = vector.load %arg5[%get3A_26, %get3A_27] : memref<1000x127xf32, #tpu.memory_space<vmem>>, vector<1000x127xf32>
    %get3A_29 = arith.constant 0 : index
    %get3A_30 = arith.constant 0 : index
    %get3A_31 = vector.load %arg6[%get3A_29, %get3A_30] : memref<1000x1xf32, #tpu.memory_space<vmem>>, vector<1000x1xf32>
    %concatenate3A_32 = tpu.concatenate %get3A_28, %get3A_31 in 1 : vector<1000x127xf32>, vector<1000x1xf32> -> vector<1000x128xf32>
    %ge3A = arith.constant 0.000000e+00 : f32
    %ge3A_33 = vector.broadcast %ge3A : f32 to vector<1000x128xf32>
    %ge3A_34 = arith.cmpf oge, %add3A_19, %ge3A_33 : vector<1000x128xf32>
    %mul3A = arith.constant 3.000000e-01 : f32
    %mul3A_35 = vector.broadcast %mul3A : f32 to vector<1000x128xf32>
    %mul3A_36 = arith.mulf %mul3A_35, %add3A_19 : vector<1000x128xf32>
    %select_n3A = arith.select %ge3A_34, %add3A_19, %mul3A_36 : vector<1000x128xi1>, vector<1000x128xf32>
    %add3A_37 = arith.addf %select_n3A, %concatenate3A : vector<1000x128xf32>
    %get3A_38 = arith.constant 0 : index
    %get3A_39 = arith.constant 0 : index
    %get3A_40 = vector.load %arg9[%get3A_38, %get3A_39] : memref<128x128xf32, #tpu.memory_space<vmem>>, vector<128x128xf32>
    %dot_general3A_41 = arith.constant dense<0.000000e+00> : vector<1000x128xf32>
    %dot_general3A_42 = tpu.matmul %concatenate3A_32, %get3A_40, %dot_general3A_41 {dimension_numbers = #tpu.dot_dimension_numbers<[1], [0], [0], [1], [0, 0, 1, 1], [], []>, transpose_lhs_hint = false} : vector<1000x128xf32>, vector<128x128xf32>, vector<1000x128xf32> -> vector<1000x128xf32>
    %add3A_43 = arith.addf %add3A_37, %dot_general3A_42 : vector<1000x128xf32>
    %get3A_44 = arith.constant 0 : index
    %get3A_45 = arith.constant 0 : index
    %get3A_46 = vector.load %arg10[%get3A_44, %get3A_45] : memref<1x128xf32, #tpu.memory_space<vmem>>, vector<1x128xf32>
    %add3A_47 = vector.broadcast %get3A_46 : vector<1x128xf32> to vector<1000x128xf32>
    %add3A_48 = arith.addf %add3A_43, %add3A_47 : vector<1000x128xf32>
    %swap3A = arith.constant 0 : index
    %swap3A_49 = arith.constant 0 : index
    %swap3A_50 = vector.load %arg12[%swap3A, %swap3A_49] : memref<1000x128xf32, #tpu.memory_space<vmem>>, vector<1000x128xf32>
    tpu.vector_store %arg12[%swap3A, %swap3A_49], %add3A_48 {strides = array<i32>} : memref<1000x128xf32, #tpu.memory_space<vmem>>, vector<1000x128xf32>,
    %get3A_51 = arith.constant 0 : index
    %get3A_52 = arith.constant 0 : index
    %get3A_53 = vector.load %arg11[%get3A_51, %get3A_52] : memref<128x128xf32, #tpu.memory_space<vmem>>, vector<128x128xf32>
    %dot_general3A_54 = arith.constant dense<0.000000e+00> : vector<1000x128xf32>
    %dot_general3A_55 = tpu.matmul %add3A_48, %get3A_53, %dot_general3A_54 {dimension_numbers = #tpu.dot_dimension_numbers<[1], [0], [0], [1], [0, 0, 1, 1], [], []>, transpose_lhs_hint = false} : vector<1000x128xf32>, vector<128x128xf32>, vector<1000x128xf32> -> vector<1000x128xf32>
    %swap3A_56 = arith.constant 0 : index
    %swap3A_57 = arith.constant 0 : index
    %swap3A_58 = vector.load %arg13[%swap3A_56, %swap3A_57] : memref<1000x128xf32, #tpu.memory_space<vmem>>, vector<1000x128xf32>
    tpu.vector_store %arg13[%swap3A_56, %swap3A_57], %dot_general3A_55 {strides = array<i32>} : memref<1000x128xf32, #tpu.memory_space<vmem>>, vector<1000x128xf32>,
    return
  }
  func.func @transform_0(%arg0: i32) -> (i32, i32) {
    %c0_i32 = arith.constant 0 : i32
    %c0_i32_0 = arith.constant 0 : i32
    return %arg0, %c0_i32 : i32, i32
  }
  func.func @transform_1(%arg0: i32) -> (i32, i32) {
    %c0_i32 = arith.constant 0 : i32
    %c0_i32_0 = arith.constant 0 : i32
    return %arg0, %c0_i32 : i32, i32
  }
  func.func @transform_2(%arg0: i32) -> (i32, i32) {
    %c0_i32 = arith.constant 0 : i32
    %c0_i32_0 = arith.constant 0 : i32
    return %arg0, %c0_i32 : i32, i32
  }
  func.func @transform_3(%arg0: i32) -> (i32, i32) {
    %c0_i32 = arith.constant 0 : i32
    %c0_i32_0 = arith.constant 0 : i32
    return %arg0, %c0_i32 : i32, i32
  }
  func.func @transform_4(%arg0: i32) -> (i32, i32) {
    %c0_i32 = arith.constant 0 : i32
    %c0_i32_0 = arith.constant 0 : i32
    return %arg0, %c0_i32 : i32, i32
  }
  func.func @transform_5(%arg0: i32) -> (i32, i32) {
    %c0_i32 = arith.constant 0 : i32
    %c0_i32_0 = arith.constant 0 : i32
    return %arg0, %c0_i32 : i32, i32
  }
  func.func @transform_6(%arg0: i32) -> (i32, i32) {
    %c0_i32 = arith.constant 0 : i32
    %c0_i32_0 = arith.constant 0 : i32
    %c0_i32_1 = arith.constant 0 : i32
    return %c0_i32, %c0_i32_0 : i32, i32
  }
  func.func @transform_7(%arg0: i32) -> (i32, i32) {
    %c0_i32 = arith.constant 0 : i32
    %c0_i32_0 = arith.constant 0 : i32
    %c0_i32_1 = arith.constant 0 : i32
    return %c0_i32, %c0_i32_0 : i32, i32
  }
  func.func @transform_8(%arg0: i32) -> (i32, i32) {
    %c0_i32 = arith.constant 0 : i32
    %c0_i32_0 = arith.constant 0 : i32
    %c0_i32_1 = arith.constant 0 : i32
    return %c0_i32, %c0_i32_0 : i32, i32
  }
  func.func @transform_9(%arg0: i32) -> (i32, i32) {
    %c0_i32 = arith.constant 0 : i32
    %c0_i32_0 = arith.constant 0 : i32
    %c0_i32_1 = arith.constant 0 : i32
    return %c0_i32, %c0_i32_0 : i32, i32
  }
  func.func @transform_10(%arg0: i32) -> (i32, i32) {
    %c0_i32 = arith.constant 0 : i32
    %c0_i32_0 = arith.constant 0 : i32
    %c0_i32_1 = arith.constant 0 : i32
    return %c0_i32, %c0_i32_0 : i32, i32
  }
  func.func @transform_11(%arg0: i32) -> (i32, i32) {
    %c0_i32 = arith.constant 0 : i32
    %c0_i32_0 = arith.constant 0 : i32
    return %arg0, %c0_i32 : i32, i32
  }
  func.func @transform_12(%arg0: i32) -> (i32, i32) {
    %c0_i32 = arith.constant 0 : i32
    %c0_i32_0 = arith.constant 0 : i32
    return %arg0, %c0_i32 : i32, i32
  }
}

module attributes {stable_mosaic.version = 14 : i64} {
  func.func @_c_body(%arg0: i32, %arg1: memref<1000x128xf32, #tpu.memory_space<vmem>>, %arg2: memref<1000x1xf32, #tpu.memory_space<vmem>>, %arg3: memref<1000x128xf32, #tpu.memory_space<vmem>>, %arg4: memref<128x128xf32, #tpu.memory_space<vmem>>, %arg5: memref<1x128xf32, #tpu.memory_space<vmem>>, %arg6: memref<1000x128xf32, #tpu.memory_space<vmem>>) attributes {dimension_semantics = [#tpu.dimension_semantics<arbitrary>], iteration_bounds = array<i64: 50>, scalar_prefetch = 0 : i64, scratch_operands = 0 : i64, tpu.core_type = #tpu.core_type<tc>, window_params = [{transform_indices = @transform_0, window_bounds = array<i64: 1000, 128>}, {transform_indices = @transform_1, window_bounds = array<i64: 1000, 1>}, {transform_indices = @transform_2, window_bounds = array<i64: 1000, 128>}, {pipeline_mode = #tpu.pipeline_mode<synchronous>, transform_indices = @transform_3, window_bounds = array<i64: 128, 128>}, {pipeline_mode = #tpu.pipeline_mode<synchronous>, transform_indices = @transform_4, window_bounds = array<i64: 1, 128>}, {transform_indices = @transform_5, window_bounds = array<i64: 1000, 128>}]} {
    %get3A = arith.constant 0 : index
    %get3A_0 = arith.constant 0 : index
    %get3A_1 = vector.load %arg1[%get3A, %get3A_0] : memref<1000x128xf32, #tpu.memory_space<vmem>>, vector<1000x128xf32>
    %get3A_2 = arith.constant 0 : index
    %get3A_3 = arith.constant 0 : index
    %get3A_4 = vector.load %arg2[%get3A_2, %get3A_3] : memref<1000x1xf32, #tpu.memory_space<vmem>>, vector<1000x1xf32>
    %max3A = arith.constant 1.000000e+00 : f32
    %max3A_5 = vector.broadcast %max3A : f32 to vector<1000x1xf32>
    %max3A_6 = arith.maximumf %get3A_4, %max3A_5 : vector<1000x1xf32>
    %div3A = vector.broadcast %max3A_6 : vector<1000x1xf32> to vector<1000x128xf32>
    %div3A_7 = arith.divf %get3A_1, %div3A : vector<1000x128xf32>
    %get3A_8 = arith.constant 0 : index
    %get3A_9 = arith.constant 0 : index
    %get3A_10 = vector.load %arg3[%get3A_8, %get3A_9] : memref<1000x128xf32, #tpu.memory_space<vmem>>, vector<1000x128xf32>
    %get3A_11 = arith.constant 0 : index
    %get3A_12 = arith.constant 0 : index
    %get3A_13 = vector.load %arg4[%get3A_11, %get3A_12] : memref<128x128xf32, #tpu.memory_space<vmem>>, vector<128x128xf32>
    %dot_general3A = arith.constant dense<0.000000e+00> : vector<1000x128xf32>
    %dot_general3A_14 = tpu.matmul %get3A_10, %get3A_13, %dot_general3A {dimension_numbers = #tpu.dot_dimension_numbers<[1], [0], [0], [1], [0, 0, 1, 1], [], []>, transpose_lhs_hint = false} : vector<1000x128xf32>, vector<128x128xf32>, vector<1000x128xf32> -> vector<1000x128xf32>
    %add3A = arith.addf %dot_general3A_14, %div3A_7 : vector<1000x128xf32>
    %get3A_15 = arith.constant 0 : index
    %get3A_16 = arith.constant 0 : index
    %get3A_17 = vector.load %arg5[%get3A_15, %get3A_16] : memref<1x128xf32, #tpu.memory_space<vmem>>, vector<1x128xf32>
    %add3A_18 = vector.broadcast %get3A_17 : vector<1x128xf32> to vector<1000x128xf32>
    %add3A_19 = arith.addf %add3A, %add3A_18 : vector<1000x128xf32>
    %ge3A = arith.constant 0.000000e+00 : f32
    %ge3A_20 = vector.broadcast %ge3A : f32 to vector<1000x128xf32>
    %ge3A_21 = arith.cmpf oge, %add3A_19, %ge3A_20 : vector<1000x128xf32>
    %mul3A = arith.constant 3.000000e-01 : f32
    %mul3A_22 = vector.broadcast %mul3A : f32 to vector<1000x128xf32>
    %mul3A_23 = arith.mulf %mul3A_22, %add3A_19 : vector<1000x128xf32>
    %select_n3A = arith.select %ge3A_21, %add3A_19, %mul3A_23 : vector<1000x128xi1>, vector<1000x128xf32>
    %swap3A = arith.constant 0 : index
    %swap3A_24 = arith.constant 0 : index
    %swap3A_25 = vector.load %arg6[%swap3A, %swap3A_24] : memref<1000x128xf32, #tpu.memory_space<vmem>>, vector<1000x128xf32>
    tpu.vector_store %arg6[%swap3A, %swap3A_24], %select_n3A {strides = array<i32>} : memref<1000x128xf32, #tpu.memory_space<vmem>>, vector<1000x128xf32>,
    return
  }
  func.func @transform_0(%arg0: i32) -> (i32, i32) {
    %c0_i32 = arith.constant 0 : i32
    %c0_i32_0 = arith.constant 0 : i32
    return %arg0, %c0_i32 : i32, i32
  }
  func.func @transform_1(%arg0: i32) -> (i32, i32) {
    %c0_i32 = arith.constant 0 : i32
    %c0_i32_0 = arith.constant 0 : i32
    return %arg0, %c0_i32 : i32, i32
  }
  func.func @transform_2(%arg0: i32) -> (i32, i32) {
    %c0_i32 = arith.constant 0 : i32
    %c0_i32_0 = arith.constant 0 : i32
    return %arg0, %c0_i32 : i32, i32
  }
  func.func @transform_3(%arg0: i32) -> (i32, i32) {
    %c0_i32 = arith.constant 0 : i32
    %c0_i32_0 = arith.constant 0 : i32
    %c0_i32_1 = arith.constant 0 : i32
    return %c0_i32, %c0_i32_0 : i32, i32
  }
  func.func @transform_4(%arg0: i32) -> (i32, i32) {
    %c0_i32 = arith.constant 0 : i32
    %c0_i32_0 = arith.constant 0 : i32
    %c0_i32_1 = arith.constant 0 : i32
    return %c0_i32, %c0_i32_0 : i32, i32
  }
  func.func @transform_5(%arg0: i32) -> (i32, i32) {
    %c0_i32 = arith.constant 0 : i32
    %c0_i32_0 = arith.constant 0 : i32
    return %arg0, %c0_i32 : i32, i32
  }
}

module attributes {stable_mosaic.version = 14 : i64} {
  func.func @_d_body(%arg0: memref<500x128xf32, #tpu.memory_space<vmem>>, %arg1: memref<128x128xf32, #tpu.memory_space<vmem>>, %arg2: memref<1x128xf32, #tpu.memory_space<vmem>>, %arg3: memref<128x1xf32, #tpu.memory_space<vmem>>, %arg4: memref<1x1xf32, #tpu.memory_space<vmem>>, %arg5: memref<128x1xf32, #tpu.memory_space<vmem>>, %arg6: memref<1x1xf32, #tpu.memory_space<vmem>>, %arg7: memref<2x1xf32, #tpu.memory_space<vmem>>) attributes {dimension_semantics = [], scalar_prefetch = 0 : i64, scratch_operands = 0 : i64, tpu.core_type = #tpu.core_type<tc>} {
    %get3A = arith.constant 0 : index
    %get3A_0 = arith.constant 0 : index
    %get3A_1 = vector.load %arg0[%get3A, %get3A_0] : memref<500x128xf32, #tpu.memory_space<vmem>>, vector<500x128xf32>
    %get3A_2 = arith.constant 0 : index
    %get3A_3 = arith.constant 0 : index
    %get3A_4 = vector.load %arg1[%get3A_2, %get3A_3] : memref<128x128xf32, #tpu.memory_space<vmem>>, vector<128x128xf32>
    %dot_general3A = arith.constant dense<0.000000e+00> : vector<500x128xf32>
    %dot_general3A_5 = tpu.matmul %get3A_1, %get3A_4, %dot_general3A {dimension_numbers = #tpu.dot_dimension_numbers<[1], [0], [0], [1], [0, 0, 1, 1], [], []>, transpose_lhs_hint = false} : vector<500x128xf32>, vector<128x128xf32>, vector<500x128xf32> -> vector<500x128xf32>
    %get3A_6 = arith.constant 0 : index
    %get3A_7 = arith.constant 0 : index
    %get3A_8 = vector.load %arg2[%get3A_6, %get3A_7] : memref<1x128xf32, #tpu.memory_space<vmem>>, vector<1x128xf32>
    %add3A = vector.broadcast %get3A_8 : vector<1x128xf32> to vector<500x128xf32>
    %add3A_9 = arith.addf %dot_general3A_5, %add3A : vector<500x128xf32>
    %tanh3A = math.tanh %add3A_9 : vector<500x128xf32>
    %get3A_10 = arith.constant 0 : index
    %get3A_11 = arith.constant 0 : index
    %get3A_12 = vector.load %arg3[%get3A_10, %get3A_11] : memref<128x1xf32, #tpu.memory_space<vmem>>, vector<128x1xf32>
    %dot_general3A_13 = arith.constant dense<0.000000e+00> : vector<500x1xf32>
    %dot_general3A_14 = tpu.matmul %tanh3A, %get3A_12, %dot_general3A_13 {dimension_numbers = #tpu.dot_dimension_numbers<[1], [0], [0], [1], [0, 0, 1, 1], [], []>, transpose_lhs_hint = false} : vector<500x128xf32>, vector<128x1xf32>, vector<500x1xf32> -> vector<500x1xf32>
    %get3A_15 = arith.constant 0 : index
    %get3A_16 = arith.constant 0 : index
    %get3A_17 = vector.load %arg4[%get3A_15, %get3A_16] : memref<1x1xf32, #tpu.memory_space<vmem>>, vector<1x1xf32>
    %add3A_18 = vector.broadcast %get3A_17 : vector<1x1xf32> to vector<500x1xf32>
    %add3A_19 = arith.addf %dot_general3A_14, %add3A_18 : vector<500x1xf32>
    %iota3A = tpu.iota {dimensions = array<i32: 0>} : vector<500x1xi32>
    %ge3A = arith.constant 0 : i32
    %ge3A_20 = vector.broadcast %ge3A : i32 to vector<500x1xi32>
    %ge3A_21 = arith.cmpi sge, %iota3A, %ge3A_20 : vector<500x1xi32>
    %lt3A = arith.constant 250 : i32
    %lt3A_22 = vector.broadcast %lt3A : i32 to vector<500x1xi32>
    %lt3A_23 = arith.cmpi slt, %iota3A, %lt3A_22 : vector<500x1xi32>
    %and3A = arith.andi %ge3A_21, %lt3A_23 : vector<500x1xi1>
    %jit3A = arith.constant 0xFF800000 : f32
    %broadcast_in_dim3A = vector.broadcast %jit3A : f32 to vector<500x1xf32>
    %select_n3A = arith.select %and3A, %add3A_19, %broadcast_in_dim3A : vector<500x1xi1>, vector<500x1xf32>
    %reduce_max3A = vector.shape_cast %select_n3A : vector<500x1xf32> to vector<1x500x1xf32>
    %reduce_max3A_24 = arith.constant dense<0xFF800000> : vector<1xf32>
    %reduce_max3A_25 = vector.multi_reduction <maximumf>, %reduce_max3A, %reduce_max3A_24 [1, 2] : vector<1x500x1xf32> to vector<1xf32>
    %reduce_max3A_26 = vector.shape_cast %reduce_max3A_25 : vector<1xf32> to vector<1x1x1xf32>
    %reduce_max3A_27 = vector.extract %reduce_max3A_26[0, 0, 0] : f32 from vector<1x1x1xf32>
    %sub3A = vector.broadcast %reduce_max3A_27 : f32 to vector<500x1xf32>
    %sub3A_28 = arith.subf %add3A_19, %sub3A : vector<500x1xf32>
    %exp3A = math.exp %sub3A_28 : vector<500x1xf32>
    %jit3A_29 = arith.constant 0.000000e+00 : f32
    %broadcast_in_dim3A_30 = vector.broadcast %jit3A_29 : f32 to vector<500x1xf32>
    %select_n3A_31 = arith.select %and3A, %exp3A, %broadcast_in_dim3A_30 : vector<500x1xi1>, vector<500x1xf32>
    %reduce_sum3A = vector.shape_cast %select_n3A_31 : vector<500x1xf32> to vector<1x500x1xf32>
    %reduce_sum3A_32 = arith.constant dense<0.000000e+00> : vector<1xf32>
    %reduce_sum3A_33 = vector.multi_reduction <add>, %reduce_sum3A, %reduce_sum3A_32 [1, 2] : vector<1x500x1xf32> to vector<1xf32>
    %reduce_sum3A_34 = vector.shape_cast %reduce_sum3A_33 : vector<1xf32> to vector<1x1x1xf32>
    %reduce_sum3A_35 = vector.extract %reduce_sum3A_34[0, 0, 0] : f32 from vector<1x1x1xf32>
    %div3A = vector.broadcast %reduce_sum3A_35 : f32 to vector<500x1xf32>
    %div3A_36 = arith.divf %select_n3A_31, %div3A : vector<500x1xf32>
    %mul3A = vector.broadcast %div3A_36 : vector<500x1xf32> to vector<500x128xf32>
    %mul3A_37 = arith.mulf %mul3A, %get3A_1 : vector<500x128xf32>
    %reduce_sum3A_38 = arith.constant dense<0.000000e+00> : vector<128xf32>
    %reduce_sum3A_39 = vector.multi_reduction <add>, %mul3A_37, %reduce_sum3A_38 [0] : vector<500x128xf32> to vector<128xf32>
    %broadcast_in_dim3A_40 = vector.shape_cast %reduce_sum3A_39 : vector<128xf32> to vector<1x128xf32>
    %get3A_41 = arith.constant 0 : index
    %get3A_42 = arith.constant 0 : index
    %get3A_43 = vector.load %arg5[%get3A_41, %get3A_42] : memref<128x1xf32, #tpu.memory_space<vmem>>, vector<128x1xf32>
    %dot_general3A_44 = arith.constant dense<0.000000e+00> : vector<1x1xf32>
    %dot_general3A_45 = tpu.matmul %broadcast_in_dim3A_40, %get3A_43, %dot_general3A_44 {dimension_numbers = #tpu.dot_dimension_numbers<[1], [0], [0], [1], [0, 0, 1, 1], [], []>, transpose_lhs_hint = false} : vector<1x128xf32>, vector<128x1xf32>, vector<1x1xf32> -> vector<1x1xf32>
    %get3A_46 = arith.constant 0 : index
    %get3A_47 = arith.constant 0 : index
    %get3A_48 = vector.load %arg6[%get3A_46, %get3A_47] : memref<1x1xf32, #tpu.memory_space<vmem>>, vector<1x1xf32>
    %add3A_49 = arith.addf %dot_general3A_45, %get3A_48 : vector<1x1xf32>
    %ge3A_50 = arith.constant 250 : i32
    %ge3A_51 = vector.broadcast %ge3A_50 : i32 to vector<500x1xi32>
    %ge3A_52 = arith.cmpi sge, %iota3A, %ge3A_51 : vector<500x1xi32>
    %lt3A_53 = arith.constant 500 : i32
    %lt3A_54 = vector.broadcast %lt3A_53 : i32 to vector<500x1xi32>
    %lt3A_55 = arith.cmpi slt, %iota3A, %lt3A_54 : vector<500x1xi32>
    %and3A_56 = arith.andi %ge3A_52, %lt3A_55 : vector<500x1xi1>
    %jit3A_57 = arith.constant 0xFF800000 : f32
    %broadcast_in_dim3A_58 = vector.broadcast %jit3A_57 : f32 to vector<500x1xf32>
    %select_n3A_59 = arith.select %and3A_56, %add3A_19, %broadcast_in_dim3A_58 : vector<500x1xi1>, vector<500x1xf32>
    %reduce_max3A_60 = vector.shape_cast %select_n3A_59 : vector<500x1xf32> to vector<1x500x1xf32>
    %reduce_max3A_61 = arith.constant dense<0xFF800000> : vector<1xf32>
    %reduce_max3A_62 = vector.multi_reduction <maximumf>, %reduce_max3A_60, %reduce_max3A_61 [1, 2] : vector<1x500x1xf32> to vector<1xf32>
    %reduce_max3A_63 = vector.shape_cast %reduce_max3A_62 : vector<1xf32> to vector<1x1x1xf32>
    %reduce_max3A_64 = vector.extract %reduce_max3A_63[0, 0, 0] : f32 from vector<1x1x1xf32>
    %sub3A_65 = vector.broadcast %reduce_max3A_64 : f32 to vector<500x1xf32>
    %sub3A_66 = arith.subf %add3A_19, %sub3A_65 : vector<500x1xf32>
    %exp3A_67 = math.exp %sub3A_66 : vector<500x1xf32>
    %jit3A_68 = arith.constant 0.000000e+00 : f32
    %broadcast_in_dim3A_69 = vector.broadcast %jit3A_68 : f32 to vector<500x1xf32>
    %select_n3A_70 = arith.select %and3A_56, %exp3A_67, %broadcast_in_dim3A_69 : vector<500x1xi1>, vector<500x1xf32>
    %reduce_sum3A_71 = vector.shape_cast %select_n3A_70 : vector<500x1xf32> to vector<1x500x1xf32>
    %reduce_sum3A_72 = arith.constant dense<0.000000e+00> : vector<1xf32>
    %reduce_sum3A_73 = vector.multi_reduction <add>, %reduce_sum3A_71, %reduce_sum3A_72 [1, 2] : vector<1x500x1xf32> to vector<1xf32>
    %reduce_sum3A_74 = vector.shape_cast %reduce_sum3A_73 : vector<1xf32> to vector<1x1x1xf32>
    %reduce_sum3A_75 = vector.extract %reduce_sum3A_74[0, 0, 0] : f32 from vector<1x1x1xf32>
    %div3A_76 = vector.broadcast %reduce_sum3A_75 : f32 to vector<500x1xf32>
    %div3A_77 = arith.divf %select_n3A_70, %div3A_76 : vector<500x1xf32>
    %mul3A_78 = vector.broadcast %div3A_77 : vector<500x1xf32> to vector<500x128xf32>
    %mul3A_79 = arith.mulf %mul3A_78, %get3A_1 : vector<500x128xf32>
    %reduce_sum3A_80 = arith.constant dense<0.000000e+00> : vector<128xf32>
    %reduce_sum3A_81 = vector.multi_reduction <add>, %mul3A_79, %reduce_sum3A_80 [0] : vector<500x128xf32> to vector<128xf32>
    %broadcast_in_dim3A_82 = vector.shape_cast %reduce_sum3A_81 : vector<128xf32> to vector<1x128xf32>
    %get3A_83 = arith.constant 0 : index
    %get3A_84 = arith.constant 0 : index
    %get3A_85 = vector.load %arg5[%get3A_83, %get3A_84] : memref<128x1xf32, #tpu.memory_space<vmem>>, vector<128x1xf32>
    %dot_general3A_86 = arith.constant dense<0.000000e+00> : vector<1x1xf32>
    %dot_general3A_87 = tpu.matmul %broadcast_in_dim3A_82, %get3A_85, %dot_general3A_86 {dimension_numbers = #tpu.dot_dimension_numbers<[1], [0], [0], [1], [0, 0, 1, 1], [], []>, transpose_lhs_hint = false} : vector<1x128xf32>, vector<128x1xf32>, vector<1x1xf32> -> vector<1x1xf32>
    %get3A_88 = arith.constant 0 : index
    %get3A_89 = arith.constant 0 : index
    %get3A_90 = vector.load %arg6[%get3A_88, %get3A_89] : memref<1x1xf32, #tpu.memory_space<vmem>>, vector<1x1xf32>
    %add3A_91 = arith.addf %dot_general3A_87, %get3A_90 : vector<1x1xf32>
    %concatenate3A = tpu.concatenate %add3A_49, %add3A_91 in 0 : vector<1x1xf32>, vector<1x1xf32> -> vector<2x1xf32>
    %swap3A = arith.constant 0 : index
    %swap3A_92 = arith.constant 0 : index
    %swap3A_93 = vector.load %arg7[%swap3A, %swap3A_92] : memref<2x1xf32, #tpu.memory_space<vmem>>, vector<2x1xf32>
    tpu.vector_store %arg7[%swap3A, %swap3A_92], %concatenate3A {strides = array<i32>} : memref<2x1xf32, #tpu.memory_space<vmem>>, vector<2x1xf32>,
    return
  }
}

</mosaic_0001>

<sc_bundles>
// kernel: kernel.11.cloned.1.call-start
scs
__scs_entry_jumppad:
0x0: {  	(pc) =	sbr.rel $0x88, $3  }
0x1: {  	(tag) =	ssettag $0x0;
	lr =	simm.s32 $0x1  }
0x2: {  	[smem:$0x3F81] =	sst lr;
	_ =	strace $0xD0000000  }
0x3: {  	_ = 	snop  }
0x4: {  	_ = 	snop  }
0x5: {  	_ = 	snop  }
0x6: {  	_ = 	snop  }
0x7: {  	_ = 	snop  }
__scs_overlays_trampoline_lowered:
0x8: {  	[smem:$0x3F90] =	sst s0  }
0x9: {  	[smem:$0x3F91] =	sst s1  }
0xa: {  	[smem:$0x3F92] =	sst s2  }
0xb: {  	[smem:$0x3F93] =	sst s3  }
0xc: {  	[smem:$0x3F94] =	sst s4  }
0xd: {  	[smem:$0x3F95] =	sst s5  }
0xe: {  	[smem:$0x3F96] =	sst s6  }
0xf: {  	[smem:$0x3F97] =	sst s7  }
0x10: {  	[smem:$0x3F98] =	sst s8  }
0x11: {  	[smem:$0x3F99] =	sst s9;
	s0 =	simm.s32 @!p0 $0x0  }
0x12: {  	s1 =	sld [smem:$0x3F7F];
	s0 =	simm.s32 @p0 $0x1  }
0x13: {  	[smem:$0x3F9A] =	sst s0;
	s0 =	simm.s32 @!p1 $0x0  }
0x14: {  	s2 =	sld [smem:$0x3F7E];
	s0 =	simm.s32 @p1 $0x1  }
0x15: {  	[smem:$0x3F9B] =	sst s0;
	s0 =	simm.s32 @!p2 $0x0  }
0x16: {  	s3 =	sld [smem:$0x3FDB];
	s0 =	simm.s32 @p2 $0x1  }
0x17: {  	s4 =	simm.s32 $0x1BF5;
	[smem:$0x3F9D] =	sst s0  }
0x18: {  	s0 =	sld [smem:$0x3F80];
	_ =	swait.ge [sflag:s4], $0x0  }
0x19: {  	s7 =	sld [smem:$0x3F81]  }
0x1a: {  	s8 =	sadd.s32 $0xFFFFE003, lr  }
0x1b: {  	s9 =	sadd.s32 $0xFFFFFEF7, lr;
	s5 =	simm.s32 $0xFFFFFFFF;
	p2 =	slt.u32 s8, $0xFFFFF086  }
0x1c: {  	p1 =	slt.u32 s9, $0xF7A;
	s5 =	simm.s32 @!p2 $0x0  }
0x1d: {  	s5 =	simm.s32 @p1 $0x1;
	p0 =	seq.s32 s7, s2  }
0x1e: {  	s7 =	smul.u32 @!p0 $0xF7A, s2;
	p2 =	seq.s32 @!p0 s5, $0x0  }
0x1f: {  	s9 =	smul.u32 $0xF7A, s1;
	s8 =	simm.s32 @!p0 $0x1BF5;
	p2 =	por !p2, p0  }
0x20: {  	[sflag:s8] =	ssyncset.s32 @!p0 $0xFFFFF086;
	s6 =	sadd.s32 @!p0 s3, s7;
	s7 =	simm.s32 @!p0 $0x108  }
0x21: {  	s3 =	sadd.s32 s3, s9;
	s6 =	sadd.s32 @!p0 $0x88, s6;
	s7 =	simm.s32 @p2 $0x1082  }
0x22: {  	[simem:s7], [sflag:s8] =	dma.local @!p0 [hbm:s6], $0xF7A  }
0x23: {  	s9 =	sor.u32 $0xD0000000, s2;
	s6 =	simm.s32 $0x108;
	_ =	swait.ge @!p0 [sflag:s8], $0x0  }
0x24: {  	s3 =	sadd.s32 $0x88, s3;
	s6 =	simm.s32 @!p1 $0x1082;
	[sflag:s4] =	ssyncset.s32 $0xFFFFF086  }
0x25: {  	[simem:s6], [sflag:s4] =	dma.local [hbm:s3], $0xF7A  }
0x26: {  	[smem:$0x3F81] =	sst s1;
	(tag) =	ssettag s2;
	_ =	strace s9  }
0x27: {  	s1 =	sld [smem:$0x3F91]  }
0x28: {  	s2 =	sld [smem:$0x3F92]  }
0x29: {  	s4 =	sld [smem:$0x3F94]  }
0x2a: {  	p0 =	seq.s32 s5, $0x0;
	s5 =	sld [smem:$0x3F95]  }
0x2b: {  	s6 =	sld [smem:$0x3F96]  }
0x2c: {  	s7 =	sld [smem:$0x3F97]  }
0x2d: {  	s3 =	simm.s32 $0x108;
	s8 =	sld [smem:$0x3F98]  }
0x2e: {  	s3 =	simm.s32 @!p0 $0x1082;
	s9 =	sld [smem:$0x3F99]  }
0x2f: {  	lr =	sadd.s32 s0, s3;
	s0 =	sld [smem:$0x3F90]  }
0x30: {  	s3 =	sld [smem:$0x3F93]  }
0x31: {  	[smem:$0x3F9C] =	sst s10  }
0x32: {  	s10 =	sld [smem:$0x3F9A];
	_ =	sdelay $0x3  }
0x33: {  	p0 =	seq.s32 s10, $0x1;
	s10 =	sld [smem:$0x3F9C];
	_ =	sdelay $0x3  }
0x34: {  	[smem:$0x3F9C] =	sst s10  }
0x35: {  	s10 =	sld [smem:$0x3F9B];
	_ =	sdelay $0x3  }
0x36: {  	p1 =	seq.s32 s10, $0x1;
	s10 =	sld [smem:$0x3F9C];
	_ =	sdelay $0x3  }
0x37: {  	[smem:$0x3F9C] =	sst s10  }
0x38: {  	s10 =	sld [smem:$0x3F9D]  }
0x39: {  	_ = 	snop;
	(pc) =	sbr.ind lr, $3  }
0x3a: {  	_ = 	snop  }
0x3b: {  	_ = 	snop  }
0x3c: {  	p2 =	seq.s32 s10, $0x1;
	s10 =	sld [smem:$0x3F9C]  }
0x3d: {  	_ =	shalt  }
0x3e: {  	_ =	shalt  }
0x3f: {  	_ =	shalt  }
0x40: {  	_ =	shalt  }
0x41: {  	_ =	shalt  }
0x42: {  	_ =	shalt  }
0x43: {  	_ =	shalt  }
0x44: {  	_ =	shalt  }
0x45: {  	_ =	shalt  }
0x46: {  	_ =	shalt  }
0x47: {  	_ =	shalt  }
0x48: {  	_ =	shalt  }
0x49: {  	_ =	shalt  }
0x4a: {  	_ =	shalt  }
0x4b: {  	_ =	shalt  }
0x4c: {  	_ =	shalt  }
0x4d: {  	_ =	shalt  }
0x4e: {  	_ =	shalt  }
0x4f: {  	_ =	shalt  }
0x50: {  	_ =	shalt  }
0x51: {  	_ =	shalt  }
0x52: {  	_ =	shalt  }
0x53: {  	_ =	shalt  }
0x54: {  	_ =	shalt  }
0x55: {  	_ =	shalt  }
0x56: {  	_ =	shalt  }
0x57: {  	_ =	shalt  }
0x58: {  	_ =	shalt  }
0x59: {  	_ =	shalt  }
0x5a: {  	_ =	shalt  }
0x5b: {  	_ =	shalt  }
0x5c: {  	_ =	shalt  }
0x5d: {  	_ =	shalt  }
0x5e: {  	_ =	shalt  }
0x5f: {  	_ =	shalt  }
0x60: {  	_ =	shalt  }
0x61: {  	_ =	shalt  }
0x62: {  	_ =	shalt  }
0x63: {  	_ =	shalt  }
0x64: {  	_ =	shalt  }
0x65: {  	_ =	shalt  }
0x66: {  	_ =	shalt  }
0x67: {  	_ =	shalt  }
0x68: {  	_ =	shalt  }
0x69: {  	_ =	shalt  }
0x6a: {  	_ =	shalt  }
0x6b: {  	_ =	shalt  }
0x6c: {  	_ =	shalt  }
0x6d: {  	_ =	shalt  }
0x6e: {  	_ =	shalt  }
0x6f: {  	_ =	shalt  }
0x70: {  	_ =	shalt  }
0x71: {  	_ =	shalt  }
0x72: {  	_ =	shalt  }
0x73: {  	_ =	shalt  }
0x74: {  	_ =	shalt  }
0x75: {  	_ =	shalt  }
0x76: {  	_ =	shalt  }
0x77: {  	_ =	shalt  }
0x78: {  	_ =	shalt  }
0x79: {  	_ =	shalt  }
0x7a: {  	_ =	shalt  }
0x7b: {  	_ =	shalt  }
0x7c: {  	_ =	shalt  }
0x7d: {  	_ =	shalt  }
0x7e: {  	_ =	shalt  }
0x7f: {  	_ =	shalt  }
0x80: {  	_ =	shalt  }
0x81: {  	_ =	shalt  }
0x82: {  	_ =	shalt  }
0x83: {  	_ =	shalt  }
0x84: {  	_ =	shalt  }
0x85: {  	_ =	shalt  }
0x86: {  	_ =	shalt  }
0x87: {  	_ =	shalt  }
.Lfunc_end0:
.L_simem_size_0:
called_computation_lowered:
.L_overlay_start_0:
0x88: {  	s2 =	sld [smem:$0x3FD9]  }
0x89: {  	s3 =	sld [smem:$0x3FFE];
	_ =	sdelay $0x1  }
0x8a: {  	s1 =	srdreg.scid  }
0x8b: {  	s0 =	sand.u32 $0x1, s1  }
0x8c: {  	s17 =	sshll.u32 s0, $0xA;
	s2 =	sadd.s32 s3, s2  }
0x8d: {  	s2 =	sadd.s32 s2, s17  }
0x8e: {  	[smem:$0x3FA8] =	sst s2  }
0x8f: {  	_ = 	snop  }
0x90: {  	s2 =	sld [smem:$0x3FD0];
	(tm) =	ssettm $0x1  }
0x91: {  	s18 =	sld [smem:$0x3FFB];
	_ =	sdelay $0x3  }
0x92: {  	_ =	strace s18  }
0x93: {  	s3 =	sld [smem:$0x3FFC];
	_ =	sdelay $0x3  }
0x94: {  	_ =	strace s3  }
0x95: {  	s3 =	sld [smem:$0x3FFD];
	_ =	sdelay $0x3  }
0x96: {  	_ =	strace s3  }
0x97: {  	_ =	strace $0x8FFFFFFF  }
0x98: {  	s19 =	sld [smem:$0x3FDB];
	_ =	sdelay $0x1  }
0x99: {  	s4 =	simm.s32 $_scs_section_size  }
0x9a: {  	s5 =	simm.s32 $_size__tile_overlayer_lowered;
	s6 =	simm.s32 $_tile_overlayer_lowered  }
0x9b: {  	s22 =	simm.s32 $0x1BFF;
	s21 =	sshll.u32 s6, $0x1;
	s3 =	sadd.s32 s4, s19  }
0x9c: {  	s7 =	simm.s32 $0x0;
	s20 =	sshll.u32 s5, $0x1;
	s5 =	sadd.s32 s21, s3  }
0x9d: {  	[timem:s7], [sflag:s22] =	dma.local [hbm:s5], s20  }
0x9e: {  	_ =	swait.ge [sflag:s22], s20  }
0x9f: {  	s4 =	ssub.s32 $0x0, s20;
	[sflag:s22] =	ssyncset.done $0x0  }
0xa0: {  	[sflag:s22] =	ssyncadd.s32 s4;
	_ =	sdelay $0x1  }
0xa1: {  	s23 =	simm.s32 $0x1B8B  }
0xa2: {  	_ =	swait.ge [sflag:s23], $0x1  }
0xa3: {  	[sflag:s23] =	ssyncset.done $0x0  }
0xa4: {  	s25 =	simm.s32 $0x1B8E;
	s24 =	sld [smem:$0x3FFE];
	[sflag:s23] =	ssyncadd.s32 $0xFFFFFFFF  }
0xa5: {  	s26 =	simm.s32 $execute0_lowered;
	[smem:$0x3FD2] =	sst s25  }
0xa6: {  	s5 =	sshll.u32 s26, $0x1;
	_ =	strace $0x80000046;
	[dreg:$0x1] =	wrdreg $0xFFFFFFFF  }
0xa7: {  	s28 =	simm.s32 $_size_execute0_lowered;
	s3 =	sadd.s32 s3, s5;
	[dreg:$0x0] =	wrdreg $0x0  }
0xa8: {  	s5 =	sshll.u32 s28, $0x1;
	[dreg:$0x2] =	wrdreg s3  }
0xa9: {  	[dreg:$0x3] =	wrdreg s5  }
0xaa: {  	[dreg:$0x4] =	wrdreg $0xC0  }
0xab: {  	_ =	task [dreg:s7], $0x5FFFF  }
0xac: {  	[dreg:$0x1] =	wrdreg $0xFFFFFFFF  }
0xad: {  	[dreg:$0x0] =	wrdreg $0x60  }
0xae: {  	[dreg:$0x2] =	wrdreg s24  }
0xaf: {  	[dreg:$0x3] =	wrdreg s2  }
0xb0: {  	[dreg:$0x4] =	wrdreg $0x0  }
0xb1: {  	[dreg:$0x5] =	wrdreg $0x9  }
0xb2: {  	_ =	task.clear_ibuf [dreg:s7], $0x6FFFF;
	_ =	strace $0x90000046  }
0xb3: {  	s29 =	simm.s32 $0x9;
	_ =	strace $0x80000048  }
0xb4: {  	_ =	swait.ge [sflag:s29], $0x1  }
0xb5: {  	[sflag:s29] =	ssyncadd.s32 $0xFFFFFFFF  }
0xb6: {  	_ =	strace $0x90000048  }
0xb7: {  	_ =	sfence  }
0xb8: {  	s30 =	sld [smem:$0x0];
	_ =	sdelay $0x2  }
0xb9: {  	s31 =	sshll.u32 s1, $0xD;
	s1 =	sshrl.u32 s1, $0x2  }
0xba: {  	s3 =	sand.u32 $0x4000, s31;
	s1 =	sadd.s32 s1, s30  }
0xbb: {  	s0 =	sor.u32 s3, s0;
	s1 =	sshll.u32 s1, $0x11  }
0xbc: {  	s0 =	sor.u32 s1, s0  }
0xbd: {  	s0 =	sadd.s32 $0x8F2B, s0  }
0xbe: {  	[sflag:s0] =	ssyncadd.remote.s32 $0x1  }
0xbf: {  	_ =	sfence.sel $0xFFFF  }
0xc0: {  	[dreg:$0x0] =	wrdreg $0xFFFFFFFF;
	(pc) =	sbr.abs _section_cstart, $3  }
0xc1: {  	[dreg:$0x1] =	wrdreg $0xFFFFFFFF  }
0xc2: {  	_ =	task.clear_ibuf [dreg:s7], $0x2FFFF;
	_ =	strace $0x9FFFFFFF  }
0xc3: {  	(tm) =	ssettm $0x7FFFFFFF  }
tec
execute0_lowered:
.L_overlay_start_1:
0x0: {  	(tag) =	ssettag $0x1  }
0x1: {  	s7 =	rddreg [dreg:$0x0]  }
0x2: {  	s2 =	rddreg [dreg:$0x1]  }
0x3: {  	s3 =	rddreg [dreg:$0x2]  }
0x4: {  	s0 =	rddreg [dreg:$0x3];
	s4 =	simm.s32 $0x0  }
0x5: {  	s1 =	stileid.u32;
	s8 =	srdreg.scid;
	s17 =	simm.s32 $0xC40  }
0x6: {  	s18 =	simm.s32 $0x80;
	s19 =	simm.s32 $0x0;
	s9 =	smul.u32 $0xC40, s1  }
0x7: {  	[smem:$0x7FF] =	sst s4;
	s6 =	smul.u32 $0x1860, s1;
	s10 =	sand.u32 $0x1, s8  }
0x8: {  	p0 =	slt.u32 s1, $0xA;
	s8 =	simm.s32 $0x187;
	s15 =	smin.u32 s1, $0xA  }
0x9: {  	s31 =	sshll.u32 s1, $0x6;
	_ =	strace $0x80000047;
	s13 =	ssub.s32 $0x2, s10  }
0xa: {  	s8 =	simm.s32 @!p0 $0x186;
	s30 =	sshll.u32 s15, $0x4;
	p0 =	seq.s32 s10, $0x1  }
0xb: {  	s15 =	sor.u32 $0x1C01, s31;
	s5 =	sshrl.u32 s9, $0x3;
	s11 =	sadd.s32 s6, s7  }
.Ltmp0:
0xc: {  	s6 =	sadd.s32 $0x66E00, s7;
	s14 =	sshrl.u32 s13, $0x1;
	(pc) =	sbr.rel .LBB2_1-.Ltmp0, $4  }
0xd: {  	s16 =	sadd.s32 s9, s3;
	s12 =	sadd.s32 s5, s7;
	s7 =	sadd.s32 $0x68800, s7  }
0xe: {  	s13 =	ssub.s32 s13, s14;
	s14 =	sadd.s32 s30, s11;
	s16 =	sshrl.u32 s16, $0x3  }
0xf: {  	s9 =	sadd.s32 $0x65400, s12;
	s10 =	smax.u32 s13, $0x1;
	s11 =	sadd.s32 $0x3400, s14  }
0x10: {  	s12 =	sadd.s32 $0x4CC00, s14;
	s13 =	simm.s32 $0xCC0;
	s14 =	simm.s32 $0x1  }
.LBB2_4:
0x11: {  	[sflag:s14] =	ssyncadd.s32 $0xFFFFFF80;
	s20 =	smov.u32 s6  }
.LBB2_8:
0x12: {  	s19 =	sadd.s32 $0x1, s19  }
0x13: {  	p1 =	sne.s32 s19, s10  }
.Ltmp1:
0x14: {  	s20 =	sadd.s32 s20, s5;
	[bflag:$0x0] =	sbarrier.arrive $0xFFFF;
	(pc) =	sbr.rel @!p1 .LBB2_9-.Ltmp1, $4  }
0x15: {  	[hbm:s20], [sflag:s15] =	dma.local [spmem:s16], $0x188  }
0x16: {  	_ =	swait.ge [sflag:s14], $0x188  }
0x17: {  	[sflag:s14] =	ssyncset.done $0x0  }
0x18: {  	[sflag:s14] =	ssyncadd.s32 $0xFFFFFE78  }
.LBB2_1:
0x19: {  	[tilespmem:s13], [sflag:$0x1] =	stream.linear.gather [hbm4b:s2+s4], $0x80, $0x38;
	[tilespmem:$0xD40] =	vst v63  }
0x1a: {  	_ =	swait.ge [sflag:s14], $0x80  }
0x1b: {  	[sflag:s14] =	ssyncset.done $0x0  }
0x1c: {  	[sflag:s14] =	ssyncadd.s32 $0xFFFFFF80  }
0x1d: {  	[spmem:s16], [sflag:s15] =	dma.local [hbm:s9], $0x188  }
.Ltmp2:
0x1e: {  	_ =	swait.ge [sflag:s14], $0x188;
	(pc) =	sbr.rel @!p0 .LBB2_2-.Ltmp2, $3  }
0x1f: {  	[sflag:s14] =	ssyncset.done $0x0  }
0x20: {  	[sflag:s14] =	ssyncadd.s32 $0xFFFFFE78  }
0x21: {  	[bflag:$0x0] =	sbarrier.arrive $0xFFFF;
	_ =	sdelay $0x1  }
0x22: {  	[tilespmem:s17], [sflag:$0x1] =	stream.linear.gather [hbm4b:s12+s4], $0x80, $0x38;
	[tilespmem:$0xD40] =	vst v63  }
0x23: {  	p1 =	sne.s32 s8, $0x1;
	_ =	swait.ge [sflag:s14], $0x80  }
.Ltmp3:
0x24: {  	[sflag:s14] =	ssyncset.done $0x0;
	(pc) =	sbr.rel @!p1 .LBB2_7-.Ltmp3, $4  }
0x25: {  	[sflag:s14] =	ssyncadd.s32 $0xFFFFFF80  }
0x26: {  	[spmem:s3] =	stream.indirect.scatter.add.f32 [tilespmem:s13], [sflag:$0x1], $0x1, s17, s18, $0xb8;
	[tilespmem:$0xD40] =	vst v63  }
0x27: {  	_ =	swait.ge [sflag:s14], $0x80  }
0x28: {  	s20 =	sadd.s32 $0xFFFFFFFF, s8;
	s21 =	smov.u32 s12;
	[sflag:s14] =	ssyncset.done $0x0  }
.LBB2_6:
0x29: {  	p1 =	sne.s32 s20, $0x1;
	[sflag:s14] =	ssyncadd.s32 $0xFFFFFF80;
	s21 =	sadd.s32 $0x10, s21  }
0x2a: {  	[tilespmem:s17], [sflag:$0x1] =	stream.linear.gather [hbm4b:s21+s4], $0x80, $0x38;
	[tilespmem:$0xD40] =	vst v63  }
0x2b: {  	s20 =	sadd.s32 $0xFFFFFFFF, s20;
	_ =	swait.ge [sflag:s14], $0x80  }
.Ltmp4:
0x2c: {  	[sflag:s14] =	ssyncset.done $0x0;
	(pc) =	sbr.rel @p1 .LBB2_6-.Ltmp4, $4  }
0x2d: {  	[sflag:s14] =	ssyncadd.s32 $0xFFFFFF80  }
0x2e: {  	[spmem:s3] =	stream.indirect.scatter.add.f32 [tilespmem:s13], [sflag:$0x1], $0x1, s17, s18, $0xb8;
	[tilespmem:$0xD40] =	vst v63  }
0x2f: {  	_ =	swait.ge [sflag:s14], $0x80  }
0x30: {  	[sflag:s14] =	ssyncset.done $0x0  }
.LBB2_7:
.Ltmp5:
0x31: {  	(pc) =	sbr.rel .LBB2_8-.Ltmp5, $2  }
0x32: {  	_ =	sdelay $0x2  }
0x33: {  	[sflag:s14] =	ssyncadd.s32 $0xFFFFFF80;
	s20 =	smov.u32 s7  }
.LBB2_2:
0x34: {  	[tilespmem:s17], [sflag:$0x1] =	stream.linear.gather [hbm4b:s11+s4], $0x80, $0x38;
	[tilespmem:$0xD40] =	vst v63  }
0x35: {  	p1 =	seq.s32 s8, $0x1;
	_ =	swait.ge [sflag:s14], $0x80  }
.Ltmp6:
0x36: {  	[sflag:s14] =	ssyncset.done $0x0;
	(pc) =	sbr.rel @p1 .LBB2_4-.Ltmp6, $4  }
0x37: {  	[sflag:s14] =	ssyncadd.s32 $0xFFFFFF80  }
0x38: {  	[spmem:s3] =	stream.indirect.scatter.add.f32 [tilespmem:s13], [sflag:$0x1], $0x1, s17, s18, $0xb8;
	[tilespmem:$0xD40] =	vst v63  }
0x39: {  	_ =	swait.ge [sflag:s14], $0x80  }
0x3a: {  	s20 =	sadd.s32 $0xFFFFFFFF, s8;
	s21 =	smov.u32 s11;
	[sflag:s14] =	ssyncset.done $0x0  }
.LBB2_3:
0x3b: {  	p1 =	seq.s32 s20, $0x1;
	[sflag:s14] =	ssyncadd.s32 $0xFFFFFF80;
	s21 =	sadd.s32 $0x10, s21  }
0x3c: {  	[tilespmem:s17], [sflag:$0x1] =	stream.linear.gather [hbm4b:s21+s4], $0x80, $0x38;
	[tilespmem:$0xD40] =	vst v63  }
0x3d: {  	s20 =	sadd.s32 $0xFFFFFFFF, s20;
	_ =	swait.ge [sflag:s14], $0x80  }
.Ltmp7:
0x3e: {  	[sflag:s14] =	ssyncset.done $0x0;
	(pc) =	sbr.rel @!p1 .LBB2_3-.Ltmp7, $4  }
0x3f: {  	[sflag:s14] =	ssyncadd.s32 $0xFFFFFF80  }
0x40: {  	[spmem:s3] =	stream.indirect.scatter.add.f32 [tilespmem:s13], [sflag:$0x1], $0x1, s17, s18, $0xb8;
	[tilespmem:$0xD40] =	vst v63  }
0x41: {  	_ =	swait.ge [sflag:s14], $0x80  }
0x42: {  	[sflag:s14] =	ssyncset.done $0x0  }
.Ltmp8:
0x43: {  	_ = 	snop;
	(pc) =	sbr.rel .LBB2_4-.Ltmp8, $1  }
0x44: {  	_ =	sdelay $0x3  }
.LBB2_9:
0x45: {  	_ =	sfence.sel $0x180000  }
0x46: {  	[bflag:$0x0] =	sbarrier.arrive $0xFFFF  }
0x47: {  	p0 =	sne.s32 s1, $0x0;
	_ =	strace $0x90000047  }
0x48: {  	s0 =	sadd.s32 @!p0 $0x100000, s0;
	[bflag:$0x2] =	sbarrier.arrive $0xFFFF  }
0x49: {  	[sflag:s0] =	ssyncadd.tile.s32 @!p0 $0x1;
	_ =	shalt  }
.Lfunc_end2:
_tile_overlayer_lowered:
.L_overlay_start_2:
0x4a: {  	(tag) =	ssettag $0x2  }
0x4b: {  	s0 =	rddreg [dreg:$0x0];
	s2 =	stileid.u32  }
0x4c: {  	s1 =	rddreg [dreg:$0x1];
	p0 =	sne.s32 s2, $0x0  }
0x4d: {  	s3 =	rddreg [dreg:$0x2];
	[bflag:$0x3] =	sbarrier.arrive $0xFFFF;
	s2 =	simm.s32 @!p0 $0x1C01  }
0x4e: {  	[timem:s3], [sflag:s2] =	dma.local @!p0 [hbm:s0], s1  }
0x4f: {  	s0 =	simm.s32 @!p0 $0x1  }
0x50: {  	_ =	swait.ge @!p0 [sflag:s0], s1  }
0x51: {  	s1 =	ssub.s32 @!p0 $0x0, s1;
	[sflag:s0] =	ssyncset.done @!p0 $0x0  }
0x52: {  	[sflag:s0] =	ssyncadd.s32 @!p0 s1  }
0x53: {  	[bflag:$0x3] =	sbarrier.arrive $0xFFFF  }
0x54: {  	_ =	shalt  }

// kernel: kernel.14.cloned.1.call-start
scs
__scs_entry_jumppad:
0x0: {  	(pc) =	sbr.rel $0x88, $3  }
0x1: {  	(tag) =	ssettag $0x0;
	lr =	simm.s32 $0x1  }
0x2: {  	[smem:$0x3F81] =	sst lr;
	_ =	strace $0xD0000000  }
0x3: {  	_ = 	snop  }
0x4: {  	_ = 	snop  }
0x5: {  	_ = 	snop  }
0x6: {  	_ = 	snop  }
0x7: {  	_ = 	snop  }
__scs_overlays_trampoline_lowered:
0x8: {  	[smem:$0x3F90] =	sst s0  }
0x9: {  	[smem:$0x3F91] =	sst s1  }
0xa: {  	[smem:$0x3F92] =	sst s2  }
0xb: {  	[smem:$0x3F93] =	sst s3  }
0xc: {  	[smem:$0x3F94] =	sst s4  }
0xd: {  	[smem:$0x3F95] =	sst s5  }
0xe: {  	[smem:$0x3F96] =	sst s6  }
0xf: {  	[smem:$0x3F97] =	sst s7  }
0x10: {  	[smem:$0x3F98] =	sst s8  }
0x11: {  	[smem:$0x3F99] =	sst s9;
	s0 =	simm.s32 @!p0 $0x0  }
0x12: {  	s1 =	sld [smem:$0x3F7F];
	s0 =	simm.s32 @p0 $0x1  }
0x13: {  	[smem:$0x3F9A] =	sst s0;
	s0 =	simm.s32 @!p1 $0x0  }
0x14: {  	s2 =	sld [smem:$0x3F7E];
	s0 =	simm.s32 @p1 $0x1  }
0x15: {  	[smem:$0x3F9B] =	sst s0;
	s0 =	simm.s32 @!p2 $0x0  }
0x16: {  	s3 =	sld [smem:$0x3FDB];
	s0 =	simm.s32 @p2 $0x1  }
0x17: {  	s4 =	simm.s32 $0x1BF5;
	[smem:$0x3F9D] =	sst s0  }
0x18: {  	s0 =	sld [smem:$0x3F80];
	_ =	swait.ge [sflag:s4], $0x0  }
0x19: {  	s7 =	sld [smem:$0x3F81]  }
0x1a: {  	s8 =	sadd.s32 $0xFFFFE003, lr  }
0x1b: {  	s9 =	sadd.s32 $0xFFFFFEF7, lr;
	s5 =	simm.s32 $0xFFFFFFFF;
	p2 =	slt.u32 s8, $0xFFFFF086  }
0x1c: {  	p1 =	slt.u32 s9, $0xF7A;
	s5 =	simm.s32 @!p2 $0x0  }
0x1d: {  	s5 =	simm.s32 @p1 $0x1;
	p0 =	seq.s32 s7, s2  }
0x1e: {  	s7 =	smul.u32 @!p0 $0xF7A, s2;
	p2 =	seq.s32 @!p0 s5, $0x0  }
0x1f: {  	s9 =	smul.u32 $0xF7A, s1;
	s8 =	simm.s32 @!p0 $0x1BF5;
	p2 =	por !p2, p0  }
0x20: {  	[sflag:s8] =	ssyncset.s32 @!p0 $0xFFFFF086;
	s6 =	sadd.s32 @!p0 s3, s7;
	s7 =	simm.s32 @!p0 $0x108  }
0x21: {  	s3 =	sadd.s32 s3, s9;
	s6 =	sadd.s32 @!p0 $0x88, s6;
	s7 =	simm.s32 @p2 $0x1082  }
0x22: {  	[simem:s7], [sflag:s8] =	dma.local @!p0 [hbm:s6], $0xF7A  }
0x23: {  	s9 =	sor.u32 $0xD0000000, s2;
	s6 =	simm.s32 $0x108;
	_ =	swait.ge @!p0 [sflag:s8], $0x0  }
0x24: {  	s3 =	sadd.s32 $0x88, s3;
	s6 =	simm.s32 @!p1 $0x1082;
	[sflag:s4] =	ssyncset.s32 $0xFFFFF086  }
0x25: {  	[simem:s6], [sflag:s4] =	dma.local [hbm:s3], $0xF7A  }
0x26: {  	[smem:$0x3F81] =	sst s1;
	(tag) =	ssettag s2;
	_ =	strace s9  }
0x27: {  	s1 =	sld [smem:$0x3F91]  }
0x28: {  	s2 =	sld [smem:$0x3F92]  }
0x29: {  	s4 =	sld [smem:$0x3F94]  }
0x2a: {  	p0 =	seq.s32 s5, $0x0;
	s5 =	sld [smem:$0x3F95]  }
0x2b: {  	s6 =	sld [smem:$0x3F96]  }
0x2c: {  	s7 =	sld [smem:$0x3F97]  }
0x2d: {  	s3 =	simm.s32 $0x108;
	s8 =	sld [smem:$0x3F98]  }
0x2e: {  	s3 =	simm.s32 @!p0 $0x1082;
	s9 =	sld [smem:$0x3F99]  }
0x2f: {  	lr =	sadd.s32 s0, s3;
	s0 =	sld [smem:$0x3F90]  }
0x30: {  	s3 =	sld [smem:$0x3F93]  }
0x31: {  	[smem:$0x3F9C] =	sst s10  }
0x32: {  	s10 =	sld [smem:$0x3F9A];
	_ =	sdelay $0x3  }
0x33: {  	p0 =	seq.s32 s10, $0x1;
	s10 =	sld [smem:$0x3F9C];
	_ =	sdelay $0x3  }
0x34: {  	[smem:$0x3F9C] =	sst s10  }
0x35: {  	s10 =	sld [smem:$0x3F9B];
	_ =	sdelay $0x3  }
0x36: {  	p1 =	seq.s32 s10, $0x1;
	s10 =	sld [smem:$0x3F9C];
	_ =	sdelay $0x3  }
0x37: {  	[smem:$0x3F9C] =	sst s10  }
0x38: {  	s10 =	sld [smem:$0x3F9D]  }
0x39: {  	_ = 	snop;
	(pc) =	sbr.ind lr, $3  }
0x3a: {  	_ = 	snop  }
0x3b: {  	_ = 	snop  }
0x3c: {  	p2 =	seq.s32 s10, $0x1;
	s10 =	sld [smem:$0x3F9C]  }
0x3d: {  	_ =	shalt  }
0x3e: {  	_ =	shalt  }
0x3f: {  	_ =	shalt  }
0x40: {  	_ =	shalt  }
0x41: {  	_ =	shalt  }
0x42: {  	_ =	shalt  }
0x43: {  	_ =	shalt  }
0x44: {  	_ =	shalt  }
0x45: {  	_ =	shalt  }
0x46: {  	_ =	shalt  }
0x47: {  	_ =	shalt  }
0x48: {  	_ =	shalt  }
0x49: {  	_ =	shalt  }
0x4a: {  	_ =	shalt  }
0x4b: {  	_ =	shalt  }
0x4c: {  	_ =	shalt  }
0x4d: {  	_ =	shalt  }
0x4e: {  	_ =	shalt  }
0x4f: {  	_ =	shalt  }
0x50: {  	_ =	shalt  }
0x51: {  	_ =	shalt  }
0x52: {  	_ =	shalt  }
0x53: {  	_ =	shalt  }
0x54: {  	_ =	shalt  }
0x55: {  	_ =	shalt  }
0x56: {  	_ =	shalt  }
0x57: {  	_ =	shalt  }
0x58: {  	_ =	shalt  }
0x59: {  	_ =	shalt  }
0x5a: {  	_ =	shalt  }
0x5b: {  	_ =	shalt  }
0x5c: {  	_ =	shalt  }
0x5d: {  	_ =	shalt  }
0x5e: {  	_ =	shalt  }
0x5f: {  	_ =	shalt  }
0x60: {  	_ =	shalt  }
0x61: {  	_ =	shalt  }
0x62: {  	_ =	shalt  }
0x63: {  	_ =	shalt  }
0x64: {  	_ =	shalt  }
0x65: {  	_ =	shalt  }
0x66: {  	_ =	shalt  }
0x67: {  	_ =	shalt  }
0x68: {  	_ =	shalt  }
0x69: {  	_ =	shalt  }
0x6a: {  	_ =	shalt  }
0x6b: {  	_ =	shalt  }
0x6c: {  	_ =	shalt  }
0x6d: {  	_ =	shalt  }
0x6e: {  	_ =	shalt  }
0x6f: {  	_ =	shalt  }
0x70: {  	_ =	shalt  }
0x71: {  	_ =	shalt  }
0x72: {  	_ =	shalt  }
0x73: {  	_ =	shalt  }
0x74: {  	_ =	shalt  }
0x75: {  	_ =	shalt  }
0x76: {  	_ =	shalt  }
0x77: {  	_ =	shalt  }
0x78: {  	_ =	shalt  }
0x79: {  	_ =	shalt  }
0x7a: {  	_ =	shalt  }
0x7b: {  	_ =	shalt  }
0x7c: {  	_ =	shalt  }
0x7d: {  	_ =	shalt  }
0x7e: {  	_ =	shalt  }
0x7f: {  	_ =	shalt  }
0x80: {  	_ =	shalt  }
0x81: {  	_ =	shalt  }
0x82: {  	_ =	shalt  }
0x83: {  	_ =	shalt  }
0x84: {  	_ =	shalt  }
0x85: {  	_ =	shalt  }
0x86: {  	_ =	shalt  }
0x87: {  	_ =	shalt  }
.Lfunc_end0:
.L_simem_size_0:
called_computation.1_lowered:
.L_overlay_start_0:
0x88: {  	s2 =	sld [smem:$0x3FD9]  }
0x89: {  	s3 =	sld [smem:$0x3FFE];
	_ =	sdelay $0x1  }
0x8a: {  	s1 =	srdreg.scid  }
0x8b: {  	s0 =	sand.u32 $0x1, s1  }
0x8c: {  	s17 =	sshll.u32 s0, $0xA;
	s2 =	sadd.s32 s3, s2  }
0x8d: {  	s2 =	sadd.s32 s2, s17  }
0x8e: {  	[smem:$0x3FA8] =	sst s2  }
0x8f: {  	_ = 	snop  }
0x90: {  	(tm) =	ssettm $0x1  }
0x91: {  	s18 =	sld [smem:$0x3FFB];
	_ =	sdelay $0x3  }
0x92: {  	_ =	strace s18  }
0x93: {  	s2 =	sld [smem:$0x3FFC];
	_ =	sdelay $0x3  }
0x94: {  	_ =	strace s2  }
0x95: {  	s2 =	sld [smem:$0x3FFD];
	_ =	sdelay $0x3  }
0x96: {  	_ =	strace s2  }
0x97: {  	_ =	strace $0x8FFFFFFF  }
0x98: {  	s19 =	sld [smem:$0x3FDB];
	_ =	sdelay $0x1  }
0x99: {  	s20 =	simm.s32 $_scs_section_size  }
0x9a: {  	s4 =	simm.s32 $_size__tile_overlayer_lowered;
	s5 =	simm.s32 $_tile_overlayer_lowered  }
0x9b: {  	s6 =	simm.s32 $0x1BFF;
	s21 =	sshll.u32 s5, $0x1;
	s3 =	sadd.s32 s20, s19  }
0x9c: {  	s22 =	simm.s32 $0x0;
	s4 =	sshll.u32 s4, $0x1;
	s5 =	sadd.s32 s21, s3  }
0x9d: {  	[timem:s22], [sflag:s6] =	dma.local [hbm:s5], s4  }
0x9e: {  	_ =	swait.ge [sflag:s6], s4  }
0x9f: {  	s4 =	ssub.s32 $0x0, s4;
	[sflag:s6] =	ssyncset.done $0x0  }
0xa0: {  	[sflag:s6] =	ssyncadd.s32 s4;
	_ =	sdelay $0x1  }
0xa1: {  	s23 =	simm.s32 $0x1B8B  }
0xa2: {  	_ =	swait.ge [sflag:s23], $0x1  }
0xa3: {  	[sflag:s23] =	ssyncset.done $0x0  }
0xa4: {  	[sflag:s23] =	ssyncadd.s32 $0xFFFFFFFF  }
0xa5: {  	s4 =	sld [smem:$0x0]  }
0xa6: {  	s5 =	sand.u32 $0xFFFFFFFE, s1  }
0xa7: {  	p0 =	sne.s32 s1, s5  }
0xa8: {  	s5 =	sshll.u32 @p0 s5, $0xE  }
0xa9: {  	s5 =	sadd.s32 @p0 $0x11B8D, s5;
	s6 =	sshll.u32 @p0 s4, $0x11  }
0xaa: {  	s5 =	sor.u32 @p0 s6, s5  }
0xab: {  	[sflag:s5] =	ssyncadd.remote.s32 @p0 $0x1;
	_ =	sdelay $0x1  }
0xac: {  	s5 =	simm.s32 @p0 $0x1B8D  }
0xad: {  	_ =	swait.eq @p0 [sflag:s5], $0x1  }
0xae: {  	[sflag:s5] =	ssyncadd.s32 @p0 $0xFFFFFFFF  }
0xaf: {  	s6 =	sshll.u32 @!p0 s1, $0xE  }
0xb0: {  	s6 =	sor.u32 @!p0 $0x4000, s6;
	s5 =	simm.s32 @!p0 $0x1B8D  }
0xb1: {  	s4 =	sshll.u32 @!p0 s4, $0x11;
	s6 =	sadd.s32 @!p0 $0x11B8D, s6;
	_ =	swait.eq @!p0 [sflag:s5], $0x1  }
0xb2: {  	s4 =	sor.u32 @!p0 s4, s6;
	[sflag:s5] =	ssyncadd.s32 @!p0 $0xFFFFFFFF  }
0xb3: {  	s25 =	simm.s32 $0x1B8E;
	s24 =	sld [smem:$0x3FFE];
	[sflag:s4] =	ssyncadd.remote.s32 @!p0 $0x1  }
0xb4: {  	s26 =	simm.s32 $execute0_lowered;
	[smem:$0x3FD2] =	sst s25  }
0xb5: {  	s5 =	sshll.u32 s26, $0x1;
	_ =	strace $0x80000049;
	[dreg:$0x1] =	wrdreg $0xFFFFFFFF  }
0xb6: {  	s28 =	simm.s32 $_size_execute0_lowered;
	s3 =	sadd.s32 s3, s5;
	[dreg:$0x0] =	wrdreg $0x0  }
0xb7: {  	s5 =	sshll.u32 s28, $0x1;
	[dreg:$0x2] =	wrdreg s3  }
0xb8: {  	[dreg:$0x3] =	wrdreg s5  }
0xb9: {  	[dreg:$0x4] =	wrdreg $0xC0  }
0xba: {  	_ =	task [dreg:s22], $0x5FFFF  }
0xbb: {  	[dreg:$0x1] =	wrdreg $0xFFFFFFFF  }
0xbc: {  	[dreg:$0x0] =	wrdreg $0x60  }
0xbd: {  	[dreg:$0x2] =	wrdreg s24  }
0xbe: {  	[dreg:$0x3] =	wrdreg $0x0  }
0xbf: {  	[dreg:$0x4] =	wrdreg $0xA  }
0xc0: {  	_ =	task.clear_ibuf [dreg:s22], $0x5FFFF;
	_ =	strace $0x90000049  }
0xc1: {  	s29 =	simm.s32 $0xA;
	_ =	strace $0x8000004B  }
0xc2: {  	_ =	swait.ge [sflag:s29], $0x1  }
0xc3: {  	[sflag:s29] =	ssyncadd.s32 $0xFFFFFFFF  }
0xc4: {  	_ =	strace $0x9000004B  }
0xc5: {  	_ =	sfence  }
0xc6: {  	s30 =	sld [smem:$0x0];
	_ =	sdelay $0x2  }
0xc7: {  	s31 =	sshll.u32 s1, $0xD;
	s1 =	sshrl.u32 s1, $0x2  }
0xc8: {  	s4 =	sand.u32 $0x4000, s31;
	s1 =	sadd.s32 s1, s30  }
0xc9: {  	s0 =	sor.u32 s4, s0;
	s1 =	sshll.u32 s1, $0x11  }
0xca: {  	s0 =	sor.u32 s1, s0  }
0xcb: {  	s0 =	sadd.s32 $0x8F2B, s0  }
0xcc: {  	[sflag:s0] =	ssyncadd.remote.s32 $0x1  }
0xcd: {  	_ =	sfence.sel $0xFFFF  }
0xce: {  	[dreg:$0x0] =	wrdreg $0xFFFFFFFF;
	(pc) =	sbr.abs _section_cstart, $3  }
0xcf: {  	[dreg:$0x1] =	wrdreg $0xFFFFFFFF  }
0xd0: {  	_ =	task.clear_ibuf [dreg:s22], $0x2FFFF;
	_ =	strace $0x9FFFFFFF  }
0xd1: {  	(tm) =	ssettm $0x7FFFFFFF  }
tec
execute0_lowered:
.L_overlay_start_1:
0x0: {  	(tag) =	ssettag $0x1  }
0x1: {  	s0 =	rddreg [dreg:$0x0]  }
0x2: {  	s1 =	rddreg [dreg:$0x1];
	s3 =	simm.s32 $0x0  }
0x3: {  	s20 =	stileid.u32;
	s7 =	srdreg.scid;
	s18 =	simm.s32 $0x2  }
0x4: {  	s19 =	simm.s32 $0x50;
	[smem:$0x7FF] =	sst s3;
	s2 =	smul.u32 $0x18700, s20  }
0x5: {  	s4 =	sadd.s32 $0x12D800, s0;
	s5 =	sadd.s32 $0x1BC00, s0;
	s11 =	smul.u32 $0x30E, s20  }
0x6: {  	s6 =	sadd.s32 $0x3400, s0;
	s7 =	sand.u32 $0x1, s7;
	s12 =	smul.u32 $0x30D, s20  }
0x7: {  	s24 =	sshll.u32 s20, $0x6;
	p0 =	sgt.u32 s20, $0x3;
	s21 =	smul.u32 $0x61A8, s7  }
0x8: {  	_ =	strace $0x8000004A;
	s9 =	ssub.s32 $0x2, s7;
	s7 =	smul.u32 $0xC350, s20  }
0x9: {  	s20 =	simm.s32 $0x1;
	s8 =	sshrl.u32 s2, $0x3;
	s23 =	sshrl.u32 s9, $0x1  }
0xa: {  	s14 =	sadd.s32 $0x4, s12;
	s10 =	sadd.s32 s8, s0;
	s0 =	sadd.s32 $0x2E5200, s0  }
0xb: {  	s16 =	ssub.s32 s9, s23;
	s8 =	sadd.s32 s2, s1;
	s13 =	sadd.s32 s11, s21  }
0xc: {  	s12 =	sadd.s32 s21, s14;
	s22 =	sadd.s32 $0x30D4, s21;
	s30 =	sshll.u32 s14, $0x7  }
0xd: {  	s23 =	simm.s32 $0x0;
	s9 =	sadd.s32 $0x2B4400, s10;
	s10 =	sor.u32 $0x1C02, s24  }
0xe: {  	s25 =	sshll.u32 s13, $0x4;
	s26 =	sshll.u32 s12, $0x4;
	s28 =	sadd.s32 s11, s22  }
0xf: {  	s29 =	sadd.s32 s14, s22;
	s31 =	sadd.s32 s30, s1;
	s16 =	smax.u32 s16, $0x1  }
0x10: {  	s17 =	sshrl.u32 s8, $0x3;
	s13 =	simm.s32 $0x196A0;
	s2 =	sadd.s32 s0, s25  }
0x11: {  	v1 =	vmov s22;
	s22 =	simm.s32 $0x19740;
	[dreg:$0x3] =	wrdreg s2;
	s2 =	sadd.s32 s0, s26  }
0x12: {  	s11 =	sshll.u32 s29, $0x4;
	[dreg:$0x4] =	wrdreg s2;
	s2 =	sshll.u32 s28, $0x4  }
0x13: {  	v0 =	vmov s21;
	[dreg:$0x5] =	wrdreg s31;
	s15 =	sadd.s32 s0, s11;
	s14 =	sadd.s32 s0, s2  }
.LBB2_1:
0x14: {  	s0 =	smul.u32 $0x47AF, s3;
	_ =	sdelay $0x1  }
0x15: {  	s0 =	sshrl.u32 s0, $0x10  }
0x16: {  	s2 =	ssub.s32 $0x0, s0  }
0x17: {  	s2 =	sand.u32 $0xFFFE, s2  }
0x18: {  	s2 =	sshrl.u32 s2, $0x1  }
0x19: {  	s0 =	sadd.s32 s0, s2  }
0x1a: {  	s0 =	sand.u32 $0xFFF0, s0  }
0x1b: {  	s0 =	sshrl.u32 s0, $0x4  }
0x1c: {  	s0 =	smul.u32 $0x19, s0;
	_ =	sdelay $0x1  }
0x1d: {  	s0 =	ssub.s32 $0x0, s0  }
0x1e: {  	s12 =	sand.u32 $0xFFFF, s0  }
0x1f: {  	p1 =	sne.s32 s12, $0x0  }
0x20: {  	s2 =	smul.u32 @!p1 $0x47AF, s3  }
0x21: {  	[spmem:s17], [sflag:s10] =	dma.local [hbm:s9], $0x30E0  }
0x22: {  	s2 =	sshrl.u32 @!p1 s2, $0x10  }
0x23: {  	s11 =	ssub.s32 @!p1 $0x0, s2  }
0x24: {  	s11 =	sand.u32 @!p1 $0xFFFE, s11  }
0x25: {  	s11 =	sshrl.u32 @!p1 s11, $0x1  }
0x26: {  	s2 =	sadd.s32 @!p1 s2, s11  }
0x27: {  	s2 =	sand.u32 @!p1 $0xFFF0, s2  }
0x28: {  	s2 =	sshrl.u32 @!p1 s2, $0x4  }
0x29: {  	_ =	swait.ge [sflag:s18], $0x30E0;
	s2 =	smul.u32 @!p1 $0x7D0, s2  }
0x2a: {  	[sflag:s18] =	ssyncset.done $0x0  }
0x2b: {  	[sflag:s18] =	ssyncadd.s32 $0xFFFFCF20;
	s2 =	sadd.s32 @!p1 s7, s2  }
0x2c: {  	[bflag:$0x0] =	sbarrier.arrive $0xFFFF;
	s24 =	simm.s32 @!p1 $0x18700;
	s2 =	sshrl.u32 @!p1 s2, $0x3  }
0x2d: {  	s26 =	simm.s32 @!p1 $0x3;
	s11 =	simm.s32 @!p1 $0x0;
	s25 =	sadd.s32 @!p1 s5, s2  }
0x2e: {  	[tilespmem:s24], [sflag:$0x3] =	stream.linear.gather @!p1 [hbm4b:s25+s11], $0x7D0, $0x38;
	[tilespmem:$0x1E740] =	vst v63  }
0x2f: {  	s0 =	smul.u32 $0x50, s0;
	_ =	swait.ge @!p1 [sflag:s26], $0x7D0  }
0x30: {  	s2 =	sadd.s32 @!p1 s6, s2;
	s25 =	sand.u32 $0x1, s3;
	[sflag:s26] =	ssyncset.done @!p1 $0x0  }
0x31: {  	s24 =	simm.s32 @!p1 $0x18ED0;
	s28 =	smul.u32 $0xA000, s25;
	[sflag:s26] =	ssyncadd.s32 @!p1 $0xFFFFF830  }
0x32: {  	[tilespmem:s24], [sflag:$0x3] =	stream.linear.gather @!p1 [hbm4b:s2+s11], $0x7D0, $0x38;
	[tilespmem:$0x1E740] =	vst v63  }
0x33: {  	_ =	swait.ge @!p1 [sflag:s26], $0x7D0  }
0x34: {  	s0 =	sand.u32 $0xFFF0, s0;
	s21 =	sshrl.u32 s28, $0x2;
	[sflag:s26] =	ssyncset.done @!p1 $0x0  }
0x35: {  	s2 =	sadd.s32 $0x19740, s21;
	s24 =	sadd.s32 $0x18700, s0;
	[sflag:s26] =	ssyncadd.s32 @!p1 $0xFFFFF830  }
0x36: {  	[tilespmem:s2], [sflag:$0x1] =	stream.indirect.gather [hbm4b:s4+s19], $0x80, s24, s19, $0xb8;
	[tilespmem:$0x1E740] =	vst v63  }
0x37: {  	v2 =	vld [tilespmem:s0+$0x18ED0];
	_ =	sdelay $0x3  }
0x38: {  	s26 =	smul.u32 $0x140, s25  }
0x39: {  	v2 =	vsub.s32 v2, v0  }
0x3a: {  	s2 =	sshrl.u32 s26, $0x2;
	v2 =	vmin.u32 v2, $0x30D4  }
0x3b: {  	[tilespmem:s2+$0x196A0] =	vst v2  }
0x3c: {  	v2 =	vld [tilespmem:s0+$0x18EE0];
	_ =	sdelay $0x4  }
0x3d: {  	v2 =	vsub.s32 v2, v0  }
0x3e: {  	v2 =	vmin.u32 v2, $0x30D4  }
0x3f: {  	[tilespmem:s2+$0x196B0] =	vst v2  }
0x40: {  	v2 =	vld [tilespmem:s0+$0x18EF0];
	_ =	sdelay $0x1  }
0x41: {  	s24 =	simm.s32 $0x1  }
0x42: {  	s28 =	smul.u32 $0x47AF, s24;
	_ =	sdelay $0x1  }
0x43: {  	s11 =	sshrl.u32 s28, $0x10;
	v2 =	vsub.s32 v2, v0  }
0x44: {  	s29 =	ssub.s32 $0x1, s11;
	v2 =	vmin.u32 v2, $0x30D4  }
0x45: {  	s26 =	sand.u32 $0xFFFE, s29;
	[tilespmem:s2+$0x196C0] =	vst v2  }
0x46: {  	s26 =	sshrl.u32 s26, $0x1;
	v2 =	vld [tilespmem:s0+$0x18F00]  }
0x47: {  	s11 =	sadd.s32 s11, s26  }
0x48: {  	s11 =	sand.u32 $0xFFF0, s11  }
0x49: {  	s11 =	sshrl.u32 s11, $0x4  }
0x4a: {  	s11 =	smul.u32 $0x19, s11  }
0x4b: {  	v2 =	vsub.s32 v2, v0  }
0x4c: {  	s11 =	ssub.s32 $0x1, s11;
	v2 =	vmin.u32 v2, $0x30D4  }
0x4d: {  	s31 =	sand.u32 $0xFFFF, s11;
	[tilespmem:s2+$0x196D0] =	vst v2  }
0x4e: {  	p1 =	por $0x1, $0x1;
	p2 =	sne.s32 s31, $0x0;
	v2 =	vld [tilespmem:s0+$0x18F10]  }
0x4f: {  	s25 =	sxor.u32 @!p1 $0x1, s25;
	s0 =	smul.u32 @!p2 $0x47AF, s24  }
0x50: {  	s28 =	smul.u32 @!p1 $0x140, s25  }
0x51: {  	s0 =	sshrl.u32 @!p2 s0, $0x10  }
0x52: {  	s28 =	sshrl.u32 @!p1 s28, $0x2;
	s26 =	smul.u32 @!p1 $0xA000, s25;
	s29 =	ssub.s32 @!p2 $0x1, s0  }
0x53: {  	s28 =	sadd.s32 @!p1 $0x196A0, s28;
	s29 =	sand.u32 @!p2 $0xFFFE, s29;
	v2 =	vsub.s32 v2, v0  }
0x54: {  	s30 =	sshrl.u32 @!p1 s26, $0x2;
	s26 =	smul.u32 $0x50, s11;
	s11 =	sshrl.u32 @!p2 s29, $0x1;
	v2 =	vmin.u32 v2, $0x30D4  }
0x55: {  	s25 =	simm.s32 $0x2;
	s0 =	sadd.s32 @!p2 s0, s11;
	s11 =	simm.s32 @!p1 $0x1;
	[tilespmem:s2+$0x196E0] =	vst v2  }
0x56: {  	s30 =	sadd.s32 @!p1 $0x19740, s30;
	s0 =	sand.u32 @!p2 $0xFFF0, s0;
	_ =	swait.ge @!p1 [sflag:s11], $0x2800  }
0x57: {  	s29 =	simm.s32 @!p1 $0x50;
	s0 =	sshrl.u32 @!p2 s0, $0x4;
	[sflag:s11] =	ssyncset.done @!p1 $0x0  }
0x58: {  	s2 =	simm.s32 @!p1 $0x2;
	s0 =	smul.u32 @!p2 $0x7D0, s0;
	[sflag:s11] =	ssyncadd.s32 @!p1 $0xFFFFD800  }
0x59: {  	[spmem:s1] =	stream.indirect.scatter.add.f32 @!p1 [tilespmem:s30], [sflag:$0x2], $0x80, s28, s29, $0xb8;
	[tilespmem:$0x1E740] =	vst v63  }
0x5a: {  	s30 =	simm.s32 @!p2 $0x0;
	s11 =	sadd.s32 @!p2 s7, s0;
	_ =	swait.ge @!p1 [sflag:s2], $0x2800  }
0x5b: {  	s0 =	simm.s32 @!p2 $0x18700;
	s11 =	sshrl.u32 @!p2 s11, $0x3;
	[sflag:s2] =	ssyncset.done @!p1 $0x0  }
.LBB2_2:
0x5c: {  	s28 =	sadd.s32 @!p2 s5, s11  }
0x5d: {  	s29 =	simm.s32 @!p2 $0x3;
	[sflag:s2] =	ssyncadd.s32 @!p1 $0xFFFFD800;
	s2 =	smov.u32 s25  }
0x5e: {  	[tilespmem:s0], [sflag:$0x3] =	stream.linear.gather @!p2 [hbm4b:s28+s30], $0x7D0, $0x38;
	[tilespmem:$0x1E740] =	vst v63  }
0x5f: {  	s25 =	sadd.s32 $0x1, s25;
	p1 =	seq.s32 s24, $0x0;
	_ =	swait.ge @!p2 [sflag:s29], $0x7D0  }
0x60: {  	s24 =	sand.u32 $0x1, s24;
	s0 =	simm.s32 @!p2 $0x18ED0;
	[sflag:s29] =	ssyncset.done @!p2 $0x0  }
0x61: {  	s11 =	sadd.s32 @!p2 s6, s11;
	s28 =	smul.u32 $0xA000, s24;
	[sflag:s29] =	ssyncadd.s32 @!p2 $0xFFFFF830  }
0x62: {  	[tilespmem:s0], [sflag:$0x3] =	stream.linear.gather @!p2 [hbm4b:s11+s30], $0x7D0, $0x38;
	[tilespmem:$0x1E740] =	vst v63  }
0x63: {  	s11 =	sshrl.u32 s28, $0x2;
	s30 =	smul.u32 $0x140, s24;
	_ =	swait.ge @!p2 [sflag:s29], $0x7D0  }
0x64: {  	s0 =	sand.u32 $0xFFF0, s26;
	s26 =	sxor.u32 @!p1 $0x1, s24;
	[sflag:s29] =	ssyncset.done @!p2 $0x0  }
0x65: {  	s11 =	sadd.s32 $0x19740, s11;
	s24 =	sadd.s32 $0x18700, s0;
	[sflag:s29] =	ssyncadd.s32 @!p2 $0xFFFFF830  }
0x66: {  	[tilespmem:s11], [sflag:$0x1] =	stream.indirect.gather [hbm4b:s4+s19], $0x80, s24, s19, $0xb8;
	[tilespmem:$0x1E740] =	vst v63  }
0x67: {  	p3 =	sne.s32 s25, $0x271;
	s11 =	smul.u32 @!p1 $0xA000, s26;
	s24 =	smov.u32 s2;
	v2 =	vld [tilespmem:s0+$0x18ED0]  }
0x68: {  	s2 =	smul.u32 @!p1 $0x140, s26  }
0x69: {  	s28 =	sshrl.u32 @!p1 s11, $0x2  }
0x6a: {  	s29 =	sshrl.u32 @!p1 s2, $0x2;
	_ =	sdelay $0x1  }
0x6b: {  	v2 =	vsub.s32 v2, v0  }
0x6c: {  	s31 =	sshrl.u32 s30, $0x2;
	v2 =	vmin.u32 v2, $0x30D4  }
0x6d: {  	[tilespmem:s31+$0x196A0] =	vst v2  }
0x6e: {  	v2 =	vld [tilespmem:s0+$0x18EE0];
	_ =	sdelay $0x4  }
0x6f: {  	v2 =	vsub.s32 v2, v0  }
0x70: {  	v2 =	vmin.u32 v2, $0x30D4  }
0x71: {  	[tilespmem:s31+$0x196B0] =	vst v2  }
0x72: {  	v2 =	vld [tilespmem:s0+$0x18EF0];
	_ =	sdelay $0x2  }
0x73: {  	s2 =	smul.u32 $0x47AF, s24;
	_ =	sdelay $0x1  }
0x74: {  	s2 =	sshrl.u32 s2, $0x10;
	v2 =	vsub.s32 v2, v0  }
0x75: {  	s11 =	ssub.s32 s24, s2;
	v2 =	vmin.u32 v2, $0x30D4  }
0x76: {  	s11 =	sand.u32 $0xFFFE, s11;
	[tilespmem:s31+$0x196C0] =	vst v2  }
0x77: {  	s11 =	sshrl.u32 s11, $0x1;
	v2 =	vld [tilespmem:s0+$0x18F00]  }
0x78: {  	s2 =	sadd.s32 s2, s11  }
0x79: {  	s2 =	sand.u32 $0xFFF0, s2  }
0x7a: {  	s2 =	sshrl.u32 s2, $0x4  }
0x7b: {  	s2 =	smul.u32 $0x19, s2  }
0x7c: {  	v2 =	vsub.s32 v2, v0  }
0x7d: {  	s2 =	ssub.s32 s24, s2;
	v2 =	vmin.u32 v2, $0x30D4  }
0x7e: {  	s11 =	sand.u32 $0xFFFF, s2;
	s26 =	smul.u32 $0x50, s2;
	[tilespmem:s31+$0x196D0] =	vst v2  }
0x7f: {  	p2 =	sne.s32 s11, $0x0;
	v2 =	vld [tilespmem:s0+$0x18F10]  }
0x80: {  	s2 =	smul.u32 @!p2 $0x47AF, s24;
	s30 =	simm.s32 @!p2 $0x0;
	s0 =	simm.s32 @!p2 $0x18700  }
0x81: {  	_ = 	snop  }
0x82: {  	s2 =	sshrl.u32 @!p2 s2, $0x10  }
0x83: {  	s11 =	ssub.s32 @!p2 s24, s2  }
0x84: {  	s11 =	sand.u32 @!p2 $0xFFFE, s11;
	v2 =	vsub.s32 v2, v0  }
0x85: {  	s12 =	simm.s32 @!p1 $0x50;
	s11 =	sshrl.u32 @!p2 s11, $0x1;
	v2 =	vmin.u32 v2, $0x30D4  }
0x86: {  	s11 =	sadd.s32 @!p2 s2, s11;
	s2 =	simm.s32 @!p1 $0x2;
	[tilespmem:s31+$0x196E0] =	vst v2;
	s31 =	simm.s32 @!p1 $0x1  }
0x87: {  	s29 =	sadd.s32 @!p1 $0x196A0, s29;
	s11 =	sand.u32 @!p2 $0xFFF0, s11;
	_ =	swait.ge @!p1 [sflag:s31], $0x2800  }
.Ltmp0:
0x88: {  	s11 =	sshrl.u32 @!p2 s11, $0x4;
	[sflag:s31] =	ssyncset.done @!p1 $0x0;
	(pc) =	sbr.rel @p3 .LBB2_2-.Ltmp0, $4  }
0x89: {  	s28 =	sadd.s32 @!p1 $0x19740, s28;
	s11 =	smul.u32 @!p2 $0x7D0, s11;
	[sflag:s31] =	ssyncadd.s32 @!p1 $0xFFFFD800  }
0x8a: {  	[spmem:s1] =	stream.indirect.scatter.add.f32 @!p1 [tilespmem:s28], [sflag:$0x2], $0x80, s29, s12, $0xb8;
	[tilespmem:$0x1E740] =	vst v63  }
0x8b: {  	s11 =	sadd.s32 @!p2 s7, s11;
	_ =	swait.ge @!p1 [sflag:s2], $0x2800  }
0x8c: {  	s11 =	sshrl.u32 @!p2 s11, $0x3;
	[sflag:s2] =	ssyncset.done @!p1 $0x0  }
0x8d: {  	s12 =	sadd.s32 @!p2 s5, s11;
	s25 =	simm.s32 @!p2 $0x3;
	[sflag:s2] =	ssyncadd.s32 @!p1 $0xFFFFD800  }
0x8e: {  	[tilespmem:s0], [sflag:$0x3] =	stream.linear.gather @!p2 [hbm4b:s12+s30], $0x7D0, $0x38;
	[tilespmem:$0x1E740] =	vst v63  }
0x8f: {  	_ =	swait.ge @!p2 [sflag:s25], $0x7D0  }
0x90: {  	s2 =	simm.s32 @!p2 $0x18ED0;
	s0 =	sand.u32 $0x1, s24;
	[sflag:s25] =	ssyncset.done @!p2 $0x0  }
0x91: {  	s11 =	sadd.s32 @!p2 s6, s11;
	s31 =	smul.u32 $0xA000, s0;
	[sflag:s25] =	ssyncadd.s32 @!p2 $0xFFFFF830  }
0x92: {  	[tilespmem:s2], [sflag:$0x3] =	stream.linear.gather @!p2 [hbm4b:s11+s30], $0x7D0, $0x38;
	[tilespmem:$0x1E740] =	vst v63  }
0x93: {  	_ =	swait.ge @!p2 [sflag:s25], $0x7D0  }
0x94: {  	s26 =	sand.u32 $0xFFF0, s26;
	s21 =	sshrl.u32 s31, $0x2;
	[sflag:s25] =	ssyncset.done @!p2 $0x0  }
0x95: {  	s31 =	sadd.s32 $0x18700, s26;
	s2 =	sadd.s32 $0x19740, s21;
	[sflag:s25] =	ssyncadd.s32 @!p2 $0xFFFFF830  }
0x96: {  	[tilespmem:s2], [sflag:$0x1] =	stream.indirect.gather [hbm4b:s4+s19], $0x80, s31, s19, $0xb8;
	[tilespmem:$0x1E740] =	vst v63  }
0x97: {  	v2 =	vld [tilespmem:s26+$0x18ED0];
	_ =	sdelay $0x3  }
0x98: {  	s12 =	smul.u32 $0x140, s0  }
0x99: {  	v2 =	vsub.s32 v2, v0  }
0x9a: {  	s2 =	sshrl.u32 s12, $0x2;
	v2 =	vmin.u32 v2, $0x30D4  }
0x9b: {  	[tilespmem:s2+$0x196A0] =	vst v2  }
0x9c: {  	v2 =	vld [tilespmem:s26+$0x18EE0];
	_ =	sdelay $0x4  }
0x9d: {  	v2 =	vsub.s32 v2, v0  }
0x9e: {  	v2 =	vmin.u32 v2, $0x30D4  }
0x9f: {  	[tilespmem:s2+$0x196B0] =	vst v2  }
0xa0: {  	v2 =	vld [tilespmem:s26+$0x18EF0];
	_ =	sdelay $0x4  }
0xa1: {  	v2 =	vsub.s32 v2, v0  }
0xa2: {  	v2 =	vmin.u32 v2, $0x30D4  }
0xa3: {  	[tilespmem:s2+$0x196C0] =	vst v2  }
0xa4: {  	v2 =	vld [tilespmem:s26+$0x18F00];
	_ =	sdelay $0x4  }
0xa5: {  	v2 =	vsub.s32 v2, v0  }
0xa6: {  	v2 =	vmin.u32 v2, $0x30D4  }
0xa7: {  	[tilespmem:s2+$0x196D0] =	vst v2  }
0xa8: {  	v2 =	vld [tilespmem:s26+$0x18F10];
	_ =	sdelay $0x2  }
0xa9: {  	p1 =	seq.s32 s24, $0x0  }
0xaa: {  	s0 =	sxor.u32 @!p1 $0x1, s0  }
0xab: {  	s11 =	smul.u32 @!p1 $0xA000, s0;
	v2 =	vsub.s32 v2, v0  }
0xac: {  	s0 =	smul.u32 @!p1 $0x140, s0;
	v2 =	vmin.u32 v2, $0x30D4  }
0xad: {  	[tilespmem:s2+$0x196E0] =	vst v2;
	s2 =	simm.s32 @!p1 $0x1  }
0xae: {  	s24 =	simm.s32 @!p1 $0x2;
	s0 =	sshrl.u32 @!p1 s0, $0x2;
	_ =	swait.ge @!p1 [sflag:s2], $0x2800  }
0xaf: {  	s11 =	sshrl.u32 @!p1 s11, $0x2;
	s0 =	sadd.s32 @!p1 $0x196A0, s0;
	[sflag:s2] =	ssyncset.done @!p1 $0x0  }
0xb0: {  	s11 =	sadd.s32 @!p1 $0x19740, s11;
	s12 =	simm.s32 @!p1 $0x50;
	[sflag:s2] =	ssyncadd.s32 @!p1 $0xFFFFD800  }
0xb1: {  	[spmem:s1] =	stream.indirect.scatter.add.f32 @!p1 [tilespmem:s11], [sflag:$0x2], $0x80, s0, s12, $0xb8;
	[tilespmem:$0x1E740] =	vst v63  }
0xb2: {  	_ =	swait.ge @!p1 [sflag:s24], $0x2800  }
0xb3: {  	[sflag:s24] =	ssyncset.done @!p1 $0x0  }
0xb4: {  	[sflag:s24] =	ssyncadd.s32 @!p1 $0xFFFFD800  }
0xb5: {  	_ =	swait.ge [sflag:s20], $0x2800  }
0xb6: {  	[sflag:s20] =	ssyncset.done $0x0  }
0xb7: {  	[sflag:s20] =	ssyncadd.s32 $0xFFFFD800  }
0xb8: {  	[spmem:s1] =	stream.indirect.scatter.add.f32 [tilespmem:s22], [sflag:$0x2], $0x80, s13, s19, $0xb8;
	[tilespmem:$0x1E740] =	vst v63  }
0xb9: {  	_ =	swait.ge [sflag:s18], $0x2800  }
0xba: {  	[sflag:s18] =	ssyncset.done $0x0  }
0xbb: {  	[sflag:s18] =	ssyncadd.s32 $0xFFFFD800  }
0xbc: {  	[bflag:$0x0] =	sbarrier.arrive $0xFFFF  }
0xbd: {  	s0 =	rddreg [dreg:$0x5]  }
0xbe: {  	s24 =	sshrl.u32 @p0 s0, $0x3;
	s0 =	rddreg [dreg:$0x4]  }
0xbf: {  	[hbm:s0], [sflag:s10] =	dma.local @p0 [spmem:s24], $0x30D0  }
0xc0: {  	s2 =	simm.s32 $0x0;
	s0 =	simm.s32 @p0 $0x2  }
0xc1: {  	s21 =	smul.u32 $0x47AF, s2;
	_ =	swait.ge @p0 [sflag:s0], $0x30D0  }
0xc2: {  	s25 =	sshrl.u32 @!p0 s8, $0x3;
	[sflag:s0] =	ssyncset.done @p0 $0x0  }
0xc3: {  	s11 =	rddreg [dreg:$0x3];
	[sflag:s0] =	ssyncadd.s32 @p0 $0xFFFFCF30;
	s0 =	sshrl.u32 s21, $0x10  }
0xc4: {  	[hbm:s11], [sflag:s10] =	dma.local @!p0 [spmem:s25], $0x30E0  }
0xc5: {  	s26 =	ssub.s32 $0x0, s0  }
0xc6: {  	s11 =	sand.u32 $0xFFFE, s26  }
0xc7: {  	s11 =	sshrl.u32 s11, $0x1  }
0xc8: {  	s0 =	sadd.s32 s0, s11  }
0xc9: {  	s0 =	sand.u32 $0xFFF0, s0  }
0xca: {  	s0 =	sshrl.u32 s0, $0x4  }
0xcb: {  	s0 =	smul.u32 $0x19, s0  }
0xcc: {  	s11 =	simm.s32 @!p0 $0x2  }
0xcd: {  	_ =	swait.ge @!p0 [sflag:s11], $0x30E0;
	s0 =	ssub.s32 $0x0, s0  }
0xce: {  	[sflag:s11] =	ssyncset.done @!p0 $0x0;
	s31 =	sand.u32 $0xFFFF, s0  }
0xcf: {  	[sflag:s11] =	ssyncadd.s32 @!p0 $0xFFFFCF20;
	p1 =	sne.s32 s31, $0x0  }
0xd0: {  	[bflag:$0x0] =	sbarrier.arrive $0xFFFF;
	s11 =	smul.u32 @!p1 $0x47AF, s2  }
0xd1: {  	[spmem:s17], [sflag:s10] =	dma.local [hbm:s9], $0x30E0  }
0xd2: {  	s11 =	sshrl.u32 @!p1 s11, $0x10  }
0xd3: {  	s12 =	ssub.s32 @!p1 $0x0, s11  }
0xd4: {  	s12 =	sand.u32 @!p1 $0xFFFE, s12  }
0xd5: {  	s12 =	sshrl.u32 @!p1 s12, $0x1  }
0xd6: {  	s11 =	sadd.s32 @!p1 s11, s12  }
0xd7: {  	s11 =	sand.u32 @!p1 $0xFFF0, s11  }
0xd8: {  	s11 =	sshrl.u32 @!p1 s11, $0x4  }
0xd9: {  	_ =	swait.ge [sflag:s18], $0x30E0;
	s11 =	smul.u32 @!p1 $0x7D0, s11  }
0xda: {  	[sflag:s18] =	ssyncset.done $0x0  }
0xdb: {  	[sflag:s18] =	ssyncadd.s32 $0xFFFFCF20;
	s11 =	sadd.s32 @!p1 s7, s11  }
0xdc: {  	s26 =	simm.s32 @!p1 $0x18700;
	s29 =	simm.s32 @!p1 $0x3;
	s11 =	sshrl.u32 @!p1 s11, $0x3  }
0xdd: {  	[bflag:$0x0] =	sbarrier.arrive $0xFFFF;
	s12 =	simm.s32 @!p1 $0x0;
	s28 =	sadd.s32 @!p1 s5, s11  }
0xde: {  	[tilespmem:s26], [sflag:$0x3] =	stream.linear.gather @!p1 [hbm4b:s28+s12], $0x7D0, $0x38;
	[tilespmem:$0x1E740] =	vst v63  }
0xdf: {  	s0 =	smul.u32 $0x50, s0;
	_ =	swait.ge @!p1 [sflag:s29], $0x7D0  }
0xe0: {  	s2 =	sand.u32 $0x1, s2;
	s11 =	sadd.s32 @!p1 s6, s11;
	[sflag:s29] =	ssyncset.done @!p1 $0x0  }
0xe1: {  	s26 =	simm.s32 @!p1 $0x18ED0;
	s28 =	smul.u32 $0xA000, s2;
	[sflag:s29] =	ssyncadd.s32 @!p1 $0xFFFFF830  }
0xe2: {  	[tilespmem:s26], [sflag:$0x3] =	stream.linear.gather @!p1 [hbm4b:s11+s12], $0x7D0, $0x38;
	[tilespmem:$0x1E740] =	vst v63  }
0xe3: {  	_ =	swait.ge @!p1 [sflag:s29], $0x7D0  }
0xe4: {  	s0 =	sand.u32 $0xFFF0, s0;
	s13 =	sshrl.u32 s28, $0x2;
	[sflag:s29] =	ssyncset.done @!p1 $0x0  }
0xe5: {  	s21 =	sadd.s32 $0x18700, s0;
	s11 =	sadd.s32 $0x19740, s13;
	[sflag:s29] =	ssyncadd.s32 @!p1 $0xFFFFF830  }
0xe6: {  	[tilespmem:s11], [sflag:$0x1] =	stream.indirect.gather [hbm4b:s4+s19], $0x80, s21, s19, $0xb8;
	[tilespmem:$0x1E740] =	vst v63  }
0xe7: {  	v2 =	vld [tilespmem:s0+$0x18ED0];
	_ =	sdelay $0x3  }
0xe8: {  	s26 =	smul.u32 $0x140, s2  }
0xe9: {  	v2 =	vsub.s32 v2, v1  }
0xea: {  	s11 =	sshrl.u32 s26, $0x2;
	v2 =	vmin.u32 v2, $0x30D4  }
0xeb: {  	[tilespmem:s11+$0x196A0] =	vst v2  }
0xec: {  	v2 =	vld [tilespmem:s0+$0x18EE0];
	_ =	sdelay $0x4  }
0xed: {  	v2 =	vsub.s32 v2, v1  }
0xee: {  	v2 =	vmin.u32 v2, $0x30D4  }
0xef: {  	[tilespmem:s11+$0x196B0] =	vst v2  }
0xf0: {  	v2 =	vld [tilespmem:s0+$0x18EF0];
	_ =	sdelay $0x1  }
0xf1: {  	s26 =	simm.s32 $0x1  }
0xf2: {  	s31 =	smul.u32 $0x47AF, s26;
	_ =	sdelay $0x1  }
0xf3: {  	s12 =	sshrl.u32 s31, $0x10;
	v2 =	vsub.s32 v2, v1  }
0xf4: {  	s28 =	ssub.s32 $0x1, s12;
	v2 =	vmin.u32 v2, $0x30D4  }
0xf5: {  	s28 =	sand.u32 $0xFFFE, s28;
	[tilespmem:s11+$0x196C0] =	vst v2  }
0xf6: {  	s28 =	sshrl.u32 s28, $0x1;
	v2 =	vld [tilespmem:s0+$0x18F00]  }
0xf7: {  	s12 =	sadd.s32 s12, s28  }
0xf8: {  	s12 =	sand.u32 $0xFFF0, s12  }
0xf9: {  	s12 =	sshrl.u32 s12, $0x4  }
0xfa: {  	s12 =	smul.u32 $0x19, s12  }
0xfb: {  	v2 =	vsub.s32 v2, v1  }
0xfc: {  	s12 =	ssub.s32 $0x1, s12;
	v2 =	vmin.u32 v2, $0x30D4  }
0xfd: {  	s28 =	sand.u32 $0xFFFF, s12;
	[tilespmem:s11+$0x196D0] =	vst v2  }
0xfe: {  	p2 =	sne.s32 s28, $0x0;
	v2 =	vld [tilespmem:s0+$0x18F10]  }
0xff: {  	s0 =	smul.u32 @!p2 $0x47AF, s26  }
0x100: {  	p1 =	por $0x1, $0x1  }
0x101: {  	s2 =	sxor.u32 @!p1 $0x1, s2;
	s0 =	sshrl.u32 @!p2 s0, $0x10  }
0x102: {  	s28 =	smul.u32 @!p1 $0xA000, s2;
	s29 =	ssub.s32 @!p2 $0x1, s0  }
0x103: {  	s2 =	smul.u32 @!p1 $0x140, s2;
	s29 =	sand.u32 @!p2 $0xFFFE, s29;
	v2 =	vsub.s32 v2, v1  }
0x104: {  	s28 =	sshrl.u32 @!p1 s28, $0x2;
	s29 =	sshrl.u32 @!p2 s29, $0x1;
	v2 =	vmin.u32 v2, $0x30D4  }
0x105: {  	s2 =	sshrl.u32 @!p1 s2, $0x2;
	s0 =	sadd.s32 @!p2 s0, s29;
	[tilespmem:s11+$0x196E0] =	vst v2;
	s11 =	simm.s32 @!p1 $0x1  }
0x106: {  	s2 =	sadd.s32 @!p1 $0x196A0, s2;
	s0 =	sand.u32 @!p2 $0xFFF0, s0;
	_ =	swait.ge @!p1 [sflag:s11], $0x2800  }
0x107: {  	s29 =	simm.s32 @!p1 $0x50;
	s0 =	sshrl.u32 @!p2 s0, $0x4;
	[sflag:s11] =	ssyncset.done @!p1 $0x0  }
0x108: {  	s30 =	smul.u32 @!p2 $0x7D0, s0;
	s0 =	sadd.s32 @!p1 $0x19740, s28;
	[sflag:s11] =	ssyncadd.s32 @!p1 $0xFFFFD800  }
0x109: {  	[spmem:s1] =	stream.indirect.scatter.add.f32 @!p1 [tilespmem:s0], [sflag:$0x2], $0x80, s2, s29, $0xb8;
	[tilespmem:$0x1E740] =	vst v63  }
0x10a: {  	s28 =	simm.s32 $0x2;
	s11 =	simm.s32 @!p2 $0x18700;
	s2 =	simm.s32 @!p1 $0x2  }
0x10b: {  	s29 =	smul.u32 $0x50, s12;
	s12 =	sadd.s32 @!p2 s7, s30;
	_ =	swait.ge @!p1 [sflag:s2], $0x2800  }
0x10c: {  	s0 =	simm.s32 @!p2 $0x0;
	s30 =	sshrl.u32 @!p2 s12, $0x3;
	[sflag:s2] =	ssyncset.done @!p1 $0x0  }
.LBB2_4:
0x10d: {  	s12 =	sadd.s32 @!p2 s5, s30  }
0x10e: {  	s31 =	simm.s32 @!p2 $0x3;
	[sflag:s2] =	ssyncadd.s32 @!p1 $0xFFFFD800;
	s2 =	smov.u32 s28  }
0x10f: {  	[tilespmem:s11], [sflag:$0x3] =	stream.linear.gather @!p2 [hbm4b:s12+s0], $0x7D0, $0x38;
	[tilespmem:$0x1E740] =	vst v63  }
0x110: {  	s28 =	sadd.s32 $0x1, s28;
	p1 =	seq.s32 s26, $0x0;
	_ =	swait.ge @!p2 [sflag:s31], $0x7D0  }
0x111: {  	s11 =	sand.u32 $0x1, s26;
	s12 =	simm.s32 @!p2 $0x18ED0;
	[sflag:s31] =	ssyncset.done @!p2 $0x0  }
0x112: {  	s26 =	sadd.s32 @!p2 s6, s30;
	s30 =	smul.u32 $0xA000, s11;
	[sflag:s31] =	ssyncadd.s32 @!p2 $0xFFFFF830  }
0x113: {  	[tilespmem:s12], [sflag:$0x3] =	stream.linear.gather @!p2 [hbm4b:s26+s0], $0x7D0, $0x38;
	[tilespmem:$0x1E740] =	vst v63  }
0x114: {  	s21 =	smul.u32 $0x140, s11;
	s12 =	sshrl.u32 s30, $0x2;
	_ =	swait.ge @!p2 [sflag:s31], $0x7D0  }
0x115: {  	s11 =	sxor.u32 @!p1 $0x1, s11;
	s0 =	sand.u32 $0xFFF0, s29;
	[sflag:s31] =	ssyncset.done @!p2 $0x0  }
0x116: {  	s12 =	sadd.s32 $0x19740, s12;
	s26 =	sadd.s32 $0x18700, s0;
	[sflag:s31] =	ssyncadd.s32 @!p2 $0xFFFFF830  }
0x117: {  	[tilespmem:s12], [sflag:$0x1] =	stream.indirect.gather [hbm4b:s4+s19], $0x80, s26, s19, $0xb8;
	[tilespmem:$0x1E740] =	vst v63  }
0x118: {  	p3 =	sne.s32 s28, $0x271;
	s12 =	smul.u32 @!p1 $0xA000, s11;
	s26 =	smov.u32 s2;
	v2 =	vld [tilespmem:s0+$0x18ED0]  }
0x119: {  	s2 =	smul.u32 @!p1 $0x140, s11  }
0x11a: {  	s30 =	sshrl.u32 @!p1 s12, $0x2  }
0x11b: {  	s31 =	sshrl.u32 @!p1 s2, $0x2;
	_ =	sdelay $0x1  }
0x11c: {  	v2 =	vsub.s32 v2, v1  }
0x11d: {  	s2 =	sshrl.u32 s21, $0x2;
	v2 =	vmin.u32 v2, $0x30D4  }
0x11e: {  	[tilespmem:s2+$0x196A0] =	vst v2  }
0x11f: {  	v2 =	vld [tilespmem:s0+$0x18EE0];
	_ =	sdelay $0x4  }
0x120: {  	v2 =	vsub.s32 v2, v1  }
0x121: {  	v2 =	vmin.u32 v2, $0x30D4  }
0x122: {  	[tilespmem:s2+$0x196B0] =	vst v2  }
0x123: {  	v2 =	vld [tilespmem:s0+$0x18EF0];
	_ =	sdelay $0x2  }
0x124: {  	s11 =	smul.u32 $0x47AF, s26;
	_ =	sdelay $0x1  }
0x125: {  	s11 =	sshrl.u32 s11, $0x10;
	v2 =	vsub.s32 v2, v1  }
0x126: {  	s12 =	ssub.s32 s26, s11;
	v2 =	vmin.u32 v2, $0x30D4  }
0x127: {  	s12 =	sand.u32 $0xFFFE, s12;
	[tilespmem:s2+$0x196C0] =	vst v2  }
0x128: {  	s12 =	sshrl.u32 s12, $0x1;
	v2 =	vld [tilespmem:s0+$0x18F00]  }
0x129: {  	s11 =	sadd.s32 s11, s12  }
0x12a: {  	s11 =	sand.u32 $0xFFF0, s11  }
0x12b: {  	s11 =	sshrl.u32 s11, $0x4  }
0x12c: {  	s11 =	smul.u32 $0x19, s11  }
0x12d: {  	v2 =	vsub.s32 v2, v1  }
0x12e: {  	s11 =	ssub.s32 s26, s11;
	v2 =	vmin.u32 v2, $0x30D4  }
0x12f: {  	s12 =	sand.u32 $0xFFFF, s11;
	s29 =	smul.u32 $0x50, s11;
	[tilespmem:s2+$0x196D0] =	vst v2  }
0x130: {  	p2 =	sne.s32 s12, $0x0;
	v2 =	vld [tilespmem:s0+$0x18F10]  }
0x131: {  	s12 =	smul.u32 @!p2 $0x47AF, s26;
	s11 =	simm.s32 @!p2 $0x18700;
	s0 =	simm.s32 @!p2 $0x0  }
0x132: {  	_ = 	snop  }
0x133: {  	s12 =	sshrl.u32 @!p2 s12, $0x10  }
0x134: {  	s21 =	ssub.s32 @!p2 s26, s12  }
0x135: {  	s21 =	sand.u32 @!p2 $0xFFFE, s21;
	v2 =	vsub.s32 v2, v1  }
0x136: {  	s13 =	simm.s32 @!p1 $0x50;
	s21 =	sshrl.u32 @!p2 s21, $0x1;
	v2 =	vmin.u32 v2, $0x30D4  }
0x137: {  	s12 =	sadd.s32 @!p2 s12, s21;
	s21 =	simm.s32 @!p1 $0x1;
	[tilespmem:s2+$0x196E0] =	vst v2;
	s2 =	simm.s32 @!p1 $0x2  }
0x138: {  	s31 =	sadd.s32 @!p1 $0x196A0, s31;
	s12 =	sand.u32 @!p2 $0xFFF0, s12;
	_ =	swait.ge @!p1 [sflag:s21], $0x2800  }
.Ltmp1:
0x139: {  	s12 =	sshrl.u32 @!p2 s12, $0x4;
	[sflag:s21] =	ssyncset.done @!p1 $0x0;
	(pc) =	sbr.rel @p3 .LBB2_4-.Ltmp1, $4  }
0x13a: {  	s30 =	sadd.s32 @!p1 $0x19740, s30;
	s12 =	smul.u32 @!p2 $0x7D0, s12;
	[sflag:s21] =	ssyncadd.s32 @!p1 $0xFFFFD800  }
0x13b: {  	[spmem:s1] =	stream.indirect.scatter.add.f32 @!p1 [tilespmem:s30], [sflag:$0x2], $0x80, s31, s13, $0xb8;
	[tilespmem:$0x1E740] =	vst v63  }
0x13c: {  	s12 =	sadd.s32 @!p2 s7, s12;
	_ =	swait.ge @!p1 [sflag:s2], $0x2800  }
0x13d: {  	s30 =	sshrl.u32 @!p2 s12, $0x3;
	[sflag:s2] =	ssyncset.done @!p1 $0x0  }
0x13e: {  	s12 =	sadd.s32 @!p2 s5, s30;
	s13 =	simm.s32 @!p2 $0x3;
	[sflag:s2] =	ssyncadd.s32 @!p1 $0xFFFFD800  }
0x13f: {  	[tilespmem:s11], [sflag:$0x3] =	stream.linear.gather @!p2 [hbm4b:s12+s0], $0x7D0, $0x38;
	[tilespmem:$0x1E740] =	vst v63  }
0x140: {  	_ =	swait.ge @!p2 [sflag:s13], $0x7D0  }
0x141: {  	s2 =	sand.u32 $0x1, s26;
	s11 =	simm.s32 @!p2 $0x18ED0;
	[sflag:s13] =	ssyncset.done @!p2 $0x0  }
0x142: {  	s12 =	sadd.s32 @!p2 s6, s30;
	s21 =	smul.u32 $0xA000, s2;
	[sflag:s13] =	ssyncadd.s32 @!p2 $0xFFFFF830  }
0x143: {  	[tilespmem:s11], [sflag:$0x3] =	stream.linear.gather @!p2 [hbm4b:s12+s0], $0x7D0, $0x38;
	[tilespmem:$0x1E740] =	vst v63  }
0x144: {  	_ =	swait.ge @!p2 [sflag:s13], $0x7D0  }
0x145: {  	s29 =	sand.u32 $0xFFF0, s29;
	s28 =	sshrl.u32 s21, $0x2;
	[sflag:s13] =	ssyncset.done @!p2 $0x0  }
0x146: {  	s30 =	sadd.s32 $0x18700, s29;
	s0 =	sadd.s32 $0x19740, s28;
	[sflag:s13] =	ssyncadd.s32 @!p2 $0xFFFFF830  }
0x147: {  	[tilespmem:s0], [sflag:$0x1] =	stream.indirect.gather [hbm4b:s4+s19], $0x80, s30, s19, $0xb8;
	[tilespmem:$0x1E740] =	vst v63  }
0x148: {  	v2 =	vld [tilespmem:s29+$0x18ED0];
	_ =	sdelay $0x3  }
0x149: {  	s31 =	smul.u32 $0x140, s2  }
0x14a: {  	v2 =	vsub.s32 v2, v1  }
0x14b: {  	s0 =	sshrl.u32 s31, $0x2;
	v2 =	vmin.u32 v2, $0x30D4  }
0x14c: {  	[tilespmem:s0+$0x196A0] =	vst v2  }
0x14d: {  	v2 =	vld [tilespmem:s29+$0x18EE0];
	_ =	sdelay $0x4  }
0x14e: {  	v2 =	vsub.s32 v2, v1  }
0x14f: {  	v2 =	vmin.u32 v2, $0x30D4  }
0x150: {  	[tilespmem:s0+$0x196B0] =	vst v2  }
0x151: {  	v2 =	vld [tilespmem:s29+$0x18EF0];
	_ =	sdelay $0x4  }
0x152: {  	v2 =	vsub.s32 v2, v1  }
0x153: {  	v2 =	vmin.u32 v2, $0x30D4  }
0x154: {  	[tilespmem:s0+$0x196C0] =	vst v2  }
0x155: {  	v2 =	vld [tilespmem:s29+$0x18F00];
	_ =	sdelay $0x4  }
0x156: {  	v2 =	vsub.s32 v2, v1  }
0x157: {  	v2 =	vmin.u32 v2, $0x30D4  }
0x158: {  	[tilespmem:s0+$0x196D0] =	vst v2  }
0x159: {  	v2 =	vld [tilespmem:s29+$0x18F10];
	_ =	sdelay $0x3  }
0x15a: {  	p1 =	seq.s32 s26, $0x0  }
0x15b: {  	s2 =	sxor.u32 @!p1 $0x1, s2;
	v2 =	vsub.s32 v2, v1  }
0x15c: {  	s11 =	smul.u32 @!p1 $0xA000, s2;
	v2 =	vmin.u32 v2, $0x30D4  }
0x15d: {  	s2 =	smul.u32 @!p1 $0x140, s2;
	[tilespmem:s0+$0x196E0] =	vst v2;
	s0 =	simm.s32 @!p1 $0x1  }
0x15e: {  	s12 =	simm.s32 @!p1 $0x50;
	s11 =	sshrl.u32 @!p1 s11, $0x2;
	_ =	swait.ge @!p1 [sflag:s0], $0x2800  }
0x15f: {  	s2 =	sshrl.u32 @!p1 s2, $0x2;
	s13 =	simm.s32 @!p1 $0x2;
	[sflag:s0] =	ssyncset.done @!p1 $0x0  }
0x160: {  	s2 =	sadd.s32 @!p1 $0x196A0, s2;
	s11 =	sadd.s32 @!p1 $0x19740, s11;
	[sflag:s0] =	ssyncadd.s32 @!p1 $0xFFFFD800  }
0x161: {  	[spmem:s1] =	stream.indirect.scatter.add.f32 @!p1 [tilespmem:s11], [sflag:$0x2], $0x80, s2, s12, $0xb8;
	[tilespmem:$0x1E740] =	vst v63  }
0x162: {  	_ =	swait.ge @!p1 [sflag:s13], $0x2800  }
0x163: {  	[sflag:s13] =	ssyncset.done @!p1 $0x0  }
0x164: {  	[sflag:s13] =	ssyncadd.s32 @!p1 $0xFFFFD800  }
0x165: {  	_ =	swait.ge [sflag:s20], $0x2800  }
0x166: {  	[sflag:s20] =	ssyncset.done $0x0  }
0x167: {  	s13 =	simm.s32 $0x196A0;
	[sflag:s20] =	ssyncadd.s32 $0xFFFFD800  }
0x168: {  	[spmem:s1] =	stream.indirect.scatter.add.f32 [tilespmem:s22], [sflag:$0x2], $0x80, s13, s19, $0xb8;
	[tilespmem:$0x1E740] =	vst v63  }
0x169: {  	_ =	swait.ge [sflag:s18], $0x2800  }
0x16a: {  	[sflag:s18] =	ssyncset.done $0x0  }
0x16b: {  	[sflag:s18] =	ssyncadd.s32 $0xFFFFD800  }
0x16c: {  	s0 =	simm.s32 @p0 $0x2;
	[bflag:$0x0] =	sbarrier.arrive $0xFFFF  }
0x16d: {  	[hbm:s15], [sflag:s10] =	dma.local @p0 [spmem:s24], $0x30D0  }
0x16e: {  	_ =	swait.ge @p0 [sflag:s0], $0x30D0  }
0x16f: {  	s23 =	sadd.s32 $0x1, s23;
	[sflag:s0] =	ssyncset.done @p0 $0x0  }
0x170: {  	p1 =	sne.s32 s23, s16;
	[sflag:s0] =	ssyncadd.s32 @p0 $0xFFFFCF30;
	s0 =	simm.s32 @!p0 $0x2  }
0x171: {  	[hbm:s14], [sflag:s10] =	dma.local @!p0 [spmem:s25], $0x30E0  }
.Ltmp2:
0x172: {  	_ =	swait.ge @!p0 [sflag:s0], $0x30E0;
	(pc) =	sbr.rel @p1 .LBB2_1-.Ltmp2, $3  }
0x173: {  	[sflag:s0] =	ssyncset.done @!p0 $0x0  }
0x174: {  	[sflag:s0] =	ssyncadd.s32 @!p0 $0xFFFFCF20  }
0x175: {  	[bflag:$0x0] =	sbarrier.arrive $0xFFFF;
	_ =	sdelay $0x1  }
0x176: {  	_ =	sfence.sel $0x180000  }
0x177: {  	[bflag:$0x0] =	sbarrier.arrive $0xFFFF  }
0x178: {  	_ =	strace $0x9000004A  }
0x179: {  	s0 =	stileid.u32;
	[bflag:$0x2] =	sbarrier.arrive $0xFFFF  }
0x17a: {  	p0 =	sne.s32 s0, $0x0;
	s0 =	rddreg [dreg:$0x2]  }
0x17b: {  	s0 =	sadd.s32 @!p0 $0x100000, s0  }
0x17c: {  	[sflag:s0] =	ssyncadd.tile.s32 @!p0 $0x1;
	_ =	shalt  }
.Lfunc_end2:
_tile_overlayer_lowered:
.L_overlay_start_2:
0x17d: {  	(tag) =	ssettag $0x2  }
0x17e: {  	s0 =	rddreg [dreg:$0x0];
	s2 =	stileid.u32  }
0x17f: {  	s1 =	rddreg [dreg:$0x1];
	p0 =	sne.s32 s2, $0x0  }
0x180: {  	s3 =	rddreg [dreg:$0x2];
	[bflag:$0x3] =	sbarrier.arrive $0xFFFF;
	s2 =	simm.s32 @!p0 $0x1C02  }
0x181: {  	[timem:s3], [sflag:s2] =	dma.local @!p0 [hbm:s0], s1  }
0x182: {  	s0 =	simm.s32 @!p0 $0x2  }
0x183: {  	_ =	swait.ge @!p0 [sflag:s0], s1  }
0x184: {  	s1 =	ssub.s32 @!p0 $0x0, s1;
	[sflag:s0] =	ssyncset.done @!p0 $0x0  }
0x185: {  	[sflag:s0] =	ssyncadd.s32 @!p0 s1  }
0x186: {  	[bflag:$0x3] =	sbarrier.arrive $0xFFFF  }
0x187: {  	_ =	shalt  }

// kernel: kernel.17.cloned.1.call-start
scs
__scs_entry_jumppad:
0x0: {  	(pc) =	sbr.rel $0x88, $3  }
0x1: {  	(tag) =	ssettag $0x0;
	lr =	simm.s32 $0x1  }
0x2: {  	[smem:$0x3F81] =	sst lr;
	_ =	strace $0xD0000000  }
0x3: {  	_ = 	snop  }
0x4: {  	_ = 	snop  }
0x5: {  	_ = 	snop  }
0x6: {  	_ = 	snop  }
0x7: {  	_ = 	snop  }
__scs_overlays_trampoline_lowered:
0x8: {  	[smem:$0x3F90] =	sst s0  }
0x9: {  	[smem:$0x3F91] =	sst s1  }
0xa: {  	[smem:$0x3F92] =	sst s2  }
0xb: {  	[smem:$0x3F93] =	sst s3  }
0xc: {  	[smem:$0x3F94] =	sst s4  }
0xd: {  	[smem:$0x3F95] =	sst s5  }
0xe: {  	[smem:$0x3F96] =	sst s6  }
0xf: {  	[smem:$0x3F97] =	sst s7  }
0x10: {  	[smem:$0x3F98] =	sst s8  }
0x11: {  	[smem:$0x3F99] =	sst s9;
	s0 =	simm.s32 @!p0 $0x0  }
0x12: {  	s1 =	sld [smem:$0x3F7F];
	s0 =	simm.s32 @p0 $0x1  }
0x13: {  	[smem:$0x3F9A] =	sst s0;
	s0 =	simm.s32 @!p1 $0x0  }
0x14: {  	s2 =	sld [smem:$0x3F7E];
	s0 =	simm.s32 @p1 $0x1  }
0x15: {  	[smem:$0x3F9B] =	sst s0;
	s0 =	simm.s32 @!p2 $0x0  }
0x16: {  	s3 =	sld [smem:$0x3FDB];
	s0 =	simm.s32 @p2 $0x1  }
0x17: {  	s4 =	simm.s32 $0x1BF5;
	[smem:$0x3F9D] =	sst s0  }
0x18: {  	s0 =	sld [smem:$0x3F80];
	_ =	swait.ge [sflag:s4], $0x0  }
0x19: {  	s7 =	sld [smem:$0x3F81]  }
0x1a: {  	s8 =	sadd.s32 $0xFFFFE003, lr  }
0x1b: {  	s9 =	sadd.s32 $0xFFFFFEF7, lr;
	s5 =	simm.s32 $0xFFFFFFFF;
	p2 =	slt.u32 s8, $0xFFFFF086  }
0x1c: {  	p1 =	slt.u32 s9, $0xF7A;
	s5 =	simm.s32 @!p2 $0x0  }
0x1d: {  	s5 =	simm.s32 @p1 $0x1;
	p0 =	seq.s32 s7, s2  }
0x1e: {  	s7 =	smul.u32 @!p0 $0xF7A, s2;
	p2 =	seq.s32 @!p0 s5, $0x0  }
0x1f: {  	s9 =	smul.u32 $0xF7A, s1;
	s8 =	simm.s32 @!p0 $0x1BF5;
	p2 =	por !p2, p0  }
0x20: {  	[sflag:s8] =	ssyncset.s32 @!p0 $0xFFFFF086;
	s6 =	sadd.s32 @!p0 s3, s7;
	s7 =	simm.s32 @!p0 $0x108  }
0x21: {  	s3 =	sadd.s32 s3, s9;
	s6 =	sadd.s32 @!p0 $0x88, s6;
	s7 =	simm.s32 @p2 $0x1082  }
0x22: {  	[simem:s7], [sflag:s8] =	dma.local @!p0 [hbm:s6], $0xF7A  }
0x23: {  	s9 =	sor.u32 $0xD0000000, s2;
	s6 =	simm.s32 $0x108;
	_ =	swait.ge @!p0 [sflag:s8], $0x0  }
0x24: {  	s3 =	sadd.s32 $0x88, s3;
	s6 =	simm.s32 @!p1 $0x1082;
	[sflag:s4] =	ssyncset.s32 $0xFFFFF086  }
0x25: {  	[simem:s6], [sflag:s4] =	dma.local [hbm:s3], $0xF7A  }
0x26: {  	[smem:$0x3F81] =	sst s1;
	(tag) =	ssettag s2;
	_ =	strace s9  }
0x27: {  	s1 =	sld [smem:$0x3F91]  }
0x28: {  	s2 =	sld [smem:$0x3F92]  }
0x29: {  	s4 =	sld [smem:$0x3F94]  }
0x2a: {  	p0 =	seq.s32 s5, $0x0;
	s5 =	sld [smem:$0x3F95]  }
0x2b: {  	s6 =	sld [smem:$0x3F96]  }
0x2c: {  	s7 =	sld [smem:$0x3F97]  }
0x2d: {  	s3 =	simm.s32 $0x108;
	s8 =	sld [smem:$0x3F98]  }
0x2e: {  	s3 =	simm.s32 @!p0 $0x1082;
	s9 =	sld [smem:$0x3F99]  }
0x2f: {  	lr =	sadd.s32 s0, s3;
	s0 =	sld [smem:$0x3F90]  }
0x30: {  	s3 =	sld [smem:$0x3F93]  }
0x31: {  	[smem:$0x3F9C] =	sst s10  }
0x32: {  	s10 =	sld [smem:$0x3F9A];
	_ =	sdelay $0x3  }
0x33: {  	p0 =	seq.s32 s10, $0x1;
	s10 =	sld [smem:$0x3F9C];
	_ =	sdelay $0x3  }
0x34: {  	[smem:$0x3F9C] =	sst s10  }
0x35: {  	s10 =	sld [smem:$0x3F9B];
	_ =	sdelay $0x3  }
0x36: {  	p1 =	seq.s32 s10, $0x1;
	s10 =	sld [smem:$0x3F9C];
	_ =	sdelay $0x3  }
0x37: {  	[smem:$0x3F9C] =	sst s10  }
0x38: {  	s10 =	sld [smem:$0x3F9D]  }
0x39: {  	_ = 	snop;
	(pc) =	sbr.ind lr, $3  }
0x3a: {  	_ = 	snop  }
0x3b: {  	_ = 	snop  }
0x3c: {  	p2 =	seq.s32 s10, $0x1;
	s10 =	sld [smem:$0x3F9C]  }
0x3d: {  	_ =	shalt  }
0x3e: {  	_ =	shalt  }
0x3f: {  	_ =	shalt  }
0x40: {  	_ =	shalt  }
0x41: {  	_ =	shalt  }
0x42: {  	_ =	shalt  }
0x43: {  	_ =	shalt  }
0x44: {  	_ =	shalt  }
0x45: {  	_ =	shalt  }
0x46: {  	_ =	shalt  }
0x47: {  	_ =	shalt  }
0x48: {  	_ =	shalt  }
0x49: {  	_ =	shalt  }
0x4a: {  	_ =	shalt  }
0x4b: {  	_ =	shalt  }
0x4c: {  	_ =	shalt  }
0x4d: {  	_ =	shalt  }
0x4e: {  	_ =	shalt  }
0x4f: {  	_ =	shalt  }
0x50: {  	_ =	shalt  }
0x51: {  	_ =	shalt  }
0x52: {  	_ =	shalt  }
0x53: {  	_ =	shalt  }
0x54: {  	_ =	shalt  }
0x55: {  	_ =	shalt  }
0x56: {  	_ =	shalt  }
0x57: {  	_ =	shalt  }
0x58: {  	_ =	shalt  }
0x59: {  	_ =	shalt  }
0x5a: {  	_ =	shalt  }
0x5b: {  	_ =	shalt  }
0x5c: {  	_ =	shalt  }
0x5d: {  	_ =	shalt  }
0x5e: {  	_ =	shalt  }
0x5f: {  	_ =	shalt  }
0x60: {  	_ =	shalt  }
0x61: {  	_ =	shalt  }
0x62: {  	_ =	shalt  }
0x63: {  	_ =	shalt  }
0x64: {  	_ =	shalt  }
0x65: {  	_ =	shalt  }
0x66: {  	_ =	shalt  }
0x67: {  	_ =	shalt  }
0x68: {  	_ =	shalt  }
0x69: {  	_ =	shalt  }
0x6a: {  	_ =	shalt  }
0x6b: {  	_ =	shalt  }
0x6c: {  	_ =	shalt  }
0x6d: {  	_ =	shalt  }
0x6e: {  	_ =	shalt  }
0x6f: {  	_ =	shalt  }
0x70: {  	_ =	shalt  }
0x71: {  	_ =	shalt  }
0x72: {  	_ =	shalt  }
0x73: {  	_ =	shalt  }
0x74: {  	_ =	shalt  }
0x75: {  	_ =	shalt  }
0x76: {  	_ =	shalt  }
0x77: {  	_ =	shalt  }
0x78: {  	_ =	shalt  }
0x79: {  	_ =	shalt  }
0x7a: {  	_ =	shalt  }
0x7b: {  	_ =	shalt  }
0x7c: {  	_ =	shalt  }
0x7d: {  	_ =	shalt  }
0x7e: {  	_ =	shalt  }
0x7f: {  	_ =	shalt  }
0x80: {  	_ =	shalt  }
0x81: {  	_ =	shalt  }
0x82: {  	_ =	shalt  }
0x83: {  	_ =	shalt  }
0x84: {  	_ =	shalt  }
0x85: {  	_ =	shalt  }
0x86: {  	_ =	shalt  }
0x87: {  	_ =	shalt  }
.Lfunc_end0:
.L_simem_size_0:
called_computation.2_lowered:
.L_overlay_start_0:
0x88: {  	s2 =	sld [smem:$0x3FD9]  }
0x89: {  	s3 =	sld [smem:$0x3FFE];
	_ =	sdelay $0x1  }
0x8a: {  	s1 =	srdreg.scid  }
0x8b: {  	s0 =	sand.u32 $0x1, s1  }
0x8c: {  	s16 =	sshll.u32 s0, $0xA;
	s2 =	sadd.s32 s3, s2  }
0x8d: {  	s2 =	sadd.s32 s2, s16  }
0x8e: {  	[smem:$0x3FA8] =	sst s2  }
0x8f: {  	_ = 	snop  }
0x90: {  	(tm) =	ssettm $0x1  }
0x91: {  	s17 =	sld [smem:$0x3FFB];
	_ =	sdelay $0x3  }
0x92: {  	_ =	strace s17  }
0x93: {  	s2 =	sld [smem:$0x3FFC];
	_ =	sdelay $0x3  }
0x94: {  	_ =	strace s2  }
0x95: {  	s2 =	sld [smem:$0x3FFD];
	_ =	sdelay $0x3  }
0x96: {  	_ =	strace s2  }
0x97: {  	_ =	strace $0x8FFFFFFF  }
0x98: {  	s18 =	sld [smem:$0x3FDB];
	_ =	sdelay $0x1  }
0x99: {  	s19 =	simm.s32 $_scs_section_size  }
0x9a: {  	s4 =	simm.s32 $_size__tile_overlayer_lowered;
	s5 =	simm.s32 $_tile_overlayer_lowered  }
0x9b: {  	s22 =	simm.s32 $0x1BFF;
	s21 =	sshll.u32 s5, $0x1;
	s2 =	sadd.s32 s19, s18  }
0x9c: {  	s6 =	simm.s32 $0x0;
	s20 =	sshll.u32 s4, $0x1;
	s4 =	sadd.s32 s21, s2  }
0x9d: {  	[timem:s6], [sflag:s22] =	dma.local [hbm:s4], s20  }
0x9e: {  	_ =	swait.ge [sflag:s22], s20  }
0x9f: {  	s3 =	ssub.s32 $0x0, s20;
	[sflag:s22] =	ssyncset.done $0x0  }
0xa0: {  	[sflag:s22] =	ssyncadd.s32 s3;
	_ =	sdelay $0x1  }
0xa1: {  	s23 =	simm.s32 $0x1B8B  }
0xa2: {  	_ =	swait.ge [sflag:s23], $0x1  }
0xa3: {  	[sflag:s23] =	ssyncset.done $0x0  }
0xa4: {  	s25 =	simm.s32 $0x1B8E;
	s24 =	sld [smem:$0x3FFE];
	[sflag:s23] =	ssyncadd.s32 $0xFFFFFFFF  }
0xa5: {  	s26 =	simm.s32 $execute0_lowered;
	[smem:$0x3FD2] =	sst s25  }
0xa6: {  	s4 =	sshll.u32 s26, $0x1;
	_ =	strace $0x8000004C;
	[dreg:$0x1] =	wrdreg $0xFFFFFFFF  }
0xa7: {  	s28 =	simm.s32 $_size_execute0_lowered;
	s2 =	sadd.s32 s2, s4;
	[dreg:$0x0] =	wrdreg $0x0  }
0xa8: {  	s4 =	sshll.u32 s28, $0x1;
	[dreg:$0x2] =	wrdreg s2  }
0xa9: {  	[dreg:$0x3] =	wrdreg s4  }
0xaa: {  	[dreg:$0x4] =	wrdreg $0xC0  }
0xab: {  	_ =	task [dreg:s6], $0x5FFFF  }
0xac: {  	[dreg:$0x1] =	wrdreg $0xFFFFFFFF  }
0xad: {  	[dreg:$0x0] =	wrdreg $0x60  }
0xae: {  	[dreg:$0x2] =	wrdreg s24  }
0xaf: {  	[dreg:$0x3] =	wrdreg $0x0  }
0xb0: {  	[dreg:$0x4] =	wrdreg $0x9  }
0xb1: {  	_ =	task.clear_ibuf [dreg:s6], $0x5FFFF;
	_ =	strace $0x9000004C  }
0xb2: {  	s29 =	simm.s32 $0x9;
	_ =	strace $0x8000004E  }
0xb3: {  	_ =	swait.ge [sflag:s29], $0x1  }
0xb4: {  	[sflag:s29] =	ssyncadd.s32 $0xFFFFFFFF  }
0xb5: {  	_ =	strace $0x9000004E  }
0xb6: {  	_ =	sfence  }
0xb7: {  	s30 =	sld [smem:$0x0];
	_ =	sdelay $0x2  }
0xb8: {  	s31 =	sshll.u32 s1, $0xD;
	s1 =	sshrl.u32 s1, $0x2  }
0xb9: {  	s3 =	sand.u32 $0x4000, s31;
	s1 =	sadd.s32 s1, s30  }
0xba: {  	s0 =	sor.u32 s3, s0;
	s1 =	sshll.u32 s1, $0x11  }
0xbb: {  	s0 =	sor.u32 s1, s0  }
0xbc: {  	s0 =	sadd.s32 $0x8F2B, s0  }
0xbd: {  	[sflag:s0] =	ssyncadd.remote.s32 $0x1  }
0xbe: {  	_ =	sfence.sel $0xFFFF  }
0xbf: {  	[dreg:$0x0] =	wrdreg $0xFFFFFFFF;
	(pc) =	sbr.abs _section_cstart, $3  }
0xc0: {  	[dreg:$0x1] =	wrdreg $0xFFFFFFFF  }
0xc1: {  	_ =	task.clear_ibuf [dreg:s6], $0x2FFFF;
	_ =	strace $0x9FFFFFFF  }
0xc2: {  	(tm) =	ssettm $0x7FFFFFFF  }
0xc3: {  	_ =	shalt  }
tec
execute0_lowered:
.L_overlay_start_1:
0x0: {  	(tag) =	ssettag $0x1  }
0x1: {  	s0 =	rddreg [dreg:$0x0]  }
0x2: {  	s1 =	rddreg [dreg:$0x1];
	s3 =	simm.s32 $0x0  }
0x3: {  	s20 =	stileid.u32;
	s7 =	srdreg.scid;
	s18 =	simm.s32 $0x2  }
0x4: {  	s19 =	simm.s32 $0x50;
	[smem:$0x7FF] =	sst s3;
	s2 =	smul.u32 $0x18700, s20  }
0x5: {  	s4 =	sadd.s32 $0x12D800, s0;
	s5 =	sadd.s32 $0x34400, s0;
	s11 =	smul.u32 $0x30E, s20  }
0x6: {  	s6 =	sadd.s32 $0x4CC00, s0;
	s7 =	sand.u32 $0x1, s7;
	s12 =	smul.u32 $0x30D, s20  }
0x7: {  	s24 =	sshll.u32 s20, $0x6;
	p0 =	sgt.u32 s20, $0x3;
	s21 =	smul.u32 $0x61A8, s7  }
0x8: {  	_ =	strace $0x8000004D;
	s9 =	ssub.s32 $0x2, s7;
	s7 =	smul.u32 $0xC350, s20  }
0x9: {  	s20 =	simm.s32 $0x1;
	s8 =	sshrl.u32 s2, $0x3;
	s23 =	sshrl.u32 s9, $0x1  }
0xa: {  	s14 =	sadd.s32 $0x4, s12;
	s10 =	sadd.s32 s8, s0;
	s0 =	sadd.s32 $0x6A200, s0  }
0xb: {  	s16 =	ssub.s32 s9, s23;
	s8 =	sadd.s32 s2, s1;
	s13 =	sadd.s32 s11, s21  }
0xc: {  	s12 =	sadd.s32 s21, s14;
	s22 =	sadd.s32 $0x30D4, s21;
	s30 =	sshll.u32 s14, $0x7  }
0xd: {  	s23 =	simm.s32 $0x0;
	s9 =	sadd.s32 $0x2B4400, s10;
	s10 =	sor.u32 $0x1C02, s24  }
0xe: {  	s25 =	sshll.u32 s13, $0x4;
	s26 =	sshll.u32 s12, $0x4;
	s28 =	sadd.s32 s11, s22  }
0xf: {  	s29 =	sadd.s32 s14, s22;
	s31 =	sadd.s32 s30, s1;
	s16 =	smax.u32 s16, $0x1  }
0x10: {  	s17 =	sshrl.u32 s8, $0x3;
	s13 =	simm.s32 $0x196A0;
	s2 =	sadd.s32 s0, s25  }
0x11: {  	v1 =	vmov s22;
	s22 =	simm.s32 $0x19740;
	[dreg:$0x3] =	wrdreg s2;
	s2 =	sadd.s32 s0, s26  }
0x12: {  	s11 =	sshll.u32 s29, $0x4;
	[dreg:$0x4] =	wrdreg s2;
	s2 =	sshll.u32 s28, $0x4  }
0x13: {  	v0 =	vmov s21;
	[dreg:$0x5] =	wrdreg s31;
	s15 =	sadd.s32 s0, s11;
	s14 =	sadd.s32 s0, s2  }
.LBB2_1:
0x14: {  	s0 =	smul.u32 $0x47AF, s3;
	_ =	sdelay $0x1  }
0x15: {  	s0 =	sshrl.u32 s0, $0x10  }
0x16: {  	s2 =	ssub.s32 $0x0, s0  }
0x17: {  	s2 =	sand.u32 $0xFFFE, s2  }
0x18: {  	s2 =	sshrl.u32 s2, $0x1  }
0x19: {  	s0 =	sadd.s32 s0, s2  }
0x1a: {  	s0 =	sand.u32 $0xFFF0, s0  }
0x1b: {  	s0 =	sshrl.u32 s0, $0x4  }
0x1c: {  	s0 =	smul.u32 $0x19, s0;
	_ =	sdelay $0x1  }
0x1d: {  	s0 =	ssub.s32 $0x0, s0  }
0x1e: {  	s12 =	sand.u32 $0xFFFF, s0  }
0x1f: {  	p1 =	sne.s32 s12, $0x0  }
0x20: {  	s2 =	smul.u32 @!p1 $0x47AF, s3  }
0x21: {  	[spmem:s17], [sflag:s10] =	dma.local [hbm:s9], $0x30E0  }
0x22: {  	s2 =	sshrl.u32 @!p1 s2, $0x10  }
0x23: {  	s11 =	ssub.s32 @!p1 $0x0, s2  }
0x24: {  	s11 =	sand.u32 @!p1 $0xFFFE, s11  }
0x25: {  	s11 =	sshrl.u32 @!p1 s11, $0x1  }
0x26: {  	s2 =	sadd.s32 @!p1 s2, s11  }
0x27: {  	s2 =	sand.u32 @!p1 $0xFFF0, s2  }
0x28: {  	s2 =	sshrl.u32 @!p1 s2, $0x4  }
0x29: {  	_ =	swait.ge [sflag:s18], $0x30E0;
	s2 =	smul.u32 @!p1 $0x7D0, s2  }
0x2a: {  	[sflag:s18] =	ssyncset.done $0x0  }
0x2b: {  	[sflag:s18] =	ssyncadd.s32 $0xFFFFCF20;
	s2 =	sadd.s32 @!p1 s7, s2  }
0x2c: {  	[bflag:$0x0] =	sbarrier.arrive $0xFFFF;
	s24 =	simm.s32 @!p1 $0x18700;
	s2 =	sshrl.u32 @!p1 s2, $0x3  }
0x2d: {  	s26 =	simm.s32 @!p1 $0x3;
	s11 =	simm.s32 @!p1 $0x0;
	s25 =	sadd.s32 @!p1 s5, s2  }
0x2e: {  	[tilespmem:s24], [sflag:$0x3] =	stream.linear.gather @!p1 [hbm4b:s25+s11], $0x7D0, $0x38;
	[tilespmem:$0x1E740] =	vst v63  }
0x2f: {  	s0 =	smul.u32 $0x50, s0;
	_ =	swait.ge @!p1 [sflag:s26], $0x7D0  }
0x30: {  	s2 =	sadd.s32 @!p1 s6, s2;
	s25 =	sand.u32 $0x1, s3;
	[sflag:s26] =	ssyncset.done @!p1 $0x0  }
0x31: {  	s24 =	simm.s32 @!p1 $0x18ED0;
	s28 =	smul.u32 $0xA000, s25;
	[sflag:s26] =	ssyncadd.s32 @!p1 $0xFFFFF830  }
0x32: {  	[tilespmem:s24], [sflag:$0x3] =	stream.linear.gather @!p1 [hbm4b:s2+s11], $0x7D0, $0x38;
	[tilespmem:$0x1E740] =	vst v63  }
0x33: {  	_ =	swait.ge @!p1 [sflag:s26], $0x7D0  }
0x34: {  	s0 =	sand.u32 $0xFFF0, s0;
	s21 =	sshrl.u32 s28, $0x2;
	[sflag:s26] =	ssyncset.done @!p1 $0x0  }
0x35: {  	s2 =	sadd.s32 $0x19740, s21;
	s24 =	sadd.s32 $0x18700, s0;
	[sflag:s26] =	ssyncadd.s32 @!p1 $0xFFFFF830  }
0x36: {  	[tilespmem:s2], [sflag:$0x1] =	stream.indirect.gather [hbm4b:s4+s19], $0x80, s24, s19, $0xb8;
	[tilespmem:$0x1E740] =	vst v63  }
0x37: {  	v2 =	vld [tilespmem:s0+$0x18ED0];
	_ =	sdelay $0x3  }
0x38: {  	s26 =	smul.u32 $0x140, s25  }
0x39: {  	v2 =	vsub.s32 v2, v0  }
0x3a: {  	s2 =	sshrl.u32 s26, $0x2;
	v2 =	vmin.u32 v2, $0x30D4  }
0x3b: {  	[tilespmem:s2+$0x196A0] =	vst v2  }
0x3c: {  	v2 =	vld [tilespmem:s0+$0x18EE0];
	_ =	sdelay $0x4  }
0x3d: {  	v2 =	vsub.s32 v2, v0  }
0x3e: {  	v2 =	vmin.u32 v2, $0x30D4  }
0x3f: {  	[tilespmem:s2+$0x196B0] =	vst v2  }
0x40: {  	v2 =	vld [tilespmem:s0+$0x18EF0];
	_ =	sdelay $0x1  }
0x41: {  	s24 =	simm.s32 $0x1  }
0x42: {  	s28 =	smul.u32 $0x47AF, s24;
	_ =	sdelay $0x1  }
0x43: {  	s11 =	sshrl.u32 s28, $0x10;
	v2 =	vsub.s32 v2, v0  }
0x44: {  	s29 =	ssub.s32 $0x1, s11;
	v2 =	vmin.u32 v2, $0x30D4  }
0x45: {  	s26 =	sand.u32 $0xFFFE, s29;
	[tilespmem:s2+$0x196C0] =	vst v2  }
0x46: {  	s26 =	sshrl.u32 s26, $0x1;
	v2 =	vld [tilespmem:s0+$0x18F00]  }
0x47: {  	s11 =	sadd.s32 s11, s26  }
0x48: {  	s11 =	sand.u32 $0xFFF0, s11  }
0x49: {  	s11 =	sshrl.u32 s11, $0x4  }
0x4a: {  	s11 =	smul.u32 $0x19, s11  }
0x4b: {  	v2 =	vsub.s32 v2, v0  }
0x4c: {  	s11 =	ssub.s32 $0x1, s11;
	v2 =	vmin.u32 v2, $0x30D4  }
0x4d: {  	s31 =	sand.u32 $0xFFFF, s11;
	[tilespmem:s2+$0x196D0] =	vst v2  }
0x4e: {  	p1 =	por $0x1, $0x1;
	p2 =	sne.s32 s31, $0x0;
	v2 =	vld [tilespmem:s0+$0x18F10]  }
0x4f: {  	s25 =	sxor.u32 @!p1 $0x1, s25;
	s0 =	smul.u32 @!p2 $0x47AF, s24  }
0x50: {  	s28 =	smul.u32 @!p1 $0x140, s25  }
0x51: {  	s0 =	sshrl.u32 @!p2 s0, $0x10  }
0x52: {  	s28 =	sshrl.u32 @!p1 s28, $0x2;
	s26 =	smul.u32 @!p1 $0xA000, s25;
	s29 =	ssub.s32 @!p2 $0x1, s0  }
0x53: {  	s28 =	sadd.s32 @!p1 $0x196A0, s28;
	s29 =	sand.u32 @!p2 $0xFFFE, s29;
	v2 =	vsub.s32 v2, v0  }
0x54: {  	s30 =	sshrl.u32 @!p1 s26, $0x2;
	s26 =	smul.u32 $0x50, s11;
	s11 =	sshrl.u32 @!p2 s29, $0x1;
	v2 =	vmin.u32 v2, $0x30D4  }
0x55: {  	s25 =	simm.s32 $0x2;
	s0 =	sadd.s32 @!p2 s0, s11;
	s11 =	simm.s32 @!p1 $0x1;
	[tilespmem:s2+$0x196E0] =	vst v2  }
0x56: {  	s30 =	sadd.s32 @!p1 $0x19740, s30;
	s0 =	sand.u32 @!p2 $0xFFF0, s0;
	_ =	swait.ge @!p1 [sflag:s11], $0x2800  }
0x57: {  	s29 =	simm.s32 @!p1 $0x50;
	s0 =	sshrl.u32 @!p2 s0, $0x4;
	[sflag:s11] =	ssyncset.done @!p1 $0x0  }
0x58: {  	s2 =	simm.s32 @!p1 $0x2;
	s0 =	smul.u32 @!p2 $0x7D0, s0;
	[sflag:s11] =	ssyncadd.s32 @!p1 $0xFFFFD800  }
0x59: {  	[spmem:s1] =	stream.indirect.scatter.add.f32 @!p1 [tilespmem:s30], [sflag:$0x2], $0x80, s28, s29, $0xb8;
	[tilespmem:$0x1E740] =	vst v63  }
0x5a: {  	s30 =	simm.s32 @!p2 $0x0;
	s11 =	sadd.s32 @!p2 s7, s0;
	_ =	swait.ge @!p1 [sflag:s2], $0x2800  }
0x5b: {  	s0 =	simm.s32 @!p2 $0x18700;
	s11 =	sshrl.u32 @!p2 s11, $0x3;
	[sflag:s2] =	ssyncset.done @!p1 $0x0  }
.LBB2_2:
0x5c: {  	s28 =	sadd.s32 @!p2 s5, s11  }
0x5d: {  	s29 =	simm.s32 @!p2 $0x3;
	[sflag:s2] =	ssyncadd.s32 @!p1 $0xFFFFD800;
	s2 =	smov.u32 s25  }
0x5e: {  	[tilespmem:s0], [sflag:$0x3] =	stream.linear.gather @!p2 [hbm4b:s28+s30], $0x7D0, $0x38;
	[tilespmem:$0x1E740] =	vst v63  }
0x5f: {  	s25 =	sadd.s32 $0x1, s25;
	p1 =	seq.s32 s24, $0x0;
	_ =	swait.ge @!p2 [sflag:s29], $0x7D0  }
0x60: {  	s24 =	sand.u32 $0x1, s24;
	s0 =	simm.s32 @!p2 $0x18ED0;
	[sflag:s29] =	ssyncset.done @!p2 $0x0  }
0x61: {  	s11 =	sadd.s32 @!p2 s6, s11;
	s28 =	smul.u32 $0xA000, s24;
	[sflag:s29] =	ssyncadd.s32 @!p2 $0xFFFFF830  }
0x62: {  	[tilespmem:s0], [sflag:$0x3] =	stream.linear.gather @!p2 [hbm4b:s11+s30], $0x7D0, $0x38;
	[tilespmem:$0x1E740] =	vst v63  }
0x63: {  	s11 =	sshrl.u32 s28, $0x2;
	s30 =	smul.u32 $0x140, s24;
	_ =	swait.ge @!p2 [sflag:s29], $0x7D0  }
0x64: {  	s0 =	sand.u32 $0xFFF0, s26;
	s26 =	sxor.u32 @!p1 $0x1, s24;
	[sflag:s29] =	ssyncset.done @!p2 $0x0  }
0x65: {  	s11 =	sadd.s32 $0x19740, s11;
	s24 =	sadd.s32 $0x18700, s0;
	[sflag:s29] =	ssyncadd.s32 @!p2 $0xFFFFF830  }
0x66: {  	[tilespmem:s11], [sflag:$0x1] =	stream.indirect.gather [hbm4b:s4+s19], $0x80, s24, s19, $0xb8;
	[tilespmem:$0x1E740] =	vst v63  }
0x67: {  	p3 =	sne.s32 s25, $0x271;
	s11 =	smul.u32 @!p1 $0xA000, s26;
	s24 =	smov.u32 s2;
	v2 =	vld [tilespmem:s0+$0x18ED0]  }
0x68: {  	s2 =	smul.u32 @!p1 $0x140, s26  }
0x69: {  	s28 =	sshrl.u32 @!p1 s11, $0x2  }
0x6a: {  	s29 =	sshrl.u32 @!p1 s2, $0x2;
	_ =	sdelay $0x1  }
0x6b: {  	v2 =	vsub.s32 v2, v0  }
0x6c: {  	s31 =	sshrl.u32 s30, $0x2;
	v2 =	vmin.u32 v2, $0x30D4  }
0x6d: {  	[tilespmem:s31+$0x196A0] =	vst v2  }
0x6e: {  	v2 =	vld [tilespmem:s0+$0x18EE0];
	_ =	sdelay $0x4  }
0x6f: {  	v2 =	vsub.s32 v2, v0  }
0x70: {  	v2 =	vmin.u32 v2, $0x30D4  }
0x71: {  	[tilespmem:s31+$0x196B0] =	vst v2  }
0x72: {  	v2 =	vld [tilespmem:s0+$0x18EF0];
	_ =	sdelay $0x2  }
0x73: {  	s2 =	smul.u32 $0x47AF, s24;
	_ =	sdelay $0x1  }
0x74: {  	s2 =	sshrl.u32 s2, $0x10;
	v2 =	vsub.s32 v2, v0  }
0x75: {  	s11 =	ssub.s32 s24, s2;
	v2 =	vmin.u32 v2, $0x30D4  }
0x76: {  	s11 =	sand.u32 $0xFFFE, s11;
	[tilespmem:s31+$0x196C0] =	vst v2  }
0x77: {  	s11 =	sshrl.u32 s11, $0x1;
	v2 =	vld [tilespmem:s0+$0x18F00]  }
0x78: {  	s2 =	sadd.s32 s2, s11  }
0x79: {  	s2 =	sand.u32 $0xFFF0, s2  }
0x7a: {  	s2 =	sshrl.u32 s2, $0x4  }
0x7b: {  	s2 =	smul.u32 $0x19, s2  }
0x7c: {  	v2 =	vsub.s32 v2, v0  }
0x7d: {  	s2 =	ssub.s32 s24, s2;
	v2 =	vmin.u32 v2, $0x30D4  }
0x7e: {  	s11 =	sand.u32 $0xFFFF, s2;
	s26 =	smul.u32 $0x50, s2;
	[tilespmem:s31+$0x196D0] =	vst v2  }
0x7f: {  	p2 =	sne.s32 s11, $0x0;
	v2 =	vld [tilespmem:s0+$0x18F10]  }
0x80: {  	s2 =	smul.u32 @!p2 $0x47AF, s24;
	s30 =	simm.s32 @!p2 $0x0;
	s0 =	simm.s32 @!p2 $0x18700  }
0x81: {  	_ = 	snop  }
0x82: {  	s2 =	sshrl.u32 @!p2 s2, $0x10  }
0x83: {  	s11 =	ssub.s32 @!p2 s24, s2  }
0x84: {  	s11 =	sand.u32 @!p2 $0xFFFE, s11;
	v2 =	vsub.s32 v2, v0  }
0x85: {  	s12 =	simm.s32 @!p1 $0x50;
	s11 =	sshrl.u32 @!p2 s11, $0x1;
	v2 =	vmin.u32 v2, $0x30D4  }
0x86: {  	s11 =	sadd.s32 @!p2 s2, s11;
	s2 =	simm.s32 @!p1 $0x2;
	[tilespmem:s31+$0x196E0] =	vst v2;
	s31 =	simm.s32 @!p1 $0x1  }
0x87: {  	s29 =	sadd.s32 @!p1 $0x196A0, s29;
	s11 =	sand.u32 @!p2 $0xFFF0, s11;
	_ =	swait.ge @!p1 [sflag:s31], $0x2800  }
.Ltmp0:
0x88: {  	s11 =	sshrl.u32 @!p2 s11, $0x4;
	[sflag:s31] =	ssyncset.done @!p1 $0x0;
	(pc) =	sbr.rel @p3 .LBB2_2-.Ltmp0, $4  }
0x89: {  	s28 =	sadd.s32 @!p1 $0x19740, s28;
	s11 =	smul.u32 @!p2 $0x7D0, s11;
	[sflag:s31] =	ssyncadd.s32 @!p1 $0xFFFFD800  }
0x8a: {  	[spmem:s1] =	stream.indirect.scatter.add.f32 @!p1 [tilespmem:s28], [sflag:$0x2], $0x80, s29, s12, $0xb8;
	[tilespmem:$0x1E740] =	vst v63  }
0x8b: {  	s11 =	sadd.s32 @!p2 s7, s11;
	_ =	swait.ge @!p1 [sflag:s2], $0x2800  }
0x8c: {  	s11 =	sshrl.u32 @!p2 s11, $0x3;
	[sflag:s2] =	ssyncset.done @!p1 $0x0  }
0x8d: {  	s12 =	sadd.s32 @!p2 s5, s11;
	s25 =	simm.s32 @!p2 $0x3;
	[sflag:s2] =	ssyncadd.s32 @!p1 $0xFFFFD800  }
0x8e: {  	[tilespmem:s0], [sflag:$0x3] =	stream.linear.gather @!p2 [hbm4b:s12+s30], $0x7D0, $0x38;
	[tilespmem:$0x1E740] =	vst v63  }
0x8f: {  	_ =	swait.ge @!p2 [sflag:s25], $0x7D0  }
0x90: {  	s2 =	simm.s32 @!p2 $0x18ED0;
	s0 =	sand.u32 $0x1, s24;
	[sflag:s25] =	ssyncset.done @!p2 $0x0  }
0x91: {  	s11 =	sadd.s32 @!p2 s6, s11;
	s31 =	smul.u32 $0xA000, s0;
	[sflag:s25] =	ssyncadd.s32 @!p2 $0xFFFFF830  }
0x92: {  	[tilespmem:s2], [sflag:$0x3] =	stream.linear.gather @!p2 [hbm4b:s11+s30], $0x7D0, $0x38;
	[tilespmem:$0x1E740] =	vst v63  }
0x93: {  	_ =	swait.ge @!p2 [sflag:s25], $0x7D0  }
0x94: {  	s26 =	sand.u32 $0xFFF0, s26;
	s21 =	sshrl.u32 s31, $0x2;
	[sflag:s25] =	ssyncset.done @!p2 $0x0  }
0x95: {  	s31 =	sadd.s32 $0x18700, s26;
	s2 =	sadd.s32 $0x19740, s21;
	[sflag:s25] =	ssyncadd.s32 @!p2 $0xFFFFF830  }
0x96: {  	[tilespmem:s2], [sflag:$0x1] =	stream.indirect.gather [hbm4b:s4+s19], $0x80, s31, s19, $0xb8;
	[tilespmem:$0x1E740] =	vst v63  }
0x97: {  	v2 =	vld [tilespmem:s26+$0x18ED0];
	_ =	sdelay $0x3  }
0x98: {  	s12 =	smul.u32 $0x140, s0  }
0x99: {  	v2 =	vsub.s32 v2, v0  }
0x9a: {  	s2 =	sshrl.u32 s12, $0x2;
	v2 =	vmin.u32 v2, $0x30D4  }
0x9b: {  	[tilespmem:s2+$0x196A0] =	vst v2  }
0x9c: {  	v2 =	vld [tilespmem:s26+$0x18EE0];
	_ =	sdelay $0x4  }
0x9d: {  	v2 =	vsub.s32 v2, v0  }
0x9e: {  	v2 =	vmin.u32 v2, $0x30D4  }
0x9f: {  	[tilespmem:s2+$0x196B0] =	vst v2  }
0xa0: {  	v2 =	vld [tilespmem:s26+$0x18EF0];
	_ =	sdelay $0x4  }
0xa1: {  	v2 =	vsub.s32 v2, v0  }
0xa2: {  	v2 =	vmin.u32 v2, $0x30D4  }
0xa3: {  	[tilespmem:s2+$0x196C0] =	vst v2  }
0xa4: {  	v2 =	vld [tilespmem:s26+$0x18F00];
	_ =	sdelay $0x4  }
0xa5: {  	v2 =	vsub.s32 v2, v0  }
0xa6: {  	v2 =	vmin.u32 v2, $0x30D4  }
0xa7: {  	[tilespmem:s2+$0x196D0] =	vst v2  }
0xa8: {  	v2 =	vld [tilespmem:s26+$0x18F10];
	_ =	sdelay $0x2  }
0xa9: {  	p1 =	seq.s32 s24, $0x0  }
0xaa: {  	s0 =	sxor.u32 @!p1 $0x1, s0  }
0xab: {  	s11 =	smul.u32 @!p1 $0xA000, s0;
	v2 =	vsub.s32 v2, v0  }
0xac: {  	s0 =	smul.u32 @!p1 $0x140, s0;
	v2 =	vmin.u32 v2, $0x30D4  }
0xad: {  	[tilespmem:s2+$0x196E0] =	vst v2;
	s2 =	simm.s32 @!p1 $0x1  }
0xae: {  	s24 =	simm.s32 @!p1 $0x2;
	s0 =	sshrl.u32 @!p1 s0, $0x2;
	_ =	swait.ge @!p1 [sflag:s2], $0x2800  }
0xaf: {  	s11 =	sshrl.u32 @!p1 s11, $0x2;
	s0 =	sadd.s32 @!p1 $0x196A0, s0;
	[sflag:s2] =	ssyncset.done @!p1 $0x0  }
0xb0: {  	s11 =	sadd.s32 @!p1 $0x19740, s11;
	s12 =	simm.s32 @!p1 $0x50;
	[sflag:s2] =	ssyncadd.s32 @!p1 $0xFFFFD800  }
0xb1: {  	[spmem:s1] =	stream.indirect.scatter.add.f32 @!p1 [tilespmem:s11], [sflag:$0x2], $0x80, s0, s12, $0xb8;
	[tilespmem:$0x1E740] =	vst v63  }
0xb2: {  	_ =	swait.ge @!p1 [sflag:s24], $0x2800  }
0xb3: {  	[sflag:s24] =	ssyncset.done @!p1 $0x0  }
0xb4: {  	[sflag:s24] =	ssyncadd.s32 @!p1 $0xFFFFD800  }
0xb5: {  	_ =	swait.ge [sflag:s20], $0x2800  }
0xb6: {  	[sflag:s20] =	ssyncset.done $0x0  }
0xb7: {  	[sflag:s20] =	ssyncadd.s32 $0xFFFFD800  }
0xb8: {  	[spmem:s1] =	stream.indirect.scatter.add.f32 [tilespmem:s22], [sflag:$0x2], $0x80, s13, s19, $0xb8;
	[tilespmem:$0x1E740] =	vst v63  }
0xb9: {  	_ =	swait.ge [sflag:s18], $0x2800  }
0xba: {  	[sflag:s18] =	ssyncset.done $0x0  }
0xbb: {  	[sflag:s18] =	ssyncadd.s32 $0xFFFFD800  }
0xbc: {  	[bflag:$0x0] =	sbarrier.arrive $0xFFFF  }
0xbd: {  	s0 =	rddreg [dreg:$0x5]  }
0xbe: {  	s24 =	sshrl.u32 @p0 s0, $0x3;
	s0 =	rddreg [dreg:$0x4]  }
0xbf: {  	[hbm:s0], [sflag:s10] =	dma.local @p0 [spmem:s24], $0x30D0  }
0xc0: {  	s2 =	simm.s32 $0x0;
	s0 =	simm.s32 @p0 $0x2  }
0xc1: {  	s21 =	smul.u32 $0x47AF, s2;
	_ =	swait.ge @p0 [sflag:s0], $0x30D0  }
0xc2: {  	s25 =	sshrl.u32 @!p0 s8, $0x3;
	[sflag:s0] =	ssyncset.done @p0 $0x0  }
0xc3: {  	s11 =	rddreg [dreg:$0x3];
	[sflag:s0] =	ssyncadd.s32 @p0 $0xFFFFCF30;
	s0 =	sshrl.u32 s21, $0x10  }
0xc4: {  	[hbm:s11], [sflag:s10] =	dma.local @!p0 [spmem:s25], $0x30E0  }
0xc5: {  	s26 =	ssub.s32 $0x0, s0  }
0xc6: {  	s11 =	sand.u32 $0xFFFE, s26  }
0xc7: {  	s11 =	sshrl.u32 s11, $0x1  }
0xc8: {  	s0 =	sadd.s32 s0, s11  }
0xc9: {  	s0 =	sand.u32 $0xFFF0, s0  }
0xca: {  	s0 =	sshrl.u32 s0, $0x4  }
0xcb: {  	s0 =	smul.u32 $0x19, s0  }
0xcc: {  	s11 =	simm.s32 @!p0 $0x2  }
0xcd: {  	_ =	swait.ge @!p0 [sflag:s11], $0x30E0;
	s0 =	ssub.s32 $0x0, s0  }
0xce: {  	[sflag:s11] =	ssyncset.done @!p0 $0x0;
	s31 =	sand.u32 $0xFFFF, s0  }
0xcf: {  	[sflag:s11] =	ssyncadd.s32 @!p0 $0xFFFFCF20;
	p1 =	sne.s32 s31, $0x0  }
0xd0: {  	[bflag:$0x0] =	sbarrier.arrive $0xFFFF;
	s11 =	smul.u32 @!p1 $0x47AF, s2  }
0xd1: {  	[spmem:s17], [sflag:s10] =	dma.local [hbm:s9], $0x30E0  }
0xd2: {  	s11 =	sshrl.u32 @!p1 s11, $0x10  }
0xd3: {  	s12 =	ssub.s32 @!p1 $0x0, s11  }
0xd4: {  	s12 =	sand.u32 @!p1 $0xFFFE, s12  }
0xd5: {  	s12 =	sshrl.u32 @!p1 s12, $0x1  }
0xd6: {  	s11 =	sadd.s32 @!p1 s11, s12  }
0xd7: {  	s11 =	sand.u32 @!p1 $0xFFF0, s11  }
0xd8: {  	s11 =	sshrl.u32 @!p1 s11, $0x4  }
0xd9: {  	_ =	swait.ge [sflag:s18], $0x30E0;
	s11 =	smul.u32 @!p1 $0x7D0, s11  }
0xda: {  	[sflag:s18] =	ssyncset.done $0x0  }
0xdb: {  	[sflag:s18] =	ssyncadd.s32 $0xFFFFCF20;
	s11 =	sadd.s32 @!p1 s7, s11  }
0xdc: {  	s26 =	simm.s32 @!p1 $0x18700;
	s29 =	simm.s32 @!p1 $0x3;
	s11 =	sshrl.u32 @!p1 s11, $0x3  }
0xdd: {  	[bflag:$0x0] =	sbarrier.arrive $0xFFFF;
	s12 =	simm.s32 @!p1 $0x0;
	s28 =	sadd.s32 @!p1 s5, s11  }
0xde: {  	[tilespmem:s26], [sflag:$0x3] =	stream.linear.gather @!p1 [hbm4b:s28+s12], $0x7D0, $0x38;
	[tilespmem:$0x1E740] =	vst v63  }
0xdf: {  	s0 =	smul.u32 $0x50, s0;
	_ =	swait.ge @!p1 [sflag:s29], $0x7D0  }
0xe0: {  	s2 =	sand.u32 $0x1, s2;
	s11 =	sadd.s32 @!p1 s6, s11;
	[sflag:s29] =	ssyncset.done @!p1 $0x0  }
0xe1: {  	s26 =	simm.s32 @!p1 $0x18ED0;
	s28 =	smul.u32 $0xA000, s2;
	[sflag:s29] =	ssyncadd.s32 @!p1 $0xFFFFF830  }
0xe2: {  	[tilespmem:s26], [sflag:$0x3] =	stream.linear.gather @!p1 [hbm4b:s11+s12], $0x7D0, $0x38;
	[tilespmem:$0x1E740] =	vst v63  }
0xe3: {  	_ =	swait.ge @!p1 [sflag:s29], $0x7D0  }
0xe4: {  	s0 =	sand.u32 $0xFFF0, s0;
	s13 =	sshrl.u32 s28, $0x2;
	[sflag:s29] =	ssyncset.done @!p1 $0x0  }
0xe5: {  	s21 =	sadd.s32 $0x18700, s0;
	s11 =	sadd.s32 $0x19740, s13;
	[sflag:s29] =	ssyncadd.s32 @!p1 $0xFFFFF830  }
0xe6: {  	[tilespmem:s11], [sflag:$0x1] =	stream.indirect.gather [hbm4b:s4+s19], $0x80, s21, s19, $0xb8;
	[tilespmem:$0x1E740] =	vst v63  }
0xe7: {  	v2 =	vld [tilespmem:s0+$0x18ED0];
	_ =	sdelay $0x3  }
0xe8: {  	s26 =	smul.u32 $0x140, s2  }
0xe9: {  	v2 =	vsub.s32 v2, v1  }
0xea: {  	s11 =	sshrl.u32 s26, $0x2;
	v2 =	vmin.u32 v2, $0x30D4  }
0xeb: {  	[tilespmem:s11+$0x196A0] =	vst v2  }
0xec: {  	v2 =	vld [tilespmem:s0+$0x18EE0];
	_ =	sdelay $0x4  }
0xed: {  	v2 =	vsub.s32 v2, v1  }
0xee: {  	v2 =	vmin.u32 v2, $0x30D4  }
0xef: {  	[tilespmem:s11+$0x196B0] =	vst v2  }
0xf0: {  	v2 =	vld [tilespmem:s0+$0x18EF0];
	_ =	sdelay $0x1  }
0xf1: {  	s26 =	simm.s32 $0x1  }
0xf2: {  	s31 =	smul.u32 $0x47AF, s26;
	_ =	sdelay $0x1  }
0xf3: {  	s12 =	sshrl.u32 s31, $0x10;
	v2 =	vsub.s32 v2, v1  }
0xf4: {  	s28 =	ssub.s32 $0x1, s12;
	v2 =	vmin.u32 v2, $0x30D4  }
0xf5: {  	s28 =	sand.u32 $0xFFFE, s28;
	[tilespmem:s11+$0x196C0] =	vst v2  }
0xf6: {  	s28 =	sshrl.u32 s28, $0x1;
	v2 =	vld [tilespmem:s0+$0x18F00]  }
0xf7: {  	s12 =	sadd.s32 s12, s28  }
0xf8: {  	s12 =	sand.u32 $0xFFF0, s12  }
0xf9: {  	s12 =	sshrl.u32 s12, $0x4  }
0xfa: {  	s12 =	smul.u32 $0x19, s12  }
0xfb: {  	v2 =	vsub.s32 v2, v1  }
0xfc: {  	s12 =	ssub.s32 $0x1, s12;
	v2 =	vmin.u32 v2, $0x30D4  }
0xfd: {  	s28 =	sand.u32 $0xFFFF, s12;
	[tilespmem:s11+$0x196D0] =	vst v2  }
0xfe: {  	p2 =	sne.s32 s28, $0x0;
	v2 =	vld [tilespmem:s0+$0x18F10]  }
0xff: {  	s0 =	smul.u32 @!p2 $0x47AF, s26  }
0x100: {  	p1 =	por $0x1, $0x1  }
0x101: {  	s2 =	sxor.u32 @!p1 $0x1, s2;
	s0 =	sshrl.u32 @!p2 s0, $0x10  }
0x102: {  	s28 =	smul.u32 @!p1 $0xA000, s2;
	s29 =	ssub.s32 @!p2 $0x1, s0  }
0x103: {  	s2 =	smul.u32 @!p1 $0x140, s2;
	s29 =	sand.u32 @!p2 $0xFFFE, s29;
	v2 =	vsub.s32 v2, v1  }
0x104: {  	s28 =	sshrl.u32 @!p1 s28, $0x2;
	s29 =	sshrl.u32 @!p2 s29, $0x1;
	v2 =	vmin.u32 v2, $0x30D4  }
0x105: {  	s2 =	sshrl.u32 @!p1 s2, $0x2;
	s0 =	sadd.s32 @!p2 s0, s29;
	[tilespmem:s11+$0x196E0] =	vst v2;
	s11 =	simm.s32 @!p1 $0x1  }
0x106: {  	s2 =	sadd.s32 @!p1 $0x196A0, s2;
	s0 =	sand.u32 @!p2 $0xFFF0, s0;
	_ =	swait.ge @!p1 [sflag:s11], $0x2800  }
0x107: {  	s29 =	simm.s32 @!p1 $0x50;
	s0 =	sshrl.u32 @!p2 s0, $0x4;
	[sflag:s11] =	ssyncset.done @!p1 $0x0  }
0x108: {  	s30 =	smul.u32 @!p2 $0x7D0, s0;
	s0 =	sadd.s32 @!p1 $0x19740, s28;
	[sflag:s11] =	ssyncadd.s32 @!p1 $0xFFFFD800  }
0x109: {  	[spmem:s1] =	stream.indirect.scatter.add.f32 @!p1 [tilespmem:s0], [sflag:$0x2], $0x80, s2, s29, $0xb8;
	[tilespmem:$0x1E740] =	vst v63  }
0x10a: {  	s28 =	simm.s32 $0x2;
	s11 =	simm.s32 @!p2 $0x18700;
	s2 =	simm.s32 @!p1 $0x2  }
0x10b: {  	s29 =	smul.u32 $0x50, s12;
	s12 =	sadd.s32 @!p2 s7, s30;
	_ =	swait.ge @!p1 [sflag:s2], $0x2800  }
0x10c: {  	s0 =	simm.s32 @!p2 $0x0;
	s30 =	sshrl.u32 @!p2 s12, $0x3;
	[sflag:s2] =	ssyncset.done @!p1 $0x0  }
.LBB2_4:
0x10d: {  	s12 =	sadd.s32 @!p2 s5, s30  }
0x10e: {  	s31 =	simm.s32 @!p2 $0x3;
	[sflag:s2] =	ssyncadd.s32 @!p1 $0xFFFFD800;
	s2 =	smov.u32 s28  }
0x10f: {  	[tilespmem:s11], [sflag:$0x3] =	stream.linear.gather @!p2 [hbm4b:s12+s0], $0x7D0, $0x38;
	[tilespmem:$0x1E740] =	vst v63  }
0x110: {  	s28 =	sadd.s32 $0x1, s28;
	p1 =	seq.s32 s26, $0x0;
	_ =	swait.ge @!p2 [sflag:s31], $0x7D0  }
0x111: {  	s11 =	sand.u32 $0x1, s26;
	s12 =	simm.s32 @!p2 $0x18ED0;
	[sflag:s31] =	ssyncset.done @!p2 $0x0  }
0x112: {  	s26 =	sadd.s32 @!p2 s6, s30;
	s30 =	smul.u32 $0xA000, s11;
	[sflag:s31] =	ssyncadd.s32 @!p2 $0xFFFFF830  }
0x113: {  	[tilespmem:s12], [sflag:$0x3] =	stream.linear.gather @!p2 [hbm4b:s26+s0], $0x7D0, $0x38;
	[tilespmem:$0x1E740] =	vst v63  }
0x114: {  	s21 =	smul.u32 $0x140, s11;
	s12 =	sshrl.u32 s30, $0x2;
	_ =	swait.ge @!p2 [sflag:s31], $0x7D0  }
0x115: {  	s11 =	sxor.u32 @!p1 $0x1, s11;
	s0 =	sand.u32 $0xFFF0, s29;
	[sflag:s31] =	ssyncset.done @!p2 $0x0  }
0x116: {  	s12 =	sadd.s32 $0x19740, s12;
	s26 =	sadd.s32 $0x18700, s0;
	[sflag:s31] =	ssyncadd.s32 @!p2 $0xFFFFF830  }
0x117: {  	[tilespmem:s12], [sflag:$0x1] =	stream.indirect.gather [hbm4b:s4+s19], $0x80, s26, s19, $0xb8;
	[tilespmem:$0x1E740] =	vst v63  }
0x118: {  	p3 =	sne.s32 s28, $0x271;
	s12 =	smul.u32 @!p1 $0xA000, s11;
	s26 =	smov.u32 s2;
	v2 =	vld [tilespmem:s0+$0x18ED0]  }
0x119: {  	s2 =	smul.u32 @!p1 $0x140, s11  }
0x11a: {  	s30 =	sshrl.u32 @!p1 s12, $0x2  }
0x11b: {  	s31 =	sshrl.u32 @!p1 s2, $0x2;
	_ =	sdelay $0x1  }
0x11c: {  	v2 =	vsub.s32 v2, v1  }
0x11d: {  	s2 =	sshrl.u32 s21, $0x2;
	v2 =	vmin.u32 v2, $0x30D4  }
0x11e: {  	[tilespmem:s2+$0x196A0] =	vst v2  }
0x11f: {  	v2 =	vld [tilespmem:s0+$0x18EE0];
	_ =	sdelay $0x4  }
0x120: {  	v2 =	vsub.s32 v2, v1  }
0x121: {  	v2 =	vmin.u32 v2, $0x30D4  }
0x122: {  	[tilespmem:s2+$0x196B0] =	vst v2  }
0x123: {  	v2 =	vld [tilespmem:s0+$0x18EF0];
	_ =	sdelay $0x2  }
0x124: {  	s11 =	smul.u32 $0x47AF, s26;
	_ =	sdelay $0x1  }
0x125: {  	s11 =	sshrl.u32 s11, $0x10;
	v2 =	vsub.s32 v2, v1  }
0x126: {  	s12 =	ssub.s32 s26, s11;
	v2 =	vmin.u32 v2, $0x30D4  }
0x127: {  	s12 =	sand.u32 $0xFFFE, s12;
	[tilespmem:s2+$0x196C0] =	vst v2  }
0x128: {  	s12 =	sshrl.u32 s12, $0x1;
	v2 =	vld [tilespmem:s0+$0x18F00]  }
0x129: {  	s11 =	sadd.s32 s11, s12  }
0x12a: {  	s11 =	sand.u32 $0xFFF0, s11  }
0x12b: {  	s11 =	sshrl.u32 s11, $0x4  }
0x12c: {  	s11 =	smul.u32 $0x19, s11  }
0x12d: {  	v2 =	vsub.s32 v2, v1  }
0x12e: {  	s11 =	ssub.s32 s26, s11;
	v2 =	vmin.u32 v2, $0x30D4  }
0x12f: {  	s12 =	sand.u32 $0xFFFF, s11;
	s29 =	smul.u32 $0x50, s11;
	[tilespmem:s2+$0x196D0] =	vst v2  }
0x130: {  	p2 =	sne.s32 s12, $0x0;
	v2 =	vld [tilespmem:s0+$0x18F10]  }
0x131: {  	s12 =	smul.u32 @!p2 $0x47AF, s26;
	s11 =	simm.s32 @!p2 $0x18700;
	s0 =	simm.s32 @!p2 $0x0  }
0x132: {  	_ = 	snop  }
0x133: {  	s12 =	sshrl.u32 @!p2 s12, $0x10  }
0x134: {  	s21 =	ssub.s32 @!p2 s26, s12  }
0x135: {  	s21 =	sand.u32 @!p2 $0xFFFE, s21;
	v2 =	vsub.s32 v2, v1  }
0x136: {  	s13 =	simm.s32 @!p1 $0x50;
	s21 =	sshrl.u32 @!p2 s21, $0x1;
	v2 =	vmin.u32 v2, $0x30D4  }
0x137: {  	s12 =	sadd.s32 @!p2 s12, s21;
	s21 =	simm.s32 @!p1 $0x1;
	[tilespmem:s2+$0x196E0] =	vst v2;
	s2 =	simm.s32 @!p1 $0x2  }
0x138: {  	s31 =	sadd.s32 @!p1 $0x196A0, s31;
	s12 =	sand.u32 @!p2 $0xFFF0, s12;
	_ =	swait.ge @!p1 [sflag:s21], $0x2800  }
.Ltmp1:
0x139: {  	s12 =	sshrl.u32 @!p2 s12, $0x4;
	[sflag:s21] =	ssyncset.done @!p1 $0x0;
	(pc) =	sbr.rel @p3 .LBB2_4-.Ltmp1, $4  }
0x13a: {  	s30 =	sadd.s32 @!p1 $0x19740, s30;
	s12 =	smul.u32 @!p2 $0x7D0, s12;
	[sflag:s21] =	ssyncadd.s32 @!p1 $0xFFFFD800  }
0x13b: {  	[spmem:s1] =	stream.indirect.scatter.add.f32 @!p1 [tilespmem:s30], [sflag:$0x2], $0x80, s31, s13, $0xb8;
	[tilespmem:$0x1E740] =	vst v63  }
0x13c: {  	s12 =	sadd.s32 @!p2 s7, s12;
	_ =	swait.ge @!p1 [sflag:s2], $0x2800  }
0x13d: {  	s30 =	sshrl.u32 @!p2 s12, $0x3;
	[sflag:s2] =	ssyncset.done @!p1 $0x0  }
0x13e: {  	s12 =	sadd.s32 @!p2 s5, s30;
	s13 =	simm.s32 @!p2 $0x3;
	[sflag:s2] =	ssyncadd.s32 @!p1 $0xFFFFD800  }
0x13f: {  	[tilespmem:s11], [sflag:$0x3] =	stream.linear.gather @!p2 [hbm4b:s12+s0], $0x7D0, $0x38;
	[tilespmem:$0x1E740] =	vst v63  }
0x140: {  	_ =	swait.ge @!p2 [sflag:s13], $0x7D0  }
0x141: {  	s2 =	sand.u32 $0x1, s26;
	s11 =	simm.s32 @!p2 $0x18ED0;
	[sflag:s13] =	ssyncset.done @!p2 $0x0  }
0x142: {  	s12 =	sadd.s32 @!p2 s6, s30;
	s21 =	smul.u32 $0xA000, s2;
	[sflag:s13] =	ssyncadd.s32 @!p2 $0xFFFFF830  }
0x143: {  	[tilespmem:s11], [sflag:$0x3] =	stream.linear.gather @!p2 [hbm4b:s12+s0], $0x7D0, $0x38;
	[tilespmem:$0x1E740] =	vst v63  }
0x144: {  	_ =	swait.ge @!p2 [sflag:s13], $0x7D0  }
0x145: {  	s29 =	sand.u32 $0xFFF0, s29;
	s28 =	sshrl.u32 s21, $0x2;
	[sflag:s13] =	ssyncset.done @!p2 $0x0  }
0x146: {  	s30 =	sadd.s32 $0x18700, s29;
	s0 =	sadd.s32 $0x19740, s28;
	[sflag:s13] =	ssyncadd.s32 @!p2 $0xFFFFF830  }
0x147: {  	[tilespmem:s0], [sflag:$0x1] =	stream.indirect.gather [hbm4b:s4+s19], $0x80, s30, s19, $0xb8;
	[tilespmem:$0x1E740] =	vst v63  }
0x148: {  	v2 =	vld [tilespmem:s29+$0x18ED0];
	_ =	sdelay $0x3  }
0x149: {  	s31 =	smul.u32 $0x140, s2  }
0x14a: {  	v2 =	vsub.s32 v2, v1  }
0x14b: {  	s0 =	sshrl.u32 s31, $0x2;
	v2 =	vmin.u32 v2, $0x30D4  }
0x14c: {  	[tilespmem:s0+$0x196A0] =	vst v2  }
0x14d: {  	v2 =	vld [tilespmem:s29+$0x18EE0];
	_ =	sdelay $0x4  }
0x14e: {  	v2 =	vsub.s32 v2, v1  }
0x14f: {  	v2 =	vmin.u32 v2, $0x30D4  }
0x150: {  	[tilespmem:s0+$0x196B0] =	vst v2  }
0x151: {  	v2 =	vld [tilespmem:s29+$0x18EF0];
	_ =	sdelay $0x4  }
0x152: {  	v2 =	vsub.s32 v2, v1  }
0x153: {  	v2 =	vmin.u32 v2, $0x30D4  }
0x154: {  	[tilespmem:s0+$0x196C0] =	vst v2  }
0x155: {  	v2 =	vld [tilespmem:s29+$0x18F00];
	_ =	sdelay $0x4  }
0x156: {  	v2 =	vsub.s32 v2, v1  }
0x157: {  	v2 =	vmin.u32 v2, $0x30D4  }
0x158: {  	[tilespmem:s0+$0x196D0] =	vst v2  }
0x159: {  	v2 =	vld [tilespmem:s29+$0x18F10];
	_ =	sdelay $0x3  }
0x15a: {  	p1 =	seq.s32 s26, $0x0  }
0x15b: {  	s2 =	sxor.u32 @!p1 $0x1, s2;
	v2 =	vsub.s32 v2, v1  }
0x15c: {  	s11 =	smul.u32 @!p1 $0xA000, s2;
	v2 =	vmin.u32 v2, $0x30D4  }
0x15d: {  	s2 =	smul.u32 @!p1 $0x140, s2;
	[tilespmem:s0+$0x196E0] =	vst v2;
	s0 =	simm.s32 @!p1 $0x1  }
0x15e: {  	s12 =	simm.s32 @!p1 $0x50;
	s11 =	sshrl.u32 @!p1 s11, $0x2;
	_ =	swait.ge @!p1 [sflag:s0], $0x2800  }
0x15f: {  	s2 =	sshrl.u32 @!p1 s2, $0x2;
	s13 =	simm.s32 @!p1 $0x2;
	[sflag:s0] =	ssyncset.done @!p1 $0x0  }
0x160: {  	s2 =	sadd.s32 @!p1 $0x196A0, s2;
	s11 =	sadd.s32 @!p1 $0x19740, s11;
	[sflag:s0] =	ssyncadd.s32 @!p1 $0xFFFFD800  }
0x161: {  	[spmem:s1] =	stream.indirect.scatter.add.f32 @!p1 [tilespmem:s11], [sflag:$0x2], $0x80, s2, s12, $0xb8;
	[tilespmem:$0x1E740] =	vst v63  }
0x162: {  	_ =	swait.ge @!p1 [sflag:s13], $0x2800  }
0x163: {  	[sflag:s13] =	ssyncset.done @!p1 $0x0  }
0x164: {  	[sflag:s13] =	ssyncadd.s32 @!p1 $0xFFFFD800  }
0x165: {  	_ =	swait.ge [sflag:s20], $0x2800  }
0x166: {  	[sflag:s20] =	ssyncset.done $0x0  }
0x167: {  	s13 =	simm.s32 $0x196A0;
	[sflag:s20] =	ssyncadd.s32 $0xFFFFD800  }
0x168: {  	[spmem:s1] =	stream.indirect.scatter.add.f32 [tilespmem:s22], [sflag:$0x2], $0x80, s13, s19, $0xb8;
	[tilespmem:$0x1E740] =	vst v63  }
0x169: {  	_ =	swait.ge [sflag:s18], $0x2800  }
0x16a: {  	[sflag:s18] =	ssyncset.done $0x0  }
0x16b: {  	[sflag:s18] =	ssyncadd.s32 $0xFFFFD800  }
0x16c: {  	s0 =	simm.s32 @p0 $0x2;
	[bflag:$0x0] =	sbarrier.arrive $0xFFFF  }
0x16d: {  	[hbm:s15], [sflag:s10] =	dma.local @p0 [spmem:s24], $0x30D0  }
0x16e: {  	_ =	swait.ge @p0 [sflag:s0], $0x30D0  }
0x16f: {  	s23 =	sadd.s32 $0x1, s23;
	[sflag:s0] =	ssyncset.done @p0 $0x0  }
0x170: {  	p1 =	sne.s32 s23, s16;
	[sflag:s0] =	ssyncadd.s32 @p0 $0xFFFFCF30;
	s0 =	simm.s32 @!p0 $0x2  }
0x171: {  	[hbm:s14], [sflag:s10] =	dma.local @!p0 [spmem:s25], $0x30E0  }
.Ltmp2:
0x172: {  	_ =	swait.ge @!p0 [sflag:s0], $0x30E0;
	(pc) =	sbr.rel @p1 .LBB2_1-.Ltmp2, $3  }
0x173: {  	[sflag:s0] =	ssyncset.done @!p0 $0x0  }
0x174: {  	[sflag:s0] =	ssyncadd.s32 @!p0 $0xFFFFCF20  }
0x175: {  	[bflag:$0x0] =	sbarrier.arrive $0xFFFF;
	_ =	sdelay $0x1  }
0x176: {  	_ =	sfence.sel $0x180000  }
0x177: {  	[bflag:$0x0] =	sbarrier.arrive $0xFFFF  }
0x178: {  	_ =	strace $0x9000004D  }
0x179: {  	s0 =	stileid.u32;
	[bflag:$0x2] =	sbarrier.arrive $0xFFFF  }
0x17a: {  	p0 =	sne.s32 s0, $0x0;
	s0 =	rddreg [dreg:$0x2]  }
0x17b: {  	s0 =	sadd.s32 @!p0 $0x100000, s0  }
0x17c: {  	[sflag:s0] =	ssyncadd.tile.s32 @!p0 $0x1;
	_ =	shalt  }
.Lfunc_end2:
_tile_overlayer_lowered:
.L_overlay_start_2:
0x17d: {  	(tag) =	ssettag $0x2  }
0x17e: {  	s0 =	rddreg [dreg:$0x0];
	s2 =	stileid.u32  }
0x17f: {  	s1 =	rddreg [dreg:$0x1];
	p0 =	sne.s32 s2, $0x0  }
0x180: {  	s3 =	rddreg [dreg:$0x2];
	[bflag:$0x3] =	sbarrier.arrive $0xFFFF;
	s2 =	simm.s32 @!p0 $0x1C02  }
0x181: {  	[timem:s3], [sflag:s2] =	dma.local @!p0 [hbm:s0], s1  }
0x182: {  	s0 =	simm.s32 @!p0 $0x2  }
0x183: {  	_ =	swait.ge @!p0 [sflag:s0], s1  }
0x184: {  	s1 =	ssub.s32 @!p0 $0x0, s1;
	[sflag:s0] =	ssyncset.done @!p0 $0x0  }
0x185: {  	[sflag:s0] =	ssyncadd.s32 @!p0 s1  }
0x186: {  	[bflag:$0x3] =	sbarrier.arrive $0xFFFF  }
0x187: {  	_ =	shalt  }

// kernel: kernel.20.cloned.1.call-start
scs
__scs_entry_jumppad:
0x0: {  	(pc) =	sbr.rel $0x88, $3  }
0x1: {  	(tag) =	ssettag $0x0;
	lr =	simm.s32 $0x1  }
0x2: {  	[smem:$0x3F81] =	sst lr;
	_ =	strace $0xD0000000  }
0x3: {  	_ = 	snop  }
0x4: {  	_ = 	snop  }
0x5: {  	_ = 	snop  }
0x6: {  	_ = 	snop  }
0x7: {  	_ = 	snop  }
__scs_overlays_trampoline_lowered:
0x8: {  	[smem:$0x3F90] =	sst s0  }
0x9: {  	[smem:$0x3F91] =	sst s1  }
0xa: {  	[smem:$0x3F92] =	sst s2  }
0xb: {  	[smem:$0x3F93] =	sst s3  }
0xc: {  	[smem:$0x3F94] =	sst s4  }
0xd: {  	[smem:$0x3F95] =	sst s5  }
0xe: {  	[smem:$0x3F96] =	sst s6  }
0xf: {  	[smem:$0x3F97] =	sst s7  }
0x10: {  	[smem:$0x3F98] =	sst s8  }
0x11: {  	[smem:$0x3F99] =	sst s9;
	s0 =	simm.s32 @!p0 $0x0  }
0x12: {  	s1 =	sld [smem:$0x3F7F];
	s0 =	simm.s32 @p0 $0x1  }
0x13: {  	[smem:$0x3F9A] =	sst s0;
	s0 =	simm.s32 @!p1 $0x0  }
0x14: {  	s2 =	sld [smem:$0x3F7E];
	s0 =	simm.s32 @p1 $0x1  }
0x15: {  	[smem:$0x3F9B] =	sst s0;
	s0 =	simm.s32 @!p2 $0x0  }
0x16: {  	s3 =	sld [smem:$0x3FDB];
	s0 =	simm.s32 @p2 $0x1  }
0x17: {  	s4 =	simm.s32 $0x1BF5;
	[smem:$0x3F9D] =	sst s0  }
0x18: {  	s0 =	sld [smem:$0x3F80];
	_ =	swait.ge [sflag:s4], $0x0  }
0x19: {  	s7 =	sld [smem:$0x3F81]  }
0x1a: {  	s8 =	sadd.s32 $0xFFFFE003, lr  }
0x1b: {  	s9 =	sadd.s32 $0xFFFFFEF7, lr;
	s5 =	simm.s32 $0xFFFFFFFF;
	p2 =	slt.u32 s8, $0xFFFFF086  }
0x1c: {  	p1 =	slt.u32 s9, $0xF7A;
	s5 =	simm.s32 @!p2 $0x0  }
0x1d: {  	s5 =	simm.s32 @p1 $0x1;
	p0 =	seq.s32 s7, s2  }
0x1e: {  	s7 =	smul.u32 @!p0 $0xF7A, s2;
	p2 =	seq.s32 @!p0 s5, $0x0  }
0x1f: {  	s9 =	smul.u32 $0xF7A, s1;
	s8 =	simm.s32 @!p0 $0x1BF5;
	p2 =	por !p2, p0  }
0x20: {  	[sflag:s8] =	ssyncset.s32 @!p0 $0xFFFFF086;
	s6 =	sadd.s32 @!p0 s3, s7;
	s7 =	simm.s32 @!p0 $0x108  }
0x21: {  	s3 =	sadd.s32 s3, s9;
	s6 =	sadd.s32 @!p0 $0x88, s6;
	s7 =	simm.s32 @p2 $0x1082  }
0x22: {  	[simem:s7], [sflag:s8] =	dma.local @!p0 [hbm:s6], $0xF7A  }
0x23: {  	s9 =	sor.u32 $0xD0000000, s2;
	s6 =	simm.s32 $0x108;
	_ =	swait.ge @!p0 [sflag:s8], $0x0  }
0x24: {  	s3 =	sadd.s32 $0x88, s3;
	s6 =	simm.s32 @!p1 $0x1082;
	[sflag:s4] =	ssyncset.s32 $0xFFFFF086  }
0x25: {  	[simem:s6], [sflag:s4] =	dma.local [hbm:s3], $0xF7A  }
0x26: {  	[smem:$0x3F81] =	sst s1;
	(tag) =	ssettag s2;
	_ =	strace s9  }
0x27: {  	s1 =	sld [smem:$0x3F91]  }
0x28: {  	s2 =	sld [smem:$0x3F92]  }
0x29: {  	s4 =	sld [smem:$0x3F94]  }
0x2a: {  	p0 =	seq.s32 s5, $0x0;
	s5 =	sld [smem:$0x3F95]  }
0x2b: {  	s6 =	sld [smem:$0x3F96]  }
0x2c: {  	s7 =	sld [smem:$0x3F97]  }
0x2d: {  	s3 =	simm.s32 $0x108;
	s8 =	sld [smem:$0x3F98]  }
0x2e: {  	s3 =	simm.s32 @!p0 $0x1082;
	s9 =	sld [smem:$0x3F99]  }
0x2f: {  	lr =	sadd.s32 s0, s3;
	s0 =	sld [smem:$0x3F90]  }
0x30: {  	s3 =	sld [smem:$0x3F93]  }
0x31: {  	[smem:$0x3F9C] =	sst s10  }
0x32: {  	s10 =	sld [smem:$0x3F9A];
	_ =	sdelay $0x3  }
0x33: {  	p0 =	seq.s32 s10, $0x1;
	s10 =	sld [smem:$0x3F9C];
	_ =	sdelay $0x3  }
0x34: {  	[smem:$0x3F9C] =	sst s10  }
0x35: {  	s10 =	sld [smem:$0x3F9B];
	_ =	sdelay $0x3  }
0x36: {  	p1 =	seq.s32 s10, $0x1;
	s10 =	sld [smem:$0x3F9C];
	_ =	sdelay $0x3  }
0x37: {  	[smem:$0x3F9C] =	sst s10  }
0x38: {  	s10 =	sld [smem:$0x3F9D]  }
0x39: {  	_ = 	snop;
	(pc) =	sbr.ind lr, $3  }
0x3a: {  	_ = 	snop  }
0x3b: {  	_ = 	snop  }
0x3c: {  	p2 =	seq.s32 s10, $0x1;
	s10 =	sld [smem:$0x3F9C]  }
0x3d: {  	_ =	shalt  }
0x3e: {  	_ =	shalt  }
0x3f: {  	_ =	shalt  }
0x40: {  	_ =	shalt  }
0x41: {  	_ =	shalt  }
0x42: {  	_ =	shalt  }
0x43: {  	_ =	shalt  }
0x44: {  	_ =	shalt  }
0x45: {  	_ =	shalt  }
0x46: {  	_ =	shalt  }
0x47: {  	_ =	shalt  }
0x48: {  	_ =	shalt  }
0x49: {  	_ =	shalt  }
0x4a: {  	_ =	shalt  }
0x4b: {  	_ =	shalt  }
0x4c: {  	_ =	shalt  }
0x4d: {  	_ =	shalt  }
0x4e: {  	_ =	shalt  }
0x4f: {  	_ =	shalt  }
0x50: {  	_ =	shalt  }
0x51: {  	_ =	shalt  }
0x52: {  	_ =	shalt  }
0x53: {  	_ =	shalt  }
0x54: {  	_ =	shalt  }
0x55: {  	_ =	shalt  }
0x56: {  	_ =	shalt  }
0x57: {  	_ =	shalt  }
0x58: {  	_ =	shalt  }
0x59: {  	_ =	shalt  }
0x5a: {  	_ =	shalt  }
0x5b: {  	_ =	shalt  }
0x5c: {  	_ =	shalt  }
0x5d: {  	_ =	shalt  }
0x5e: {  	_ =	shalt  }
0x5f: {  	_ =	shalt  }
0x60: {  	_ =	shalt  }
0x61: {  	_ =	shalt  }
0x62: {  	_ =	shalt  }
0x63: {  	_ =	shalt  }
0x64: {  	_ =	shalt  }
0x65: {  	_ =	shalt  }
0x66: {  	_ =	shalt  }
0x67: {  	_ =	shalt  }
0x68: {  	_ =	shalt  }
0x69: {  	_ =	shalt  }
0x6a: {  	_ =	shalt  }
0x6b: {  	_ =	shalt  }
0x6c: {  	_ =	shalt  }
0x6d: {  	_ =	shalt  }
0x6e: {  	_ =	shalt  }
0x6f: {  	_ =	shalt  }
0x70: {  	_ =	shalt  }
0x71: {  	_ =	shalt  }
0x72: {  	_ =	shalt  }
0x73: {  	_ =	shalt  }
0x74: {  	_ =	shalt  }
0x75: {  	_ =	shalt  }
0x76: {  	_ =	shalt  }
0x77: {  	_ =	shalt  }
0x78: {  	_ =	shalt  }
0x79: {  	_ =	shalt  }
0x7a: {  	_ =	shalt  }
0x7b: {  	_ =	shalt  }
0x7c: {  	_ =	shalt  }
0x7d: {  	_ =	shalt  }
0x7e: {  	_ =	shalt  }
0x7f: {  	_ =	shalt  }
0x80: {  	_ =	shalt  }
0x81: {  	_ =	shalt  }
0x82: {  	_ =	shalt  }
0x83: {  	_ =	shalt  }
0x84: {  	_ =	shalt  }
0x85: {  	_ =	shalt  }
0x86: {  	_ =	shalt  }
0x87: {  	_ =	shalt  }
.Lfunc_end0:
.L_simem_size_0:
called_computation.3_lowered:
.L_overlay_start_0:
0x88: {  	s2 =	sld [smem:$0x3FD9]  }
0x89: {  	s3 =	sld [smem:$0x3FFE];
	_ =	sdelay $0x1  }
0x8a: {  	s1 =	srdreg.scid  }
0x8b: {  	s0 =	sand.u32 $0x1, s1  }
0x8c: {  	s16 =	sshll.u32 s0, $0xA;
	s2 =	sadd.s32 s3, s2  }
0x8d: {  	s2 =	sadd.s32 s2, s16  }
0x8e: {  	[smem:$0x3FA8] =	sst s2  }
0x8f: {  	_ = 	snop  }
0x90: {  	(tm) =	ssettm $0x1  }
0x91: {  	s17 =	sld [smem:$0x3FFB];
	_ =	sdelay $0x3  }
0x92: {  	_ =	strace s17  }
0x93: {  	s2 =	sld [smem:$0x3FFC];
	_ =	sdelay $0x3  }
0x94: {  	_ =	strace s2  }
0x95: {  	s2 =	sld [smem:$0x3FFD];
	_ =	sdelay $0x3  }
0x96: {  	_ =	strace s2  }
0x97: {  	_ =	strace $0x8FFFFFFF  }
0x98: {  	s18 =	sld [smem:$0x3FDB];
	_ =	sdelay $0x1  }
0x99: {  	s19 =	simm.s32 $_scs_section_size  }
0x9a: {  	s4 =	simm.s32 $_size__tile_overlayer_lowered;
	s5 =	simm.s32 $_tile_overlayer_lowered  }
0x9b: {  	s22 =	simm.s32 $0x1BFF;
	s21 =	sshll.u32 s5, $0x1;
	s2 =	sadd.s32 s19, s18  }
0x9c: {  	s6 =	simm.s32 $0x0;
	s20 =	sshll.u32 s4, $0x1;
	s4 =	sadd.s32 s21, s2  }
0x9d: {  	[timem:s6], [sflag:s22] =	dma.local [hbm:s4], s20  }
0x9e: {  	_ =	swait.ge [sflag:s22], s20  }
0x9f: {  	s3 =	ssub.s32 $0x0, s20;
	[sflag:s22] =	ssyncset.done $0x0  }
0xa0: {  	[sflag:s22] =	ssyncadd.s32 s3;
	_ =	sdelay $0x1  }
0xa1: {  	s23 =	simm.s32 $0x1B8B  }
0xa2: {  	_ =	swait.ge [sflag:s23], $0x1  }
0xa3: {  	[sflag:s23] =	ssyncset.done $0x0  }
0xa4: {  	s25 =	simm.s32 $0x1B8E;
	s24 =	sld [smem:$0x3FFE];
	[sflag:s23] =	ssyncadd.s32 $0xFFFFFFFF  }
0xa5: {  	s26 =	simm.s32 $execute0_lowered;
	[smem:$0x3FD2] =	sst s25  }
0xa6: {  	s4 =	sshll.u32 s26, $0x1;
	_ =	strace $0x8000004F;
	[dreg:$0x1] =	wrdreg $0xFFFFFFFF  }
0xa7: {  	s28 =	simm.s32 $_size_execute0_lowered;
	s2 =	sadd.s32 s2, s4;
	[dreg:$0x0] =	wrdreg $0x0  }
0xa8: {  	s4 =	sshll.u32 s28, $0x1;
	[dreg:$0x2] =	wrdreg s2  }
0xa9: {  	[dreg:$0x3] =	wrdreg s4  }
0xaa: {  	[dreg:$0x4] =	wrdreg $0xC0  }
0xab: {  	_ =	task [dreg:s6], $0x5FFFF  }
0xac: {  	[dreg:$0x1] =	wrdreg $0xFFFFFFFF  }
0xad: {  	[dreg:$0x0] =	wrdreg $0x60  }
0xae: {  	[dreg:$0x2] =	wrdreg s24  }
0xaf: {  	[dreg:$0x3] =	wrdreg $0x9  }
0xb0: {  	_ =	task.clear_ibuf [dreg:s6], $0x4FFFF;
	_ =	strace $0x9000004F  }
0xb1: {  	s29 =	simm.s32 $0x9;
	_ =	strace $0x80000051  }
0xb2: {  	_ =	swait.ge [sflag:s29], $0x1  }
0xb3: {  	[sflag:s29] =	ssyncadd.s32 $0xFFFFFFFF  }
0xb4: {  	_ =	strace $0x90000051  }
0xb5: {  	_ =	sfence  }
0xb6: {  	s30 =	sld [smem:$0x0];
	_ =	sdelay $0x2  }
0xb7: {  	s31 =	sshll.u32 s1, $0xD;
	s1 =	sshrl.u32 s1, $0x2  }
0xb8: {  	s3 =	sand.u32 $0x4000, s31;
	s1 =	sadd.s32 s1, s30  }
0xb9: {  	s0 =	sor.u32 s3, s0;
	s1 =	sshll.u32 s1, $0x11  }
0xba: {  	s0 =	sor.u32 s1, s0  }
0xbb: {  	s0 =	sadd.s32 $0x8F2B, s0  }
0xbc: {  	[sflag:s0] =	ssyncadd.remote.s32 $0x1  }
0xbd: {  	_ =	sfence.sel $0xFFFF  }
0xbe: {  	[dreg:$0x0] =	wrdreg $0xFFFFFFFF;
	(pc) =	sbr.abs _section_cstart, $3  }
0xbf: {  	[dreg:$0x1] =	wrdreg $0xFFFFFFFF  }
0xc0: {  	_ =	task.clear_ibuf [dreg:s6], $0x2FFFF;
	_ =	strace $0x9FFFFFFF  }
0xc1: {  	(tm) =	ssettm $0x7FFFFFFF  }
tec
execute0_lowered:
.L_overlay_start_1:
0x0: {  	(tag) =	ssettag $0x1  }
0x1: {  	s1 =	stileid.u32  }
0x2: {  	p0 =	sgt.u32 s1, $0x1  }
.Ltmp0:
0x3: {  	_ = 	snop;
	(pc) =	sbr.rel @p0 .LBB2_4-.Ltmp0, $4  }
0x4: {  	_ = 	snop  }
0x5: {  	s8 =	rddreg [dreg:$0x0];
	s2 =	simm.s32 $0x0  }
0x6: {  	[smem:$0x7FF] =	sst s2  }
0x7: {  	s0 =	rddreg [dreg:$0x1];
	_ =	strace $0x80000050  }
0x8: {  	s3 =	srdreg.scid  }
0x9: {  	s28 =	sshll.u32 s1, $0x1;
	s6 =	sand.u32 $0x1, s3  }
0xa: {  	s29 =	sadd.s32 $0x65400, s8;
	s9 =	sor.u32 s6, s28  }
0xb: {  	s5 =	sadd.s32 $0x12D800, s8;
	s7 =	simm.s32 $0x1;
	s4 =	sshll.u32 s9, $0x4  }
0xc: {  	s3 =	simm.s32 $0x2;
	s10 =	ssub.s32 $0x2, s6;
	s4 =	sadd.s32 s29, s4  }
0xd: {  	[tilespmem:s2], [sflag:$0x2] =	stream.linear.gather [hbm4b:s4+s2], $0x80, $0x38;
	[tilespmem:$0x4080] =	vst v63  }
0xe: {  	s6 =	simm.s32 $0x80;
	s11 =	sshrl.u32 s10, $0x1;
	_ =	swait.ge [sflag:s3], $0x80  }
0xf: {  	s9 =	sshll.u32 s9, $0xB;
	s31 =	ssub.s32 s10, s11;
	[sflag:s3] =	ssyncset.done $0x0  }
0x10: {  	s30 =	sadd.s32 s9, s8;
	s9 =	smax.u32 s31, $0x1;
	[sflag:s3] =	ssyncadd.s32 $0xFFFFFF80  }
0x11: {  	[tilespmem:s6], [sflag:$0x1] =	stream.indirect.gather [hbm4b:s5+s6], $0x80, s2, s6, $0xb8;
	[tilespmem:$0x4080] =	vst v63  }
0x12: {  	p0 =	sne.s32 s9, $0x1;
	_ =	swait.ge [sflag:s7], $0x4000  }
.Ltmp1:
0x13: {  	[sflag:s7] =	ssyncset.done $0x0;
	(pc) =	sbr.rel @!p0 .LBB2_3-.Ltmp1, $4  }
0x14: {  	s8 =	sadd.s32 $0x3400, s30;
	[sflag:s7] =	ssyncadd.s32 $0xFFFFC000  }
0x15: {  	[hbm4b:s8+s2] =	stream.linear.scatter [tilespmem:s6], [sflag:$0x2], $0x4000, $0x38;
	[tilespmem:$0x4080] =	vst v63  }
0x16: {  	_ =	swait.ge [sflag:s3], $0x4000  }
0x17: {  	s9 =	sadd.s32 $0xFFFFFFFF, s9;
	[sflag:s3] =	ssyncset.done $0x0  }
.LBB2_2:
0x18: {  	p0 =	sne.s32 s9, $0x1;
	s9 =	sadd.s32 $0xFFFFFFFF, s9;
	[sflag:s3] =	ssyncadd.s32 $0xFFFFC000  }
0x19: {  	[tilespmem:s2], [sflag:$0x2] =	stream.linear.gather [hbm4b:s4+s2], $0x80, $0x38;
	[tilespmem:$0x4080] =	vst v63  }
0x1a: {  	_ =	swait.ge [sflag:s3], $0x80  }
0x1b: {  	[sflag:s3] =	ssyncset.done $0x0  }
0x1c: {  	[sflag:s3] =	ssyncadd.s32 $0xFFFFFF80  }
0x1d: {  	[tilespmem:s6], [sflag:$0x1] =	stream.indirect.gather [hbm4b:s5+s6], $0x80, s2, s6, $0xb8;
	[tilespmem:$0x4080] =	vst v63  }
0x1e: {  	_ =	swait.ge [sflag:s7], $0x4000  }
.Ltmp2:
0x1f: {  	[sflag:s7] =	ssyncset.done $0x0;
	(pc) =	sbr.rel @p0 .LBB2_2-.Ltmp2, $4  }
0x20: {  	[sflag:s7] =	ssyncadd.s32 $0xFFFFC000  }
0x21: {  	[hbm4b:s8+s2] =	stream.linear.scatter [tilespmem:s6], [sflag:$0x2], $0x4000, $0x38;
	[tilespmem:$0x4080] =	vst v63  }
0x22: {  	_ =	swait.ge [sflag:s3], $0x4000  }
0x23: {  	[sflag:s3] =	ssyncset.done $0x0  }
.LBB2_3:
0x24: {  	[sflag:s3] =	ssyncadd.s32 $0xFFFFC000  }
.LBB2_4:
0x25: {  	_ =	sfence.sel $0x180000  }
0x26: {  	[bflag:$0x0] =	sbarrier.arrive $0xFFFF  }
0x27: {  	p0 =	sne.s32 s1, $0x0;
	_ =	strace $0x90000050  }
0x28: {  	s0 =	sadd.s32 @!p0 $0x100000, s0;
	[bflag:$0x2] =	sbarrier.arrive $0xFFFF  }
0x29: {  	[sflag:s0] =	ssyncadd.tile.s32 @!p0 $0x1;
	_ =	shalt  }
.Lfunc_end2:
_tile_overlayer_lowered:
.L_overlay_start_2:
0x2a: {  	(tag) =	ssettag $0x2  }
0x2b: {  	s0 =	rddreg [dreg:$0x0];
	s2 =	stileid.u32  }
0x2c: {  	s1 =	rddreg [dreg:$0x1];
	p0 =	sne.s32 s2, $0x0  }
0x2d: {  	s3 =	rddreg [dreg:$0x2];
	[bflag:$0x3] =	sbarrier.arrive $0xFFFF;
	s2 =	simm.s32 @!p0 $0x1C02  }
0x2e: {  	[timem:s3], [sflag:s2] =	dma.local @!p0 [hbm:s0], s1  }
0x2f: {  	s0 =	simm.s32 @!p0 $0x2  }
0x30: {  	_ =	swait.ge @!p0 [sflag:s0], s1  }
0x31: {  	s1 =	ssub.s32 @!p0 $0x0, s1;
	[sflag:s0] =	ssyncset.done @!p0 $0x0  }
0x32: {  	[sflag:s0] =	ssyncadd.s32 @!p0 s1  }
0x33: {  	[bflag:$0x3] =	sbarrier.arrive $0xFFFF  }
0x34: {  	_ =	shalt  }

</sc_bundles>
